<compile_context>
chip_gen: v7x
topology: tpu7x:2x2x1
jax: 0.10.2.dev20260603
libtpu: 0.0.44.dev20260713+nightly
codegen_flags: <defaults>
</compile_context>

<pallas_src>
import functools

import jax
import jax.numpy as jnp
from jax import lax
from jax.experimental import pallas as pl
from jax.experimental.pallas import tpu as pltpu
from jax.experimental.pallas import tpu_sc as plsc

N = 10000
E = 320000
D = 128
R = 8
NRF = N * R

NC = 2
NS = 16
NW = NC * NS
EPW = E // NW
EB = 125
NBLK = EPW // EB
CB = 8
SB = 2000
NSBLK = EPW // SB

_mesh = functools.partial(
    plsc.VectorSubcoreMesh, core_axis_name="c", subcore_axis_name="s")


def _fill_rows(ref, nrows, ncols, value, dtype):
    v = jnp.full((16,), value, dtype)

    def body(i, _):
        for cc in range(ncols // 16):
            ref[i, pl.ds(cc * 16, 16)] = v
        return ()

    lax.fori_loop(0, nrows, body, ())



def _h_body(x_ref, w_ref, h_ref):
    h_ref[0] = jnp.dot(x_ref[...], w_ref[0],
                       preferred_element_type=jnp.float32)


def _make_h(x, W):
    nb = 2000
    return pl.pallas_call(
        _h_body,
        grid=(N // nb, R),
        in_specs=[
            pl.BlockSpec((nb, D), lambda n, r: (n, 0)),
            pl.BlockSpec((1, D, D), lambda n, r: (r, 0, 0)),
        ],
        out_specs=pl.BlockSpec((1, nb, D), lambda n, r: (r, n, 0)),
        out_shape=jax.ShapeDtypeStruct((R, N, D), jnp.float32),
    )(x, W)



def _count_body(zero_hbm, dst_hbm, typ_hbm, cpart_hbm,
                hist_v, dst_v, typ_v):
    c = lax.axis_index("c")
    s = lax.axis_index("s")
    wid = c * NS + s

    pltpu.sync_copy(zero_hbm, hist_v)

    ones = jnp.full((16,), 1.0, jnp.float32)

    def blk(j, _):
        off = wid * EPW + j * SB
        pltpu.sync_copy(dst_hbm.at[pl.ds(off, SB)], dst_v)
        pltpu.sync_copy(typ_hbm.at[pl.ds(off, SB)], typ_v)

        def grp(i, _):
            sl = pl.ds(i * 16, 16)
            cidx = dst_v[sl] * R + typ_v[sl]
            plsc.addupdate_scatter(hist_v, [cidx], ones)
            return ()

        lax.fori_loop(0, SB // 16, grp, ())
        return ()

    lax.fori_loop(0, NSBLK, blk, ())
    pltpu.sync_copy(hist_v, cpart_hbm.at[wid])


def _make_counts(dst, typ):
    kern = pl.kernel(
        _count_body,
        out_type=jax.ShapeDtypeStruct((NW, NRF), jnp.float32),
        mesh=_mesh(),
        scratch_types=[
            pltpu.VMEM((NRF,), jnp.float32),
            pltpu.VMEM((SB,), jnp.int32),
            pltpu.VMEM((SB,), jnp.int32),
        ],
        compiler_params=pltpu.CompilerParams(needs_layout_passes=False),
    )
    return kern(jnp.zeros((NRF,), jnp.float32), dst, typ)



def _inv_body(cp_ref, inv_ref):
    i = pl.program_id(0)

    @pl.when(i == 0)
    def _():
        inv_ref[...] = jnp.zeros_like(inv_ref)

    inv_ref[...] += jnp.sum(cp_ref[...], axis=0)

    @pl.when(i == pl.num_programs(0) - 1)
    def _():
        inv_ref[...] = 1.0 / jnp.maximum(inv_ref[...], 1.0)


def _make_inv(cpart):
    nw_b = 8
    cp3 = cpart.reshape(NW, NRF // 128, 128)
    inv2d = pl.pallas_call(
        _inv_body,
        grid=(NW // nw_b,),
        in_specs=[pl.BlockSpec((nw_b, NRF // 128, 128), lambda i: (i, 0, 0))],
        out_specs=pl.BlockSpec((NRF // 128, 128), lambda i: (0, 0)),
        out_shape=jax.ShapeDtypeStruct((NRF // 128, 128), jnp.float32),
    )(cp3)
    return inv2d.reshape(NRF)



def _scale_body(inv_hbm, src_hbm, dst_hbm, typ_hbm, gidx_hbm, sval_hbm,
                inv_v, src_v, dst_v, typ_v, gidx_v, sval_v):
    c = lax.axis_index("c")
    s = lax.axis_index("s")
    wid = c * NS + s

    pltpu.sync_copy(inv_hbm, inv_v)

    def blk(j, _):
        off = wid * EPW + j * SB
        pltpu.sync_copy(src_hbm.at[pl.ds(off, SB)], src_v)
        pltpu.sync_copy(dst_hbm.at[pl.ds(off, SB)], dst_v)
        pltpu.sync_copy(typ_hbm.at[pl.ds(off, SB)], typ_v)

        @plsc.parallel_loop(0, SB // 16, unroll=5)
        def _grp(i):
            sl = pl.ds(i * 16, 16)
            gidx_v[sl] = typ_v[sl] * N + src_v[sl]
            cix = dst_v[sl] * R + typ_v[sl]
            sval_v[sl] = plsc.load_gather(inv_v, [cix])
        pltpu.sync_copy(gidx_v, gidx_hbm.at[pl.ds(off, SB)])
        pltpu.sync_copy(sval_v, sval_hbm.at[pl.ds(off, SB)])
        return ()

    lax.fori_loop(0, NSBLK, blk, ())


def _make_scale(inv, src, dst, typ):
    kern = pl.kernel(
        _scale_body,
        out_type=(jax.ShapeDtypeStruct((E,), jnp.int32),
                  jax.ShapeDtypeStruct((E,), jnp.float32)),
        mesh=_mesh(),
        scratch_types=[
            pltpu.VMEM((NRF,), jnp.float32),
            pltpu.VMEM((SB,), jnp.int32),
            pltpu.VMEM((SB,), jnp.int32),
            pltpu.VMEM((SB,), jnp.int32),
            pltpu.VMEM((SB,), jnp.int32),
            pltpu.VMEM((SB,), jnp.float32),
        ],
        compiler_params=pltpu.CompilerParams(needs_layout_passes=False),
    )
    return kern(inv, src, dst, typ)



def _main_body(h_hbm, gidx_hbm, dst_hbm, sval_hbm, part_hbm,
               acc_sh, gidx_c, dst_c, sval_c, hbuf_a, hbuf_b,
               gsem_a, gsem_b, ssem_a, ssem_b):
    c = lax.axis_index("c")
    s = lax.axis_index("s")
    wid = c * NS + s

    _fill_rows(hbuf_a, 40, D, 0.0, jnp.float32)
    nz_s = jnp.where(s < 10, 16, 15)

    def zero_blk(k, _):
        pltpu.sync_copy(hbuf_a.at[pl.ds(0, 40)],
                        acc_sh.at[pl.ds((s + k * NS) * 40, 40)])
        return ()

    lax.fori_loop(0, nz_s, zero_blk, ())
    plsc.subcore_barrier()

    hbufs = (hbuf_a, hbuf_b)
    gsems = (gsem_a, gsem_b)
    ssems = (ssem_a, ssem_b)

    def scale_rows(hbuf, bb):
        @plsc.parallel_loop(0, EB, unroll=5)
        def _srow(e):
            svec = plsc.load_gather(
                sval_c, [jnp.full((16,), bb, jnp.int32),
                         jnp.full((16,), e, jnp.int32)])
            for cc in range(D // 16):
                csl = pl.ds(cc * 16, 16)
                hbuf[e, csl] = hbuf[e, csl] * svec

    def chunk(ch, _):
        rows = pl.ds(ch * CB, CB)
        pltpu.sync_copy(gidx_hbm.at[wid].at[rows], gidx_c)
        pltpu.sync_copy(dst_hbm.at[wid].at[rows], dst_c)
        pltpu.sync_copy(sval_hbm.at[wid].at[rows], sval_c)

        pltpu.async_copy(h_hbm.at[gidx_c.at[0]], hbufs[0], gsems[0])
        for b in range(CB):
            p = b % 2
            q = 1 - p
            if b + 1 < CB:
                if b >= 1:
                    pltpu.make_async_copy(hbufs[q], acc_sh.at[dst_c.at[b - 1]],
                                          ssems[q]).wait()
                pltpu.async_copy(h_hbm.at[gidx_c.at[b + 1]], hbufs[q],
                                 gsems[q])
            pltpu.make_async_copy(h_hbm.at[gidx_c.at[b]], hbufs[p],
                                  gsems[p]).wait()
            scale_rows(hbufs[p], b)
            if b + 1 < CB:
                pltpu.async_copy(hbufs[p], acc_sh.at[dst_c.at[b]], ssems[p],
                                 add=True)
            else:
                pltpu.sync_copy(hbufs[p], acc_sh.at[dst_c.at[b]], add=True)
        pltpu.make_async_copy(hbufs[CB % 2], acc_sh.at[dst_c.at[CB - 2]],
                              ssems[CB % 2]).wait()
        return ()

    lax.fori_loop(0, NBLK // CB, chunk, ())
    plsc.subcore_barrier()

    def out_blk(k, _):
        rows = pl.ds((s + k * NS) * 40, 40)
        pltpu.sync_copy(acc_sh.at[rows], hbuf_b.at[pl.ds(0, 40)])
        pltpu.sync_copy(hbuf_b.at[pl.ds(0, 40)], part_hbm.at[c].at[rows])
        return ()

    lax.fori_loop(0, nz_s, out_blk, ())


def _make_parts(h2, gidx, dst, sval):
    kern = pl.kernel(
        _main_body,
        out_type=jax.ShapeDtypeStruct((NC, N, D), jnp.float32),
        mesh=_mesh(),
        scratch_types=[
            pltpu.VMEM_SHARED((N, D), jnp.float32),
            pltpu.VMEM((CB, EB), jnp.int32),
            pltpu.VMEM((CB, EB), jnp.int32),
            pltpu.VMEM((CB, EB), jnp.float32),
            pltpu.VMEM((EB, D), jnp.float32),
            pltpu.VMEM((EB, D), jnp.float32),
            pltpu.SemaphoreType.DMA,
            pltpu.SemaphoreType.DMA,
            pltpu.SemaphoreType.DMA,
            pltpu.SemaphoreType.DMA,
        ],
        compiler_params=pltpu.CompilerParams(needs_layout_passes=False),
    )
    g3 = gidx.reshape(NW, NBLK, EB)
    d3 = dst.reshape(NW, NBLK, EB)
    v3 = sval.reshape(NW, NBLK, EB)
    return kern(h2, g3, d3, v3)



def _final_body(x_ref, root_ref, bias_ref, part_ref, out_ref):
    acc = jnp.dot(x_ref[...], root_ref[...],
                  preferred_element_type=jnp.float32)
    acc = acc + bias_ref[...] + part_ref[0] + part_ref[1]
    out_ref[...] = jnp.maximum(acc, 0.0)


def _make_out(x, root, bias, part):
    nb = 2000
    return pl.pallas_call(
        _final_body,
        grid=(N // nb,),
        in_specs=[
            pl.BlockSpec((nb, D), lambda n: (n, 0)),
            pl.BlockSpec((D, D), lambda n: (0, 0)),
            pl.BlockSpec((1, D), lambda n: (0, 0)),
            pl.BlockSpec((NC, nb, D), lambda n: (0, n, 0)),
        ],
        out_specs=pl.BlockSpec((nb, D), lambda n: (n, 0)),
        out_shape=jax.ShapeDtypeStruct((N, D), jnp.float32),
    )(x, root, bias.reshape(1, D), part)



@jax.jit
def kernel(x, edge_index, edge_type, W, root, bias):
    src = edge_index[0]
    dst = edge_index[1]
    typ = edge_type

    h = _make_h(x, W)
    h2 = h.reshape(R * N, D)
    cpart = _make_counts(dst, typ)
    inv = _make_inv(cpart)
    gidx, sval = _make_scale(inv, src, dst, typ)
    part = _make_parts(h2, gidx, dst, sval)
    return _make_out(x, root, bias, part)

# --- scband reference (transcript-rebuilt; emitter-appended) ---
"""Pipeline reference for scband-net-6451040878694 (READ-ONLY COPY).

The authoritative reference and input builder live on the scoring server;
editing this copy changes nothing except your own understanding.
"""

import jax, jax.numpy as jnp
import numpy as np

NUM_NODES = 10000
NUM_EDGES = 320000
D = 128
NUM_REL = 8


def setup_inputs(seed: int = 0) -> dict:
    key = jax.random.key(seed)
    k1, k2, k3, k4, k5 = jax.random.split(key, 5)
    x = jax.random.normal(k1, (NUM_NODES, D), dtype=jnp.float32)
    edge_index = jax.random.randint(k2, (2, NUM_EDGES), 0, NUM_NODES, dtype=jnp.int32)
    edge_type = jax.random.randint(k3, (NUM_EDGES,), 0, NUM_REL, dtype=jnp.int32)
    # Learned parameters of RGCNConv(in=D, out=D, num_relations=NUM_REL)
    scale = 1.0 / np.sqrt(D)
    W = jax.random.normal(k4, (NUM_REL, D, D), dtype=jnp.float32) * scale  # per-relation weight
    root = jax.random.normal(k5, (D, D), dtype=jnp.float32) * scale        # root/self-loop weight
    bias = jnp.zeros((D,), dtype=jnp.float32)
    return {"x": x, "edge_index": edge_index, "edge_type": edge_type, "W": W, "root": root, "bias": bias}


def reference(x, edge_index, edge_type, W, root, bias):
    # Faithful RGCNConv (PyG semantics, aggr='mean' per relation) followed by ReLU.
    # out_i = relu( x_i @ root + bias + sum_r mean_{j in N_r(i)} (x_j @ W_r) )
    src = edge_index[0]
    dst = edge_index[1]
    n = x.shape[0]
    out = x @ root + bias
    x_src = jnp.take(x, src, axis=0)  # gather source node features [E, D]
    for r in range(NUM_REL):
        mask = (edge_type == r).astype(x.dtype)  # [E]
        msg = (x_src @ W[r]) * mask[:, None]      # [E, D]
        summed = jax.ops.segment_sum(msg, dst, num_segments=n)       # scatter-add by dst
        count = jax.ops.segment_sum(mask, dst, num_segments=n)       # per-relation in-degree
        out = out + summed / jnp.clip(count, 1.0, None)[:, None]     # mean aggregation
    return jax.nn.relu(out)

if __name__ == "__main__":
    import jax
    _d = setup_inputs()
    print(jax.jit(kernel)(*tuple(_d.values())))

</pallas_src>

<mosaic_0001>
#map = affine_map<(d0, d1) -> (0, 0)>
#map1 = affine_map<(d0, d1) -> (0, 0, 0)>
module attributes {stable_mosaic.version = 14 : i64} {
  func.func @_main_body(%arg0: i32, %arg1: i32, %arg2: memref<80000x128xf32, #tpu.memory_space<hbm>>, %arg3: memref<32x80x125xi32, #tpu.memory_space<hbm>>, %arg4: memref<32x80x125xi32, #tpu.memory_space<hbm>>, %arg5: memref<32x80x125xf32, #tpu.memory_space<hbm>>, %arg6: memref<2x10000x128xf32, #tpu.memory_space<hbm>>, %arg7: memref<10000x128xf32, #tpu.memory_space<vmem_shared>>, %arg8: memref<8x125xi32, #tpu.memory_space<vmem>>, %arg9: memref<8x125xi32, #tpu.memory_space<vmem>>, %arg10: memref<8x125xf32, #tpu.memory_space<vmem>>, %arg11: memref<125x128xf32, #tpu.memory_space<vmem>>, %arg12: memref<125x128xf32, #tpu.memory_space<vmem>>, %arg13: memref<!tpu.dma_semaphore, #tpu.memory_space<semaphore_mem>>, %arg14: memref<!tpu.dma_semaphore, #tpu.memory_space<semaphore_mem>>, %arg15: memref<!tpu.dma_semaphore, #tpu.memory_space<semaphore_mem>>, %arg16: memref<!tpu.dma_semaphore, #tpu.memory_space<semaphore_mem>>) attributes {dimension_semantics = [#tpu.dimension_semantics<core_parallel>, #tpu.dimension_semantics<subcore_parallel>], iteration_bounds = array<i64: 2, 16>, scalar_prefetch = 0 : i64, scratch_operands = 10 : i64, tpu.core_type = #tpu.core_type<sc_vector_subcore>, window_params = [{transform_indices = #map}, {transform_indices = #map1}, {transform_indices = #map1}, {transform_indices = #map1}, {transform_indices = #map1}]} {
    %mul3A = arith.constant 16 : i32
    %mul3A_0 = arith.muli %arg0, %mul3A : i32
    %add3A = arith.addi %mul3A_0, %arg1 : i32
    %broadcast_in_dim3A = arith.constant 0.000000e+00 : f32
    %broadcast_in_dim3A_1 = vector.broadcast %broadcast_in_dim3A : f32 to vector<16xf32>
    %scan3A = arith.constant 0 : i32
    %scan3A_2 = arith.constant 40 : i32
    %scan3A_3 = arith.addi %scan3A, %scan3A_2 : i32
    %scan3A_4 = arith.constant 1 : i32
    scf.for %scan3A_31 = %scan3A to %scan3A_3 step %scan3A_4  : i32 {
      %swap3A = arith.index_cast %scan3A_31 : i32 to index
      %swap3A_32 = arith.constant 0 : index
      %swap3A_33 = tpu.vector_load %arg11[%swap3A, %swap3A_32] {strides = array<i32>} : memref<125x128xf32, #tpu.memory_space<vmem>>, vector<16xf32>,
      tpu.vector_store %arg11[%swap3A, %swap3A_32], %broadcast_in_dim3A_1 {strides = array<i32>} : memref<125x128xf32, #tpu.memory_space<vmem>>, vector<16xf32>,
      %swap3A_34 = arith.index_cast %scan3A_31 : i32 to index
      %swap3A_35 = arith.constant 16 : index
      %swap3A_36 = tpu.vector_load %arg11[%swap3A_34, %swap3A_35] {strides = array<i32>} : memref<125x128xf32, #tpu.memory_space<vmem>>, vector<16xf32>,
      tpu.vector_store %arg11[%swap3A_34, %swap3A_35], %broadcast_in_dim3A_1 {strides = array<i32>} : memref<125x128xf32, #tpu.memory_space<vmem>>, vector<16xf32>,
      %swap3A_37 = arith.index_cast %scan3A_31 : i32 to index
      %swap3A_38 = arith.constant 32 : index
      %swap3A_39 = tpu.vector_load %arg11[%swap3A_37, %swap3A_38] {strides = array<i32>} : memref<125x128xf32, #tpu.memory_space<vmem>>, vector<16xf32>,
      tpu.vector_store %arg11[%swap3A_37, %swap3A_38], %broadcast_in_dim3A_1 {strides = array<i32>} : memref<125x128xf32, #tpu.memory_space<vmem>>, vector<16xf32>,
      %swap3A_40 = arith.index_cast %scan3A_31 : i32 to index
      %swap3A_41 = arith.constant 48 : index
      %swap3A_42 = tpu.vector_load %arg11[%swap3A_40, %swap3A_41] {strides = array<i32>} : memref<125x128xf32, #tpu.memory_space<vmem>>, vector<16xf32>,
      tpu.vector_store %arg11[%swap3A_40, %swap3A_41], %broadcast_in_dim3A_1 {strides = array<i32>} : memref<125x128xf32, #tpu.memory_space<vmem>>, vector<16xf32>,
      %swap3A_43 = arith.index_cast %scan3A_31 : i32 to index
      %swap3A_44 = arith.constant 64 : index
      %swap3A_45 = tpu.vector_load %arg11[%swap3A_43, %swap3A_44] {strides = array<i32>} : memref<125x128xf32, #tpu.memory_space<vmem>>, vector<16xf32>,
      tpu.vector_store %arg11[%swap3A_43, %swap3A_44], %broadcast_in_dim3A_1 {strides = array<i32>} : memref<125x128xf32, #tpu.memory_space<vmem>>, vector<16xf32>,
      %swap3A_46 = arith.index_cast %scan3A_31 : i32 to index
      %swap3A_47 = arith.constant 80 : index
      %swap3A_48 = tpu.vector_load %arg11[%swap3A_46, %swap3A_47] {strides = array<i32>} : memref<125x128xf32, #tpu.memory_space<vmem>>, vector<16xf32>,
      tpu.vector_store %arg11[%swap3A_46, %swap3A_47], %broadcast_in_dim3A_1 {strides = array<i32>} : memref<125x128xf32, #tpu.memory_space<vmem>>, vector<16xf32>,
      %swap3A_49 = arith.index_cast %scan3A_31 : i32 to index
      %swap3A_50 = arith.constant 96 : index
      %swap3A_51 = tpu.vector_load %arg11[%swap3A_49, %swap3A_50] {strides = array<i32>} : memref<125x128xf32, #tpu.memory_space<vmem>>, vector<16xf32>,
      tpu.vector_store %arg11[%swap3A_49, %swap3A_50], %broadcast_in_dim3A_1 {strides = array<i32>} : memref<125x128xf32, #tpu.memory_space<vmem>>, vector<16xf32>,
      %swap3A_52 = arith.index_cast %scan3A_31 : i32 to index
      %swap3A_53 = arith.constant 112 : index
      %swap3A_54 = tpu.vector_load %arg11[%swap3A_52, %swap3A_53] {strides = array<i32>} : memref<125x128xf32, #tpu.memory_space<vmem>>, vector<16xf32>,
      tpu.vector_store %arg11[%swap3A_52, %swap3A_53], %broadcast_in_dim3A_1 {strides = array<i32>} : memref<125x128xf32, #tpu.memory_space<vmem>>, vector<16xf32>,
    }
    %scan3A_5 = arith.constant 40 : i32
    %lt3A = arith.constant 10 : i32
    %lt3A_6 = arith.cmpi slt, %arg1, %lt3A : i32
    %jit3A = arith.constant 16 : i32
    %jit3A_7 = arith.constant 15 : i32
    %select_n3A = arith.select %lt3A_6, %jit3A, %jit3A_7 : i32
    %while3A = arith.constant 0 : i32
    %while3A_8 = arith.subi %select_n3A, %while3A : i32
    %while3A_9 = arith.addi %while3A, %while3A_8 : i32
    %while3A_10 = arith.constant 1 : i32
    %while3A_11 = arith.divsi %while3A_8, %while3A_10 : i32
    %while3A_12 = arith.muli %while3A_11, %while3A_10 : i32
    %while3A_13 = arith.addi %while3A, %while3A_12 : i32
    %while3A_14 = arith.constant 1 : i32
    scf.for %while3A_31 = %while3A to %while3A_13 step %while3A_14  : i32 {
      %mul3A_32 = arith.constant 16 : i32
      %mul3A_33 = arith.muli %while3A_31, %mul3A_32 : i32
      %add3A_34 = arith.addi %arg1, %mul3A_33 : i32
      %mul3A_35 = arith.constant 40 : i32
      %mul3A_36 = arith.muli %add3A_34, %mul3A_35 : i32
      "tpu.region"() ({
        %run_scoped3A = tpu.sem_alloc : memref<!tpu.dma_semaphore, #tpu.memory_space<semaphore_mem>>
        %dma_start3A = arith.constant 0 : i32
        %dma_start3A_37 = arith.constant 0 : i32
        %dma_start3A_38 = tpu.memref_slice %arg11[%dma_start3A, %dma_start3A_37] : memref<125x128xf32, #tpu.memory_space<vmem>> -> memref<40x128xf32, #tpu.memory_space<vmem>>
        %dma_start3A_39 = arith.constant 0 : i32
        %dma_start3A_40 = tpu.memref_slice %arg7[%mul3A_36, %dma_start3A_39] : memref<10000x128xf32, #tpu.memory_space<vmem_shared>> -> memref<40x128xf32, #tpu.memory_space<vmem_shared>>
        %dma_start3A_41 = arith.constant 0 : i32
        %dma_start3A_42 = tpu.memref_slice %arg7[%mul3A_36, %dma_start3A_41] : memref<10000x128xf32, #tpu.memory_space<vmem_shared>> -> memref<40x128xf32, #tpu.memory_space<vmem_shared>>
        %dma_start3A_43 = arith.constant 0 : i32
        %dma_start3A_44 = arith.constant 0 : i32
        %dma_start3A_45 = tpu.memref_slice %arg11[%dma_start3A_43, %dma_start3A_44] : memref<125x128xf32, #tpu.memory_space<vmem>> -> memref<40x128xf32, #tpu.memory_space<vmem>>
        tpu.enqueue_dma source(%dma_start3A_45 : memref<40x128xf32, #tpu.memory_space<vmem>>) target(%dma_start3A_42 : memref<40x128xf32, #tpu.memory_space<vmem_shared>>) target_semaphore(%run_scoped3A : memref<!tpu.dma_semaphore, #tpu.memory_space<semaphore_mem>>)
        %dma_wait3A = arith.constant 0 : i32
        %dma_wait3A_46 = arith.constant 0 : i32
        %dma_wait3A_47 = tpu.memref_slice %arg11[%dma_wait3A, %dma_wait3A_46] : memref<125x128xf32, #tpu.memory_space<vmem>> -> memref<40x128xf32, #tpu.memory_space<vmem>>
        %dma_wait3A_48 = arith.constant 0 : i32
        %dma_wait3A_49 = tpu.memref_slice %arg7[%mul3A_36, %dma_wait3A_48] : memref<10000x128xf32, #tpu.memory_space<vmem_shared>> -> memref<40x128xf32, #tpu.memory_space<vmem_shared>>
        %dma_wait3A_50 = arith.constant 0 : i32
        %dma_wait3A_51 = tpu.memref_slice %arg7[%mul3A_36, %dma_wait3A_50] : memref<10000x128xf32, #tpu.memory_space<vmem_shared>> -> memref<40x128xf32, #tpu.memory_space<vmem_shared>>
        %dma_wait3A_52 = arith.constant 0 : i32
        %dma_wait3A_53 = arith.constant 0 : i32
        %dma_wait3A_54 = tpu.memref_slice %arg11[%dma_wait3A_52, %dma_wait3A_53] : memref<125x128xf32, #tpu.memory_space<vmem>> -> memref<40x128xf32, #tpu.memory_space<vmem>>
        tpu.wait_dma2 semaphore(%run_scoped3A : memref<!tpu.dma_semaphore, #tpu.memory_space<semaphore_mem>>) src(%dma_wait3A_54 : memref<40x128xf32, #tpu.memory_space<vmem>>) dst(%dma_wait3A_51 : memref<40x128xf32, #tpu.memory_space<vmem_shared>>)
        tpu.yield
      }) : () -> ()
    }
    %while3A_15 = arith.constant 1 : i32
    scf.for %while3A_31 = %while3A_13 to %while3A_9 step %while3A_15  : i32 {
      %mul3A_32 = arith.constant 16 : i32
      %mul3A_33 = arith.muli %while3A_31, %mul3A_32 : i32
      %add3A_34 = arith.addi %arg1, %mul3A_33 : i32
      %mul3A_35 = arith.constant 40 : i32
      %mul3A_36 = arith.muli %add3A_34, %mul3A_35 : i32
      "tpu.region"() ({
        %run_scoped3A = tpu.sem_alloc : memref<!tpu.dma_semaphore, #tpu.memory_space<semaphore_mem>>
        %dma_start3A = arith.constant 0 : i32
        %dma_start3A_37 = arith.constant 0 : i32
        %dma_start3A_38 = tpu.memref_slice %arg11[%dma_start3A, %dma_start3A_37] : memref<125x128xf32, #tpu.memory_space<vmem>> -> memref<40x128xf32, #tpu.memory_space<vmem>>
        %dma_start3A_39 = arith.constant 0 : i32
        %dma_start3A_40 = tpu.memref_slice %arg7[%mul3A_36, %dma_start3A_39] : memref<10000x128xf32, #tpu.memory_space<vmem_shared>> -> memref<40x128xf32, #tpu.memory_space<vmem_shared>>
        %dma_start3A_41 = arith.constant 0 : i32
        %dma_start3A_42 = tpu.memref_slice %arg7[%mul3A_36, %dma_start3A_41] : memref<10000x128xf32, #tpu.memory_space<vmem_shared>> -> memref<40x128xf32, #tpu.memory_space<vmem_shared>>
        %dma_start3A_43 = arith.constant 0 : i32
        %dma_start3A_44 = arith.constant 0 : i32
        %dma_start3A_45 = tpu.memref_slice %arg11[%dma_start3A_43, %dma_start3A_44] : memref<125x128xf32, #tpu.memory_space<vmem>> -> memref<40x128xf32, #tpu.memory_space<vmem>>
        tpu.enqueue_dma source(%dma_start3A_45 : memref<40x128xf32, #tpu.memory_space<vmem>>) target(%dma_start3A_42 : memref<40x128xf32, #tpu.memory_space<vmem_shared>>) target_semaphore(%run_scoped3A : memref<!tpu.dma_semaphore, #tpu.memory_space<semaphore_mem>>)
        %dma_wait3A = arith.constant 0 : i32
        %dma_wait3A_46 = arith.constant 0 : i32
        %dma_wait3A_47 = tpu.memref_slice %arg11[%dma_wait3A, %dma_wait3A_46] : memref<125x128xf32, #tpu.memory_space<vmem>> -> memref<40x128xf32, #tpu.memory_space<vmem>>
        %dma_wait3A_48 = arith.constant 0 : i32
        %dma_wait3A_49 = tpu.memref_slice %arg7[%mul3A_36, %dma_wait3A_48] : memref<10000x128xf32, #tpu.memory_space<vmem_shared>> -> memref<40x128xf32, #tpu.memory_space<vmem_shared>>
        %dma_wait3A_50 = arith.constant 0 : i32
        %dma_wait3A_51 = tpu.memref_slice %arg7[%mul3A_36, %dma_wait3A_50] : memref<10000x128xf32, #tpu.memory_space<vmem_shared>> -> memref<40x128xf32, #tpu.memory_space<vmem_shared>>
        %dma_wait3A_52 = arith.constant 0 : i32
        %dma_wait3A_53 = arith.constant 0 : i32
        %dma_wait3A_54 = tpu.memref_slice %arg11[%dma_wait3A_52, %dma_wait3A_53] : memref<125x128xf32, #tpu.memory_space<vmem>> -> memref<40x128xf32, #tpu.memory_space<vmem>>
        tpu.wait_dma2 semaphore(%run_scoped3A : memref<!tpu.dma_semaphore, #tpu.memory_space<semaphore_mem>>) src(%dma_wait3A_54 : memref<40x128xf32, #tpu.memory_space<vmem>>) dst(%dma_wait3A_51 : memref<40x128xf32, #tpu.memory_space<vmem_shared>>)
        tpu.yield
      }) : () -> ()
    }
    %barrier3A = arith.constant 0 : index
    tpu.barrier barrier_id(%barrier3A)
    %scan3A_16 = arith.constant 0 : i32
    %scan3A_17 = arith.constant 10 : i32
    %scan3A_18 = arith.addi %scan3A_16, %scan3A_17 : i32
    %scan3A_19 = arith.constant 1 : i32
    scf.for %scan3A_31 = %scan3A_16 to %scan3A_18 step %scan3A_19  : i32 {
      %mul3A_32 = arith.constant 8 : i32
      %mul3A_33 = arith.muli %scan3A_31, %mul3A_32 : i32
      "tpu.region"() ({
        %run_scoped3A_265 = tpu.sem_alloc : memref<!tpu.dma_semaphore, #tpu.memory_space<semaphore_mem>>
        %dma_start3A_266 = arith.constant 0 : i32
        %dma_start3A_267 = arith.constant 0 : i32
        %dma_start3A_268 = tpu.memref_slice %arg3[%add3A, %dma_start3A_266, %dma_start3A_267] : memref<32x80x125xi32, #tpu.memory_space<hbm>> -> memref<1x80x125xi32, #tpu.memory_space<hbm>>
        %dma_start3A_269 = tpu.memref_squeeze %dma_start3A_268 : memref<1x80x125xi32, #tpu.memory_space<hbm>> -> memref<80x125xi32, #tpu.memory_space<hbm>>
        %dma_start3A_270 = arith.constant 0 : i32
        %dma_start3A_271 = tpu.memref_slice %dma_start3A_269[%mul3A_33, %dma_start3A_270] : memref<80x125xi32, #tpu.memory_space<hbm>> -> memref<8x125xi32, #tpu.memory_space<hbm>>
        %dma_start3A_272 = arith.constant 0 : i32
        %dma_start3A_273 = arith.constant 0 : i32
        %dma_start3A_274 = tpu.memref_slice %arg3[%add3A, %dma_start3A_272, %dma_start3A_273] : memref<32x80x125xi32, #tpu.memory_space<hbm>> -> memref<1x80x125xi32, #tpu.memory_space<hbm>>
        %dma_start3A_275 = tpu.memref_squeeze %dma_start3A_274 : memref<1x80x125xi32, #tpu.memory_space<hbm>> -> memref<80x125xi32, #tpu.memory_space<hbm>>
        %dma_start3A_276 = arith.constant 0 : i32
        %dma_start3A_277 = tpu.memref_slice %dma_start3A_275[%mul3A_33, %dma_start3A_276] : memref<80x125xi32, #tpu.memory_space<hbm>> -> memref<8x125xi32, #tpu.memory_space<hbm>>
        tpu.enqueue_dma source(%dma_start3A_277 : memref<8x125xi32, #tpu.memory_space<hbm>>) target(%arg8 : memref<8x125xi32, #tpu.memory_space<vmem>>) target_semaphore(%run_scoped3A_265 : memref<!tpu.dma_semaphore, #tpu.memory_space<semaphore_mem>>)
        %dma_wait3A_278 = arith.constant 0 : i32
        %dma_wait3A_279 = arith.constant 0 : i32
        %dma_wait3A_280 = tpu.memref_slice %arg3[%add3A, %dma_wait3A_278, %dma_wait3A_279] : memref<32x80x125xi32, #tpu.memory_space<hbm>> -> memref<1x80x125xi32, #tpu.memory_space<hbm>>
        %dma_wait3A_281 = tpu.memref_squeeze %dma_wait3A_280 : memref<1x80x125xi32, #tpu.memory_space<hbm>> -> memref<80x125xi32, #tpu.memory_space<hbm>>
        %dma_wait3A_282 = arith.constant 0 : i32
        %dma_wait3A_283 = tpu.memref_slice %dma_wait3A_281[%mul3A_33, %dma_wait3A_282] : memref<80x125xi32, #tpu.memory_space<hbm>> -> memref<8x125xi32, #tpu.memory_space<hbm>>
        %dma_wait3A_284 = arith.constant 0 : i32
        %dma_wait3A_285 = arith.constant 0 : i32
        %dma_wait3A_286 = tpu.memref_slice %arg3[%add3A, %dma_wait3A_284, %dma_wait3A_285] : memref<32x80x125xi32, #tpu.memory_space<hbm>> -> memref<1x80x125xi32, #tpu.memory_space<hbm>>
        %dma_wait3A_287 = tpu.memref_squeeze %dma_wait3A_286 : memref<1x80x125xi32, #tpu.memory_space<hbm>> -> memref<80x125xi32, #tpu.memory_space<hbm>>
        %dma_wait3A_288 = arith.constant 0 : i32
        %dma_wait3A_289 = tpu.memref_slice %dma_wait3A_287[%mul3A_33, %dma_wait3A_288] : memref<80x125xi32, #tpu.memory_space<hbm>> -> memref<8x125xi32, #tpu.memory_space<hbm>>
        tpu.wait_dma2 semaphore(%run_scoped3A_265 : memref<!tpu.dma_semaphore, #tpu.memory_space<semaphore_mem>>) src(%dma_wait3A_289 : memref<8x125xi32, #tpu.memory_space<hbm>>) dst(%arg8 : memref<8x125xi32, #tpu.memory_space<vmem>>)
        tpu.yield
      }) : () -> ()
      "tpu.region"() ({
        %run_scoped3A_265 = tpu.sem_alloc : memref<!tpu.dma_semaphore, #tpu.memory_space<semaphore_mem>>
        %dma_start3A_266 = arith.constant 0 : i32
        %dma_start3A_267 = arith.constant 0 : i32
        %dma_start3A_268 = tpu.memref_slice %arg4[%add3A, %dma_start3A_266, %dma_start3A_267] : memref<32x80x125xi32, #tpu.memory_space<hbm>> -> memref<1x80x125xi32, #tpu.memory_space<hbm>>
        %dma_start3A_269 = tpu.memref_squeeze %dma_start3A_268 : memref<1x80x125xi32, #tpu.memory_space<hbm>> -> memref<80x125xi32, #tpu.memory_space<hbm>>
        %dma_start3A_270 = arith.constant 0 : i32
        %dma_start3A_271 = tpu.memref_slice %dma_start3A_269[%mul3A_33, %dma_start3A_270] : memref<80x125xi32, #tpu.memory_space<hbm>> -> memref<8x125xi32, #tpu.memory_space<hbm>>
        %dma_start3A_272 = arith.constant 0 : i32
        %dma_start3A_273 = arith.constant 0 : i32
        %dma_start3A_274 = tpu.memref_slice %arg4[%add3A, %dma_start3A_272, %dma_start3A_273] : memref<32x80x125xi32, #tpu.memory_space<hbm>> -> memref<1x80x125xi32, #tpu.memory_space<hbm>>
        %dma_start3A_275 = tpu.memref_squeeze %dma_start3A_274 : memref<1x80x125xi32, #tpu.memory_space<hbm>> -> memref<80x125xi32, #tpu.memory_space<hbm>>
        %dma_start3A_276 = arith.constant 0 : i32
        %dma_start3A_277 = tpu.memref_slice %dma_start3A_275[%mul3A_33, %dma_start3A_276] : memref<80x125xi32, #tpu.memory_space<hbm>> -> memref<8x125xi32, #tpu.memory_space<hbm>>
        tpu.enqueue_dma source(%dma_start3A_277 : memref<8x125xi32, #tpu.memory_space<hbm>>) target(%arg9 : memref<8x125xi32, #tpu.memory_space<vmem>>) target_semaphore(%run_scoped3A_265 : memref<!tpu.dma_semaphore, #tpu.memory_space<semaphore_mem>>)
        %dma_wait3A_278 = arith.constant 0 : i32
        %dma_wait3A_279 = arith.constant 0 : i32
        %dma_wait3A_280 = tpu.memref_slice %arg4[%add3A, %dma_wait3A_278, %dma_wait3A_279] : memref<32x80x125xi32, #tpu.memory_space<hbm>> -> memref<1x80x125xi32, #tpu.memory_space<hbm>>
        %dma_wait3A_281 = tpu.memref_squeeze %dma_wait3A_280 : memref<1x80x125xi32, #tpu.memory_space<hbm>> -> memref<80x125xi32, #tpu.memory_space<hbm>>
        %dma_wait3A_282 = arith.constant 0 : i32
        %dma_wait3A_283 = tpu.memref_slice %dma_wait3A_281[%mul3A_33, %dma_wait3A_282] : memref<80x125xi32, #tpu.memory_space<hbm>> -> memref<8x125xi32, #tpu.memory_space<hbm>>
        %dma_wait3A_284 = arith.constant 0 : i32
        %dma_wait3A_285 = arith.constant 0 : i32
        %dma_wait3A_286 = tpu.memref_slice %arg4[%add3A, %dma_wait3A_284, %dma_wait3A_285] : memref<32x80x125xi32, #tpu.memory_space<hbm>> -> memref<1x80x125xi32, #tpu.memory_space<hbm>>
        %dma_wait3A_287 = tpu.memref_squeeze %dma_wait3A_286 : memref<1x80x125xi32, #tpu.memory_space<hbm>> -> memref<80x125xi32, #tpu.memory_space<hbm>>
        %dma_wait3A_288 = arith.constant 0 : i32
        %dma_wait3A_289 = tpu.memref_slice %dma_wait3A_287[%mul3A_33, %dma_wait3A_288] : memref<80x125xi32, #tpu.memory_space<hbm>> -> memref<8x125xi32, #tpu.memory_space<hbm>>
        tpu.wait_dma2 semaphore(%run_scoped3A_265 : memref<!tpu.dma_semaphore, #tpu.memory_space<semaphore_mem>>) src(%dma_wait3A_289 : memref<8x125xi32, #tpu.memory_space<hbm>>) dst(%arg9 : memref<8x125xi32, #tpu.memory_space<vmem>>)
        tpu.yield
      }) : () -> ()
      "tpu.region"() ({
        %run_scoped3A_265 = tpu.sem_alloc : memref<!tpu.dma_semaphore, #tpu.memory_space<semaphore_mem>>
        %dma_start3A_266 = arith.constant 0 : i32
        %dma_start3A_267 = arith.constant 0 : i32
        %dma_start3A_268 = tpu.memref_slice %arg5[%add3A, %dma_start3A_266, %dma_start3A_267] : memref<32x80x125xf32, #tpu.memory_space<hbm>> -> memref<1x80x125xf32, #tpu.memory_space<hbm>>
        %dma_start3A_269 = tpu.memref_squeeze %dma_start3A_268 : memref<1x80x125xf32, #tpu.memory_space<hbm>> -> memref<80x125xf32, #tpu.memory_space<hbm>>
        %dma_start3A_270 = arith.constant 0 : i32
        %dma_start3A_271 = tpu.memref_slice %dma_start3A_269[%mul3A_33, %dma_start3A_270] : memref<80x125xf32, #tpu.memory_space<hbm>> -> memref<8x125xf32, #tpu.memory_space<hbm>>
        %dma_start3A_272 = arith.constant 0 : i32
        %dma_start3A_273 = arith.constant 0 : i32
        %dma_start3A_274 = tpu.memref_slice %arg5[%add3A, %dma_start3A_272, %dma_start3A_273] : memref<32x80x125xf32, #tpu.memory_space<hbm>> -> memref<1x80x125xf32, #tpu.memory_space<hbm>>
        %dma_start3A_275 = tpu.memref_squeeze %dma_start3A_274 : memref<1x80x125xf32, #tpu.memory_space<hbm>> -> memref<80x125xf32, #tpu.memory_space<hbm>>
        %dma_start3A_276 = arith.constant 0 : i32
        %dma_start3A_277 = tpu.memref_slice %dma_start3A_275[%mul3A_33, %dma_start3A_276] : memref<80x125xf32, #tpu.memory_space<hbm>> -> memref<8x125xf32, #tpu.memory_space<hbm>>
        tpu.enqueue_dma source(%dma_start3A_277 : memref<8x125xf32, #tpu.memory_space<hbm>>) target(%arg10 : memref<8x125xf32, #tpu.memory_space<vmem>>) target_semaphore(%run_scoped3A_265 : memref<!tpu.dma_semaphore, #tpu.memory_space<semaphore_mem>>)
        %dma_wait3A_278 = arith.constant 0 : i32
        %dma_wait3A_279 = arith.constant 0 : i32
        %dma_wait3A_280 = tpu.memref_slice %arg5[%add3A, %dma_wait3A_278, %dma_wait3A_279] : memref<32x80x125xf32, #tpu.memory_space<hbm>> -> memref<1x80x125xf32, #tpu.memory_space<hbm>>
        %dma_wait3A_281 = tpu.memref_squeeze %dma_wait3A_280 : memref<1x80x125xf32, #tpu.memory_space<hbm>> -> memref<80x125xf32, #tpu.memory_space<hbm>>
        %dma_wait3A_282 = arith.constant 0 : i32
        %dma_wait3A_283 = tpu.memref_slice %dma_wait3A_281[%mul3A_33, %dma_wait3A_282] : memref<80x125xf32, #tpu.memory_space<hbm>> -> memref<8x125xf32, #tpu.memory_space<hbm>>
        %dma_wait3A_284 = arith.constant 0 : i32
        %dma_wait3A_285 = arith.constant 0 : i32
        %dma_wait3A_286 = tpu.memref_slice %arg5[%add3A, %dma_wait3A_284, %dma_wait3A_285] : memref<32x80x125xf32, #tpu.memory_space<hbm>> -> memref<1x80x125xf32, #tpu.memory_space<hbm>>
        %dma_wait3A_287 = tpu.memref_squeeze %dma_wait3A_286 : memref<1x80x125xf32, #tpu.memory_space<hbm>> -> memref<80x125xf32, #tpu.memory_space<hbm>>
        %dma_wait3A_288 = arith.constant 0 : i32
        %dma_wait3A_289 = tpu.memref_slice %dma_wait3A_287[%mul3A_33, %dma_wait3A_288] : memref<80x125xf32, #tpu.memory_space<hbm>> -> memref<8x125xf32, #tpu.memory_space<hbm>>
        tpu.wait_dma2 semaphore(%run_scoped3A_265 : memref<!tpu.dma_semaphore, #tpu.memory_space<semaphore_mem>>) src(%dma_wait3A_289 : memref<8x125xf32, #tpu.memory_space<hbm>>) dst(%arg10 : memref<8x125xf32, #tpu.memory_space<vmem>>)
        tpu.yield
      }) : () -> ()
      %dma_start3A = arith.constant 0 : i32
      %dma_start3A_34 = arith.constant 0 : i32
      %dma_start3A_35 = tpu.memref_slice %arg8[%dma_start3A, %dma_start3A_34] : memref<8x125xi32, #tpu.memory_space<vmem>> -> memref<1x125xi32, #tpu.memory_space<vmem>>
      %dma_start3A_36 = tpu.memref_squeeze %dma_start3A_35 : memref<1x125xi32, #tpu.memory_space<vmem>> -> memref<125xi32, #tpu.memory_space<vmem>>
      %dma_start3A_37 = arith.constant 0 : i32
      %dma_start3A_38 = arith.constant 0 : i32
      %dma_start3A_39 = tpu.memref_slice %arg2[%dma_start3A_37, %dma_start3A_38] : memref<80000x128xf32, #tpu.memory_space<hbm>> -> memref<80000x128xf32, #tpu.memory_space<hbm>>
      tpu.enqueue_indirect_dma source(%dma_start3A_39 : memref<80000x128xf32, #tpu.memory_space<hbm>>) target(%arg11 : memref<125x128xf32, #tpu.memory_space<vmem>>) offsets(%dma_start3A_36 : memref<125xi32, #tpu.memory_space<vmem>>) semaphore(%arg13 : memref<!tpu.dma_semaphore, #tpu.memory_space<semaphore_mem>>)
      %dma_start3A_40 = arith.constant 1 : i32
      %dma_start3A_41 = arith.constant 0 : i32
      %dma_start3A_42 = tpu.memref_slice %arg8[%dma_start3A_40, %dma_start3A_41] : memref<8x125xi32, #tpu.memory_space<vmem>> -> memref<1x125xi32, #tpu.memory_space<vmem>>
      %dma_start3A_43 = tpu.memref_squeeze %dma_start3A_42 : memref<1x125xi32, #tpu.memory_space<vmem>> -> memref<125xi32, #tpu.memory_space<vmem>>
      %dma_start3A_44 = arith.constant 0 : i32
      %dma_start3A_45 = arith.constant 0 : i32
      %dma_start3A_46 = tpu.memref_slice %arg2[%dma_start3A_44, %dma_start3A_45] : memref<80000x128xf32, #tpu.memory_space<hbm>> -> memref<80000x128xf32, #tpu.memory_space<hbm>>
      tpu.enqueue_indirect_dma source(%dma_start3A_46 : memref<80000x128xf32, #tpu.memory_space<hbm>>) target(%arg12 : memref<125x128xf32, #tpu.memory_space<vmem>>) offsets(%dma_start3A_43 : memref<125xi32, #tpu.memory_space<vmem>>) semaphore(%arg14 : memref<!tpu.dma_semaphore, #tpu.memory_space<semaphore_mem>>)
      %dma_wait3A = arith.constant 0 : i32
      %dma_wait3A_47 = arith.constant 0 : i32
      %dma_wait3A_48 = tpu.memref_slice %arg8[%dma_wait3A, %dma_wait3A_47] : memref<8x125xi32, #tpu.memory_space<vmem>> -> memref<1x125xi32, #tpu.memory_space<vmem>>
      %dma_wait3A_49 = tpu.memref_squeeze %dma_wait3A_48 : memref<1x125xi32, #tpu.memory_space<vmem>> -> memref<125xi32, #tpu.memory_space<vmem>>
      %dma_wait3A_50 = arith.constant 0 : i32
      %dma_wait3A_51 = arith.constant 0 : i32
      %dma_wait3A_52 = tpu.memref_slice %arg2[%dma_wait3A_50, %dma_wait3A_51] : memref<80000x128xf32, #tpu.memory_space<hbm>> -> memref<80000x128xf32, #tpu.memory_space<hbm>>
      tpu.wait_indirect_dma semaphore(%arg13 : memref<!tpu.dma_semaphore, #tpu.memory_space<semaphore_mem>>) src(%dma_wait3A_52 : memref<80000x128xf32, #tpu.memory_space<hbm>>) dst(%arg11 : memref<125x128xf32, #tpu.memory_space<vmem>>)
      %parallel_loop3A = arith.constant 0 : i32
      %parallel_loop3A_53 = arith.constant 125 : i32
      %parallel_loop3A_54 = arith.constant 1 : i32
      scf.for %parallel_loop3A_265 = %parallel_loop3A to %parallel_loop3A_53 step %parallel_loop3A_54  : i32 {
        %parallel_loop3A_266 = arith.constant 0 : i32
        %parallel_loop3A_267 = vector.broadcast %parallel_loop3A_266 : i32 to vector<16xi32>
        %parallel_loop3A_268 = vector.broadcast %parallel_loop3A_265 : i32 to vector<16xi32>
        %parallel_loop3A_269 = tpu.vector_load_idx %arg10[%parallel_loop3A_267, %parallel_loop3A_268] : memref<8x125xf32, #tpu.memory_space<vmem>>[vector<16xi32>, vector<16xi32>], vector<16xf32>,
        %parallel_loop3A_270 = arith.index_cast %parallel_loop3A_265 : i32 to index
        %parallel_loop3A_271 = arith.constant 0 : index
        %parallel_loop3A_272 = tpu.vector_load %arg11[%parallel_loop3A_270, %parallel_loop3A_271] {strides = array<i32>} : memref<125x128xf32, #tpu.memory_space<vmem>>, vector<16xf32>,
        %parallel_loop3A_273 = arith.mulf %parallel_loop3A_272, %parallel_loop3A_269 : vector<16xf32>
        %parallel_loop3A_274 = arith.index_cast %parallel_loop3A_265 : i32 to index
        %parallel_loop3A_275 = arith.constant 0 : index
        %parallel_loop3A_276 = tpu.vector_load %arg11[%parallel_loop3A_274, %parallel_loop3A_275] {strides = array<i32>} : memref<125x128xf32, #tpu.memory_space<vmem>>, vector<16xf32>,
        tpu.vector_store %arg11[%parallel_loop3A_274, %parallel_loop3A_275], %parallel_loop3A_273 {strides = array<i32>} : memref<125x128xf32, #tpu.memory_space<vmem>>, vector<16xf32>,
        %parallel_loop3A_277 = arith.index_cast %parallel_loop3A_265 : i32 to index
        %parallel_loop3A_278 = arith.constant 16 : index
        %parallel_loop3A_279 = tpu.vector_load %arg11[%parallel_loop3A_277, %parallel_loop3A_278] {strides = array<i32>} : memref<125x128xf32, #tpu.memory_space<vmem>>, vector<16xf32>,
        %parallel_loop3A_280 = arith.mulf %parallel_loop3A_279, %parallel_loop3A_269 : vector<16xf32>
        %parallel_loop3A_281 = arith.index_cast %parallel_loop3A_265 : i32 to index
        %parallel_loop3A_282 = arith.constant 16 : index
        %parallel_loop3A_283 = tpu.vector_load %arg11[%parallel_loop3A_281, %parallel_loop3A_282] {strides = array<i32>} : memref<125x128xf32, #tpu.memory_space<vmem>>, vector<16xf32>,
        tpu.vector_store %arg11[%parallel_loop3A_281, %parallel_loop3A_282], %parallel_loop3A_280 {strides = array<i32>} : memref<125x128xf32, #tpu.memory_space<vmem>>, vector<16xf32>,
        %parallel_loop3A_284 = arith.index_cast %parallel_loop3A_265 : i32 to index
        %parallel_loop3A_285 = arith.constant 32 : index
        %parallel_loop3A_286 = tpu.vector_load %arg11[%parallel_loop3A_284, %parallel_loop3A_285] {strides = array<i32>} : memref<125x128xf32, #tpu.memory_space<vmem>>, vector<16xf32>,
        %parallel_loop3A_287 = arith.mulf %parallel_loop3A_286, %parallel_loop3A_269 : vector<16xf32>
        %parallel_loop3A_288 = arith.index_cast %parallel_loop3A_265 : i32 to index
        %parallel_loop3A_289 = arith.constant 32 : index
        %parallel_loop3A_290 = tpu.vector_load %arg11[%parallel_loop3A_288, %parallel_loop3A_289] {strides = array<i32>} : memref<125x128xf32, #tpu.memory_space<vmem>>, vector<16xf32>,
        tpu.vector_store %arg11[%parallel_loop3A_288, %parallel_loop3A_289], %parallel_loop3A_287 {strides = array<i32>} : memref<125x128xf32, #tpu.memory_space<vmem>>, vector<16xf32>,
        %parallel_loop3A_291 = arith.index_cast %parallel_loop3A_265 : i32 to index
        %parallel_loop3A_292 = arith.constant 48 : index
        %parallel_loop3A_293 = tpu.vector_load %arg11[%parallel_loop3A_291, %parallel_loop3A_292] {strides = array<i32>} : memref<125x128xf32, #tpu.memory_space<vmem>>, vector<16xf32>,
        %parallel_loop3A_294 = arith.mulf %parallel_loop3A_293, %parallel_loop3A_269 : vector<16xf32>
        %parallel_loop3A_295 = arith.index_cast %parallel_loop3A_265 : i32 to index
        %parallel_loop3A_296 = arith.constant 48 : index
        %parallel_loop3A_297 = tpu.vector_load %arg11[%parallel_loop3A_295, %parallel_loop3A_296] {strides = array<i32>} : memref<125x128xf32, #tpu.memory_space<vmem>>, vector<16xf32>,
        tpu.vector_store %arg11[%parallel_loop3A_295, %parallel_loop3A_296], %parallel_loop3A_294 {strides = array<i32>} : memref<125x128xf32, #tpu.memory_space<vmem>>, vector<16xf32>,
        %parallel_loop3A_298 = arith.index_cast %parallel_loop3A_265 : i32 to index
        %parallel_loop3A_299 = arith.constant 64 : index
        %parallel_loop3A_300 = tpu.vector_load %arg11[%parallel_loop3A_298, %parallel_loop3A_299] {strides = array<i32>} : memref<125x128xf32, #tpu.memory_space<vmem>>, vector<16xf32>,
        %parallel_loop3A_301 = arith.mulf %parallel_loop3A_300, %parallel_loop3A_269 : vector<16xf32>
        %parallel_loop3A_302 = arith.index_cast %parallel_loop3A_265 : i32 to index
        %parallel_loop3A_303 = arith.constant 64 : index
        %parallel_loop3A_304 = tpu.vector_load %arg11[%parallel_loop3A_302, %parallel_loop3A_303] {strides = array<i32>} : memref<125x128xf32, #tpu.memory_space<vmem>>, vector<16xf32>,
        tpu.vector_store %arg11[%parallel_loop3A_302, %parallel_loop3A_303], %parallel_loop3A_301 {strides = array<i32>} : memref<125x128xf32, #tpu.memory_space<vmem>>, vector<16xf32>,
        %parallel_loop3A_305 = arith.index_cast %parallel_loop3A_265 : i32 to index
        %parallel_loop3A_306 = arith.constant 80 : index
        %parallel_loop3A_307 = tpu.vector_load %arg11[%parallel_loop3A_305, %parallel_loop3A_306] {strides = array<i32>} : memref<125x128xf32, #tpu.memory_space<vmem>>, vector<16xf32>,
        %parallel_loop3A_308 = arith.mulf %parallel_loop3A_307, %parallel_loop3A_269 : vector<16xf32>
        %parallel_loop3A_309 = arith.index_cast %parallel_loop3A_265 : i32 to index
        %parallel_loop3A_310 = arith.constant 80 : index
        %parallel_loop3A_311 = tpu.vector_load %arg11[%parallel_loop3A_309, %parallel_loop3A_310] {strides = array<i32>} : memref<125x128xf32, #tpu.memory_space<vmem>>, vector<16xf32>,
        tpu.vector_store %arg11[%parallel_loop3A_309, %parallel_loop3A_310], %parallel_loop3A_308 {strides = array<i32>} : memref<125x128xf32, #tpu.memory_space<vmem>>, vector<16xf32>,
        %parallel_loop3A_312 = arith.index_cast %parallel_loop3A_265 : i32 to index
        %parallel_loop3A_313 = arith.constant 96 : index
        %parallel_loop3A_314 = tpu.vector_load %arg11[%parallel_loop3A_312, %parallel_loop3A_313] {strides = array<i32>} : memref<125x128xf32, #tpu.memory_space<vmem>>, vector<16xf32>,
        %parallel_loop3A_315 = arith.mulf %parallel_loop3A_314, %parallel_loop3A_269 : vector<16xf32>
        %parallel_loop3A_316 = arith.index_cast %parallel_loop3A_265 : i32 to index
        %parallel_loop3A_317 = arith.constant 96 : index
        %parallel_loop3A_318 = tpu.vector_load %arg11[%parallel_loop3A_316, %parallel_loop3A_317] {strides = array<i32>} : memref<125x128xf32, #tpu.memory_space<vmem>>, vector<16xf32>,
        tpu.vector_store %arg11[%parallel_loop3A_316, %parallel_loop3A_317], %parallel_loop3A_315 {strides = array<i32>} : memref<125x128xf32, #tpu.memory_space<vmem>>, vector<16xf32>,
        %parallel_loop3A_319 = arith.index_cast %parallel_loop3A_265 : i32 to index
        %parallel_loop3A_320 = arith.constant 112 : index
        %parallel_loop3A_321 = tpu.vector_load %arg11[%parallel_loop3A_319, %parallel_loop3A_320] {strides = array<i32>} : memref<125x128xf32, #tpu.memory_space<vmem>>, vector<16xf32>,
        %parallel_loop3A_322 = arith.mulf %parallel_loop3A_321, %parallel_loop3A_269 : vector<16xf32>
        %parallel_loop3A_323 = arith.index_cast %parallel_loop3A_265 : i32 to index
        %parallel_loop3A_324 = arith.constant 112 : index
        %parallel_loop3A_325 = tpu.vector_load %arg11[%parallel_loop3A_323, %parallel_loop3A_324] {strides = array<i32>} : memref<125x128xf32, #tpu.memory_space<vmem>>, vector<16xf32>,
        tpu.vector_store %arg11[%parallel_loop3A_323, %parallel_loop3A_324], %parallel_loop3A_322 {strides = array<i32>} : memref<125x128xf32, #tpu.memory_space<vmem>>, vector<16xf32>,
      } {sc.loop_unroll_factor = 5 : i64, sc.parallel_access}
      %dma_start3A_55 = arith.constant 0 : i32
      %dma_start3A_56 = arith.constant 0 : i32
      %dma_start3A_57 = tpu.memref_slice %arg9[%dma_start3A_55, %dma_start3A_56] : memref<8x125xi32, #tpu.memory_space<vmem>> -> memref<1x125xi32, #tpu.memory_space<vmem>>
      %dma_start3A_58 = tpu.memref_squeeze %dma_start3A_57 : memref<1x125xi32, #tpu.memory_space<vmem>> -> memref<125xi32, #tpu.memory_space<vmem>>
      %dma_start3A_59 = arith.constant 0 : i32
      %dma_start3A_60 = arith.constant 0 : i32
      %dma_start3A_61 = tpu.memref_slice %arg7[%dma_start3A_59, %dma_start3A_60] : memref<10000x128xf32, #tpu.memory_space<vmem_shared>> -> memref<10000x128xf32, #tpu.memory_space<vmem_shared>>
      tpu.enqueue_indirect_dma source(%arg11 : memref<125x128xf32, #tpu.memory_space<vmem>>) target(%dma_start3A_61 : memref<10000x128xf32, #tpu.memory_space<vmem_shared>>) offsets(%dma_start3A_58 : memref<125xi32, #tpu.memory_space<vmem>>) semaphore(%arg15 : memref<!tpu.dma_semaphore, #tpu.memory_space<semaphore_mem>>) {add = true}
      %dma_wait3A_62 = arith.constant 0 : i32
      %dma_wait3A_63 = arith.constant 0 : i32
      %dma_wait3A_64 = tpu.memref_slice %arg9[%dma_wait3A_62, %dma_wait3A_63] : memref<8x125xi32, #tpu.memory_space<vmem>> -> memref<1x125xi32, #tpu.memory_space<vmem>>
      %dma_wait3A_65 = tpu.memref_squeeze %dma_wait3A_64 : memref<1x125xi32, #tpu.memory_space<vmem>> -> memref<125xi32, #tpu.memory_space<vmem>>
      %dma_wait3A_66 = arith.constant 0 : i32
      %dma_wait3A_67 = arith.constant 0 : i32
      %dma_wait3A_68 = tpu.memref_slice %arg7[%dma_wait3A_66, %dma_wait3A_67] : memref<10000x128xf32, #tpu.memory_space<vmem_shared>> -> memref<10000x128xf32, #tpu.memory_space<vmem_shared>>
      tpu.wait_indirect_dma semaphore(%arg15 : memref<!tpu.dma_semaphore, #tpu.memory_space<semaphore_mem>>) src(%arg11 : memref<125x128xf32, #tpu.memory_space<vmem>>) dst(%dma_wait3A_68 : memref<10000x128xf32, #tpu.memory_space<vmem_shared>>)
      %dma_start3A_69 = arith.constant 2 : i32
      %dma_start3A_70 = arith.constant 0 : i32
      %dma_start3A_71 = tpu.memref_slice %arg8[%dma_start3A_69, %dma_start3A_70] : memref<8x125xi32, #tpu.memory_space<vmem>> -> memref<1x125xi32, #tpu.memory_space<vmem>>
      %dma_start3A_72 = tpu.memref_squeeze %dma_start3A_71 : memref<1x125xi32, #tpu.memory_space<vmem>> -> memref<125xi32, #tpu.memory_space<vmem>>
      %dma_start3A_73 = arith.constant 0 : i32
      %dma_start3A_74 = arith.constant 0 : i32
      %dma_start3A_75 = tpu.memref_slice %arg2[%dma_start3A_73, %dma_start3A_74] : memref<80000x128xf32, #tpu.memory_space<hbm>> -> memref<80000x128xf32, #tpu.memory_space<hbm>>
      tpu.enqueue_indirect_dma source(%dma_start3A_75 : memref<80000x128xf32, #tpu.memory_space<hbm>>) target(%arg11 : memref<125x128xf32, #tpu.memory_space<vmem>>) offsets(%dma_start3A_72 : memref<125xi32, #tpu.memory_space<vmem>>) semaphore(%arg13 : memref<!tpu.dma_semaphore, #tpu.memory_space<semaphore_mem>>)
      %dma_wait3A_76 = arith.constant 1 : i32
      %dma_wait3A_77 = arith.constant 0 : i32
      %dma_wait3A_78 = tpu.memref_slice %arg8[%dma_wait3A_76, %dma_wait3A_77] : memref<8x125xi32, #tpu.memory_space<vmem>> -> memref<1x125xi32, #tpu.memory_space<vmem>>
      %dma_wait3A_79 = tpu.memref_squeeze %dma_wait3A_78 : memref<1x125xi32, #tpu.memory_space<vmem>> -> memref<125xi32, #tpu.memory_space<vmem>>
      %dma_wait3A_80 = arith.constant 0 : i32
      %dma_wait3A_81 = arith.constant 0 : i32
      %dma_wait3A_82 = tpu.memref_slice %arg2[%dma_wait3A_80, %dma_wait3A_81] : memref<80000x128xf32, #tpu.memory_space<hbm>> -> memref<80000x128xf32, #tpu.memory_space<hbm>>
      tpu.wait_indirect_dma semaphore(%arg14 : memref<!tpu.dma_semaphore, #tpu.memory_space<semaphore_mem>>) src(%dma_wait3A_82 : memref<80000x128xf32, #tpu.memory_space<hbm>>) dst(%arg12 : memref<125x128xf32, #tpu.memory_space<vmem>>)
      %parallel_loop3A_83 = arith.constant 0 : i32
      %parallel_loop3A_84 = arith.constant 125 : i32
      %parallel_loop3A_85 = arith.constant 1 : i32
      scf.for %parallel_loop3A_265 = %parallel_loop3A_83 to %parallel_loop3A_84 step %parallel_loop3A_85  : i32 {
        %parallel_loop3A_266 = arith.constant 1 : i32
        %parallel_loop3A_267 = vector.broadcast %parallel_loop3A_266 : i32 to vector<16xi32>
        %parallel_loop3A_268 = vector.broadcast %parallel_loop3A_265 : i32 to vector<16xi32>
        %parallel_loop3A_269 = tpu.vector_load_idx %arg10[%parallel_loop3A_267, %parallel_loop3A_268] : memref<8x125xf32, #tpu.memory_space<vmem>>[vector<16xi32>, vector<16xi32>], vector<16xf32>,
        %parallel_loop3A_270 = arith.index_cast %parallel_loop3A_265 : i32 to index
        %parallel_loop3A_271 = arith.constant 0 : index
        %parallel_loop3A_272 = tpu.vector_load %arg12[%parallel_loop3A_270, %parallel_loop3A_271] {strides = array<i32>} : memref<125x128xf32, #tpu.memory_space<vmem>>, vector<16xf32>,
        %parallel_loop3A_273 = arith.mulf %parallel_loop3A_272, %parallel_loop3A_269 : vector<16xf32>
        %parallel_loop3A_274 = arith.index_cast %parallel_loop3A_265 : i32 to index
        %parallel_loop3A_275 = arith.constant 0 : index
        %parallel_loop3A_276 = tpu.vector_load %arg12[%parallel_loop3A_274, %parallel_loop3A_275] {strides = array<i32>} : memref<125x128xf32, #tpu.memory_space<vmem>>, vector<16xf32>,
        tpu.vector_store %arg12[%parallel_loop3A_274, %parallel_loop3A_275], %parallel_loop3A_273 {strides = array<i32>} : memref<125x128xf32, #tpu.memory_space<vmem>>, vector<16xf32>,
        %parallel_loop3A_277 = arith.index_cast %parallel_loop3A_265 : i32 to index
        %parallel_loop3A_278 = arith.constant 16 : index
        %parallel_loop3A_279 = tpu.vector_load %arg12[%parallel_loop3A_277, %parallel_loop3A_278] {strides = array<i32>} : memref<125x128xf32, #tpu.memory_space<vmem>>, vector<16xf32>,
        %parallel_loop3A_280 = arith.mulf %parallel_loop3A_279, %parallel_loop3A_269 : vector<16xf32>
        %parallel_loop3A_281 = arith.index_cast %parallel_loop3A_265 : i32 to index
        %parallel_loop3A_282 = arith.constant 16 : index
        %parallel_loop3A_283 = tpu.vector_load %arg12[%parallel_loop3A_281, %parallel_loop3A_282] {strides = array<i32>} : memref<125x128xf32, #tpu.memory_space<vmem>>, vector<16xf32>,
        tpu.vector_store %arg12[%parallel_loop3A_281, %parallel_loop3A_282], %parallel_loop3A_280 {strides = array<i32>} : memref<125x128xf32, #tpu.memory_space<vmem>>, vector<16xf32>,
        %parallel_loop3A_284 = arith.index_cast %parallel_loop3A_265 : i32 to index
        %parallel_loop3A_285 = arith.constant 32 : index
        %parallel_loop3A_286 = tpu.vector_load %arg12[%parallel_loop3A_284, %parallel_loop3A_285] {strides = array<i32>} : memref<125x128xf32, #tpu.memory_space<vmem>>, vector<16xf32>,
        %parallel_loop3A_287 = arith.mulf %parallel_loop3A_286, %parallel_loop3A_269 : vector<16xf32>
        %parallel_loop3A_288 = arith.index_cast %parallel_loop3A_265 : i32 to index
        %parallel_loop3A_289 = arith.constant 32 : index
        %parallel_loop3A_290 = tpu.vector_load %arg12[%parallel_loop3A_288, %parallel_loop3A_289] {strides = array<i32>} : memref<125x128xf32, #tpu.memory_space<vmem>>, vector<16xf32>,
        tpu.vector_store %arg12[%parallel_loop3A_288, %parallel_loop3A_289], %parallel_loop3A_287 {strides = array<i32>} : memref<125x128xf32, #tpu.memory_space<vmem>>, vector<16xf32>,
        %parallel_loop3A_291 = arith.index_cast %parallel_loop3A_265 : i32 to index
        %parallel_loop3A_292 = arith.constant 48 : index
        %parallel_loop3A_293 = tpu.vector_load %arg12[%parallel_loop3A_291, %parallel_loop3A_292] {strides = array<i32>} : memref<125x128xf32, #tpu.memory_space<vmem>>, vector<16xf32>,
        %parallel_loop3A_294 = arith.mulf %parallel_loop3A_293, %parallel_loop3A_269 : vector<16xf32>
        %parallel_loop3A_295 = arith.index_cast %parallel_loop3A_265 : i32 to index
        %parallel_loop3A_296 = arith.constant 48 : index
        %parallel_loop3A_297 = tpu.vector_load %arg12[%parallel_loop3A_295, %parallel_loop3A_296] {strides = array<i32>} : memref<125x128xf32, #tpu.memory_space<vmem>>, vector<16xf32>,
        tpu.vector_store %arg12[%parallel_loop3A_295, %parallel_loop3A_296], %parallel_loop3A_294 {strides = array<i32>} : memref<125x128xf32, #tpu.memory_space<vmem>>, vector<16xf32>,
        %parallel_loop3A_298 = arith.index_cast %parallel_loop3A_265 : i32 to index
        %parallel_loop3A_299 = arith.constant 64 : index
        %parallel_loop3A_300 = tpu.vector_load %arg12[%parallel_loop3A_298, %parallel_loop3A_299] {strides = array<i32>} : memref<125x128xf32, #tpu.memory_space<vmem>>, vector<16xf32>,
        %parallel_loop3A_301 = arith.mulf %parallel_loop3A_300, %parallel_loop3A_269 : vector<16xf32>
        %parallel_loop3A_302 = arith.index_cast %parallel_loop3A_265 : i32 to index
        %parallel_loop3A_303 = arith.constant 64 : index
        %parallel_loop3A_304 = tpu.vector_load %arg12[%parallel_loop3A_302, %parallel_loop3A_303] {strides = array<i32>} : memref<125x128xf32, #tpu.memory_space<vmem>>, vector<16xf32>,
        tpu.vector_store %arg12[%parallel_loop3A_302, %parallel_loop3A_303], %parallel_loop3A_301 {strides = array<i32>} : memref<125x128xf32, #tpu.memory_space<vmem>>, vector<16xf32>,
        %parallel_loop3A_305 = arith.index_cast %parallel_loop3A_265 : i32 to index
        %parallel_loop3A_306 = arith.constant 80 : index
        %parallel_loop3A_307 = tpu.vector_load %arg12[%parallel_loop3A_305, %parallel_loop3A_306] {strides = array<i32>} : memref<125x128xf32, #tpu.memory_space<vmem>>, vector<16xf32>,
        %parallel_loop3A_308 = arith.mulf %parallel_loop3A_307, %parallel_loop3A_269 : vector<16xf32>
        %parallel_loop3A_309 = arith.index_cast %parallel_loop3A_265 : i32 to index
        %parallel_loop3A_310 = arith.constant 80 : index
        %parallel_loop3A_311 = tpu.vector_load %arg12[%parallel_loop3A_309, %parallel_loop3A_310] {strides = array<i32>} : memref<125x128xf32, #tpu.memory_space<vmem>>, vector<16xf32>,
        tpu.vector_store %arg12[%parallel_loop3A_309, %parallel_loop3A_310], %parallel_loop3A_308 {strides = array<i32>} : memref<125x128xf32, #tpu.memory_space<vmem>>, vector<16xf32>,
        %parallel_loop3A_312 = arith.index_cast %parallel_loop3A_265 : i32 to index
        %parallel_loop3A_313 = arith.constant 96 : index
        %parallel_loop3A_314 = tpu.vector_load %arg12[%parallel_loop3A_312, %parallel_loop3A_313] {strides = array<i32>} : memref<125x128xf32, #tpu.memory_space<vmem>>, vector<16xf32>,
        %parallel_loop3A_315 = arith.mulf %parallel_loop3A_314, %parallel_loop3A_269 : vector<16xf32>
        %parallel_loop3A_316 = arith.index_cast %parallel_loop3A_265 : i32 to index
        %parallel_loop3A_317 = arith.constant 96 : index
        %parallel_loop3A_318 = tpu.vector_load %arg12[%parallel_loop3A_316, %parallel_loop3A_317] {strides = array<i32>} : memref<125x128xf32, #tpu.memory_space<vmem>>, vector<16xf32>,
        tpu.vector_store %arg12[%parallel_loop3A_316, %parallel_loop3A_317], %parallel_loop3A_315 {strides = array<i32>} : memref<125x128xf32, #tpu.memory_space<vmem>>, vector<16xf32>,
        %parallel_loop3A_319 = arith.index_cast %parallel_loop3A_265 : i32 to index
        %parallel_loop3A_320 = arith.constant 112 : index
        %parallel_loop3A_321 = tpu.vector_load %arg12[%parallel_loop3A_319, %parallel_loop3A_320] {strides = array<i32>} : memref<125x128xf32, #tpu.memory_space<vmem>>, vector<16xf32>,
        %parallel_loop3A_322 = arith.mulf %parallel_loop3A_321, %parallel_loop3A_269 : vector<16xf32>
        %parallel_loop3A_323 = arith.index_cast %parallel_loop3A_265 : i32 to index
        %parallel_loop3A_324 = arith.constant 112 : index
        %parallel_loop3A_325 = tpu.vector_load %arg12[%parallel_loop3A_323, %parallel_loop3A_324] {strides = array<i32>} : memref<125x128xf32, #tpu.memory_space<vmem>>, vector<16xf32>,
        tpu.vector_store %arg12[%parallel_loop3A_323, %parallel_loop3A_324], %parallel_loop3A_322 {strides = array<i32>} : memref<125x128xf32, #tpu.memory_space<vmem>>, vector<16xf32>,
      } {sc.loop_unroll_factor = 5 : i64, sc.parallel_access}
      %dma_start3A_86 = arith.constant 1 : i32
      %dma_start3A_87 = arith.constant 0 : i32
      %dma_start3A_88 = tpu.memref_slice %arg9[%dma_start3A_86, %dma_start3A_87] : memref<8x125xi32, #tpu.memory_space<vmem>> -> memref<1x125xi32, #tpu.memory_space<vmem>>
      %dma_start3A_89 = tpu.memref_squeeze %dma_start3A_88 : memref<1x125xi32, #tpu.memory_space<vmem>> -> memref<125xi32, #tpu.memory_space<vmem>>
      %dma_start3A_90 = arith.constant 0 : i32
      %dma_start3A_91 = arith.constant 0 : i32
      %dma_start3A_92 = tpu.memref_slice %arg7[%dma_start3A_90, %dma_start3A_91] : memref<10000x128xf32, #tpu.memory_space<vmem_shared>> -> memref<10000x128xf32, #tpu.memory_space<vmem_shared>>
      tpu.enqueue_indirect_dma source(%arg12 : memref<125x128xf32, #tpu.memory_space<vmem>>) target(%dma_start3A_92 : memref<10000x128xf32, #tpu.memory_space<vmem_shared>>) offsets(%dma_start3A_89 : memref<125xi32, #tpu.memory_space<vmem>>) semaphore(%arg16 : memref<!tpu.dma_semaphore, #tpu.memory_space<semaphore_mem>>) {add = true}
      %dma_wait3A_93 = arith.constant 1 : i32
      %dma_wait3A_94 = arith.constant 0 : i32
      %dma_wait3A_95 = tpu.memref_slice %arg9[%dma_wait3A_93, %dma_wait3A_94] : memref<8x125xi32, #tpu.memory_space<vmem>> -> memref<1x125xi32, #tpu.memory_space<vmem>>
      %dma_wait3A_96 = tpu.memref_squeeze %dma_wait3A_95 : memref<1x125xi32, #tpu.memory_space<vmem>> -> memref<125xi32, #tpu.memory_space<vmem>>
      %dma_wait3A_97 = arith.constant 0 : i32
      %dma_wait3A_98 = arith.constant 0 : i32
      %dma_wait3A_99 = tpu.memref_slice %arg7[%dma_wait3A_97, %dma_wait3A_98] : memref<10000x128xf32, #tpu.memory_space<vmem_shared>> -> memref<10000x128xf32, #tpu.memory_space<vmem_shared>>
      tpu.wait_indirect_dma semaphore(%arg16 : memref<!tpu.dma_semaphore, #tpu.memory_space<semaphore_mem>>) src(%arg12 : memref<125x128xf32, #tpu.memory_space<vmem>>) dst(%dma_wait3A_99 : memref<10000x128xf32, #tpu.memory_space<vmem_shared>>)
      %dma_start3A_100 = arith.constant 3 : i32
      %dma_start3A_101 = arith.constant 0 : i32
      %dma_start3A_102 = tpu.memref_slice %arg8[%dma_start3A_100, %dma_start3A_101] : memref<8x125xi32, #tpu.memory_space<vmem>> -> memref<1x125xi32, #tpu.memory_space<vmem>>
      %dma_start3A_103 = tpu.memref_squeeze %dma_start3A_102 : memref<1x125xi32, #tpu.memory_space<vmem>> -> memref<125xi32, #tpu.memory_space<vmem>>
      %dma_start3A_104 = arith.constant 0 : i32
      %dma_start3A_105 = arith.constant 0 : i32
      %dma_start3A_106 = tpu.memref_slice %arg2[%dma_start3A_104, %dma_start3A_105] : memref<80000x128xf32, #tpu.memory_space<hbm>> -> memref<80000x128xf32, #tpu.memory_space<hbm>>
      tpu.enqueue_indirect_dma source(%dma_start3A_106 : memref<80000x128xf32, #tpu.memory_space<hbm>>) target(%arg12 : memref<125x128xf32, #tpu.memory_space<vmem>>) offsets(%dma_start3A_103 : memref<125xi32, #tpu.memory_space<vmem>>) semaphore(%arg14 : memref<!tpu.dma_semaphore, #tpu.memory_space<semaphore_mem>>)
      %dma_wait3A_107 = arith.constant 2 : i32
      %dma_wait3A_108 = arith.constant 0 : i32
      %dma_wait3A_109 = tpu.memref_slice %arg8[%dma_wait3A_107, %dma_wait3A_108] : memref<8x125xi32, #tpu.memory_space<vmem>> -> memref<1x125xi32, #tpu.memory_space<vmem>>
      %dma_wait3A_110 = tpu.memref_squeeze %dma_wait3A_109 : memref<1x125xi32, #tpu.memory_space<vmem>> -> memref<125xi32, #tpu.memory_space<vmem>>
      %dma_wait3A_111 = arith.constant 0 : i32
      %dma_wait3A_112 = arith.constant 0 : i32
      %dma_wait3A_113 = tpu.memref_slice %arg2[%dma_wait3A_111, %dma_wait3A_112] : memref<80000x128xf32, #tpu.memory_space<hbm>> -> memref<80000x128xf32, #tpu.memory_space<hbm>>
      tpu.wait_indirect_dma semaphore(%arg13 : memref<!tpu.dma_semaphore, #tpu.memory_space<semaphore_mem>>) src(%dma_wait3A_113 : memref<80000x128xf32, #tpu.memory_space<hbm>>) dst(%arg11 : memref<125x128xf32, #tpu.memory_space<vmem>>)
      %parallel_loop3A_114 = arith.constant 0 : i32
      %parallel_loop3A_115 = arith.constant 125 : i32
      %parallel_loop3A_116 = arith.constant 1 : i32
      scf.for %parallel_loop3A_265 = %parallel_loop3A_114 to %parallel_loop3A_115 step %parallel_loop3A_116  : i32 {
        %parallel_loop3A_266 = arith.constant 2 : i32
        %parallel_loop3A_267 = vector.broadcast %parallel_loop3A_266 : i32 to vector<16xi32>
        %parallel_loop3A_268 = vector.broadcast %parallel_loop3A_265 : i32 to vector<16xi32>
        %parallel_loop3A_269 = tpu.vector_load_idx %arg10[%parallel_loop3A_267, %parallel_loop3A_268] : memref<8x125xf32, #tpu.memory_space<vmem>>[vector<16xi32>, vector<16xi32>], vector<16xf32>,
        %parallel_loop3A_270 = arith.index_cast %parallel_loop3A_265 : i32 to index
        %parallel_loop3A_271 = arith.constant 0 : index
        %parallel_loop3A_272 = tpu.vector_load %arg11[%parallel_loop3A_270, %parallel_loop3A_271] {strides = array<i32>} : memref<125x128xf32, #tpu.memory_space<vmem>>, vector<16xf32>,
        %parallel_loop3A_273 = arith.mulf %parallel_loop3A_272, %parallel_loop3A_269 : vector<16xf32>
        %parallel_loop3A_274 = arith.index_cast %parallel_loop3A_265 : i32 to index
        %parallel_loop3A_275 = arith.constant 0 : index
        %parallel_loop3A_276 = tpu.vector_load %arg11[%parallel_loop3A_274, %parallel_loop3A_275] {strides = array<i32>} : memref<125x128xf32, #tpu.memory_space<vmem>>, vector<16xf32>,
        tpu.vector_store %arg11[%parallel_loop3A_274, %parallel_loop3A_275], %parallel_loop3A_273 {strides = array<i32>} : memref<125x128xf32, #tpu.memory_space<vmem>>, vector<16xf32>,
        %parallel_loop3A_277 = arith.index_cast %parallel_loop3A_265 : i32 to index
        %parallel_loop3A_278 = arith.constant 16 : index
        %parallel_loop3A_279 = tpu.vector_load %arg11[%parallel_loop3A_277, %parallel_loop3A_278] {strides = array<i32>} : memref<125x128xf32, #tpu.memory_space<vmem>>, vector<16xf32>,
        %parallel_loop3A_280 = arith.mulf %parallel_loop3A_279, %parallel_loop3A_269 : vector<16xf32>
        %parallel_loop3A_281 = arith.index_cast %parallel_loop3A_265 : i32 to index
        %parallel_loop3A_282 = arith.constant 16 : index
        %parallel_loop3A_283 = tpu.vector_load %arg11[%parallel_loop3A_281, %parallel_loop3A_282] {strides = array<i32>} : memref<125x128xf32, #tpu.memory_space<vmem>>, vector<16xf32>,
        tpu.vector_store %arg11[%parallel_loop3A_281, %parallel_loop3A_282], %parallel_loop3A_280 {strides = array<i32>} : memref<125x128xf32, #tpu.memory_space<vmem>>, vector<16xf32>,
        %parallel_loop3A_284 = arith.index_cast %parallel_loop3A_265 : i32 to index
        %parallel_loop3A_285 = arith.constant 32 : index
        %parallel_loop3A_286 = tpu.vector_load %arg11[%parallel_loop3A_284, %parallel_loop3A_285] {strides = array<i32>} : memref<125x128xf32, #tpu.memory_space<vmem>>, vector<16xf32>,
        %parallel_loop3A_287 = arith.mulf %parallel_loop3A_286, %parallel_loop3A_269 : vector<16xf32>
        %parallel_loop3A_288 = arith.index_cast %parallel_loop3A_265 : i32 to index
        %parallel_loop3A_289 = arith.constant 32 : index
        %parallel_loop3A_290 = tpu.vector_load %arg11[%parallel_loop3A_288, %parallel_loop3A_289] {strides = array<i32>} : memref<125x128xf32, #tpu.memory_space<vmem>>, vector<16xf32>,
        tpu.vector_store %arg11[%parallel_loop3A_288, %parallel_loop3A_289], %parallel_loop3A_287 {strides = array<i32>} : memref<125x128xf32, #tpu.memory_space<vmem>>, vector<16xf32>,
        %parallel_loop3A_291 = arith.index_cast %parallel_loop3A_265 : i32 to index
        %parallel_loop3A_292 = arith.constant 48 : index
        %parallel_loop3A_293 = tpu.vector_load %arg11[%parallel_loop3A_291, %parallel_loop3A_292] {strides = array<i32>} : memref<125x128xf32, #tpu.memory_space<vmem>>, vector<16xf32>,
        %parallel_loop3A_294 = arith.mulf %parallel_loop3A_293, %parallel_loop3A_269 : vector<16xf32>
        %parallel_loop3A_295 = arith.index_cast %parallel_loop3A_265 : i32 to index
        %parallel_loop3A_296 = arith.constant 48 : index
        %parallel_loop3A_297 = tpu.vector_load %arg11[%parallel_loop3A_295, %parallel_loop3A_296] {strides = array<i32>} : memref<125x128xf32, #tpu.memory_space<vmem>>, vector<16xf32>,
        tpu.vector_store %arg11[%parallel_loop3A_295, %parallel_loop3A_296], %parallel_loop3A_294 {strides = array<i32>} : memref<125x128xf32, #tpu.memory_space<vmem>>, vector<16xf32>,
        %parallel_loop3A_298 = arith.index_cast %parallel_loop3A_265 : i32 to index
        %parallel_loop3A_299 = arith.constant 64 : index
        %parallel_loop3A_300 = tpu.vector_load %arg11[%parallel_loop3A_298, %parallel_loop3A_299] {strides = array<i32>} : memref<125x128xf32, #tpu.memory_space<vmem>>, vector<16xf32>,
        %parallel_loop3A_301 = arith.mulf %parallel_loop3A_300, %parallel_loop3A_269 : vector<16xf32>
        %parallel_loop3A_302 = arith.index_cast %parallel_loop3A_265 : i32 to index
        %parallel_loop3A_303 = arith.constant 64 : index
        %parallel_loop3A_304 = tpu.vector_load %arg11[%parallel_loop3A_302, %parallel_loop3A_303] {strides = array<i32>} : memref<125x128xf32, #tpu.memory_space<vmem>>, vector<16xf32>,
        tpu.vector_store %arg11[%parallel_loop3A_302, %parallel_loop3A_303], %parallel_loop3A_301 {strides = array<i32>} : memref<125x128xf32, #tpu.memory_space<vmem>>, vector<16xf32>,
        %parallel_loop3A_305 = arith.index_cast %parallel_loop3A_265 : i32 to index
        %parallel_loop3A_306 = arith.constant 80 : index
        %parallel_loop3A_307 = tpu.vector_load %arg11[%parallel_loop3A_305, %parallel_loop3A_306] {strides = array<i32>} : memref<125x128xf32, #tpu.memory_space<vmem>>, vector<16xf32>,
        %parallel_loop3A_308 = arith.mulf %parallel_loop3A_307, %parallel_loop3A_269 : vector<16xf32>
        %parallel_loop3A_309 = arith.index_cast %parallel_loop3A_265 : i32 to index
        %parallel_loop3A_310 = arith.constant 80 : index
        %parallel_loop3A_311 = tpu.vector_load %arg11[%parallel_loop3A_309, %parallel_loop3A_310] {strides = array<i32>} : memref<125x128xf32, #tpu.memory_space<vmem>>, vector<16xf32>,
        tpu.vector_store %arg11[%parallel_loop3A_309, %parallel_loop3A_310], %parallel_loop3A_308 {strides = array<i32>} : memref<125x128xf32, #tpu.memory_space<vmem>>, vector<16xf32>,
        %parallel_loop3A_312 = arith.index_cast %parallel_loop3A_265 : i32 to index
        %parallel_loop3A_313 = arith.constant 96 : index
        %parallel_loop3A_314 = tpu.vector_load %arg11[%parallel_loop3A_312, %parallel_loop3A_313] {strides = array<i32>} : memref<125x128xf32, #tpu.memory_space<vmem>>, vector<16xf32>,
        %parallel_loop3A_315 = arith.mulf %parallel_loop3A_314, %parallel_loop3A_269 : vector<16xf32>
        %parallel_loop3A_316 = arith.index_cast %parallel_loop3A_265 : i32 to index
        %parallel_loop3A_317 = arith.constant 96 : index
        %parallel_loop3A_318 = tpu.vector_load %arg11[%parallel_loop3A_316, %parallel_loop3A_317] {strides = array<i32>} : memref<125x128xf32, #tpu.memory_space<vmem>>, vector<16xf32>,
        tpu.vector_store %arg11[%parallel_loop3A_316, %parallel_loop3A_317], %parallel_loop3A_315 {strides = array<i32>} : memref<125x128xf32, #tpu.memory_space<vmem>>, vector<16xf32>,
        %parallel_loop3A_319 = arith.index_cast %parallel_loop3A_265 : i32 to index
        %parallel_loop3A_320 = arith.constant 112 : index
        %parallel_loop3A_321 = tpu.vector_load %arg11[%parallel_loop3A_319, %parallel_loop3A_320] {strides = array<i32>} : memref<125x128xf32, #tpu.memory_space<vmem>>, vector<16xf32>,
        %parallel_loop3A_322 = arith.mulf %parallel_loop3A_321, %parallel_loop3A_269 : vector<16xf32>
        %parallel_loop3A_323 = arith.index_cast %parallel_loop3A_265 : i32 to index
        %parallel_loop3A_324 = arith.constant 112 : index
        %parallel_loop3A_325 = tpu.vector_load %arg11[%parallel_loop3A_323, %parallel_loop3A_324] {strides = array<i32>} : memref<125x128xf32, #tpu.memory_space<vmem>>, vector<16xf32>,
        tpu.vector_store %arg11[%parallel_loop3A_323, %parallel_loop3A_324], %parallel_loop3A_322 {strides = array<i32>} : memref<125x128xf32, #tpu.memory_space<vmem>>, vector<16xf32>,
      } {sc.loop_unroll_factor = 5 : i64, sc.parallel_access}
      %dma_start3A_117 = arith.constant 2 : i32
      %dma_start3A_118 = arith.constant 0 : i32
      %dma_start3A_119 = tpu.memref_slice %arg9[%dma_start3A_117, %dma_start3A_118] : memref<8x125xi32, #tpu.memory_space<vmem>> -> memref<1x125xi32, #tpu.memory_space<vmem>>
      %dma_start3A_120 = tpu.memref_squeeze %dma_start3A_119 : memref<1x125xi32, #tpu.memory_space<vmem>> -> memref<125xi32, #tpu.memory_space<vmem>>
      %dma_start3A_121 = arith.constant 0 : i32
      %dma_start3A_122 = arith.constant 0 : i32
      %dma_start3A_123 = tpu.memref_slice %arg7[%dma_start3A_121, %dma_start3A_122] : memref<10000x128xf32, #tpu.memory_space<vmem_shared>> -> memref<10000x128xf32, #tpu.memory_space<vmem_shared>>
      tpu.enqueue_indirect_dma source(%arg11 : memref<125x128xf32, #tpu.memory_space<vmem>>) target(%dma_start3A_123 : memref<10000x128xf32, #tpu.memory_space<vmem_shared>>) offsets(%dma_start3A_120 : memref<125xi32, #tpu.memory_space<vmem>>) semaphore(%arg15 : memref<!tpu.dma_semaphore, #tpu.memory_space<semaphore_mem>>) {add = true}
      %dma_wait3A_124 = arith.constant 2 : i32
      %dma_wait3A_125 = arith.constant 0 : i32
      %dma_wait3A_126 = tpu.memref_slice %arg9[%dma_wait3A_124, %dma_wait3A_125] : memref<8x125xi32, #tpu.memory_space<vmem>> -> memref<1x125xi32, #tpu.memory_space<vmem>>
      %dma_wait3A_127 = tpu.memref_squeeze %dma_wait3A_126 : memref<1x125xi32, #tpu.memory_space<vmem>> -> memref<125xi32, #tpu.memory_space<vmem>>
      %dma_wait3A_128 = arith.constant 0 : i32
      %dma_wait3A_129 = arith.constant 0 : i32
      %dma_wait3A_130 = tpu.memref_slice %arg7[%dma_wait3A_128, %dma_wait3A_129] : memref<10000x128xf32, #tpu.memory_space<vmem_shared>> -> memref<10000x128xf32, #tpu.memory_space<vmem_shared>>
      tpu.wait_indirect_dma semaphore(%arg15 : memref<!tpu.dma_semaphore, #tpu.memory_space<semaphore_mem>>) src(%arg11 : memref<125x128xf32, #tpu.memory_space<vmem>>) dst(%dma_wait3A_130 : memref<10000x128xf32, #tpu.memory_space<vmem_shared>>)
      %dma_start3A_131 = arith.constant 4 : i32
      %dma_start3A_132 = arith.constant 0 : i32
      %dma_start3A_133 = tpu.memref_slice %arg8[%dma_start3A_131, %dma_start3A_132] : memref<8x125xi32, #tpu.memory_space<vmem>> -> memref<1x125xi32, #tpu.memory_space<vmem>>
      %dma_start3A_134 = tpu.memref_squeeze %dma_start3A_133 : memref<1x125xi32, #tpu.memory_space<vmem>> -> memref<125xi32, #tpu.memory_space<vmem>>
      %dma_start3A_135 = arith.constant 0 : i32
      %dma_start3A_136 = arith.constant 0 : i32
      %dma_start3A_137 = tpu.memref_slice %arg2[%dma_start3A_135, %dma_start3A_136] : memref<80000x128xf32, #tpu.memory_space<hbm>> -> memref<80000x128xf32, #tpu.memory_space<hbm>>
      tpu.enqueue_indirect_dma source(%dma_start3A_137 : memref<80000x128xf32, #tpu.memory_space<hbm>>) target(%arg11 : memref<125x128xf32, #tpu.memory_space<vmem>>) offsets(%dma_start3A_134 : memref<125xi32, #tpu.memory_space<vmem>>) semaphore(%arg13 : memref<!tpu.dma_semaphore, #tpu.memory_space<semaphore_mem>>)
      %dma_wait3A_138 = arith.constant 3 : i32
      %dma_wait3A_139 = arith.constant 0 : i32
      %dma_wait3A_140 = tpu.memref_slice %arg8[%dma_wait3A_138, %dma_wait3A_139] : memref<8x125xi32, #tpu.memory_space<vmem>> -> memref<1x125xi32, #tpu.memory_space<vmem>>
      %dma_wait3A_141 = tpu.memref_squeeze %dma_wait3A_140 : memref<1x125xi32, #tpu.memory_space<vmem>> -> memref<125xi32, #tpu.memory_space<vmem>>
      %dma_wait3A_142 = arith.constant 0 : i32
      %dma_wait3A_143 = arith.constant 0 : i32
      %dma_wait3A_144 = tpu.memref_slice %arg2[%dma_wait3A_142, %dma_wait3A_143] : memref<80000x128xf32, #tpu.memory_space<hbm>> -> memref<80000x128xf32, #tpu.memory_space<hbm>>
      tpu.wait_indirect_dma semaphore(%arg14 : memref<!tpu.dma_semaphore, #tpu.memory_space<semaphore_mem>>) src(%dma_wait3A_144 : memref<80000x128xf32, #tpu.memory_space<hbm>>) dst(%arg12 : memref<125x128xf32, #tpu.memory_space<vmem>>)
      %parallel_loop3A_145 = arith.constant 0 : i32
      %parallel_loop3A_146 = arith.constant 125 : i32
      %parallel_loop3A_147 = arith.constant 1 : i32
      scf.for %parallel_loop3A_265 = %parallel_loop3A_145 to %parallel_loop3A_146 step %parallel_loop3A_147  : i32 {
        %parallel_loop3A_266 = arith.constant 3 : i32
        %parallel_loop3A_267 = vector.broadcast %parallel_loop3A_266 : i32 to vector<16xi32>
        %parallel_loop3A_268 = vector.broadcast %parallel_loop3A_265 : i32 to vector<16xi32>
        %parallel_loop3A_269 = tpu.vector_load_idx %arg10[%parallel_loop3A_267, %parallel_loop3A_268] : memref<8x125xf32, #tpu.memory_space<vmem>>[vector<16xi32>, vector<16xi32>], vector<16xf32>,
        %parallel_loop3A_270 = arith.index_cast %parallel_loop3A_265 : i32 to index
        %parallel_loop3A_271 = arith.constant 0 : index
        %parallel_loop3A_272 = tpu.vector_load %arg12[%parallel_loop3A_270, %parallel_loop3A_271] {strides = array<i32>} : memref<125x128xf32, #tpu.memory_space<vmem>>, vector<16xf32>,
        %parallel_loop3A_273 = arith.mulf %parallel_loop3A_272, %parallel_loop3A_269 : vector<16xf32>
        %parallel_loop3A_274 = arith.index_cast %parallel_loop3A_265 : i32 to index
        %parallel_loop3A_275 = arith.constant 0 : index
        %parallel_loop3A_276 = tpu.vector_load %arg12[%parallel_loop3A_274, %parallel_loop3A_275] {strides = array<i32>} : memref<125x128xf32, #tpu.memory_space<vmem>>, vector<16xf32>,
        tpu.vector_store %arg12[%parallel_loop3A_274, %parallel_loop3A_275], %parallel_loop3A_273 {strides = array<i32>} : memref<125x128xf32, #tpu.memory_space<vmem>>, vector<16xf32>,
        %parallel_loop3A_277 = arith.index_cast %parallel_loop3A_265 : i32 to index
        %parallel_loop3A_278 = arith.constant 16 : index
        %parallel_loop3A_279 = tpu.vector_load %arg12[%parallel_loop3A_277, %parallel_loop3A_278] {strides = array<i32>} : memref<125x128xf32, #tpu.memory_space<vmem>>, vector<16xf32>,
        %parallel_loop3A_280 = arith.mulf %parallel_loop3A_279, %parallel_loop3A_269 : vector<16xf32>
        %parallel_loop3A_281 = arith.index_cast %parallel_loop3A_265 : i32 to index
        %parallel_loop3A_282 = arith.constant 16 : index
        %parallel_loop3A_283 = tpu.vector_load %arg12[%parallel_loop3A_281, %parallel_loop3A_282] {strides = array<i32>} : memref<125x128xf32, #tpu.memory_space<vmem>>, vector<16xf32>,
        tpu.vector_store %arg12[%parallel_loop3A_281, %parallel_loop3A_282], %parallel_loop3A_280 {strides = array<i32>} : memref<125x128xf32, #tpu.memory_space<vmem>>, vector<16xf32>,
        %parallel_loop3A_284 = arith.index_cast %parallel_loop3A_265 : i32 to index
        %parallel_loop3A_285 = arith.constant 32 : index
        %parallel_loop3A_286 = tpu.vector_load %arg12[%parallel_loop3A_284, %parallel_loop3A_285] {strides = array<i32>} : memref<125x128xf32, #tpu.memory_space<vmem>>, vector<16xf32>,
        %parallel_loop3A_287 = arith.mulf %parallel_loop3A_286, %parallel_loop3A_269 : vector<16xf32>
        %parallel_loop3A_288 = arith.index_cast %parallel_loop3A_265 : i32 to index
        %parallel_loop3A_289 = arith.constant 32 : index
        %parallel_loop3A_290 = tpu.vector_load %arg12[%parallel_loop3A_288, %parallel_loop3A_289] {strides = array<i32>} : memref<125x128xf32, #tpu.memory_space<vmem>>, vector<16xf32>,
        tpu.vector_store %arg12[%parallel_loop3A_288, %parallel_loop3A_289], %parallel_loop3A_287 {strides = array<i32>} : memref<125x128xf32, #tpu.memory_space<vmem>>, vector<16xf32>,
        %parallel_loop3A_291 = arith.index_cast %parallel_loop3A_265 : i32 to index
        %parallel_loop3A_292 = arith.constant 48 : index
        %parallel_loop3A_293 = tpu.vector_load %arg12[%parallel_loop3A_291, %parallel_loop3A_292] {strides = array<i32>} : memref<125x128xf32, #tpu.memory_space<vmem>>, vector<16xf32>,
        %parallel_loop3A_294 = arith.mulf %parallel_loop3A_293, %parallel_loop3A_269 : vector<16xf32>
        %parallel_loop3A_295 = arith.index_cast %parallel_loop3A_265 : i32 to index
        %parallel_loop3A_296 = arith.constant 48 : index
        %parallel_loop3A_297 = tpu.vector_load %arg12[%parallel_loop3A_295, %parallel_loop3A_296] {strides = array<i32>} : memref<125x128xf32, #tpu.memory_space<vmem>>, vector<16xf32>,
        tpu.vector_store %arg12[%parallel_loop3A_295, %parallel_loop3A_296], %parallel_loop3A_294 {strides = array<i32>} : memref<125x128xf32, #tpu.memory_space<vmem>>, vector<16xf32>,
        %parallel_loop3A_298 = arith.index_cast %parallel_loop3A_265 : i32 to index
        %parallel_loop3A_299 = arith.constant 64 : index
        %parallel_loop3A_300 = tpu.vector_load %arg12[%parallel_loop3A_298, %parallel_loop3A_299] {strides = array<i32>} : memref<125x128xf32, #tpu.memory_space<vmem>>, vector<16xf32>,
        %parallel_loop3A_301 = arith.mulf %parallel_loop3A_300, %parallel_loop3A_269 : vector<16xf32>
        %parallel_loop3A_302 = arith.index_cast %parallel_loop3A_265 : i32 to index
        %parallel_loop3A_303 = arith.constant 64 : index
        %parallel_loop3A_304 = tpu.vector_load %arg12[%parallel_loop3A_302, %parallel_loop3A_303] {strides = array<i32>} : memref<125x128xf32, #tpu.memory_space<vmem>>, vector<16xf32>,
        tpu.vector_store %arg12[%parallel_loop3A_302, %parallel_loop3A_303], %parallel_loop3A_301 {strides = array<i32>} : memref<125x128xf32, #tpu.memory_space<vmem>>, vector<16xf32>,
        %parallel_loop3A_305 = arith.index_cast %parallel_loop3A_265 : i32 to index
        %parallel_loop3A_306 = arith.constant 80 : index
        %parallel_loop3A_307 = tpu.vector_load %arg12[%parallel_loop3A_305, %parallel_loop3A_306] {strides = array<i32>} : memref<125x128xf32, #tpu.memory_space<vmem>>, vector<16xf32>,
        %parallel_loop3A_308 = arith.mulf %parallel_loop3A_307, %parallel_loop3A_269 : vector<16xf32>
        %parallel_loop3A_309 = arith.index_cast %parallel_loop3A_265 : i32 to index
        %parallel_loop3A_310 = arith.constant 80 : index
        %parallel_loop3A_311 = tpu.vector_load %arg12[%parallel_loop3A_309, %parallel_loop3A_310] {strides = array<i32>} : memref<125x128xf32, #tpu.memory_space<vmem>>, vector<16xf32>,
        tpu.vector_store %arg12[%parallel_loop3A_309, %parallel_loop3A_310], %parallel_loop3A_308 {strides = array<i32>} : memref<125x128xf32, #tpu.memory_space<vmem>>, vector<16xf32>,
        %parallel_loop3A_312 = arith.index_cast %parallel_loop3A_265 : i32 to index
        %parallel_loop3A_313 = arith.constant 96 : index
        %parallel_loop3A_314 = tpu.vector_load %arg12[%parallel_loop3A_312, %parallel_loop3A_313] {strides = array<i32>} : memref<125x128xf32, #tpu.memory_space<vmem>>, vector<16xf32>,
        %parallel_loop3A_315 = arith.mulf %parallel_loop3A_314, %parallel_loop3A_269 : vector<16xf32>
        %parallel_loop3A_316 = arith.index_cast %parallel_loop3A_265 : i32 to index
        %parallel_loop3A_317 = arith.constant 96 : index
        %parallel_loop3A_318 = tpu.vector_load %arg12[%parallel_loop3A_316, %parallel_loop3A_317] {strides = array<i32>} : memref<125x128xf32, #tpu.memory_space<vmem>>, vector<16xf32>,
        tpu.vector_store %arg12[%parallel_loop3A_316, %parallel_loop3A_317], %parallel_loop3A_315 {strides = array<i32>} : memref<125x128xf32, #tpu.memory_space<vmem>>, vector<16xf32>,
        %parallel_loop3A_319 = arith.index_cast %parallel_loop3A_265 : i32 to index
        %parallel_loop3A_320 = arith.constant 112 : index
        %parallel_loop3A_321 = tpu.vector_load %arg12[%parallel_loop3A_319, %parallel_loop3A_320] {strides = array<i32>} : memref<125x128xf32, #tpu.memory_space<vmem>>, vector<16xf32>,
        %parallel_loop3A_322 = arith.mulf %parallel_loop3A_321, %parallel_loop3A_269 : vector<16xf32>
        %parallel_loop3A_323 = arith.index_cast %parallel_loop3A_265 : i32 to index
        %parallel_loop3A_324 = arith.constant 112 : index
        %parallel_loop3A_325 = tpu.vector_load %arg12[%parallel_loop3A_323, %parallel_loop3A_324] {strides = array<i32>} : memref<125x128xf32, #tpu.memory_space<vmem>>, vector<16xf32>,
        tpu.vector_store %arg12[%parallel_loop3A_323, %parallel_loop3A_324], %parallel_loop3A_322 {strides = array<i32>} : memref<125x128xf32, #tpu.memory_space<vmem>>, vector<16xf32>,
      } {sc.loop_unroll_factor = 5 : i64, sc.parallel_access}
      %dma_start3A_148 = arith.constant 3 : i32
      %dma_start3A_149 = arith.constant 0 : i32
      %dma_start3A_150 = tpu.memref_slice %arg9[%dma_start3A_148, %dma_start3A_149] : memref<8x125xi32, #tpu.memory_space<vmem>> -> memref<1x125xi32, #tpu.memory_space<vmem>>
      %dma_start3A_151 = tpu.memref_squeeze %dma_start3A_150 : memref<1x125xi32, #tpu.memory_space<vmem>> -> memref<125xi32, #tpu.memory_space<vmem>>
      %dma_start3A_152 = arith.constant 0 : i32
      %dma_start3A_153 = arith.constant 0 : i32
      %dma_start3A_154 = tpu.memref_slice %arg7[%dma_start3A_152, %dma_start3A_153] : memref<10000x128xf32, #tpu.memory_space<vmem_shared>> -> memref<10000x128xf32, #tpu.memory_space<vmem_shared>>
      tpu.enqueue_indirect_dma source(%arg12 : memref<125x128xf32, #tpu.memory_space<vmem>>) target(%dma_start3A_154 : memref<10000x128xf32, #tpu.memory_space<vmem_shared>>) offsets(%dma_start3A_151 : memref<125xi32, #tpu.memory_space<vmem>>) semaphore(%arg16 : memref<!tpu.dma_semaphore, #tpu.memory_space<semaphore_mem>>) {add = true}
      %dma_wait3A_155 = arith.constant 3 : i32
      %dma_wait3A_156 = arith.constant 0 : i32
      %dma_wait3A_157 = tpu.memref_slice %arg9[%dma_wait3A_155, %dma_wait3A_156] : memref<8x125xi32, #tpu.memory_space<vmem>> -> memref<1x125xi32, #tpu.memory_space<vmem>>
      %dma_wait3A_158 = tpu.memref_squeeze %dma_wait3A_157 : memref<1x125xi32, #tpu.memory_space<vmem>> -> memref<125xi32, #tpu.memory_space<vmem>>
      %dma_wait3A_159 = arith.constant 0 : i32
      %dma_wait3A_160 = arith.constant 0 : i32
      %dma_wait3A_161 = tpu.memref_slice %arg7[%dma_wait3A_159, %dma_wait3A_160] : memref<10000x128xf32, #tpu.memory_space<vmem_shared>> -> memref<10000x128xf32, #tpu.memory_space<vmem_shared>>
      tpu.wait_indirect_dma semaphore(%arg16 : memref<!tpu.dma_semaphore, #tpu.memory_space<semaphore_mem>>) src(%arg12 : memref<125x128xf32, #tpu.memory_space<vmem>>) dst(%dma_wait3A_161 : memref<10000x128xf32, #tpu.memory_space<vmem_shared>>)
      %dma_start3A_162 = arith.constant 5 : i32
      %dma_start3A_163 = arith.constant 0 : i32
      %dma_start3A_164 = tpu.memref_slice %arg8[%dma_start3A_162, %dma_start3A_163] : memref<8x125xi32, #tpu.memory_space<vmem>> -> memref<1x125xi32, #tpu.memory_space<vmem>>
      %dma_start3A_165 = tpu.memref_squeeze %dma_start3A_164 : memref<1x125xi32, #tpu.memory_space<vmem>> -> memref<125xi32, #tpu.memory_space<vmem>>
      %dma_start3A_166 = arith.constant 0 : i32
      %dma_start3A_167 = arith.constant 0 : i32
      %dma_start3A_168 = tpu.memref_slice %arg2[%dma_start3A_166, %dma_start3A_167] : memref<80000x128xf32, #tpu.memory_space<hbm>> -> memref<80000x128xf32, #tpu.memory_space<hbm>>
      tpu.enqueue_indirect_dma source(%dma_start3A_168 : memref<80000x128xf32, #tpu.memory_space<hbm>>) target(%arg12 : memref<125x128xf32, #tpu.memory_space<vmem>>) offsets(%dma_start3A_165 : memref<125xi32, #tpu.memory_space<vmem>>) semaphore(%arg14 : memref<!tpu.dma_semaphore, #tpu.memory_space<semaphore_mem>>)
      %dma_wait3A_169 = arith.constant 4 : i32
      %dma_wait3A_170 = arith.constant 0 : i32
      %dma_wait3A_171 = tpu.memref_slice %arg8[%dma_wait3A_169, %dma_wait3A_170] : memref<8x125xi32, #tpu.memory_space<vmem>> -> memref<1x125xi32, #tpu.memory_space<vmem>>
      %dma_wait3A_172 = tpu.memref_squeeze %dma_wait3A_171 : memref<1x125xi32, #tpu.memory_space<vmem>> -> memref<125xi32, #tpu.memory_space<vmem>>
      %dma_wait3A_173 = arith.constant 0 : i32
      %dma_wait3A_174 = arith.constant 0 : i32
      %dma_wait3A_175 = tpu.memref_slice %arg2[%dma_wait3A_173, %dma_wait3A_174] : memref<80000x128xf32, #tpu.memory_space<hbm>> -> memref<80000x128xf32, #tpu.memory_space<hbm>>
      tpu.wait_indirect_dma semaphore(%arg13 : memref<!tpu.dma_semaphore, #tpu.memory_space<semaphore_mem>>) src(%dma_wait3A_175 : memref<80000x128xf32, #tpu.memory_space<hbm>>) dst(%arg11 : memref<125x128xf32, #tpu.memory_space<vmem>>)
      %parallel_loop3A_176 = arith.constant 0 : i32
      %parallel_loop3A_177 = arith.constant 125 : i32
      %parallel_loop3A_178 = arith.constant 1 : i32
      scf.for %parallel_loop3A_265 = %parallel_loop3A_176 to %parallel_loop3A_177 step %parallel_loop3A_178  : i32 {
        %parallel_loop3A_266 = arith.constant 4 : i32
        %parallel_loop3A_267 = vector.broadcast %parallel_loop3A_266 : i32 to vector<16xi32>
        %parallel_loop3A_268 = vector.broadcast %parallel_loop3A_265 : i32 to vector<16xi32>
        %parallel_loop3A_269 = tpu.vector_load_idx %arg10[%parallel_loop3A_267, %parallel_loop3A_268] : memref<8x125xf32, #tpu.memory_space<vmem>>[vector<16xi32>, vector<16xi32>], vector<16xf32>,
        %parallel_loop3A_270 = arith.index_cast %parallel_loop3A_265 : i32 to index
        %parallel_loop3A_271 = arith.constant 0 : index
        %parallel_loop3A_272 = tpu.vector_load %arg11[%parallel_loop3A_270, %parallel_loop3A_271] {strides = array<i32>} : memref<125x128xf32, #tpu.memory_space<vmem>>, vector<16xf32>,
        %parallel_loop3A_273 = arith.mulf %parallel_loop3A_272, %parallel_loop3A_269 : vector<16xf32>
        %parallel_loop3A_274 = arith.index_cast %parallel_loop3A_265 : i32 to index
        %parallel_loop3A_275 = arith.constant 0 : index
        %parallel_loop3A_276 = tpu.vector_load %arg11[%parallel_loop3A_274, %parallel_loop3A_275] {strides = array<i32>} : memref<125x128xf32, #tpu.memory_space<vmem>>, vector<16xf32>,
        tpu.vector_store %arg11[%parallel_loop3A_274, %parallel_loop3A_275], %parallel_loop3A_273 {strides = array<i32>} : memref<125x128xf32, #tpu.memory_space<vmem>>, vector<16xf32>,
        %parallel_loop3A_277 = arith.index_cast %parallel_loop3A_265 : i32 to index
        %parallel_loop3A_278 = arith.constant 16 : index
        %parallel_loop3A_279 = tpu.vector_load %arg11[%parallel_loop3A_277, %parallel_loop3A_278] {strides = array<i32>} : memref<125x128xf32, #tpu.memory_space<vmem>>, vector<16xf32>,
        %parallel_loop3A_280 = arith.mulf %parallel_loop3A_279, %parallel_loop3A_269 : vector<16xf32>
        %parallel_loop3A_281 = arith.index_cast %parallel_loop3A_265 : i32 to index
        %parallel_loop3A_282 = arith.constant 16 : index
        %parallel_loop3A_283 = tpu.vector_load %arg11[%parallel_loop3A_281, %parallel_loop3A_282] {strides = array<i32>} : memref<125x128xf32, #tpu.memory_space<vmem>>, vector<16xf32>,
        tpu.vector_store %arg11[%parallel_loop3A_281, %parallel_loop3A_282], %parallel_loop3A_280 {strides = array<i32>} : memref<125x128xf32, #tpu.memory_space<vmem>>, vector<16xf32>,
        %parallel_loop3A_284 = arith.index_cast %parallel_loop3A_265 : i32 to index
        %parallel_loop3A_285 = arith.constant 32 : index
        %parallel_loop3A_286 = tpu.vector_load %arg11[%parallel_loop3A_284, %parallel_loop3A_285] {strides = array<i32>} : memref<125x128xf32, #tpu.memory_space<vmem>>, vector<16xf32>,
        %parallel_loop3A_287 = arith.mulf %parallel_loop3A_286, %parallel_loop3A_269 : vector<16xf32>
        %parallel_loop3A_288 = arith.index_cast %parallel_loop3A_265 : i32 to index
        %parallel_loop3A_289 = arith.constant 32 : index
        %parallel_loop3A_290 = tpu.vector_load %arg11[%parallel_loop3A_288, %parallel_loop3A_289] {strides = array<i32>} : memref<125x128xf32, #tpu.memory_space<vmem>>, vector<16xf32>,
        tpu.vector_store %arg11[%parallel_loop3A_288, %parallel_loop3A_289], %parallel_loop3A_287 {strides = array<i32>} : memref<125x128xf32, #tpu.memory_space<vmem>>, vector<16xf32>,
        %parallel_loop3A_291 = arith.index_cast %parallel_loop3A_265 : i32 to index
        %parallel_loop3A_292 = arith.constant 48 : index
        %parallel_loop3A_293 = tpu.vector_load %arg11[%parallel_loop3A_291, %parallel_loop3A_292] {strides = array<i32>} : memref<125x128xf32, #tpu.memory_space<vmem>>, vector<16xf32>,
        %parallel_loop3A_294 = arith.mulf %parallel_loop3A_293, %parallel_loop3A_269 : vector<16xf32>
        %parallel_loop3A_295 = arith.index_cast %parallel_loop3A_265 : i32 to index
        %parallel_loop3A_296 = arith.constant 48 : index
        %parallel_loop3A_297 = tpu.vector_load %arg11[%parallel_loop3A_295, %parallel_loop3A_296] {strides = array<i32>} : memref<125x128xf32, #tpu.memory_space<vmem>>, vector<16xf32>,
        tpu.vector_store %arg11[%parallel_loop3A_295, %parallel_loop3A_296], %parallel_loop3A_294 {strides = array<i32>} : memref<125x128xf32, #tpu.memory_space<vmem>>, vector<16xf32>,
        %parallel_loop3A_298 = arith.index_cast %parallel_loop3A_265 : i32 to index
        %parallel_loop3A_299 = arith.constant 64 : index
        %parallel_loop3A_300 = tpu.vector_load %arg11[%parallel_loop3A_298, %parallel_loop3A_299] {strides = array<i32>} : memref<125x128xf32, #tpu.memory_space<vmem>>, vector<16xf32>,
        %parallel_loop3A_301 = arith.mulf %parallel_loop3A_300, %parallel_loop3A_269 : vector<16xf32>
        %parallel_loop3A_302 = arith.index_cast %parallel_loop3A_265 : i32 to index
        %parallel_loop3A_303 = arith.constant 64 : index
        %parallel_loop3A_304 = tpu.vector_load %arg11[%parallel_loop3A_302, %parallel_loop3A_303] {strides = array<i32>} : memref<125x128xf32, #tpu.memory_space<vmem>>, vector<16xf32>,
        tpu.vector_store %arg11[%parallel_loop3A_302, %parallel_loop3A_303], %parallel_loop3A_301 {strides = array<i32>} : memref<125x128xf32, #tpu.memory_space<vmem>>, vector<16xf32>,
        %parallel_loop3A_305 = arith.index_cast %parallel_loop3A_265 : i32 to index
        %parallel_loop3A_306 = arith.constant 80 : index
        %parallel_loop3A_307 = tpu.vector_load %arg11[%parallel_loop3A_305, %parallel_loop3A_306] {strides = array<i32>} : memref<125x128xf32, #tpu.memory_space<vmem>>, vector<16xf32>,
        %parallel_loop3A_308 = arith.mulf %parallel_loop3A_307, %parallel_loop3A_269 : vector<16xf32>
        %parallel_loop3A_309 = arith.index_cast %parallel_loop3A_265 : i32 to index
        %parallel_loop3A_310 = arith.constant 80 : index
        %parallel_loop3A_311 = tpu.vector_load %arg11[%parallel_loop3A_309, %parallel_loop3A_310] {strides = array<i32>} : memref<125x128xf32, #tpu.memory_space<vmem>>, vector<16xf32>,
        tpu.vector_store %arg11[%parallel_loop3A_309, %parallel_loop3A_310], %parallel_loop3A_308 {strides = array<i32>} : memref<125x128xf32, #tpu.memory_space<vmem>>, vector<16xf32>,
        %parallel_loop3A_312 = arith.index_cast %parallel_loop3A_265 : i32 to index
        %parallel_loop3A_313 = arith.constant 96 : index
        %parallel_loop3A_314 = tpu.vector_load %arg11[%parallel_loop3A_312, %parallel_loop3A_313] {strides = array<i32>} : memref<125x128xf32, #tpu.memory_space<vmem>>, vector<16xf32>,
        %parallel_loop3A_315 = arith.mulf %parallel_loop3A_314, %parallel_loop3A_269 : vector<16xf32>
        %parallel_loop3A_316 = arith.index_cast %parallel_loop3A_265 : i32 to index
        %parallel_loop3A_317 = arith.constant 96 : index
        %parallel_loop3A_318 = tpu.vector_load %arg11[%parallel_loop3A_316, %parallel_loop3A_317] {strides = array<i32>} : memref<125x128xf32, #tpu.memory_space<vmem>>, vector<16xf32>,
        tpu.vector_store %arg11[%parallel_loop3A_316, %parallel_loop3A_317], %parallel_loop3A_315 {strides = array<i32>} : memref<125x128xf32, #tpu.memory_space<vmem>>, vector<16xf32>,
        %parallel_loop3A_319 = arith.index_cast %parallel_loop3A_265 : i32 to index
        %parallel_loop3A_320 = arith.constant 112 : index
        %parallel_loop3A_321 = tpu.vector_load %arg11[%parallel_loop3A_319, %parallel_loop3A_320] {strides = array<i32>} : memref<125x128xf32, #tpu.memory_space<vmem>>, vector<16xf32>,
        %parallel_loop3A_322 = arith.mulf %parallel_loop3A_321, %parallel_loop3A_269 : vector<16xf32>
        %parallel_loop3A_323 = arith.index_cast %parallel_loop3A_265 : i32 to index
        %parallel_loop3A_324 = arith.constant 112 : index
        %parallel_loop3A_325 = tpu.vector_load %arg11[%parallel_loop3A_323, %parallel_loop3A_324] {strides = array<i32>} : memref<125x128xf32, #tpu.memory_space<vmem>>, vector<16xf32>,
        tpu.vector_store %arg11[%parallel_loop3A_323, %parallel_loop3A_324], %parallel_loop3A_322 {strides = array<i32>} : memref<125x128xf32, #tpu.memory_space<vmem>>, vector<16xf32>,
      } {sc.loop_unroll_factor = 5 : i64, sc.parallel_access}
      %dma_start3A_179 = arith.constant 4 : i32
      %dma_start3A_180 = arith.constant 0 : i32
      %dma_start3A_181 = tpu.memref_slice %arg9[%dma_start3A_179, %dma_start3A_180] : memref<8x125xi32, #tpu.memory_space<vmem>> -> memref<1x125xi32, #tpu.memory_space<vmem>>
      %dma_start3A_182 = tpu.memref_squeeze %dma_start3A_181 : memref<1x125xi32, #tpu.memory_space<vmem>> -> memref<125xi32, #tpu.memory_space<vmem>>
      %dma_start3A_183 = arith.constant 0 : i32
      %dma_start3A_184 = arith.constant 0 : i32
      %dma_start3A_185 = tpu.memref_slice %arg7[%dma_start3A_183, %dma_start3A_184] : memref<10000x128xf32, #tpu.memory_space<vmem_shared>> -> memref<10000x128xf32, #tpu.memory_space<vmem_shared>>
      tpu.enqueue_indirect_dma source(%arg11 : memref<125x128xf32, #tpu.memory_space<vmem>>) target(%dma_start3A_185 : memref<10000x128xf32, #tpu.memory_space<vmem_shared>>) offsets(%dma_start3A_182 : memref<125xi32, #tpu.memory_space<vmem>>) semaphore(%arg15 : memref<!tpu.dma_semaphore, #tpu.memory_space<semaphore_mem>>) {add = true}
      %dma_wait3A_186 = arith.constant 4 : i32
      %dma_wait3A_187 = arith.constant 0 : i32
      %dma_wait3A_188 = tpu.memref_slice %arg9[%dma_wait3A_186, %dma_wait3A_187] : memref<8x125xi32, #tpu.memory_space<vmem>> -> memref<1x125xi32, #tpu.memory_space<vmem>>
      %dma_wait3A_189 = tpu.memref_squeeze %dma_wait3A_188 : memref<1x125xi32, #tpu.memory_space<vmem>> -> memref<125xi32, #tpu.memory_space<vmem>>
      %dma_wait3A_190 = arith.constant 0 : i32
      %dma_wait3A_191 = arith.constant 0 : i32
      %dma_wait3A_192 = tpu.memref_slice %arg7[%dma_wait3A_190, %dma_wait3A_191] : memref<10000x128xf32, #tpu.memory_space<vmem_shared>> -> memref<10000x128xf32, #tpu.memory_space<vmem_shared>>
      tpu.wait_indirect_dma semaphore(%arg15 : memref<!tpu.dma_semaphore, #tpu.memory_space<semaphore_mem>>) src(%arg11 : memref<125x128xf32, #tpu.memory_space<vmem>>) dst(%dma_wait3A_192 : memref<10000x128xf32, #tpu.memory_space<vmem_shared>>)
      %dma_start3A_193 = arith.constant 6 : i32
      %dma_start3A_194 = arith.constant 0 : i32
      %dma_start3A_195 = tpu.memref_slice %arg8[%dma_start3A_193, %dma_start3A_194] : memref<8x125xi32, #tpu.memory_space<vmem>> -> memref<1x125xi32, #tpu.memory_space<vmem>>
      %dma_start3A_196 = tpu.memref_squeeze %dma_start3A_195 : memref<1x125xi32, #tpu.memory_space<vmem>> -> memref<125xi32, #tpu.memory_space<vmem>>
      %dma_start3A_197 = arith.constant 0 : i32
      %dma_start3A_198 = arith.constant 0 : i32
      %dma_start3A_199 = tpu.memref_slice %arg2[%dma_start3A_197, %dma_start3A_198] : memref<80000x128xf32, #tpu.memory_space<hbm>> -> memref<80000x128xf32, #tpu.memory_space<hbm>>
      tpu.enqueue_indirect_dma source(%dma_start3A_199 : memref<80000x128xf32, #tpu.memory_space<hbm>>) target(%arg11 : memref<125x128xf32, #tpu.memory_space<vmem>>) offsets(%dma_start3A_196 : memref<125xi32, #tpu.memory_space<vmem>>) semaphore(%arg13 : memref<!tpu.dma_semaphore, #tpu.memory_space<semaphore_mem>>)
      %dma_wait3A_200 = arith.constant 5 : i32
      %dma_wait3A_201 = arith.constant 0 : i32
      %dma_wait3A_202 = tpu.memref_slice %arg8[%dma_wait3A_200, %dma_wait3A_201] : memref<8x125xi32, #tpu.memory_space<vmem>> -> memref<1x125xi32, #tpu.memory_space<vmem>>
      %dma_wait3A_203 = tpu.memref_squeeze %dma_wait3A_202 : memref<1x125xi32, #tpu.memory_space<vmem>> -> memref<125xi32, #tpu.memory_space<vmem>>
      %dma_wait3A_204 = arith.constant 0 : i32
      %dma_wait3A_205 = arith.constant 0 : i32
      %dma_wait3A_206 = tpu.memref_slice %arg2[%dma_wait3A_204, %dma_wait3A_205] : memref<80000x128xf32, #tpu.memory_space<hbm>> -> memref<80000x128xf32, #tpu.memory_space<hbm>>
      tpu.wait_indirect_dma semaphore(%arg14 : memref<!tpu.dma_semaphore, #tpu.memory_space<semaphore_mem>>) src(%dma_wait3A_206 : memref<80000x128xf32, #tpu.memory_space<hbm>>) dst(%arg12 : memref<125x128xf32, #tpu.memory_space<vmem>>)
      %parallel_loop3A_207 = arith.constant 0 : i32
      %parallel_loop3A_208 = arith.constant 125 : i32
      %parallel_loop3A_209 = arith.constant 1 : i32
      scf.for %parallel_loop3A_265 = %parallel_loop3A_207 to %parallel_loop3A_208 step %parallel_loop3A_209  : i32 {
        %parallel_loop3A_266 = arith.constant 5 : i32
        %parallel_loop3A_267 = vector.broadcast %parallel_loop3A_266 : i32 to vector<16xi32>
        %parallel_loop3A_268 = vector.broadcast %parallel_loop3A_265 : i32 to vector<16xi32>
        %parallel_loop3A_269 = tpu.vector_load_idx %arg10[%parallel_loop3A_267, %parallel_loop3A_268] : memref<8x125xf32, #tpu.memory_space<vmem>>[vector<16xi32>, vector<16xi32>], vector<16xf32>,
        %parallel_loop3A_270 = arith.index_cast %parallel_loop3A_265 : i32 to index
        %parallel_loop3A_271 = arith.constant 0 : index
        %parallel_loop3A_272 = tpu.vector_load %arg12[%parallel_loop3A_270, %parallel_loop3A_271] {strides = array<i32>} : memref<125x128xf32, #tpu.memory_space<vmem>>, vector<16xf32>,
        %parallel_loop3A_273 = arith.mulf %parallel_loop3A_272, %parallel_loop3A_269 : vector<16xf32>
        %parallel_loop3A_274 = arith.index_cast %parallel_loop3A_265 : i32 to index
        %parallel_loop3A_275 = arith.constant 0 : index
        %parallel_loop3A_276 = tpu.vector_load %arg12[%parallel_loop3A_274, %parallel_loop3A_275] {strides = array<i32>} : memref<125x128xf32, #tpu.memory_space<vmem>>, vector<16xf32>,
        tpu.vector_store %arg12[%parallel_loop3A_274, %parallel_loop3A_275], %parallel_loop3A_273 {strides = array<i32>} : memref<125x128xf32, #tpu.memory_space<vmem>>, vector<16xf32>,
        %parallel_loop3A_277 = arith.index_cast %parallel_loop3A_265 : i32 to index
        %parallel_loop3A_278 = arith.constant 16 : index
        %parallel_loop3A_279 = tpu.vector_load %arg12[%parallel_loop3A_277, %parallel_loop3A_278] {strides = array<i32>} : memref<125x128xf32, #tpu.memory_space<vmem>>, vector<16xf32>,
        %parallel_loop3A_280 = arith.mulf %parallel_loop3A_279, %parallel_loop3A_269 : vector<16xf32>
        %parallel_loop3A_281 = arith.index_cast %parallel_loop3A_265 : i32 to index
        %parallel_loop3A_282 = arith.constant 16 : index
        %parallel_loop3A_283 = tpu.vector_load %arg12[%parallel_loop3A_281, %parallel_loop3A_282] {strides = array<i32>} : memref<125x128xf32, #tpu.memory_space<vmem>>, vector<16xf32>,
        tpu.vector_store %arg12[%parallel_loop3A_281, %parallel_loop3A_282], %parallel_loop3A_280 {strides = array<i32>} : memref<125x128xf32, #tpu.memory_space<vmem>>, vector<16xf32>,
        %parallel_loop3A_284 = arith.index_cast %parallel_loop3A_265 : i32 to index
        %parallel_loop3A_285 = arith.constant 32 : index
        %parallel_loop3A_286 = tpu.vector_load %arg12[%parallel_loop3A_284, %parallel_loop3A_285] {strides = array<i32>} : memref<125x128xf32, #tpu.memory_space<vmem>>, vector<16xf32>,
        %parallel_loop3A_287 = arith.mulf %parallel_loop3A_286, %parallel_loop3A_269 : vector<16xf32>
        %parallel_loop3A_288 = arith.index_cast %parallel_loop3A_265 : i32 to index
        %parallel_loop3A_289 = arith.constant 32 : index
        %parallel_loop3A_290 = tpu.vector_load %arg12[%parallel_loop3A_288, %parallel_loop3A_289] {strides = array<i32>} : memref<125x128xf32, #tpu.memory_space<vmem>>, vector<16xf32>,
        tpu.vector_store %arg12[%parallel_loop3A_288, %parallel_loop3A_289], %parallel_loop3A_287 {strides = array<i32>} : memref<125x128xf32, #tpu.memory_space<vmem>>, vector<16xf32>,
        %parallel_loop3A_291 = arith.index_cast %parallel_loop3A_265 : i32 to index
        %parallel_loop3A_292 = arith.constant 48 : index
        %parallel_loop3A_293 = tpu.vector_load %arg12[%parallel_loop3A_291, %parallel_loop3A_292] {strides = array<i32>} : memref<125x128xf32, #tpu.memory_space<vmem>>, vector<16xf32>,
        %parallel_loop3A_294 = arith.mulf %parallel_loop3A_293, %parallel_loop3A_269 : vector<16xf32>
        %parallel_loop3A_295 = arith.index_cast %parallel_loop3A_265 : i32 to index
        %parallel_loop3A_296 = arith.constant 48 : index
        %parallel_loop3A_297 = tpu.vector_load %arg12[%parallel_loop3A_295, %parallel_loop3A_296] {strides = array<i32>} : memref<125x128xf32, #tpu.memory_space<vmem>>, vector<16xf32>,
        tpu.vector_store %arg12[%parallel_loop3A_295, %parallel_loop3A_296], %parallel_loop3A_294 {strides = array<i32>} : memref<125x128xf32, #tpu.memory_space<vmem>>, vector<16xf32>,
        %parallel_loop3A_298 = arith.index_cast %parallel_loop3A_265 : i32 to index
        %parallel_loop3A_299 = arith.constant 64 : index
        %parallel_loop3A_300 = tpu.vector_load %arg12[%parallel_loop3A_298, %parallel_loop3A_299] {strides = array<i32>} : memref<125x128xf32, #tpu.memory_space<vmem>>, vector<16xf32>,
        %parallel_loop3A_301 = arith.mulf %parallel_loop3A_300, %parallel_loop3A_269 : vector<16xf32>
        %parallel_loop3A_302 = arith.index_cast %parallel_loop3A_265 : i32 to index
        %parallel_loop3A_303 = arith.constant 64 : index
        %parallel_loop3A_304 = tpu.vector_load %arg12[%parallel_loop3A_302, %parallel_loop3A_303] {strides = array<i32>} : memref<125x128xf32, #tpu.memory_space<vmem>>, vector<16xf32>,
        tpu.vector_store %arg12[%parallel_loop3A_302, %parallel_loop3A_303], %parallel_loop3A_301 {strides = array<i32>} : memref<125x128xf32, #tpu.memory_space<vmem>>, vector<16xf32>,
        %parallel_loop3A_305 = arith.index_cast %parallel_loop3A_265 : i32 to index
        %parallel_loop3A_306 = arith.constant 80 : index
        %parallel_loop3A_307 = tpu.vector_load %arg12[%parallel_loop3A_305, %parallel_loop3A_306] {strides = array<i32>} : memref<125x128xf32, #tpu.memory_space<vmem>>, vector<16xf32>,
        %parallel_loop3A_308 = arith.mulf %parallel_loop3A_307, %parallel_loop3A_269 : vector<16xf32>
        %parallel_loop3A_309 = arith.index_cast %parallel_loop3A_265 : i32 to index
        %parallel_loop3A_310 = arith.constant 80 : index
        %parallel_loop3A_311 = tpu.vector_load %arg12[%parallel_loop3A_309, %parallel_loop3A_310] {strides = array<i32>} : memref<125x128xf32, #tpu.memory_space<vmem>>, vector<16xf32>,
        tpu.vector_store %arg12[%parallel_loop3A_309, %parallel_loop3A_310], %parallel_loop3A_308 {strides = array<i32>} : memref<125x128xf32, #tpu.memory_space<vmem>>, vector<16xf32>,
        %parallel_loop3A_312 = arith.index_cast %parallel_loop3A_265 : i32 to index
        %parallel_loop3A_313 = arith.constant 96 : index
        %parallel_loop3A_314 = tpu.vector_load %arg12[%parallel_loop3A_312, %parallel_loop3A_313] {strides = array<i32>} : memref<125x128xf32, #tpu.memory_space<vmem>>, vector<16xf32>,
        %parallel_loop3A_315 = arith.mulf %parallel_loop3A_314, %parallel_loop3A_269 : vector<16xf32>
        %parallel_loop3A_316 = arith.index_cast %parallel_loop3A_265 : i32 to index
        %parallel_loop3A_317 = arith.constant 96 : index
        %parallel_loop3A_318 = tpu.vector_load %arg12[%parallel_loop3A_316, %parallel_loop3A_317] {strides = array<i32>} : memref<125x128xf32, #tpu.memory_space<vmem>>, vector<16xf32>,
        tpu.vector_store %arg12[%parallel_loop3A_316, %parallel_loop3A_317], %parallel_loop3A_315 {strides = array<i32>} : memref<125x128xf32, #tpu.memory_space<vmem>>, vector<16xf32>,
        %parallel_loop3A_319 = arith.index_cast %parallel_loop3A_265 : i32 to index
        %parallel_loop3A_320 = arith.constant 112 : index
        %parallel_loop3A_321 = tpu.vector_load %arg12[%parallel_loop3A_319, %parallel_loop3A_320] {strides = array<i32>} : memref<125x128xf32, #tpu.memory_space<vmem>>, vector<16xf32>,
        %parallel_loop3A_322 = arith.mulf %parallel_loop3A_321, %parallel_loop3A_269 : vector<16xf32>
        %parallel_loop3A_323 = arith.index_cast %parallel_loop3A_265 : i32 to index
        %parallel_loop3A_324 = arith.constant 112 : index
        %parallel_loop3A_325 = tpu.vector_load %arg12[%parallel_loop3A_323, %parallel_loop3A_324] {strides = array<i32>} : memref<125x128xf32, #tpu.memory_space<vmem>>, vector<16xf32>,
        tpu.vector_store %arg12[%parallel_loop3A_323, %parallel_loop3A_324], %parallel_loop3A_322 {strides = array<i32>} : memref<125x128xf32, #tpu.memory_space<vmem>>, vector<16xf32>,
      } {sc.loop_unroll_factor = 5 : i64, sc.parallel_access}
      %dma_start3A_210 = arith.constant 5 : i32
      %dma_start3A_211 = arith.constant 0 : i32
      %dma_start3A_212 = tpu.memref_slice %arg9[%dma_start3A_210, %dma_start3A_211] : memref<8x125xi32, #tpu.memory_space<vmem>> -> memref<1x125xi32, #tpu.memory_space<vmem>>
      %dma_start3A_213 = tpu.memref_squeeze %dma_start3A_212 : memref<1x125xi32, #tpu.memory_space<vmem>> -> memref<125xi32, #tpu.memory_space<vmem>>
      %dma_start3A_214 = arith.constant 0 : i32
      %dma_start3A_215 = arith.constant 0 : i32
      %dma_start3A_216 = tpu.memref_slice %arg7[%dma_start3A_214, %dma_start3A_215] : memref<10000x128xf32, #tpu.memory_space<vmem_shared>> -> memref<10000x128xf32, #tpu.memory_space<vmem_shared>>
      tpu.enqueue_indirect_dma source(%arg12 : memref<125x128xf32, #tpu.memory_space<vmem>>) target(%dma_start3A_216 : memref<10000x128xf32, #tpu.memory_space<vmem_shared>>) offsets(%dma_start3A_213 : memref<125xi32, #tpu.memory_space<vmem>>) semaphore(%arg16 : memref<!tpu.dma_semaphore, #tpu.memory_space<semaphore_mem>>) {add = true}
      %dma_wait3A_217 = arith.constant 5 : i32
      %dma_wait3A_218 = arith.constant 0 : i32
      %dma_wait3A_219 = tpu.memref_slice %arg9[%dma_wait3A_217, %dma_wait3A_218] : memref<8x125xi32, #tpu.memory_space<vmem>> -> memref<1x125xi32, #tpu.memory_space<vmem>>
      %dma_wait3A_220 = tpu.memref_squeeze %dma_wait3A_219 : memref<1x125xi32, #tpu.memory_space<vmem>> -> memref<125xi32, #tpu.memory_space<vmem>>
      %dma_wait3A_221 = arith.constant 0 : i32
      %dma_wait3A_222 = arith.constant 0 : i32
      %dma_wait3A_223 = tpu.memref_slice %arg7[%dma_wait3A_221, %dma_wait3A_222] : memref<10000x128xf32, #tpu.memory_space<vmem_shared>> -> memref<10000x128xf32, #tpu.memory_space<vmem_shared>>
      tpu.wait_indirect_dma semaphore(%arg16 : memref<!tpu.dma_semaphore, #tpu.memory_space<semaphore_mem>>) src(%arg12 : memref<125x128xf32, #tpu.memory_space<vmem>>) dst(%dma_wait3A_223 : memref<10000x128xf32, #tpu.memory_space<vmem_shared>>)
      %dma_start3A_224 = arith.constant 7 : i32
      %dma_start3A_225 = arith.constant 0 : i32
      %dma_start3A_226 = tpu.memref_slice %arg8[%dma_start3A_224, %dma_start3A_225] : memref<8x125xi32, #tpu.memory_space<vmem>> -> memref<1x125xi32, #tpu.memory_space<vmem>>
      %dma_start3A_227 = tpu.memref_squeeze %dma_start3A_226 : memref<1x125xi32, #tpu.memory_space<vmem>> -> memref<125xi32, #tpu.memory_space<vmem>>
      %dma_start3A_228 = arith.constant 0 : i32
      %dma_start3A_229 = arith.constant 0 : i32
      %dma_start3A_230 = tpu.memref_slice %arg2[%dma_start3A_228, %dma_start3A_229] : memref<80000x128xf32, #tpu.memory_space<hbm>> -> memref<80000x128xf32, #tpu.memory_space<hbm>>
      tpu.enqueue_indirect_dma source(%dma_start3A_230 : memref<80000x128xf32, #tpu.memory_space<hbm>>) target(%arg12 : memref<125x128xf32, #tpu.memory_space<vmem>>) offsets(%dma_start3A_227 : memref<125xi32, #tpu.memory_space<vmem>>) semaphore(%arg14 : memref<!tpu.dma_semaphore, #tpu.memory_space<semaphore_mem>>)
      %dma_wait3A_231 = arith.constant 6 : i32
      %dma_wait3A_232 = arith.constant 0 : i32
      %dma_wait3A_233 = tpu.memref_slice %arg8[%dma_wait3A_231, %dma_wait3A_232] : memref<8x125xi32, #tpu.memory_space<vmem>> -> memref<1x125xi32, #tpu.memory_space<vmem>>
      %dma_wait3A_234 = tpu.memref_squeeze %dma_wait3A_233 : memref<1x125xi32, #tpu.memory_space<vmem>> -> memref<125xi32, #tpu.memory_space<vmem>>
      %dma_wait3A_235 = arith.constant 0 : i32
      %dma_wait3A_236 = arith.constant 0 : i32
      %dma_wait3A_237 = tpu.memref_slice %arg2[%dma_wait3A_235, %dma_wait3A_236] : memref<80000x128xf32, #tpu.memory_space<hbm>> -> memref<80000x128xf32, #tpu.memory_space<hbm>>
      tpu.wait_indirect_dma semaphore(%arg13 : memref<!tpu.dma_semaphore, #tpu.memory_space<semaphore_mem>>) src(%dma_wait3A_237 : memref<80000x128xf32, #tpu.memory_space<hbm>>) dst(%arg11 : memref<125x128xf32, #tpu.memory_space<vmem>>)
      %parallel_loop3A_238 = arith.constant 0 : i32
      %parallel_loop3A_239 = arith.constant 125 : i32
      %parallel_loop3A_240 = arith.constant 1 : i32
      scf.for %parallel_loop3A_265 = %parallel_loop3A_238 to %parallel_loop3A_239 step %parallel_loop3A_240  : i32 {
        %parallel_loop3A_266 = arith.constant 6 : i32
        %parallel_loop3A_267 = vector.broadcast %parallel_loop3A_266 : i32 to vector<16xi32>
        %parallel_loop3A_268 = vector.broadcast %parallel_loop3A_265 : i32 to vector<16xi32>
        %parallel_loop3A_269 = tpu.vector_load_idx %arg10[%parallel_loop3A_267, %parallel_loop3A_268] : memref<8x125xf32, #tpu.memory_space<vmem>>[vector<16xi32>, vector<16xi32>], vector<16xf32>,
        %parallel_loop3A_270 = arith.index_cast %parallel_loop3A_265 : i32 to index
        %parallel_loop3A_271 = arith.constant 0 : index
        %parallel_loop3A_272 = tpu.vector_load %arg11[%parallel_loop3A_270, %parallel_loop3A_271] {strides = array<i32>} : memref<125x128xf32, #tpu.memory_space<vmem>>, vector<16xf32>,
        %parallel_loop3A_273 = arith.mulf %parallel_loop3A_272, %parallel_loop3A_269 : vector<16xf32>
        %parallel_loop3A_274 = arith.index_cast %parallel_loop3A_265 : i32 to index
        %parallel_loop3A_275 = arith.constant 0 : index
        %parallel_loop3A_276 = tpu.vector_load %arg11[%parallel_loop3A_274, %parallel_loop3A_275] {strides = array<i32>} : memref<125x128xf32, #tpu.memory_space<vmem>>, vector<16xf32>,
        tpu.vector_store %arg11[%parallel_loop3A_274, %parallel_loop3A_275], %parallel_loop3A_273 {strides = array<i32>} : memref<125x128xf32, #tpu.memory_space<vmem>>, vector<16xf32>,
        %parallel_loop3A_277 = arith.index_cast %parallel_loop3A_265 : i32 to index
        %parallel_loop3A_278 = arith.constant 16 : index
        %parallel_loop3A_279 = tpu.vector_load %arg11[%parallel_loop3A_277, %parallel_loop3A_278] {strides = array<i32>} : memref<125x128xf32, #tpu.memory_space<vmem>>, vector<16xf32>,
        %parallel_loop3A_280 = arith.mulf %parallel_loop3A_279, %parallel_loop3A_269 : vector<16xf32>
        %parallel_loop3A_281 = arith.index_cast %parallel_loop3A_265 : i32 to index
        %parallel_loop3A_282 = arith.constant 16 : index
        %parallel_loop3A_283 = tpu.vector_load %arg11[%parallel_loop3A_281, %parallel_loop3A_282] {strides = array<i32>} : memref<125x128xf32, #tpu.memory_space<vmem>>, vector<16xf32>,
        tpu.vector_store %arg11[%parallel_loop3A_281, %parallel_loop3A_282], %parallel_loop3A_280 {strides = array<i32>} : memref<125x128xf32, #tpu.memory_space<vmem>>, vector<16xf32>,
        %parallel_loop3A_284 = arith.index_cast %parallel_loop3A_265 : i32 to index
        %parallel_loop3A_285 = arith.constant 32 : index
        %parallel_loop3A_286 = tpu.vector_load %arg11[%parallel_loop3A_284, %parallel_loop3A_285] {strides = array<i32>} : memref<125x128xf32, #tpu.memory_space<vmem>>, vector<16xf32>,
        %parallel_loop3A_287 = arith.mulf %parallel_loop3A_286, %parallel_loop3A_269 : vector<16xf32>
        %parallel_loop3A_288 = arith.index_cast %parallel_loop3A_265 : i32 to index
        %parallel_loop3A_289 = arith.constant 32 : index
        %parallel_loop3A_290 = tpu.vector_load %arg11[%parallel_loop3A_288, %parallel_loop3A_289] {strides = array<i32>} : memref<125x128xf32, #tpu.memory_space<vmem>>, vector<16xf32>,
        tpu.vector_store %arg11[%parallel_loop3A_288, %parallel_loop3A_289], %parallel_loop3A_287 {strides = array<i32>} : memref<125x128xf32, #tpu.memory_space<vmem>>, vector<16xf32>,
        %parallel_loop3A_291 = arith.index_cast %parallel_loop3A_265 : i32 to index
        %parallel_loop3A_292 = arith.constant 48 : index
        %parallel_loop3A_293 = tpu.vector_load %arg11[%parallel_loop3A_291, %parallel_loop3A_292] {strides = array<i32>} : memref<125x128xf32, #tpu.memory_space<vmem>>, vector<16xf32>,
        %parallel_loop3A_294 = arith.mulf %parallel_loop3A_293, %parallel_loop3A_269 : vector<16xf32>
        %parallel_loop3A_295 = arith.index_cast %parallel_loop3A_265 : i32 to index
        %parallel_loop3A_296 = arith.constant 48 : index
        %parallel_loop3A_297 = tpu.vector_load %arg11[%parallel_loop3A_295, %parallel_loop3A_296] {strides = array<i32>} : memref<125x128xf32, #tpu.memory_space<vmem>>, vector<16xf32>,
        tpu.vector_store %arg11[%parallel_loop3A_295, %parallel_loop3A_296], %parallel_loop3A_294 {strides = array<i32>} : memref<125x128xf32, #tpu.memory_space<vmem>>, vector<16xf32>,
        %parallel_loop3A_298 = arith.index_cast %parallel_loop3A_265 : i32 to index
        %parallel_loop3A_299 = arith.constant 64 : index
        %parallel_loop3A_300 = tpu.vector_load %arg11[%parallel_loop3A_298, %parallel_loop3A_299] {strides = array<i32>} : memref<125x128xf32, #tpu.memory_space<vmem>>, vector<16xf32>,
        %parallel_loop3A_301 = arith.mulf %parallel_loop3A_300, %parallel_loop3A_269 : vector<16xf32>
        %parallel_loop3A_302 = arith.index_cast %parallel_loop3A_265 : i32 to index
        %parallel_loop3A_303 = arith.constant 64 : index
        %parallel_loop3A_304 = tpu.vector_load %arg11[%parallel_loop3A_302, %parallel_loop3A_303] {strides = array<i32>} : memref<125x128xf32, #tpu.memory_space<vmem>>, vector<16xf32>,
        tpu.vector_store %arg11[%parallel_loop3A_302, %parallel_loop3A_303], %parallel_loop3A_301 {strides = array<i32>} : memref<125x128xf32, #tpu.memory_space<vmem>>, vector<16xf32>,
        %parallel_loop3A_305 = arith.index_cast %parallel_loop3A_265 : i32 to index
        %parallel_loop3A_306 = arith.constant 80 : index
        %parallel_loop3A_307 = tpu.vector_load %arg11[%parallel_loop3A_305, %parallel_loop3A_306] {strides = array<i32>} : memref<125x128xf32, #tpu.memory_space<vmem>>, vector<16xf32>,
        %parallel_loop3A_308 = arith.mulf %parallel_loop3A_307, %parallel_loop3A_269 : vector<16xf32>
        %parallel_loop3A_309 = arith.index_cast %parallel_loop3A_265 : i32 to index
        %parallel_loop3A_310 = arith.constant 80 : index
        %parallel_loop3A_311 = tpu.vector_load %arg11[%parallel_loop3A_309, %parallel_loop3A_310] {strides = array<i32>} : memref<125x128xf32, #tpu.memory_space<vmem>>, vector<16xf32>,
        tpu.vector_store %arg11[%parallel_loop3A_309, %parallel_loop3A_310], %parallel_loop3A_308 {strides = array<i32>} : memref<125x128xf32, #tpu.memory_space<vmem>>, vector<16xf32>,
        %parallel_loop3A_312 = arith.index_cast %parallel_loop3A_265 : i32 to index
        %parallel_loop3A_313 = arith.constant 96 : index
        %parallel_loop3A_314 = tpu.vector_load %arg11[%parallel_loop3A_312, %parallel_loop3A_313] {strides = array<i32>} : memref<125x128xf32, #tpu.memory_space<vmem>>, vector<16xf32>,
        %parallel_loop3A_315 = arith.mulf %parallel_loop3A_314, %parallel_loop3A_269 : vector<16xf32>
        %parallel_loop3A_316 = arith.index_cast %parallel_loop3A_265 : i32 to index
        %parallel_loop3A_317 = arith.constant 96 : index
        %parallel_loop3A_318 = tpu.vector_load %arg11[%parallel_loop3A_316, %parallel_loop3A_317] {strides = array<i32>} : memref<125x128xf32, #tpu.memory_space<vmem>>, vector<16xf32>,
        tpu.vector_store %arg11[%parallel_loop3A_316, %parallel_loop3A_317], %parallel_loop3A_315 {strides = array<i32>} : memref<125x128xf32, #tpu.memory_space<vmem>>, vector<16xf32>,
        %parallel_loop3A_319 = arith.index_cast %parallel_loop3A_265 : i32 to index
        %parallel_loop3A_320 = arith.constant 112 : index
        %parallel_loop3A_321 = tpu.vector_load %arg11[%parallel_loop3A_319, %parallel_loop3A_320] {strides = array<i32>} : memref<125x128xf32, #tpu.memory_space<vmem>>, vector<16xf32>,
        %parallel_loop3A_322 = arith.mulf %parallel_loop3A_321, %parallel_loop3A_269 : vector<16xf32>
        %parallel_loop3A_323 = arith.index_cast %parallel_loop3A_265 : i32 to index
        %parallel_loop3A_324 = arith.constant 112 : index
        %parallel_loop3A_325 = tpu.vector_load %arg11[%parallel_loop3A_323, %parallel_loop3A_324] {strides = array<i32>} : memref<125x128xf32, #tpu.memory_space<vmem>>, vector<16xf32>,
        tpu.vector_store %arg11[%parallel_loop3A_323, %parallel_loop3A_324], %parallel_loop3A_322 {strides = array<i32>} : memref<125x128xf32, #tpu.memory_space<vmem>>, vector<16xf32>,
      } {sc.loop_unroll_factor = 5 : i64, sc.parallel_access}
      %dma_start3A_241 = arith.constant 6 : i32
      %dma_start3A_242 = arith.constant 0 : i32
      %dma_start3A_243 = tpu.memref_slice %arg9[%dma_start3A_241, %dma_start3A_242] : memref<8x125xi32, #tpu.memory_space<vmem>> -> memref<1x125xi32, #tpu.memory_space<vmem>>
      %dma_start3A_244 = tpu.memref_squeeze %dma_start3A_243 : memref<1x125xi32, #tpu.memory_space<vmem>> -> memref<125xi32, #tpu.memory_space<vmem>>
      %dma_start3A_245 = arith.constant 0 : i32
      %dma_start3A_246 = arith.constant 0 : i32
      %dma_start3A_247 = tpu.memref_slice %arg7[%dma_start3A_245, %dma_start3A_246] : memref<10000x128xf32, #tpu.memory_space<vmem_shared>> -> memref<10000x128xf32, #tpu.memory_space<vmem_shared>>
      tpu.enqueue_indirect_dma source(%arg11 : memref<125x128xf32, #tpu.memory_space<vmem>>) target(%dma_start3A_247 : memref<10000x128xf32, #tpu.memory_space<vmem_shared>>) offsets(%dma_start3A_244 : memref<125xi32, #tpu.memory_space<vmem>>) semaphore(%arg15 : memref<!tpu.dma_semaphore, #tpu.memory_space<semaphore_mem>>) {add = true}
      %dma_wait3A_248 = arith.constant 7 : i32
      %dma_wait3A_249 = arith.constant 0 : i32
      %dma_wait3A_250 = tpu.memref_slice %arg8[%dma_wait3A_248, %dma_wait3A_249] : memref<8x125xi32, #tpu.memory_space<vmem>> -> memref<1x125xi32, #tpu.memory_space<vmem>>
      %dma_wait3A_251 = tpu.memref_squeeze %dma_wait3A_250 : memref<1x125xi32, #tpu.memory_space<vmem>> -> memref<125xi32, #tpu.memory_space<vmem>>
      %dma_wait3A_252 = arith.constant 0 : i32
      %dma_wait3A_253 = arith.constant 0 : i32
      %dma_wait3A_254 = tpu.memref_slice %arg2[%dma_wait3A_252, %dma_wait3A_253] : memref<80000x128xf32, #tpu.memory_space<hbm>> -> memref<80000x128xf32, #tpu.memory_space<hbm>>
      tpu.wait_indirect_dma semaphore(%arg14 : memref<!tpu.dma_semaphore, #tpu.memory_space<semaphore_mem>>) src(%dma_wait3A_254 : memref<80000x128xf32, #tpu.memory_space<hbm>>) dst(%arg12 : memref<125x128xf32, #tpu.memory_space<vmem>>)
      %parallel_loop3A_255 = arith.constant 0 : i32
      %parallel_loop3A_256 = arith.constant 125 : i32
      %parallel_loop3A_257 = arith.constant 1 : i32
      scf.for %parallel_loop3A_265 = %parallel_loop3A_255 to %parallel_loop3A_256 step %parallel_loop3A_257  : i32 {
        %parallel_loop3A_266 = arith.constant 7 : i32
        %parallel_loop3A_267 = vector.broadcast %parallel_loop3A_266 : i32 to vector<16xi32>
        %parallel_loop3A_268 = vector.broadcast %parallel_loop3A_265 : i32 to vector<16xi32>
        %parallel_loop3A_269 = tpu.vector_load_idx %arg10[%parallel_loop3A_267, %parallel_loop3A_268] : memref<8x125xf32, #tpu.memory_space<vmem>>[vector<16xi32>, vector<16xi32>], vector<16xf32>,
        %parallel_loop3A_270 = arith.index_cast %parallel_loop3A_265 : i32 to index
        %parallel_loop3A_271 = arith.constant 0 : index
        %parallel_loop3A_272 = tpu.vector_load %arg12[%parallel_loop3A_270, %parallel_loop3A_271] {strides = array<i32>} : memref<125x128xf32, #tpu.memory_space<vmem>>, vector<16xf32>,
        %parallel_loop3A_273 = arith.mulf %parallel_loop3A_272, %parallel_loop3A_269 : vector<16xf32>
        %parallel_loop3A_274 = arith.index_cast %parallel_loop3A_265 : i32 to index
        %parallel_loop3A_275 = arith.constant 0 : index
        %parallel_loop3A_276 = tpu.vector_load %arg12[%parallel_loop3A_274, %parallel_loop3A_275] {strides = array<i32>} : memref<125x128xf32, #tpu.memory_space<vmem>>, vector<16xf32>,
        tpu.vector_store %arg12[%parallel_loop3A_274, %parallel_loop3A_275], %parallel_loop3A_273 {strides = array<i32>} : memref<125x128xf32, #tpu.memory_space<vmem>>, vector<16xf32>,
        %parallel_loop3A_277 = arith.index_cast %parallel_loop3A_265 : i32 to index
        %parallel_loop3A_278 = arith.constant 16 : index
        %parallel_loop3A_279 = tpu.vector_load %arg12[%parallel_loop3A_277, %parallel_loop3A_278] {strides = array<i32>} : memref<125x128xf32, #tpu.memory_space<vmem>>, vector<16xf32>,
        %parallel_loop3A_280 = arith.mulf %parallel_loop3A_279, %parallel_loop3A_269 : vector<16xf32>
        %parallel_loop3A_281 = arith.index_cast %parallel_loop3A_265 : i32 to index
        %parallel_loop3A_282 = arith.constant 16 : index
        %parallel_loop3A_283 = tpu.vector_load %arg12[%parallel_loop3A_281, %parallel_loop3A_282] {strides = array<i32>} : memref<125x128xf32, #tpu.memory_space<vmem>>, vector<16xf32>,
        tpu.vector_store %arg12[%parallel_loop3A_281, %parallel_loop3A_282], %parallel_loop3A_280 {strides = array<i32>} : memref<125x128xf32, #tpu.memory_space<vmem>>, vector<16xf32>,
        %parallel_loop3A_284 = arith.index_cast %parallel_loop3A_265 : i32 to index
        %parallel_loop3A_285 = arith.constant 32 : index
        %parallel_loop3A_286 = tpu.vector_load %arg12[%parallel_loop3A_284, %parallel_loop3A_285] {strides = array<i32>} : memref<125x128xf32, #tpu.memory_space<vmem>>, vector<16xf32>,
        %parallel_loop3A_287 = arith.mulf %parallel_loop3A_286, %parallel_loop3A_269 : vector<16xf32>
        %parallel_loop3A_288 = arith.index_cast %parallel_loop3A_265 : i32 to index
        %parallel_loop3A_289 = arith.constant 32 : index
        %parallel_loop3A_290 = tpu.vector_load %arg12[%parallel_loop3A_288, %parallel_loop3A_289] {strides = array<i32>} : memref<125x128xf32, #tpu.memory_space<vmem>>, vector<16xf32>,
        tpu.vector_store %arg12[%parallel_loop3A_288, %parallel_loop3A_289], %parallel_loop3A_287 {strides = array<i32>} : memref<125x128xf32, #tpu.memory_space<vmem>>, vector<16xf32>,
        %parallel_loop3A_291 = arith.index_cast %parallel_loop3A_265 : i32 to index
        %parallel_loop3A_292 = arith.constant 48 : index
        %parallel_loop3A_293 = tpu.vector_load %arg12[%parallel_loop3A_291, %parallel_loop3A_292] {strides = array<i32>} : memref<125x128xf32, #tpu.memory_space<vmem>>, vector<16xf32>,
        %parallel_loop3A_294 = arith.mulf %parallel_loop3A_293, %parallel_loop3A_269 : vector<16xf32>
        %parallel_loop3A_295 = arith.index_cast %parallel_loop3A_265 : i32 to index
        %parallel_loop3A_296 = arith.constant 48 : index
        %parallel_loop3A_297 = tpu.vector_load %arg12[%parallel_loop3A_295, %parallel_loop3A_296] {strides = array<i32>} : memref<125x128xf32, #tpu.memory_space<vmem>>, vector<16xf32>,
        tpu.vector_store %arg12[%parallel_loop3A_295, %parallel_loop3A_296], %parallel_loop3A_294 {strides = array<i32>} : memref<125x128xf32, #tpu.memory_space<vmem>>, vector<16xf32>,
        %parallel_loop3A_298 = arith.index_cast %parallel_loop3A_265 : i32 to index
        %parallel_loop3A_299 = arith.constant 64 : index
        %parallel_loop3A_300 = tpu.vector_load %arg12[%parallel_loop3A_298, %parallel_loop3A_299] {strides = array<i32>} : memref<125x128xf32, #tpu.memory_space<vmem>>, vector<16xf32>,
        %parallel_loop3A_301 = arith.mulf %parallel_loop3A_300, %parallel_loop3A_269 : vector<16xf32>
        %parallel_loop3A_302 = arith.index_cast %parallel_loop3A_265 : i32 to index
        %parallel_loop3A_303 = arith.constant 64 : index
        %parallel_loop3A_304 = tpu.vector_load %arg12[%parallel_loop3A_302, %parallel_loop3A_303] {strides = array<i32>} : memref<125x128xf32, #tpu.memory_space<vmem>>, vector<16xf32>,
        tpu.vector_store %arg12[%parallel_loop3A_302, %parallel_loop3A_303], %parallel_loop3A_301 {strides = array<i32>} : memref<125x128xf32, #tpu.memory_space<vmem>>, vector<16xf32>,
        %parallel_loop3A_305 = arith.index_cast %parallel_loop3A_265 : i32 to index
        %parallel_loop3A_306 = arith.constant 80 : index
        %parallel_loop3A_307 = tpu.vector_load %arg12[%parallel_loop3A_305, %parallel_loop3A_306] {strides = array<i32>} : memref<125x128xf32, #tpu.memory_space<vmem>>, vector<16xf32>,
        %parallel_loop3A_308 = arith.mulf %parallel_loop3A_307, %parallel_loop3A_269 : vector<16xf32>
        %parallel_loop3A_309 = arith.index_cast %parallel_loop3A_265 : i32 to index
        %parallel_loop3A_310 = arith.constant 80 : index
        %parallel_loop3A_311 = tpu.vector_load %arg12[%parallel_loop3A_309, %parallel_loop3A_310] {strides = array<i32>} : memref<125x128xf32, #tpu.memory_space<vmem>>, vector<16xf32>,
        tpu.vector_store %arg12[%parallel_loop3A_309, %parallel_loop3A_310], %parallel_loop3A_308 {strides = array<i32>} : memref<125x128xf32, #tpu.memory_space<vmem>>, vector<16xf32>,
        %parallel_loop3A_312 = arith.index_cast %parallel_loop3A_265 : i32 to index
        %parallel_loop3A_313 = arith.constant 96 : index
        %parallel_loop3A_314 = tpu.vector_load %arg12[%parallel_loop3A_312, %parallel_loop3A_313] {strides = array<i32>} : memref<125x128xf32, #tpu.memory_space<vmem>>, vector<16xf32>,
        %parallel_loop3A_315 = arith.mulf %parallel_loop3A_314, %parallel_loop3A_269 : vector<16xf32>
        %parallel_loop3A_316 = arith.index_cast %parallel_loop3A_265 : i32 to index
        %parallel_loop3A_317 = arith.constant 96 : index
        %parallel_loop3A_318 = tpu.vector_load %arg12[%parallel_loop3A_316, %parallel_loop3A_317] {strides = array<i32>} : memref<125x128xf32, #tpu.memory_space<vmem>>, vector<16xf32>,
        tpu.vector_store %arg12[%parallel_loop3A_316, %parallel_loop3A_317], %parallel_loop3A_315 {strides = array<i32>} : memref<125x128xf32, #tpu.memory_space<vmem>>, vector<16xf32>,
        %parallel_loop3A_319 = arith.index_cast %parallel_loop3A_265 : i32 to index
        %parallel_loop3A_320 = arith.constant 112 : index
        %parallel_loop3A_321 = tpu.vector_load %arg12[%parallel_loop3A_319, %parallel_loop3A_320] {strides = array<i32>} : memref<125x128xf32, #tpu.memory_space<vmem>>, vector<16xf32>,
        %parallel_loop3A_322 = arith.mulf %parallel_loop3A_321, %parallel_loop3A_269 : vector<16xf32>
        %parallel_loop3A_323 = arith.index_cast %parallel_loop3A_265 : i32 to index
        %parallel_loop3A_324 = arith.constant 112 : index
        %parallel_loop3A_325 = tpu.vector_load %arg12[%parallel_loop3A_323, %parallel_loop3A_324] {strides = array<i32>} : memref<125x128xf32, #tpu.memory_space<vmem>>, vector<16xf32>,
        tpu.vector_store %arg12[%parallel_loop3A_323, %parallel_loop3A_324], %parallel_loop3A_322 {strides = array<i32>} : memref<125x128xf32, #tpu.memory_space<vmem>>, vector<16xf32>,
      } {sc.loop_unroll_factor = 5 : i64, sc.parallel_access}
      %run_scoped3A = arith.constant 7 : i32
      "tpu.region"() ({
        %run_scoped3A_265 = tpu.sem_alloc : memref<!tpu.dma_semaphore, #tpu.memory_space<semaphore_mem>>
        %dma_start3A_266 = arith.constant 0 : i32
        %dma_start3A_267 = tpu.memref_slice %arg9[%run_scoped3A, %dma_start3A_266] : memref<8x125xi32, #tpu.memory_space<vmem>> -> memref<1x125xi32, #tpu.memory_space<vmem>>
        %dma_start3A_268 = tpu.memref_squeeze %dma_start3A_267 : memref<1x125xi32, #tpu.memory_space<vmem>> -> memref<125xi32, #tpu.memory_space<vmem>>
        %dma_start3A_269 = arith.constant 0 : i32
        %dma_start3A_270 = arith.constant 0 : i32
        %dma_start3A_271 = tpu.memref_slice %arg7[%dma_start3A_269, %dma_start3A_270] : memref<10000x128xf32, #tpu.memory_space<vmem_shared>> -> memref<10000x128xf32, #tpu.memory_space<vmem_shared>>
        tpu.enqueue_indirect_dma source(%arg12 : memref<125x128xf32, #tpu.memory_space<vmem>>) target(%dma_start3A_271 : memref<10000x128xf32, #tpu.memory_space<vmem_shared>>) offsets(%dma_start3A_268 : memref<125xi32, #tpu.memory_space<vmem>>) semaphore(%run_scoped3A_265 : memref<!tpu.dma_semaphore, #tpu.memory_space<semaphore_mem>>) {add = true}
        %dma_wait3A_272 = arith.constant 0 : i32
        %dma_wait3A_273 = tpu.memref_slice %arg9[%run_scoped3A, %dma_wait3A_272] : memref<8x125xi32, #tpu.memory_space<vmem>> -> memref<1x125xi32, #tpu.memory_space<vmem>>
        %dma_wait3A_274 = tpu.memref_squeeze %dma_wait3A_273 : memref<1x125xi32, #tpu.memory_space<vmem>> -> memref<125xi32, #tpu.memory_space<vmem>>
        %dma_wait3A_275 = arith.constant 0 : i32
        %dma_wait3A_276 = arith.constant 0 : i32
        %dma_wait3A_277 = tpu.memref_slice %arg7[%dma_wait3A_275, %dma_wait3A_276] : memref<10000x128xf32, #tpu.memory_space<vmem_shared>> -> memref<10000x128xf32, #tpu.memory_space<vmem_shared>>
        tpu.wait_indirect_dma semaphore(%run_scoped3A_265 : memref<!tpu.dma_semaphore, #tpu.memory_space<semaphore_mem>>) src(%arg12 : memref<125x128xf32, #tpu.memory_space<vmem>>) dst(%dma_wait3A_277 : memref<10000x128xf32, #tpu.memory_space<vmem_shared>>)
        tpu.yield
      }) : () -> ()
      %dma_wait3A_258 = arith.constant 6 : i32
      %dma_wait3A_259 = arith.constant 0 : i32
      %dma_wait3A_260 = tpu.memref_slice %arg9[%dma_wait3A_258, %dma_wait3A_259] : memref<8x125xi32, #tpu.memory_space<vmem>> -> memref<1x125xi32, #tpu.memory_space<vmem>>
      %dma_wait3A_261 = tpu.memref_squeeze %dma_wait3A_260 : memref<1x125xi32, #tpu.memory_space<vmem>> -> memref<125xi32, #tpu.memory_space<vmem>>
      %dma_wait3A_262 = arith.constant 0 : i32
      %dma_wait3A_263 = arith.constant 0 : i32
      %dma_wait3A_264 = tpu.memref_slice %arg7[%dma_wait3A_262, %dma_wait3A_263] : memref<10000x128xf32, #tpu.memory_space<vmem_shared>> -> memref<10000x128xf32, #tpu.memory_space<vmem_shared>>
      tpu.wait_indirect_dma semaphore(%arg15 : memref<!tpu.dma_semaphore, #tpu.memory_space<semaphore_mem>>) src(%arg11 : memref<125x128xf32, #tpu.memory_space<vmem>>) dst(%dma_wait3A_264 : memref<10000x128xf32, #tpu.memory_space<vmem_shared>>)
    }
    %scan3A_20 = arith.constant 10 : i32
    %barrier3A_21 = arith.constant 0 : index
    tpu.barrier barrier_id(%barrier3A_21)
    %while3A_22 = arith.constant 0 : i32
    %while3A_23 = arith.subi %select_n3A, %while3A_22 : i32
    %while3A_24 = arith.addi %while3A_22, %while3A_23 : i32
    %while3A_25 = arith.constant 1 : i32
    %while3A_26 = arith.divsi %while3A_23, %while3A_25 : i32
    %while3A_27 = arith.muli %while3A_26, %while3A_25 : i32
    %while3A_28 = arith.addi %while3A_22, %while3A_27 : i32
    %while3A_29 = arith.constant 1 : i32
    scf.for %while3A_31 = %while3A_22 to %while3A_28 step %while3A_29  : i32 {
      %mul3A_32 = arith.constant 16 : i32
      %mul3A_33 = arith.muli %while3A_31, %mul3A_32 : i32
      %add3A_34 = arith.addi %arg1, %mul3A_33 : i32
      %mul3A_35 = arith.constant 40 : i32
      %mul3A_36 = arith.muli %add3A_34, %mul3A_35 : i32
      "tpu.region"() ({
        %run_scoped3A = tpu.sem_alloc : memref<!tpu.dma_semaphore, #tpu.memory_space<semaphore_mem>>
        %dma_start3A = arith.constant 0 : i32
        %dma_start3A_37 = arith.constant 0 : i32
        %dma_start3A_38 = tpu.memref_slice %arg12[%dma_start3A, %dma_start3A_37] : memref<125x128xf32, #tpu.memory_space<vmem>> -> memref<40x128xf32, #tpu.memory_space<vmem>>
        %dma_start3A_39 = arith.constant 0 : i32
        %dma_start3A_40 = tpu.memref_slice %arg7[%mul3A_36, %dma_start3A_39] : memref<10000x128xf32, #tpu.memory_space<vmem_shared>> -> memref<40x128xf32, #tpu.memory_space<vmem_shared>>
        %dma_start3A_41 = arith.constant 0 : i32
        %dma_start3A_42 = arith.constant 0 : i32
        %dma_start3A_43 = tpu.memref_slice %arg12[%dma_start3A_41, %dma_start3A_42] : memref<125x128xf32, #tpu.memory_space<vmem>> -> memref<40x128xf32, #tpu.memory_space<vmem>>
        %dma_start3A_44 = arith.constant 0 : i32
        %dma_start3A_45 = tpu.memref_slice %arg7[%mul3A_36, %dma_start3A_44] : memref<10000x128xf32, #tpu.memory_space<vmem_shared>> -> memref<40x128xf32, #tpu.memory_space<vmem_shared>>
        tpu.enqueue_dma source(%dma_start3A_45 : memref<40x128xf32, #tpu.memory_space<vmem_shared>>) target(%dma_start3A_43 : memref<40x128xf32, #tpu.memory_space<vmem>>) target_semaphore(%run_scoped3A : memref<!tpu.dma_semaphore, #tpu.memory_space<semaphore_mem>>)
        %dma_wait3A = arith.constant 0 : i32
        %dma_wait3A_46 = arith.constant 0 : i32
        %dma_wait3A_47 = tpu.memref_slice %arg12[%dma_wait3A, %dma_wait3A_46] : memref<125x128xf32, #tpu.memory_space<vmem>> -> memref<40x128xf32, #tpu.memory_space<vmem>>
        %dma_wait3A_48 = arith.constant 0 : i32
        %dma_wait3A_49 = tpu.memref_slice %arg7[%mul3A_36, %dma_wait3A_48] : memref<10000x128xf32, #tpu.memory_space<vmem_shared>> -> memref<40x128xf32, #tpu.memory_space<vmem_shared>>
        %dma_wait3A_50 = arith.constant 0 : i32
        %dma_wait3A_51 = arith.constant 0 : i32
        %dma_wait3A_52 = tpu.memref_slice %arg12[%dma_wait3A_50, %dma_wait3A_51] : memref<125x128xf32, #tpu.memory_space<vmem>> -> memref<40x128xf32, #tpu.memory_space<vmem>>
        %dma_wait3A_53 = arith.constant 0 : i32
        %dma_wait3A_54 = tpu.memref_slice %arg7[%mul3A_36, %dma_wait3A_53] : memref<10000x128xf32, #tpu.memory_space<vmem_shared>> -> memref<40x128xf32, #tpu.memory_space<vmem_shared>>
        tpu.wait_dma2 semaphore(%run_scoped3A : memref<!tpu.dma_semaphore, #tpu.memory_space<semaphore_mem>>) src(%dma_wait3A_54 : memref<40x128xf32, #tpu.memory_space<vmem_shared>>) dst(%dma_wait3A_52 : memref<40x128xf32, #tpu.memory_space<vmem>>)
        tpu.yield
      }) : () -> ()
      "tpu.region"() ({
        %run_scoped3A = tpu.sem_alloc : memref<!tpu.dma_semaphore, #tpu.memory_space<semaphore_mem>>
        %dma_start3A = arith.constant 0 : i32
        %dma_start3A_37 = arith.constant 0 : i32
        %dma_start3A_38 = tpu.memref_slice %arg12[%dma_start3A, %dma_start3A_37] : memref<125x128xf32, #tpu.memory_space<vmem>> -> memref<40x128xf32, #tpu.memory_space<vmem>>
        %dma_start3A_39 = arith.constant 0 : i32
        %dma_start3A_40 = arith.constant 0 : i32
        %dma_start3A_41 = tpu.memref_slice %arg6[%arg0, %dma_start3A_39, %dma_start3A_40] : memref<2x10000x128xf32, #tpu.memory_space<hbm>> -> memref<1x10000x128xf32, #tpu.memory_space<hbm>>
        %dma_start3A_42 = tpu.memref_squeeze %dma_start3A_41 : memref<1x10000x128xf32, #tpu.memory_space<hbm>> -> memref<10000x128xf32, #tpu.memory_space<hbm>>
        %dma_start3A_43 = arith.constant 0 : i32
        %dma_start3A_44 = tpu.memref_slice %dma_start3A_42[%mul3A_36, %dma_start3A_43] : memref<10000x128xf32, #tpu.memory_space<hbm>> -> memref<40x128xf32, #tpu.memory_space<hbm>>
        %dma_start3A_45 = arith.constant 0 : i32
        %dma_start3A_46 = arith.constant 0 : i32
        %dma_start3A_47 = tpu.memref_slice %arg6[%arg0, %dma_start3A_45, %dma_start3A_46] : memref<2x10000x128xf32, #tpu.memory_space<hbm>> -> memref<1x10000x128xf32, #tpu.memory_space<hbm>>
        %dma_start3A_48 = tpu.memref_squeeze %dma_start3A_47 : memref<1x10000x128xf32, #tpu.memory_space<hbm>> -> memref<10000x128xf32, #tpu.memory_space<hbm>>
        %dma_start3A_49 = arith.constant 0 : i32
        %dma_start3A_50 = tpu.memref_slice %dma_start3A_48[%mul3A_36, %dma_start3A_49] : memref<10000x128xf32, #tpu.memory_space<hbm>> -> memref<40x128xf32, #tpu.memory_space<hbm>>
        %dma_start3A_51 = arith.constant 0 : i32
        %dma_start3A_52 = arith.constant 0 : i32
        %dma_start3A_53 = tpu.memref_slice %arg12[%dma_start3A_51, %dma_start3A_52] : memref<125x128xf32, #tpu.memory_space<vmem>> -> memref<40x128xf32, #tpu.memory_space<vmem>>
        tpu.enqueue_dma source(%dma_start3A_53 : memref<40x128xf32, #tpu.memory_space<vmem>>) target(%dma_start3A_50 : memref<40x128xf32, #tpu.memory_space<hbm>>) target_semaphore(%run_scoped3A : memref<!tpu.dma_semaphore, #tpu.memory_space<semaphore_mem>>)
        %dma_wait3A = arith.constant 0 : i32
        %dma_wait3A_54 = arith.constant 0 : i32
        %dma_wait3A_55 = tpu.memref_slice %arg12[%dma_wait3A, %dma_wait3A_54] : memref<125x128xf32, #tpu.memory_space<vmem>> -> memref<40x128xf32, #tpu.memory_space<vmem>>
        %dma_wait3A_56 = arith.constant 0 : i32
        %dma_wait3A_57 = arith.constant 0 : i32
        %dma_wait3A_58 = tpu.memref_slice %arg6[%arg0, %dma_wait3A_56, %dma_wait3A_57] : memref<2x10000x128xf32, #tpu.memory_space<hbm>> -> memref<1x10000x128xf32, #tpu.memory_space<hbm>>
        %dma_wait3A_59 = tpu.memref_squeeze %dma_wait3A_58 : memref<1x10000x128xf32, #tpu.memory_space<hbm>> -> memref<10000x128xf32, #tpu.memory_space<hbm>>
        %dma_wait3A_60 = arith.constant 0 : i32
        %dma_wait3A_61 = tpu.memref_slice %dma_wait3A_59[%mul3A_36, %dma_wait3A_60] : memref<10000x128xf32, #tpu.memory_space<hbm>> -> memref<40x128xf32, #tpu.memory_space<hbm>>
        %dma_wait3A_62 = arith.constant 0 : i32
        %dma_wait3A_63 = arith.constant 0 : i32
        %dma_wait3A_64 = tpu.memref_slice %arg6[%arg0, %dma_wait3A_62, %dma_wait3A_63] : memref<2x10000x128xf32, #tpu.memory_space<hbm>> -> memref<1x10000x128xf32, #tpu.memory_space<hbm>>
        %dma_wait3A_65 = tpu.memref_squeeze %dma_wait3A_64 : memref<1x10000x128xf32, #tpu.memory_space<hbm>> -> memref<10000x128xf32, #tpu.memory_space<hbm>>
        %dma_wait3A_66 = arith.constant 0 : i32
        %dma_wait3A_67 = tpu.memref_slice %dma_wait3A_65[%mul3A_36, %dma_wait3A_66] : memref<10000x128xf32, #tpu.memory_space<hbm>> -> memref<40x128xf32, #tpu.memory_space<hbm>>
        %dma_wait3A_68 = arith.constant 0 : i32
        %dma_wait3A_69 = arith.constant 0 : i32
        %dma_wait3A_70 = tpu.memref_slice %arg12[%dma_wait3A_68, %dma_wait3A_69] : memref<125x128xf32, #tpu.memory_space<vmem>> -> memref<40x128xf32, #tpu.memory_space<vmem>>
        tpu.wait_dma2 semaphore(%run_scoped3A : memref<!tpu.dma_semaphore, #tpu.memory_space<semaphore_mem>>) src(%dma_wait3A_70 : memref<40x128xf32, #tpu.memory_space<vmem>>) dst(%dma_wait3A_67 : memref<40x128xf32, #tpu.memory_space<hbm>>)
        tpu.yield
      }) : () -> ()
    }
    %while3A_30 = arith.constant 1 : i32
    scf.for %while3A_31 = %while3A_28 to %while3A_24 step %while3A_30  : i32 {
      %mul3A_32 = arith.constant 16 : i32
      %mul3A_33 = arith.muli %while3A_31, %mul3A_32 : i32
      %add3A_34 = arith.addi %arg1, %mul3A_33 : i32
      %mul3A_35 = arith.constant 40 : i32
      %mul3A_36 = arith.muli %add3A_34, %mul3A_35 : i32
      "tpu.region"() ({
        %run_scoped3A = tpu.sem_alloc : memref<!tpu.dma_semaphore, #tpu.memory_space<semaphore_mem>>
        %dma_start3A = arith.constant 0 : i32
        %dma_start3A_37 = arith.constant 0 : i32
        %dma_start3A_38 = tpu.memref_slice %arg12[%dma_start3A, %dma_start3A_37] : memref<125x128xf32, #tpu.memory_space<vmem>> -> memref<40x128xf32, #tpu.memory_space<vmem>>
        %dma_start3A_39 = arith.constant 0 : i32
        %dma_start3A_40 = tpu.memref_slice %arg7[%mul3A_36, %dma_start3A_39] : memref<10000x128xf32, #tpu.memory_space<vmem_shared>> -> memref<40x128xf32, #tpu.memory_space<vmem_shared>>
        %dma_start3A_41 = arith.constant 0 : i32
        %dma_start3A_42 = arith.constant 0 : i32
        %dma_start3A_43 = tpu.memref_slice %arg12[%dma_start3A_41, %dma_start3A_42] : memref<125x128xf32, #tpu.memory_space<vmem>> -> memref<40x128xf32, #tpu.memory_space<vmem>>
        %dma_start3A_44 = arith.constant 0 : i32
        %dma_start3A_45 = tpu.memref_slice %arg7[%mul3A_36, %dma_start3A_44] : memref<10000x128xf32, #tpu.memory_space<vmem_shared>> -> memref<40x128xf32, #tpu.memory_space<vmem_shared>>
        tpu.enqueue_dma source(%dma_start3A_45 : memref<40x128xf32, #tpu.memory_space<vmem_shared>>) target(%dma_start3A_43 : memref<40x128xf32, #tpu.memory_space<vmem>>) target_semaphore(%run_scoped3A : memref<!tpu.dma_semaphore, #tpu.memory_space<semaphore_mem>>)
        %dma_wait3A = arith.constant 0 : i32
        %dma_wait3A_46 = arith.constant 0 : i32
        %dma_wait3A_47 = tpu.memref_slice %arg12[%dma_wait3A, %dma_wait3A_46] : memref<125x128xf32, #tpu.memory_space<vmem>> -> memref<40x128xf32, #tpu.memory_space<vmem>>
        %dma_wait3A_48 = arith.constant 0 : i32
        %dma_wait3A_49 = tpu.memref_slice %arg7[%mul3A_36, %dma_wait3A_48] : memref<10000x128xf32, #tpu.memory_space<vmem_shared>> -> memref<40x128xf32, #tpu.memory_space<vmem_shared>>
        %dma_wait3A_50 = arith.constant 0 : i32
        %dma_wait3A_51 = arith.constant 0 : i32
        %dma_wait3A_52 = tpu.memref_slice %arg12[%dma_wait3A_50, %dma_wait3A_51] : memref<125x128xf32, #tpu.memory_space<vmem>> -> memref<40x128xf32, #tpu.memory_space<vmem>>
        %dma_wait3A_53 = arith.constant 0 : i32
        %dma_wait3A_54 = tpu.memref_slice %arg7[%mul3A_36, %dma_wait3A_53] : memref<10000x128xf32, #tpu.memory_space<vmem_shared>> -> memref<40x128xf32, #tpu.memory_space<vmem_shared>>
        tpu.wait_dma2 semaphore(%run_scoped3A : memref<!tpu.dma_semaphore, #tpu.memory_space<semaphore_mem>>) src(%dma_wait3A_54 : memref<40x128xf32, #tpu.memory_space<vmem_shared>>) dst(%dma_wait3A_52 : memref<40x128xf32, #tpu.memory_space<vmem>>)
        tpu.yield
      }) : () -> ()
      "tpu.region"() ({
        %run_scoped3A = tpu.sem_alloc : memref<!tpu.dma_semaphore, #tpu.memory_space<semaphore_mem>>
        %dma_start3A = arith.constant 0 : i32
        %dma_start3A_37 = arith.constant 0 : i32
        %dma_start3A_38 = tpu.memref_slice %arg12[%dma_start3A, %dma_start3A_37] : memref<125x128xf32, #tpu.memory_space<vmem>> -> memref<40x128xf32, #tpu.memory_space<vmem>>
        %dma_start3A_39 = arith.constant 0 : i32
        %dma_start3A_40 = arith.constant 0 : i32
        %dma_start3A_41 = tpu.memref_slice %arg6[%arg0, %dma_start3A_39, %dma_start3A_40] : memref<2x10000x128xf32, #tpu.memory_space<hbm>> -> memref<1x10000x128xf32, #tpu.memory_space<hbm>>
        %dma_start3A_42 = tpu.memref_squeeze %dma_start3A_41 : memref<1x10000x128xf32, #tpu.memory_space<hbm>> -> memref<10000x128xf32, #tpu.memory_space<hbm>>
        %dma_start3A_43 = arith.constant 0 : i32
        %dma_start3A_44 = tpu.memref_slice %dma_start3A_42[%mul3A_36, %dma_start3A_43] : memref<10000x128xf32, #tpu.memory_space<hbm>> -> memref<40x128xf32, #tpu.memory_space<hbm>>
        %dma_start3A_45 = arith.constant 0 : i32
        %dma_start3A_46 = arith.constant 0 : i32
        %dma_start3A_47 = tpu.memref_slice %arg6[%arg0, %dma_start3A_45, %dma_start3A_46] : memref<2x10000x128xf32, #tpu.memory_space<hbm>> -> memref<1x10000x128xf32, #tpu.memory_space<hbm>>
        %dma_start3A_48 = tpu.memref_squeeze %dma_start3A_47 : memref<1x10000x128xf32, #tpu.memory_space<hbm>> -> memref<10000x128xf32, #tpu.memory_space<hbm>>
        %dma_start3A_49 = arith.constant 0 : i32
        %dma_start3A_50 = tpu.memref_slice %dma_start3A_48[%mul3A_36, %dma_start3A_49] : memref<10000x128xf32, #tpu.memory_space<hbm>> -> memref<40x128xf32, #tpu.memory_space<hbm>>
        %dma_start3A_51 = arith.constant 0 : i32
        %dma_start3A_52 = arith.constant 0 : i32
        %dma_start3A_53 = tpu.memref_slice %arg12[%dma_start3A_51, %dma_start3A_52] : memref<125x128xf32, #tpu.memory_space<vmem>> -> memref<40x128xf32, #tpu.memory_space<vmem>>
        tpu.enqueue_dma source(%dma_start3A_53 : memref<40x128xf32, #tpu.memory_space<vmem>>) target(%dma_start3A_50 : memref<40x128xf32, #tpu.memory_space<hbm>>) target_semaphore(%run_scoped3A : memref<!tpu.dma_semaphore, #tpu.memory_space<semaphore_mem>>)
        %dma_wait3A = arith.constant 0 : i32
        %dma_wait3A_54 = arith.constant 0 : i32
        %dma_wait3A_55 = tpu.memref_slice %arg12[%dma_wait3A, %dma_wait3A_54] : memref<125x128xf32, #tpu.memory_space<vmem>> -> memref<40x128xf32, #tpu.memory_space<vmem>>
        %dma_wait3A_56 = arith.constant 0 : i32
        %dma_wait3A_57 = arith.constant 0 : i32
        %dma_wait3A_58 = tpu.memref_slice %arg6[%arg0, %dma_wait3A_56, %dma_wait3A_57] : memref<2x10000x128xf32, #tpu.memory_space<hbm>> -> memref<1x10000x128xf32, #tpu.memory_space<hbm>>
        %dma_wait3A_59 = tpu.memref_squeeze %dma_wait3A_58 : memref<1x10000x128xf32, #tpu.memory_space<hbm>> -> memref<10000x128xf32, #tpu.memory_space<hbm>>
        %dma_wait3A_60 = arith.constant 0 : i32
        %dma_wait3A_61 = tpu.memref_slice %dma_wait3A_59[%mul3A_36, %dma_wait3A_60] : memref<10000x128xf32, #tpu.memory_space<hbm>> -> memref<40x128xf32, #tpu.memory_space<hbm>>
        %dma_wait3A_62 = arith.constant 0 : i32
        %dma_wait3A_63 = arith.constant 0 : i32
        %dma_wait3A_64 = tpu.memref_slice %arg6[%arg0, %dma_wait3A_62, %dma_wait3A_63] : memref<2x10000x128xf32, #tpu.memory_space<hbm>> -> memref<1x10000x128xf32, #tpu.memory_space<hbm>>
        %dma_wait3A_65 = tpu.memref_squeeze %dma_wait3A_64 : memref<1x10000x128xf32, #tpu.memory_space<hbm>> -> memref<10000x128xf32, #tpu.memory_space<hbm>>
        %dma_wait3A_66 = arith.constant 0 : i32
        %dma_wait3A_67 = tpu.memref_slice %dma_wait3A_65[%mul3A_36, %dma_wait3A_66] : memref<10000x128xf32, #tpu.memory_space<hbm>> -> memref<40x128xf32, #tpu.memory_space<hbm>>
        %dma_wait3A_68 = arith.constant 0 : i32
        %dma_wait3A_69 = arith.constant 0 : i32
        %dma_wait3A_70 = tpu.memref_slice %arg12[%dma_wait3A_68, %dma_wait3A_69] : memref<125x128xf32, #tpu.memory_space<vmem>> -> memref<40x128xf32, #tpu.memory_space<vmem>>
        tpu.wait_dma2 semaphore(%run_scoped3A : memref<!tpu.dma_semaphore, #tpu.memory_space<semaphore_mem>>) src(%dma_wait3A_70 : memref<40x128xf32, #tpu.memory_space<vmem>>) dst(%dma_wait3A_67 : memref<40x128xf32, #tpu.memory_space<hbm>>)
        tpu.yield
      }) : () -> ()
    }
    return
  }
}

#map = affine_map<(d0, d1) -> (0)>
module attributes {stable_mosaic.version = 14 : i64} {
  func.func @_scale_body(%arg0: i32, %arg1: i32, %arg2: memref<80000xf32, #tpu.memory_space<hbm>>, %arg3: memref<320000xi32, #tpu.memory_space<hbm>>, %arg4: memref<320000xi32, #tpu.memory_space<hbm>>, %arg5: memref<320000xi32, #tpu.memory_space<hbm>>, %arg6: memref<320000xi32, #tpu.memory_space<hbm>>, %arg7: memref<320000xf32, #tpu.memory_space<hbm>>, %arg8: memref<80000xf32, #tpu.memory_space<vmem>>, %arg9: memref<2000xi32, #tpu.memory_space<vmem>>, %arg10: memref<2000xi32, #tpu.memory_space<vmem>>, %arg11: memref<2000xi32, #tpu.memory_space<vmem>>, %arg12: memref<2000xi32, #tpu.memory_space<vmem>>, %arg13: memref<2000xf32, #tpu.memory_space<vmem>>) attributes {dimension_semantics = [#tpu.dimension_semantics<core_parallel>, #tpu.dimension_semantics<subcore_parallel>], iteration_bounds = array<i64: 2, 16>, scalar_prefetch = 0 : i64, scratch_operands = 6 : i64, tpu.core_type = #tpu.core_type<sc_vector_subcore>, window_params = [{transform_indices = #map}, {transform_indices = #map}, {transform_indices = #map}, {transform_indices = #map}, {transform_indices = #map}, {transform_indices = #map}]} {
    %mul3A = arith.constant 16 : i32
    %mul3A_0 = arith.muli %arg0, %mul3A : i32
    %add3A = arith.addi %mul3A_0, %arg1 : i32
    "tpu.region"() ({
      %run_scoped3A = tpu.sem_alloc : memref<!tpu.dma_semaphore, #tpu.memory_space<semaphore_mem>>
      tpu.enqueue_dma source(%arg2 : memref<80000xf32, #tpu.memory_space<hbm>>) target(%arg8 : memref<80000xf32, #tpu.memory_space<vmem>>) target_semaphore(%run_scoped3A : memref<!tpu.dma_semaphore, #tpu.memory_space<semaphore_mem>>)
      tpu.wait_dma2 semaphore(%run_scoped3A : memref<!tpu.dma_semaphore, #tpu.memory_space<semaphore_mem>>) src(%arg2 : memref<80000xf32, #tpu.memory_space<hbm>>) dst(%arg8 : memref<80000xf32, #tpu.memory_space<vmem>>)
      tpu.yield
    }) : () -> ()
    %scan3A = arith.constant 0 : i32
    %scan3A_1 = arith.constant 5 : i32
    %scan3A_2 = arith.addi %scan3A, %scan3A_1 : i32
    %scan3A_3 = arith.constant 1 : i32
    scf.for %scan3A_5 = %scan3A to %scan3A_2 step %scan3A_3  : i32 {
      %mul3A_6 = arith.constant 10000 : i32
      %mul3A_7 = arith.muli %add3A, %mul3A_6 : i32
      %mul3A_8 = arith.constant 2000 : i32
      %mul3A_9 = arith.muli %scan3A_5, %mul3A_8 : i32
      %add3A_10 = arith.addi %mul3A_7, %mul3A_9 : i32
      "tpu.region"() ({
        %run_scoped3A = tpu.sem_alloc : memref<!tpu.dma_semaphore, #tpu.memory_space<semaphore_mem>>
        %dma_start3A = tpu.memref_slice %arg3[%add3A_10] : memref<320000xi32, #tpu.memory_space<hbm>> -> memref<2000xi32, #tpu.memory_space<hbm>>
        %dma_start3A_13 = tpu.memref_slice %arg3[%add3A_10] : memref<320000xi32, #tpu.memory_space<hbm>> -> memref<2000xi32, #tpu.memory_space<hbm>>
        tpu.enqueue_dma source(%dma_start3A_13 : memref<2000xi32, #tpu.memory_space<hbm>>) target(%arg9 : memref<2000xi32, #tpu.memory_space<vmem>>) target_semaphore(%run_scoped3A : memref<!tpu.dma_semaphore, #tpu.memory_space<semaphore_mem>>)
        %dma_wait3A = tpu.memref_slice %arg3[%add3A_10] : memref<320000xi32, #tpu.memory_space<hbm>> -> memref<2000xi32, #tpu.memory_space<hbm>>
        %dma_wait3A_14 = tpu.memref_slice %arg3[%add3A_10] : memref<320000xi32, #tpu.memory_space<hbm>> -> memref<2000xi32, #tpu.memory_space<hbm>>
        tpu.wait_dma2 semaphore(%run_scoped3A : memref<!tpu.dma_semaphore, #tpu.memory_space<semaphore_mem>>) src(%dma_wait3A_14 : memref<2000xi32, #tpu.memory_space<hbm>>) dst(%arg9 : memref<2000xi32, #tpu.memory_space<vmem>>)
        tpu.yield
      }) : () -> ()
      "tpu.region"() ({
        %run_scoped3A = tpu.sem_alloc : memref<!tpu.dma_semaphore, #tpu.memory_space<semaphore_mem>>
        %dma_start3A = tpu.memref_slice %arg4[%add3A_10] : memref<320000xi32, #tpu.memory_space<hbm>> -> memref<2000xi32, #tpu.memory_space<hbm>>
        %dma_start3A_13 = tpu.memref_slice %arg4[%add3A_10] : memref<320000xi32, #tpu.memory_space<hbm>> -> memref<2000xi32, #tpu.memory_space<hbm>>
        tpu.enqueue_dma source(%dma_start3A_13 : memref<2000xi32, #tpu.memory_space<hbm>>) target(%arg10 : memref<2000xi32, #tpu.memory_space<vmem>>) target_semaphore(%run_scoped3A : memref<!tpu.dma_semaphore, #tpu.memory_space<semaphore_mem>>)
        %dma_wait3A = tpu.memref_slice %arg4[%add3A_10] : memref<320000xi32, #tpu.memory_space<hbm>> -> memref<2000xi32, #tpu.memory_space<hbm>>
        %dma_wait3A_14 = tpu.memref_slice %arg4[%add3A_10] : memref<320000xi32, #tpu.memory_space<hbm>> -> memref<2000xi32, #tpu.memory_space<hbm>>
        tpu.wait_dma2 semaphore(%run_scoped3A : memref<!tpu.dma_semaphore, #tpu.memory_space<semaphore_mem>>) src(%dma_wait3A_14 : memref<2000xi32, #tpu.memory_space<hbm>>) dst(%arg10 : memref<2000xi32, #tpu.memory_space<vmem>>)
        tpu.yield
      }) : () -> ()
      "tpu.region"() ({
        %run_scoped3A = tpu.sem_alloc : memref<!tpu.dma_semaphore, #tpu.memory_space<semaphore_mem>>
        %dma_start3A = tpu.memref_slice %arg5[%add3A_10] : memref<320000xi32, #tpu.memory_space<hbm>> -> memref<2000xi32, #tpu.memory_space<hbm>>
        %dma_start3A_13 = tpu.memref_slice %arg5[%add3A_10] : memref<320000xi32, #tpu.memory_space<hbm>> -> memref<2000xi32, #tpu.memory_space<hbm>>
        tpu.enqueue_dma source(%dma_start3A_13 : memref<2000xi32, #tpu.memory_space<hbm>>) target(%arg11 : memref<2000xi32, #tpu.memory_space<vmem>>) target_semaphore(%run_scoped3A : memref<!tpu.dma_semaphore, #tpu.memory_space<semaphore_mem>>)
        %dma_wait3A = tpu.memref_slice %arg5[%add3A_10] : memref<320000xi32, #tpu.memory_space<hbm>> -> memref<2000xi32, #tpu.memory_space<hbm>>
        %dma_wait3A_14 = tpu.memref_slice %arg5[%add3A_10] : memref<320000xi32, #tpu.memory_space<hbm>> -> memref<2000xi32, #tpu.memory_space<hbm>>
        tpu.wait_dma2 semaphore(%run_scoped3A : memref<!tpu.dma_semaphore, #tpu.memory_space<semaphore_mem>>) src(%dma_wait3A_14 : memref<2000xi32, #tpu.memory_space<hbm>>) dst(%arg11 : memref<2000xi32, #tpu.memory_space<vmem>>)
        tpu.yield
      }) : () -> ()
      %parallel_loop3A = arith.constant 0 : i32
      %parallel_loop3A_11 = arith.constant 125 : i32
      %parallel_loop3A_12 = arith.constant 1 : i32
      scf.for %parallel_loop3A_13 = %parallel_loop3A to %parallel_loop3A_11 step %parallel_loop3A_12  : i32 {
        %parallel_loop3A_14 = arith.constant 16 : i32
        %parallel_loop3A_15 = arith.muli %parallel_loop3A_13, %parallel_loop3A_14 : i32
        %parallel_loop3A_16 = arith.index_cast %parallel_loop3A_15 : i32 to index
        %parallel_loop3A_17 = tpu.vector_load %arg11[%parallel_loop3A_16] {strides = array<i32>} : memref<2000xi32, #tpu.memory_space<vmem>>, vector<16xi32>,
        %parallel_loop3A_18 = arith.constant 10000 : i32
        %parallel_loop3A_19 = vector.broadcast %parallel_loop3A_18 : i32 to vector<16xi32>
        %parallel_loop3A_20 = arith.muli %parallel_loop3A_17, %parallel_loop3A_19 : vector<16xi32>
        %parallel_loop3A_21 = arith.index_cast %parallel_loop3A_15 : i32 to index
        %parallel_loop3A_22 = tpu.vector_load %arg9[%parallel_loop3A_21] {strides = array<i32>} : memref<2000xi32, #tpu.memory_space<vmem>>, vector<16xi32>,
        %parallel_loop3A_23 = arith.addi %parallel_loop3A_20, %parallel_loop3A_22 : vector<16xi32>
        %parallel_loop3A_24 = arith.index_cast %parallel_loop3A_15 : i32 to index
        %parallel_loop3A_25 = tpu.vector_load %arg12[%parallel_loop3A_24] {strides = array<i32>} : memref<2000xi32, #tpu.memory_space<vmem>>, vector<16xi32>,
        tpu.vector_store %arg12[%parallel_loop3A_24], %parallel_loop3A_23 {strides = array<i32>} : memref<2000xi32, #tpu.memory_space<vmem>>, vector<16xi32>,
        %parallel_loop3A_26 = arith.index_cast %parallel_loop3A_15 : i32 to index
        %parallel_loop3A_27 = tpu.vector_load %arg10[%parallel_loop3A_26] {strides = array<i32>} : memref<2000xi32, #tpu.memory_space<vmem>>, vector<16xi32>,
        %parallel_loop3A_28 = arith.constant 8 : i32
        %parallel_loop3A_29 = vector.broadcast %parallel_loop3A_28 : i32 to vector<16xi32>
        %parallel_loop3A_30 = arith.muli %parallel_loop3A_27, %parallel_loop3A_29 : vector<16xi32>
        %parallel_loop3A_31 = arith.index_cast %parallel_loop3A_15 : i32 to index
        %parallel_loop3A_32 = tpu.vector_load %arg11[%parallel_loop3A_31] {strides = array<i32>} : memref<2000xi32, #tpu.memory_space<vmem>>, vector<16xi32>,
        %parallel_loop3A_33 = arith.addi %parallel_loop3A_30, %parallel_loop3A_32 : vector<16xi32>
        %parallel_loop3A_34 = tpu.vector_load_idx %arg8[%parallel_loop3A_33] : memref<80000xf32, #tpu.memory_space<vmem>>[vector<16xi32>], vector<16xf32>,
        %parallel_loop3A_35 = arith.index_cast %parallel_loop3A_15 : i32 to index
        %parallel_loop3A_36 = tpu.vector_load %arg13[%parallel_loop3A_35] {strides = array<i32>} : memref<2000xf32, #tpu.memory_space<vmem>>, vector<16xf32>,
        tpu.vector_store %arg13[%parallel_loop3A_35], %parallel_loop3A_34 {strides = array<i32>} : memref<2000xf32, #tpu.memory_space<vmem>>, vector<16xf32>,
      } {sc.loop_unroll_factor = 5 : i64, sc.parallel_access}
      "tpu.region"() ({
        %run_scoped3A = tpu.sem_alloc : memref<!tpu.dma_semaphore, #tpu.memory_space<semaphore_mem>>
        %dma_start3A = tpu.memref_slice %arg6[%add3A_10] : memref<320000xi32, #tpu.memory_space<hbm>> -> memref<2000xi32, #tpu.memory_space<hbm>>
        %dma_start3A_13 = tpu.memref_slice %arg6[%add3A_10] : memref<320000xi32, #tpu.memory_space<hbm>> -> memref<2000xi32, #tpu.memory_space<hbm>>
        tpu.enqueue_dma source(%arg12 : memref<2000xi32, #tpu.memory_space<vmem>>) target(%dma_start3A_13 : memref<2000xi32, #tpu.memory_space<hbm>>) target_semaphore(%run_scoped3A : memref<!tpu.dma_semaphore, #tpu.memory_space<semaphore_mem>>)
        %dma_wait3A = tpu.memref_slice %arg6[%add3A_10] : memref<320000xi32, #tpu.memory_space<hbm>> -> memref<2000xi32, #tpu.memory_space<hbm>>
        %dma_wait3A_14 = tpu.memref_slice %arg6[%add3A_10] : memref<320000xi32, #tpu.memory_space<hbm>> -> memref<2000xi32, #tpu.memory_space<hbm>>
        tpu.wait_dma2 semaphore(%run_scoped3A : memref<!tpu.dma_semaphore, #tpu.memory_space<semaphore_mem>>) src(%arg12 : memref<2000xi32, #tpu.memory_space<vmem>>) dst(%dma_wait3A_14 : memref<2000xi32, #tpu.memory_space<hbm>>)
        tpu.yield
      }) : () -> ()
      "tpu.region"() ({
        %run_scoped3A = tpu.sem_alloc : memref<!tpu.dma_semaphore, #tpu.memory_space<semaphore_mem>>
        %dma_start3A = tpu.memref_slice %arg7[%add3A_10] : memref<320000xf32, #tpu.memory_space<hbm>> -> memref<2000xf32, #tpu.memory_space<hbm>>
        %dma_start3A_13 = tpu.memref_slice %arg7[%add3A_10] : memref<320000xf32, #tpu.memory_space<hbm>> -> memref<2000xf32, #tpu.memory_space<hbm>>
        tpu.enqueue_dma source(%arg13 : memref<2000xf32, #tpu.memory_space<vmem>>) target(%dma_start3A_13 : memref<2000xf32, #tpu.memory_space<hbm>>) target_semaphore(%run_scoped3A : memref<!tpu.dma_semaphore, #tpu.memory_space<semaphore_mem>>)
        %dma_wait3A = tpu.memref_slice %arg7[%add3A_10] : memref<320000xf32, #tpu.memory_space<hbm>> -> memref<2000xf32, #tpu.memory_space<hbm>>
        %dma_wait3A_14 = tpu.memref_slice %arg7[%add3A_10] : memref<320000xf32, #tpu.memory_space<hbm>> -> memref<2000xf32, #tpu.memory_space<hbm>>
        tpu.wait_dma2 semaphore(%run_scoped3A : memref<!tpu.dma_semaphore, #tpu.memory_space<semaphore_mem>>) src(%arg13 : memref<2000xf32, #tpu.memory_space<vmem>>) dst(%dma_wait3A_14 : memref<2000xf32, #tpu.memory_space<hbm>>)
        tpu.yield
      }) : () -> ()
    }
    %scan3A_4 = arith.constant 5 : i32
    return
  }
}

#map = affine_map<(d0, d1) -> (0)>
#map1 = affine_map<(d0, d1) -> (0, 0)>
module attributes {stable_mosaic.version = 14 : i64} {
  func.func @_count_body(%arg0: i32, %arg1: i32, %arg2: memref<80000xf32, #tpu.memory_space<hbm>>, %arg3: memref<320000xi32, #tpu.memory_space<hbm>>, %arg4: memref<320000xi32, #tpu.memory_space<hbm>>, %arg5: memref<32x80000xf32, #tpu.memory_space<hbm>>, %arg6: memref<80000xf32, #tpu.memory_space<vmem>>, %arg7: memref<2000xi32, #tpu.memory_space<vmem>>, %arg8: memref<2000xi32, #tpu.memory_space<vmem>>) attributes {dimension_semantics = [#tpu.dimension_semantics<core_parallel>, #tpu.dimension_semantics<subcore_parallel>], iteration_bounds = array<i64: 2, 16>, scalar_prefetch = 0 : i64, scratch_operands = 3 : i64, tpu.core_type = #tpu.core_type<sc_vector_subcore>, window_params = [{transform_indices = #map}, {transform_indices = #map}, {transform_indices = #map}, {transform_indices = #map1}]} {
    %mul3A = arith.constant 16 : i32
    %mul3A_0 = arith.muli %arg0, %mul3A : i32
    %add3A = arith.addi %mul3A_0, %arg1 : i32
    "tpu.region"() ({
      %run_scoped3A = tpu.sem_alloc : memref<!tpu.dma_semaphore, #tpu.memory_space<semaphore_mem>>
      tpu.enqueue_dma source(%arg2 : memref<80000xf32, #tpu.memory_space<hbm>>) target(%arg6 : memref<80000xf32, #tpu.memory_space<vmem>>) target_semaphore(%run_scoped3A : memref<!tpu.dma_semaphore, #tpu.memory_space<semaphore_mem>>)
      tpu.wait_dma2 semaphore(%run_scoped3A : memref<!tpu.dma_semaphore, #tpu.memory_space<semaphore_mem>>) src(%arg2 : memref<80000xf32, #tpu.memory_space<hbm>>) dst(%arg6 : memref<80000xf32, #tpu.memory_space<vmem>>)
      tpu.yield
    }) : () -> ()
    %broadcast_in_dim3A = arith.constant 1.000000e+00 : f32
    %broadcast_in_dim3A_1 = vector.broadcast %broadcast_in_dim3A : f32 to vector<16xf32>
    %scan3A = arith.constant 0 : i32
    %scan3A_2 = arith.constant 5 : i32
    %scan3A_3 = arith.addi %scan3A, %scan3A_2 : i32
    %scan3A_4 = arith.constant 1 : i32
    scf.for %scan3A_6 = %scan3A to %scan3A_3 step %scan3A_4  : i32 {
      %mul3A_7 = arith.constant 10000 : i32
      %mul3A_8 = arith.muli %add3A, %mul3A_7 : i32
      %mul3A_9 = arith.constant 2000 : i32
      %mul3A_10 = arith.muli %scan3A_6, %mul3A_9 : i32
      %add3A_11 = arith.addi %mul3A_8, %mul3A_10 : i32
      "tpu.region"() ({
        %run_scoped3A = tpu.sem_alloc : memref<!tpu.dma_semaphore, #tpu.memory_space<semaphore_mem>>
        %dma_start3A = tpu.memref_slice %arg3[%add3A_11] : memref<320000xi32, #tpu.memory_space<hbm>> -> memref<2000xi32, #tpu.memory_space<hbm>>
        %dma_start3A_17 = tpu.memref_slice %arg3[%add3A_11] : memref<320000xi32, #tpu.memory_space<hbm>> -> memref<2000xi32, #tpu.memory_space<hbm>>
        tpu.enqueue_dma source(%dma_start3A_17 : memref<2000xi32, #tpu.memory_space<hbm>>) target(%arg7 : memref<2000xi32, #tpu.memory_space<vmem>>) target_semaphore(%run_scoped3A : memref<!tpu.dma_semaphore, #tpu.memory_space<semaphore_mem>>)
        %dma_wait3A = tpu.memref_slice %arg3[%add3A_11] : memref<320000xi32, #tpu.memory_space<hbm>> -> memref<2000xi32, #tpu.memory_space<hbm>>
        %dma_wait3A_18 = tpu.memref_slice %arg3[%add3A_11] : memref<320000xi32, #tpu.memory_space<hbm>> -> memref<2000xi32, #tpu.memory_space<hbm>>
        tpu.wait_dma2 semaphore(%run_scoped3A : memref<!tpu.dma_semaphore, #tpu.memory_space<semaphore_mem>>) src(%dma_wait3A_18 : memref<2000xi32, #tpu.memory_space<hbm>>) dst(%arg7 : memref<2000xi32, #tpu.memory_space<vmem>>)
        tpu.yield
      }) : () -> ()
      "tpu.region"() ({
        %run_scoped3A = tpu.sem_alloc : memref<!tpu.dma_semaphore, #tpu.memory_space<semaphore_mem>>
        %dma_start3A = tpu.memref_slice %arg4[%add3A_11] : memref<320000xi32, #tpu.memory_space<hbm>> -> memref<2000xi32, #tpu.memory_space<hbm>>
        %dma_start3A_17 = tpu.memref_slice %arg4[%add3A_11] : memref<320000xi32, #tpu.memory_space<hbm>> -> memref<2000xi32, #tpu.memory_space<hbm>>
        tpu.enqueue_dma source(%dma_start3A_17 : memref<2000xi32, #tpu.memory_space<hbm>>) target(%arg8 : memref<2000xi32, #tpu.memory_space<vmem>>) target_semaphore(%run_scoped3A : memref<!tpu.dma_semaphore, #tpu.memory_space<semaphore_mem>>)
        %dma_wait3A = tpu.memref_slice %arg4[%add3A_11] : memref<320000xi32, #tpu.memory_space<hbm>> -> memref<2000xi32, #tpu.memory_space<hbm>>
        %dma_wait3A_18 = tpu.memref_slice %arg4[%add3A_11] : memref<320000xi32, #tpu.memory_space<hbm>> -> memref<2000xi32, #tpu.memory_space<hbm>>
        tpu.wait_dma2 semaphore(%run_scoped3A : memref<!tpu.dma_semaphore, #tpu.memory_space<semaphore_mem>>) src(%dma_wait3A_18 : memref<2000xi32, #tpu.memory_space<hbm>>) dst(%arg8 : memref<2000xi32, #tpu.memory_space<vmem>>)
        tpu.yield
      }) : () -> ()
      %scan3A_12 = arith.constant 0 : i32
      %scan3A_13 = arith.constant 125 : i32
      %scan3A_14 = arith.addi %scan3A_12, %scan3A_13 : i32
      %scan3A_15 = arith.constant 1 : i32
      scf.for %scan3A_17 = %scan3A_12 to %scan3A_14 step %scan3A_15  : i32 {
        %mul3A_18 = arith.constant 16 : i32
        %mul3A_19 = arith.muli %scan3A_17, %mul3A_18 : i32
        %get3A = arith.index_cast %mul3A_19 : i32 to index
        %get3A_20 = tpu.vector_load %arg7[%get3A] {strides = array<i32>} : memref<2000xi32, #tpu.memory_space<vmem>>, vector<16xi32>,
        %mul3A_21 = arith.constant 8 : i32
        %mul3A_22 = vector.broadcast %mul3A_21 : i32 to vector<16xi32>
        %mul3A_23 = arith.muli %get3A_20, %mul3A_22 : vector<16xi32>
        %get3A_24 = arith.index_cast %mul3A_19 : i32 to index
        %get3A_25 = tpu.vector_load %arg8[%get3A_24] {strides = array<i32>} : memref<2000xi32, #tpu.memory_space<vmem>>, vector<16xi32>,
        %add3A_26 = arith.addi %mul3A_23, %get3A_25 : vector<16xi32>
        tpu.vector_store_idx %arg6[%add3A_26], %broadcast_in_dim3A_1 {add = true} : memref<80000xf32, #tpu.memory_space<vmem>>[vector<16xi32>], vector<16xf32>,
      }
      %scan3A_16 = arith.constant 125 : i32
    }
    %scan3A_5 = arith.constant 5 : i32
    "tpu.region"() ({
      %run_scoped3A = tpu.sem_alloc : memref<!tpu.dma_semaphore, #tpu.memory_space<semaphore_mem>>
      %dma_start3A = arith.constant 0 : i32
      %dma_start3A_6 = tpu.memref_slice %arg5[%add3A, %dma_start3A] : memref<32x80000xf32, #tpu.memory_space<hbm>> -> memref<1x80000xf32, #tpu.memory_space<hbm>>
      %dma_start3A_7 = tpu.memref_squeeze %dma_start3A_6 : memref<1x80000xf32, #tpu.memory_space<hbm>> -> memref<80000xf32, #tpu.memory_space<hbm>>
      %dma_start3A_8 = arith.constant 0 : i32
      %dma_start3A_9 = tpu.memref_slice %arg5[%add3A, %dma_start3A_8] : memref<32x80000xf32, #tpu.memory_space<hbm>> -> memref<1x80000xf32, #tpu.memory_space<hbm>>
      %dma_start3A_10 = tpu.memref_squeeze %dma_start3A_9 : memref<1x80000xf32, #tpu.memory_space<hbm>> -> memref<80000xf32, #tpu.memory_space<hbm>>
      tpu.enqueue_dma source(%arg6 : memref<80000xf32, #tpu.memory_space<vmem>>) target(%dma_start3A_10 : memref<80000xf32, #tpu.memory_space<hbm>>) target_semaphore(%run_scoped3A : memref<!tpu.dma_semaphore, #tpu.memory_space<semaphore_mem>>)
      %dma_wait3A = arith.constant 0 : i32
      %dma_wait3A_11 = tpu.memref_slice %arg5[%add3A, %dma_wait3A] : memref<32x80000xf32, #tpu.memory_space<hbm>> -> memref<1x80000xf32, #tpu.memory_space<hbm>>
      %dma_wait3A_12 = tpu.memref_squeeze %dma_wait3A_11 : memref<1x80000xf32, #tpu.memory_space<hbm>> -> memref<80000xf32, #tpu.memory_space<hbm>>
      %dma_wait3A_13 = arith.constant 0 : i32
      %dma_wait3A_14 = tpu.memref_slice %arg5[%add3A, %dma_wait3A_13] : memref<32x80000xf32, #tpu.memory_space<hbm>> -> memref<1x80000xf32, #tpu.memory_space<hbm>>
      %dma_wait3A_15 = tpu.memref_squeeze %dma_wait3A_14 : memref<1x80000xf32, #tpu.memory_space<hbm>> -> memref<80000xf32, #tpu.memory_space<hbm>>
      tpu.wait_dma2 semaphore(%run_scoped3A : memref<!tpu.dma_semaphore, #tpu.memory_space<semaphore_mem>>) src(%arg6 : memref<80000xf32, #tpu.memory_space<vmem>>) dst(%dma_wait3A_15 : memref<80000xf32, #tpu.memory_space<hbm>>)
      tpu.yield
    }) : () -> ()
    return
  }
}

module attributes {stable_mosaic.version = 14 : i64} {
  func.func @_inv_body(%arg0: i32, %arg1: memref<8x625x128xf32, #tpu.memory_space<vmem>>, %arg2: memref<625x128xf32, #tpu.memory_space<vmem>>) attributes {dimension_semantics = [#tpu.dimension_semantics<arbitrary>], iteration_bounds = array<i64: 4>, scalar_prefetch = 0 : i64, scratch_operands = 0 : i64, tpu.core_type = #tpu.core_type<tc>, window_params = [{transform_indices = @transform_0, window_bounds = array<i64: 8, 625, 128>}, {pipeline_mode = #tpu.pipeline_mode<synchronous>, transform_indices = @transform_1, window_bounds = array<i64: 625, 128>}]} {
    %eq3A = arith.constant 0 : i32
    %eq3A_0 = arith.cmpi eq, %arg0, %eq3A : i32
    %convert_element_type3A = arith.extui %eq3A_0 : i1 to i32
    %cond3A = arith.constant 0 : i32
    %cond3A_1 = arith.cmpi ne, %convert_element_type3A, %cond3A : i32
    scf.if %cond3A_1 {
      %broadcast_in_dim3A = arith.constant 0.000000e+00 : f32
      %broadcast_in_dim3A_16 = vector.broadcast %broadcast_in_dim3A : f32 to vector<625x128xf32>
      %swap3A_17 = arith.constant 0 : index
      %swap3A_18 = arith.constant 0 : index
      %swap3A_19 = vector.load %arg2[%swap3A_17, %swap3A_18] : memref<625x128xf32, #tpu.memory_space<vmem>>, vector<625x128xf32>
      tpu.vector_store %arg2[%swap3A_17, %swap3A_18], %broadcast_in_dim3A_16 {strides = array<i32>} : memref<625x128xf32, #tpu.memory_space<vmem>>, vector<625x128xf32>,
    } else {
    }
    %get3A = arith.constant 0 : index
    %get3A_2 = arith.constant 0 : index
    %get3A_3 = vector.load %arg2[%get3A, %get3A_2] : memref<625x128xf32, #tpu.memory_space<vmem>>, vector<625x128xf32>
    %get3A_4 = arith.constant 0 : index
    %get3A_5 = arith.constant 0 : index
    %get3A_6 = arith.constant 0 : index
    %get3A_7 = vector.load %arg1[%get3A_4, %get3A_5, %get3A_6] : memref<8x625x128xf32, #tpu.memory_space<vmem>>, vector<8x625x128xf32>
    %reduce_sum3A = arith.constant dense<0.000000e+00> : vector<625x128xf32>
    %reduce_sum3A_8 = vector.multi_reduction <add>, %get3A_7, %reduce_sum3A [0] : vector<8x625x128xf32> to vector<625x128xf32>
    %add3A = arith.addf %get3A_3, %reduce_sum3A_8 : vector<625x128xf32>
    %swap3A = arith.constant 0 : index
    %swap3A_9 = arith.constant 0 : index
    %swap3A_10 = vector.load %arg2[%swap3A, %swap3A_9] : memref<625x128xf32, #tpu.memory_space<vmem>>, vector<625x128xf32>
    tpu.vector_store %arg2[%swap3A, %swap3A_9], %add3A {strides = array<i32>} : memref<625x128xf32, #tpu.memory_space<vmem>>, vector<625x128xf32>,
    %eq3A_11 = arith.constant 3 : i32
    %eq3A_12 = arith.cmpi eq, %arg0, %eq3A_11 : i32
    %convert_element_type3A_13 = arith.extui %eq3A_12 : i1 to i32
    %cond3A_14 = arith.constant 0 : i32
    %cond3A_15 = arith.cmpi ne, %convert_element_type3A_13, %cond3A_14 : i32
    scf.if %cond3A_15 {
      %get3A_16 = arith.constant 0 : index
      %get3A_17 = arith.constant 0 : index
      %get3A_18 = vector.load %arg2[%get3A_16, %get3A_17] : memref<625x128xf32, #tpu.memory_space<vmem>>, vector<625x128xf32>
      %max3A = arith.constant 1.000000e+00 : f32
      %max3A_19 = vector.broadcast %max3A : f32 to vector<625x128xf32>
      %max3A_20 = arith.maximumf %get3A_18, %max3A_19 : vector<625x128xf32>
      %div3A = arith.constant 1.000000e+00 : f32
      %div3A_21 = vector.broadcast %div3A : f32 to vector<625x128xf32>
      %div3A_22 = arith.divf %div3A_21, %max3A_20 : vector<625x128xf32>
      %swap3A_23 = arith.constant 0 : index
      %swap3A_24 = arith.constant 0 : index
      %swap3A_25 = vector.load %arg2[%swap3A_23, %swap3A_24] : memref<625x128xf32, #tpu.memory_space<vmem>>, vector<625x128xf32>
      tpu.vector_store %arg2[%swap3A_23, %swap3A_24], %div3A_22 {strides = array<i32>} : memref<625x128xf32, #tpu.memory_space<vmem>>, vector<625x128xf32>,
    } else {
    }
    return
  }
  func.func @transform_0(%arg0: i32) -> (i32, i32, i32) {
    %c0_i32 = arith.constant 0 : i32
    %c0_i32_0 = arith.constant 0 : i32
    %c0_i32_1 = arith.constant 0 : i32
    return %arg0, %c0_i32, %c0_i32_0 : i32, i32, i32
  }
  func.func @transform_1(%arg0: i32) -> (i32, i32) {
    %c0_i32 = arith.constant 0 : i32
    %c0_i32_0 = arith.constant 0 : i32
    %c0_i32_1 = arith.constant 0 : i32
    return %c0_i32, %c0_i32_0 : i32, i32
  }
}

module attributes {stable_mosaic.version = 14 : i64} {
  func.func @_h_body(%arg0: i32, %arg1: i32, %arg2: memref<2000x128xf32, #tpu.memory_space<vmem>>, %arg3: memref<1x128x128xf32, #tpu.memory_space<vmem>>, %arg4: memref<1x2000x128xf32, #tpu.memory_space<vmem>>) attributes {dimension_semantics = [#tpu.dimension_semantics<arbitrary>, #tpu.dimension_semantics<arbitrary>], iteration_bounds = array<i64: 5, 8>, scalar_prefetch = 0 : i64, scratch_operands = 0 : i64, tpu.core_type = #tpu.core_type<tc>, window_params = [{transform_indices = @transform_0, window_bounds = array<i64: 2000, 128>}, {transform_indices = @transform_1, window_bounds = array<i64: 1, 128, 128>}, {transform_indices = @transform_2, window_bounds = array<i64: 1, 2000, 128>}]} {
    %get3A = arith.constant 0 : index
    %get3A_0 = arith.constant 0 : index
    %get3A_1 = vector.load %arg2[%get3A, %get3A_0] : memref<2000x128xf32, #tpu.memory_space<vmem>>, vector<2000x128xf32>
    %get3A_2 = arith.constant 0 : index
    %get3A_3 = arith.constant 0 : index
    %get3A_4 = arith.constant 0 : index
    %get3A_5 = vector.load %arg3[%get3A_2, %get3A_3, %get3A_4] : memref<1x128x128xf32, #tpu.memory_space<vmem>>, vector<1x128x128xf32>
    %get3A_6 = vector.shape_cast %get3A_5 : vector<1x128x128xf32> to vector<128x128xf32>
    %dot_general3A = arith.constant dense<0.000000e+00> : vector<2000x128xf32>
    %dot_general3A_7 = tpu.matmul %get3A_1, %get3A_6, %dot_general3A {dimension_numbers = #tpu.dot_dimension_numbers<[1], [0], [0], [1], [0, 0, 1, 1], [], []>, transpose_lhs_hint = false} : vector<2000x128xf32>, vector<128x128xf32>, vector<2000x128xf32> -> vector<2000x128xf32>
    %swap3A = arith.constant 0 : index
    %swap3A_8 = arith.constant 0 : index
    %swap3A_9 = arith.constant 0 : index
    %swap3A_10 = vector.load %arg4[%swap3A, %swap3A_8, %swap3A_9] : memref<1x2000x128xf32, #tpu.memory_space<vmem>>, vector<1x2000x128xf32>
    %swap3A_11 = vector.shape_cast %swap3A_10 : vector<1x2000x128xf32> to vector<2000x128xf32>
    %swap3A_12 = vector.shape_cast %dot_general3A_7 : vector<2000x128xf32> to vector<1x2000x128xf32>
    tpu.vector_store %arg4[%swap3A, %swap3A_8, %swap3A_9], %swap3A_12 {strides = array<i32>} : memref<1x2000x128xf32, #tpu.memory_space<vmem>>, vector<1x2000x128xf32>,
    return
  }
  func.func @transform_0(%arg0: i32, %arg1: i32) -> (i32, i32) {
    %c0_i32 = arith.constant 0 : i32
    %c0_i32_0 = arith.constant 0 : i32
    return %arg0, %c0_i32 : i32, i32
  }
  func.func @transform_1(%arg0: i32, %arg1: i32) -> (i32, i32, i32) {
    %c0_i32 = arith.constant 0 : i32
    %c0_i32_0 = arith.constant 0 : i32
    %c0_i32_1 = arith.constant 0 : i32
    return %arg1, %c0_i32, %c0_i32_0 : i32, i32, i32
  }
  func.func @transform_2(%arg0: i32, %arg1: i32) -> (i32, i32, i32) {
    %c0_i32 = arith.constant 0 : i32
    %c0_i32_0 = arith.constant 0 : i32
    return %arg1, %arg0, %c0_i32 : i32, i32, i32
  }
}

module attributes {stable_mosaic.version = 14 : i64} {
  func.func @_final_body(%arg0: i32, %arg1: memref<2000x128xf32, #tpu.memory_space<vmem>>, %arg2: memref<128x128xf32, #tpu.memory_space<vmem>>, %arg3: memref<1x128xf32, #tpu.memory_space<vmem>>, %arg4: memref<2x2000x128xf32, #tpu.memory_space<vmem>>, %arg5: memref<2000x128xf32, #tpu.memory_space<vmem>>) attributes {dimension_semantics = [#tpu.dimension_semantics<arbitrary>], iteration_bounds = array<i64: 5>, scalar_prefetch = 0 : i64, scratch_operands = 0 : i64, tpu.core_type = #tpu.core_type<tc>, window_params = [{transform_indices = @transform_0, window_bounds = array<i64: 2000, 128>}, {pipeline_mode = #tpu.pipeline_mode<synchronous>, transform_indices = @transform_1, window_bounds = array<i64: 128, 128>}, {pipeline_mode = #tpu.pipeline_mode<synchronous>, transform_indices = @transform_2, window_bounds = array<i64: 1, 128>}, {transform_indices = @transform_3, window_bounds = array<i64: 2, 2000, 128>}, {transform_indices = @transform_4, window_bounds = array<i64: 2000, 128>}]} {
    %get3A = arith.constant 0 : index
    %get3A_0 = arith.constant 0 : index
    %get3A_1 = vector.load %arg1[%get3A, %get3A_0] : memref<2000x128xf32, #tpu.memory_space<vmem>>, vector<2000x128xf32>
    %get3A_2 = arith.constant 0 : index
    %get3A_3 = arith.constant 0 : index
    %get3A_4 = vector.load %arg2[%get3A_2, %get3A_3] : memref<128x128xf32, #tpu.memory_space<vmem>>, vector<128x128xf32>
    %dot_general3A = arith.constant dense<0.000000e+00> : vector<2000x128xf32>
    %dot_general3A_5 = tpu.matmul %get3A_1, %get3A_4, %dot_general3A {dimension_numbers = #tpu.dot_dimension_numbers<[1], [0], [0], [1], [0, 0, 1, 1], [], []>, transpose_lhs_hint = false} : vector<2000x128xf32>, vector<128x128xf32>, vector<2000x128xf32> -> vector<2000x128xf32>
    %get3A_6 = arith.constant 0 : index
    %get3A_7 = arith.constant 0 : index
    %get3A_8 = vector.load %arg3[%get3A_6, %get3A_7] : memref<1x128xf32, #tpu.memory_space<vmem>>, vector<1x128xf32>
    %add3A = vector.broadcast %get3A_8 : vector<1x128xf32> to vector<2000x128xf32>
    %add3A_9 = arith.addf %dot_general3A_5, %add3A : vector<2000x128xf32>
    %get3A_10 = arith.constant 0 : index
    %get3A_11 = arith.constant 0 : index
    %get3A_12 = arith.constant 0 : index
    %get3A_13 = vector.load %arg4[%get3A_10, %get3A_11, %get3A_12] : memref<2x2000x128xf32, #tpu.memory_space<vmem>>, vector<1x2000x128xf32>
    %get3A_14 = vector.shape_cast %get3A_13 : vector<1x2000x128xf32> to vector<2000x128xf32>
    %add3A_15 = arith.addf %add3A_9, %get3A_14 : vector<2000x128xf32>
    %get3A_16 = arith.constant 1 : index
    %get3A_17 = arith.constant 0 : index
    %get3A_18 = arith.constant 0 : index
    %get3A_19 = vector.load %arg4[%get3A_16, %get3A_17, %get3A_18] : memref<2x2000x128xf32, #tpu.memory_space<vmem>>, vector<1x2000x128xf32>
    %get3A_20 = vector.shape_cast %get3A_19 : vector<1x2000x128xf32> to vector<2000x128xf32>
    %add3A_21 = arith.addf %add3A_15, %get3A_20 : vector<2000x128xf32>
    %max3A = arith.constant 0.000000e+00 : f32
    %max3A_22 = vector.broadcast %max3A : f32 to vector<2000x128xf32>
    %max3A_23 = arith.maximumf %add3A_21, %max3A_22 : vector<2000x128xf32>
    %swap3A = arith.constant 0 : index
    %swap3A_24 = arith.constant 0 : index
    %swap3A_25 = vector.load %arg5[%swap3A, %swap3A_24] : memref<2000x128xf32, #tpu.memory_space<vmem>>, vector<2000x128xf32>
    tpu.vector_store %arg5[%swap3A, %swap3A_24], %max3A_23 {strides = array<i32>} : memref<2000x128xf32, #tpu.memory_space<vmem>>, vector<2000x128xf32>,
    return
  }
  func.func @transform_0(%arg0: i32) -> (i32, i32) {
    %c0_i32 = arith.constant 0 : i32
    %c0_i32_0 = arith.constant 0 : i32
    return %arg0, %c0_i32 : i32, i32
  }
  func.func @transform_1(%arg0: i32) -> (i32, i32) {
    %c0_i32 = arith.constant 0 : i32
    %c0_i32_0 = arith.constant 0 : i32
    %c0_i32_1 = arith.constant 0 : i32
    return %c0_i32, %c0_i32_0 : i32, i32
  }
  func.func @transform_2(%arg0: i32) -> (i32, i32) {
    %c0_i32 = arith.constant 0 : i32
    %c0_i32_0 = arith.constant 0 : i32
    %c0_i32_1 = arith.constant 0 : i32
    return %c0_i32, %c0_i32_0 : i32, i32
  }
  func.func @transform_3(%arg0: i32) -> (i32, i32, i32) {
    %c0_i32 = arith.constant 0 : i32
    %c0_i32_0 = arith.constant 0 : i32
    %c0_i32_1 = arith.constant 0 : i32
    return %c0_i32, %arg0, %c0_i32_0 : i32, i32, i32
  }
  func.func @transform_4(%arg0: i32) -> (i32, i32) {
    %c0_i32 = arith.constant 0 : i32
    %c0_i32_0 = arith.constant 0 : i32
    return %arg0, %c0_i32 : i32, i32
  }
}

</mosaic_0001>

<sc_bundles>
// kernel: kernel.11.cloned.1.call-start
scs
__scs_entry_jumppad:
0x0: {  	(pc) =	sbr.rel $0x88, $3  }
0x1: {  	(tag) =	ssettag $0x0;
	lr =	simm.s32 $0x1  }
0x2: {  	[smem:$0x3F9B] =	sst lr;
	_ =	strace $0xD0000000  }
0x3: {  	_ = 	snop  }
0x4: {  	_ = 	snop  }
0x5: {  	_ = 	snop  }
0x6: {  	_ = 	snop  }
0x7: {  	_ = 	snop  }
__scs_overlays_trampoline_lowered:
0x8: {  	[smem:$0x3FAA] =	sst s0  }
0x9: {  	[smem:$0x3FAB] =	sst s1  }
0xa: {  	[smem:$0x3FAC] =	sst s2  }
0xb: {  	[smem:$0x3FAD] =	sst s3  }
0xc: {  	[smem:$0x3FAE] =	sst s4  }
0xd: {  	[smem:$0x3FAF] =	sst s5  }
0xe: {  	[smem:$0x3FB0] =	sst s6  }
0xf: {  	[smem:$0x3FB1] =	sst s7  }
0x10: {  	[smem:$0x3FB2] =	sst s8  }
0x11: {  	[smem:$0x3FB3] =	sst s9;
	s0 =	simm.s32 @!p0 $0x0  }
0x12: {  	s1 =	sld [smem:$0x3F99];
	s0 =	simm.s32 @p0 $0x1  }
0x13: {  	[smem:$0x3FB4] =	sst s0;
	s0 =	simm.s32 @!p1 $0x0  }
0x14: {  	s2 =	sld [smem:$0x3F98];
	s0 =	simm.s32 @p1 $0x1  }
0x15: {  	[smem:$0x3FB5] =	sst s0;
	s0 =	simm.s32 @!p2 $0x0  }
0x16: {  	s3 =	sld [smem:$0x3FDB];
	s0 =	simm.s32 @p2 $0x1  }
0x17: {  	s4 =	simm.s32 $0x1BF5;
	[smem:$0x3FB7] =	sst s0  }
0x18: {  	s0 =	sld [smem:$0x3F9A];
	_ =	swait.ge [sflag:s4], $0x0  }
0x19: {  	s7 =	sld [smem:$0x3F9B]  }
0x1a: {  	s8 =	sadd.s32 $0xFFFFE003, lr  }
0x1b: {  	s9 =	sadd.s32 $0xFFFFFEF7, lr;
	s5 =	simm.s32 $0xFFFFFFFF;
	p2 =	slt.u32 s8, $0xFFFFF086  }
0x1c: {  	p1 =	slt.u32 s9, $0xF7A;
	s5 =	simm.s32 @!p2 $0x0  }
0x1d: {  	s5 =	simm.s32 @p1 $0x1;
	p0 =	seq.s32 s7, s2  }
0x1e: {  	s7 =	smul.u32 @!p0 $0xF7A, s2;
	p2 =	seq.s32 @!p0 s5, $0x0  }
0x1f: {  	s9 =	smul.u32 $0xF7A, s1;
	s8 =	simm.s32 @!p0 $0x1BF5;
	p2 =	por !p2, p0  }
0x20: {  	[sflag:s8] =	ssyncset.s32 @!p0 $0xFFFFF086;
	s6 =	sadd.s32 @!p0 s3, s7;
	s7 =	simm.s32 @!p0 $0x108  }
0x21: {  	s3 =	sadd.s32 s3, s9;
	s6 =	sadd.s32 @!p0 $0x88, s6;
	s7 =	simm.s32 @p2 $0x1082  }
0x22: {  	[simem:s7], [sflag:s8] =	dma.local @!p0 [hbm:s6], $0xF7A  }
0x23: {  	s9 =	sor.u32 $0xD0000000, s2;
	s6 =	simm.s32 $0x108;
	_ =	swait.ge @!p0 [sflag:s8], $0x0  }
0x24: {  	s3 =	sadd.s32 $0x88, s3;
	s6 =	simm.s32 @!p1 $0x1082;
	[sflag:s4] =	ssyncset.s32 $0xFFFFF086  }
0x25: {  	[simem:s6], [sflag:s4] =	dma.local [hbm:s3], $0xF7A  }
0x26: {  	[smem:$0x3F9B] =	sst s1;
	(tag) =	ssettag s2;
	_ =	strace s9  }
0x27: {  	s1 =	sld [smem:$0x3FAB]  }
0x28: {  	s2 =	sld [smem:$0x3FAC]  }
0x29: {  	s4 =	sld [smem:$0x3FAE]  }
0x2a: {  	p0 =	seq.s32 s5, $0x0;
	s5 =	sld [smem:$0x3FAF]  }
0x2b: {  	s6 =	sld [smem:$0x3FB0]  }
0x2c: {  	s7 =	sld [smem:$0x3FB1]  }
0x2d: {  	s3 =	simm.s32 $0x108;
	s8 =	sld [smem:$0x3FB2]  }
0x2e: {  	s3 =	simm.s32 @!p0 $0x1082;
	s9 =	sld [smem:$0x3FB3]  }
0x2f: {  	lr =	sadd.s32 s0, s3;
	s0 =	sld [smem:$0x3FAA]  }
0x30: {  	s3 =	sld [smem:$0x3FAD]  }
0x31: {  	[smem:$0x3FB6] =	sst s10  }
0x32: {  	s10 =	sld [smem:$0x3FB4];
	_ =	sdelay $0x3  }
0x33: {  	p0 =	seq.s32 s10, $0x1;
	s10 =	sld [smem:$0x3FB6];
	_ =	sdelay $0x3  }
0x34: {  	[smem:$0x3FB6] =	sst s10  }
0x35: {  	s10 =	sld [smem:$0x3FB5];
	_ =	sdelay $0x3  }
0x36: {  	p1 =	seq.s32 s10, $0x1;
	s10 =	sld [smem:$0x3FB6];
	_ =	sdelay $0x3  }
0x37: {  	[smem:$0x3FB6] =	sst s10  }
0x38: {  	s10 =	sld [smem:$0x3FB7]  }
0x39: {  	_ = 	snop;
	(pc) =	sbr.ind lr, $3  }
0x3a: {  	_ = 	snop  }
0x3b: {  	_ = 	snop  }
0x3c: {  	p2 =	seq.s32 s10, $0x1;
	s10 =	sld [smem:$0x3FB6]  }
0x3d: {  	_ =	shalt  }
0x3e: {  	_ =	shalt  }
0x3f: {  	_ =	shalt  }
0x40: {  	_ =	shalt  }
0x41: {  	_ =	shalt  }
0x42: {  	_ =	shalt  }
0x43: {  	_ =	shalt  }
0x44: {  	_ =	shalt  }
0x45: {  	_ =	shalt  }
0x46: {  	_ =	shalt  }
0x47: {  	_ =	shalt  }
0x48: {  	_ =	shalt  }
0x49: {  	_ =	shalt  }
0x4a: {  	_ =	shalt  }
0x4b: {  	_ =	shalt  }
0x4c: {  	_ =	shalt  }
0x4d: {  	_ =	shalt  }
0x4e: {  	_ =	shalt  }
0x4f: {  	_ =	shalt  }
0x50: {  	_ =	shalt  }
0x51: {  	_ =	shalt  }
0x52: {  	_ =	shalt  }
0x53: {  	_ =	shalt  }
0x54: {  	_ =	shalt  }
0x55: {  	_ =	shalt  }
0x56: {  	_ =	shalt  }
0x57: {  	_ =	shalt  }
0x58: {  	_ =	shalt  }
0x59: {  	_ =	shalt  }
0x5a: {  	_ =	shalt  }
0x5b: {  	_ =	shalt  }
0x5c: {  	_ =	shalt  }
0x5d: {  	_ =	shalt  }
0x5e: {  	_ =	shalt  }
0x5f: {  	_ =	shalt  }
0x60: {  	_ =	shalt  }
0x61: {  	_ =	shalt  }
0x62: {  	_ =	shalt  }
0x63: {  	_ =	shalt  }
0x64: {  	_ =	shalt  }
0x65: {  	_ =	shalt  }
0x66: {  	_ =	shalt  }
0x67: {  	_ =	shalt  }
0x68: {  	_ =	shalt  }
0x69: {  	_ =	shalt  }
0x6a: {  	_ =	shalt  }
0x6b: {  	_ =	shalt  }
0x6c: {  	_ =	shalt  }
0x6d: {  	_ =	shalt  }
0x6e: {  	_ =	shalt  }
0x6f: {  	_ =	shalt  }
0x70: {  	_ =	shalt  }
0x71: {  	_ =	shalt  }
0x72: {  	_ =	shalt  }
0x73: {  	_ =	shalt  }
0x74: {  	_ =	shalt  }
0x75: {  	_ =	shalt  }
0x76: {  	_ =	shalt  }
0x77: {  	_ =	shalt  }
0x78: {  	_ =	shalt  }
0x79: {  	_ =	shalt  }
0x7a: {  	_ =	shalt  }
0x7b: {  	_ =	shalt  }
0x7c: {  	_ =	shalt  }
0x7d: {  	_ =	shalt  }
0x7e: {  	_ =	shalt  }
0x7f: {  	_ =	shalt  }
0x80: {  	_ =	shalt  }
0x81: {  	_ =	shalt  }
0x82: {  	_ =	shalt  }
0x83: {  	_ =	shalt  }
0x84: {  	_ =	shalt  }
0x85: {  	_ =	shalt  }
0x86: {  	_ =	shalt  }
0x87: {  	_ =	shalt  }
.Lfunc_end0:
.L_simem_size_0:
called_computation.1_lowered:
.L_overlay_start_0:
0x88: {  	s2 =	sld [smem:$0x3FD9]  }
0x89: {  	s3 =	sld [smem:$0x3FFE];
	_ =	sdelay $0x1  }
0x8a: {  	s1 =	srdreg.scid  }
0x8b: {  	s0 =	sand.u32 $0x1, s1  }
0x8c: {  	s17 =	sshll.u32 s0, $0xA;
	s2 =	sadd.s32 s3, s2  }
0x8d: {  	s2 =	sadd.s32 s2, s17  }
0x8e: {  	[smem:$0x3FC2] =	sst s2  }
0x8f: {  	_ = 	snop  }
0x90: {  	s2 =	sld [smem:$0x3FC7]  }
0x91: {  	s18 =	sld [smem:$0x3FD0];
	(tm) =	ssettm $0x1  }
0x92: {  	s4 =	sld [smem:$0x3FFB];
	_ =	sdelay $0x3  }
0x93: {  	_ =	strace s4  }
0x94: {  	s4 =	sld [smem:$0x3FFC];
	_ =	sdelay $0x3  }
0x95: {  	_ =	strace s4  }
0x96: {  	s4 =	sld [smem:$0x3FFD];
	_ =	sdelay $0x3  }
0x97: {  	_ =	strace s4  }
0x98: {  	_ =	strace $0x8FFFFFFF  }
0x99: {  	s19 =	sld [smem:$0x3FDB];
	_ =	sdelay $0x1  }
0x9a: {  	s5 =	simm.s32 $_scs_section_size  }
0x9b: {  	s6 =	simm.s32 $_size__tile_overlayer_lowered;
	s7 =	simm.s32 $_tile_overlayer_lowered  }
0x9c: {  	s22 =	simm.s32 $0x1BFF;
	s21 =	sshll.u32 s7, $0x1;
	s4 =	sadd.s32 s5, s19  }
0x9d: {  	s8 =	simm.s32 $0x0;
	s20 =	sshll.u32 s6, $0x1;
	s6 =	sadd.s32 s21, s4  }
0x9e: {  	[timem:s8], [sflag:s22] =	dma.local [hbm:s6], s20  }
0x9f: {  	_ =	swait.ge [sflag:s22], s20  }
0xa0: {  	s5 =	ssub.s32 $0x0, s20;
	[sflag:s22] =	ssyncset.done $0x0  }
0xa1: {  	[sflag:s22] =	ssyncadd.s32 s5;
	_ =	sdelay $0x1  }
0xa2: {  	s23 =	simm.s32 $0x1B8B  }
0xa3: {  	_ =	swait.ge [sflag:s23], $0x1  }
0xa4: {  	[sflag:s23] =	ssyncset.done $0x0  }
0xa5: {  	s25 =	simm.s32 $0x1B8E;
	s24 =	sld [smem:$0x3FFE];
	[sflag:s23] =	ssyncadd.s32 $0xFFFFFFFF  }
0xa6: {  	s26 =	simm.s32 $execute0_lowered;
	[smem:$0x3FD2] =	sst s25  }
0xa7: {  	s6 =	sshll.u32 s26, $0x1;
	_ =	strace $0x80000049;
	[dreg:$0x1] =	wrdreg $0xFFFFFFFF  }
0xa8: {  	s28 =	simm.s32 $_size_execute0_lowered;
	s4 =	sadd.s32 s4, s6;
	[dreg:$0x0] =	wrdreg $0x0  }
0xa9: {  	s6 =	sshll.u32 s28, $0x1;
	[dreg:$0x2] =	wrdreg s4  }
0xaa: {  	[dreg:$0x3] =	wrdreg s6  }
0xab: {  	[dreg:$0x4] =	wrdreg $0xC0  }
0xac: {  	_ =	task [dreg:s8], $0x5FFFF  }
0xad: {  	[dreg:$0x1] =	wrdreg $0xFFFFFFFF  }
0xae: {  	[dreg:$0x0] =	wrdreg $0x60  }
0xaf: {  	[dreg:$0x2] =	wrdreg s24  }
0xb0: {  	[dreg:$0x3] =	wrdreg s18  }
0xb1: {  	[dreg:$0x4] =	wrdreg s2  }
0xb2: {  	[dreg:$0x5] =	wrdreg $0x9  }
0xb3: {  	_ =	task.clear_ibuf [dreg:s8], $0x6FFFF;
	_ =	strace $0x90000049  }
0xb4: {  	s29 =	simm.s32 $0x9;
	_ =	strace $0x8000004B  }
0xb5: {  	_ =	swait.ge [sflag:s29], $0x1  }
0xb6: {  	[sflag:s29] =	ssyncadd.s32 $0xFFFFFFFF  }
0xb7: {  	_ =	strace $0x9000004B  }
0xb8: {  	_ =	sfence  }
0xb9: {  	s30 =	sld [smem:$0x0];
	_ =	sdelay $0x2  }
0xba: {  	s31 =	sshll.u32 s1, $0xD;
	s1 =	sshrl.u32 s1, $0x2  }
0xbb: {  	s3 =	sand.u32 $0x4000, s31;
	s1 =	sadd.s32 s1, s30  }
0xbc: {  	s0 =	sor.u32 s3, s0;
	s1 =	sshll.u32 s1, $0x11  }
0xbd: {  	s0 =	sor.u32 s1, s0  }
0xbe: {  	s0 =	sadd.s32 $0x8F2B, s0  }
0xbf: {  	[sflag:s0] =	ssyncadd.remote.s32 $0x1  }
0xc0: {  	_ =	sfence.sel $0xFFFF  }
0xc1: {  	[dreg:$0x0] =	wrdreg $0xFFFFFFFF;
	(pc) =	sbr.abs _section_cstart, $3  }
0xc2: {  	[dreg:$0x1] =	wrdreg $0xFFFFFFFF  }
0xc3: {  	_ =	task.clear_ibuf [dreg:s8], $0x2FFFF;
	_ =	strace $0x9FFFFFFF  }
0xc4: {  	(tm) =	ssettm $0x7FFFFFFF  }
0xc5: {  	_ =	shalt  }
tec
execute0_lowered:
.L_overlay_start_1:
0x0: {  	(tag) =	ssettag $0x1  }
0x1: {  	s8 =	rddreg [dreg:$0x0]  }
0x2: {  	s1 =	rddreg [dreg:$0x1]  }
0x3: {  	s2 =	rddreg [dreg:$0x2]  }
0x4: {  	s0 =	rddreg [dreg:$0x3]  }
0x5: {  	s3 =	simm.s32 $0x0;
	s5 =	srdreg.scid;
	s12 =	simm.s32 $0x13880  }
0x6: {  	s13 =	simm.s32 $0x14080;
	s14 =	simm.s32 $0x14880;
	s15 =	simm.s32 $0x15080  }
0x7: {  	s16 =	simm.s32 $0x15880;
	s17 =	simm.s32 $0x0;
	[smem:$0x7FF] =	sst s3  }
0x8: {  	s4 =	sadd.s32 $0xBC00, s8;
	s9 =	sand.u32 $0x1, s5;
	s6 =	sadd.s32 $0x1E00, s8  }
0x9: {  	s7 =	sadd.s32 $0xE400, s8;
	s5 =	stileid.u32;
	s10 =	ssub.s32 $0x2, s9  }
0xa: {  	s8 =	sadd.s32 $0x18200, s8;
	s9 =	sshll.u32 s9, $0x4;
	s11 =	sshrl.u32 s10, $0x1  }
0xb: {  	_ =	strace $0x8000004A;
	s9 =	sor.u32 s5, s9;
	s10 =	ssub.s32 s10, s11  }
0xc: {  	s9 =	smul.u32 $0x2710, s9;
	s11 =	simm.s32 $0x1;
	s10 =	smax.u32 s10, $0x1  }
.LBB2_1:
0xd: {  	[tilespmem:s3], [sflag:$0x1] =	stream.linear.gather [hbm4b:s4+s3], $0x13880, $0x38;
	[tilespmem:$0x16080] =	vst v63  }
0xe: {  	_ =	swait.ge [sflag:s11], $0x13880  }
0xf: {  	[sflag:s11] =	ssyncset.done $0x0  }
0x10: {  	s18 =	simm.s32 $0x0;
	[sflag:s11] =	ssyncadd.s32 $0xFFFEC780  }
.LBB2_2:
0x11: {  	s19 =	smul.u32 $0x7D0, s18;
	_ =	sdelay $0x1  }
0x12: {  	s19 =	sadd.s32 s9, s19  }
0x13: {  	s19 =	sshrl.u32 s19, $0x3  }
0x14: {  	s20 =	sadd.s32 s1, s19  }
0x15: {  	[tilespmem:s12], [sflag:$0x1] =	stream.linear.gather [hbm4b:s20+s3], $0x7D0, $0x38;
	[tilespmem:$0x16080] =	vst v63  }
0x16: {  	_ =	swait.ge [sflag:s11], $0x7D0  }
0x17: {  	[sflag:s11] =	ssyncset.done $0x0  }
0x18: {  	s29 =	sadd.s32 s6, s19;
	[sflag:s11] =	ssyncadd.s32 $0xFFFFF830  }
0x19: {  	[tilespmem:s13], [sflag:$0x1] =	stream.linear.gather [hbm4b:s29+s3], $0x7D0, $0x38;
	[tilespmem:$0x16080] =	vst v63  }
0x1a: {  	_ =	swait.ge [sflag:s11], $0x7D0  }
0x1b: {  	[sflag:s11] =	ssyncset.done $0x0  }
0x1c: {  	s30 =	sadd.s32 s2, s19;
	[sflag:s11] =	ssyncadd.s32 $0xFFFFF830  }
0x1d: {  	[tilespmem:s14], [sflag:$0x1] =	stream.linear.gather [hbm4b:s30+s3], $0x7D0, $0x38;
	[tilespmem:$0x16080] =	vst v63  }
0x1e: {  	_ =	swait.ge [sflag:s11], $0x7D0  }
0x1f: {  	[sflag:s11] =	ssyncset.done $0x0  }
0x20: {  	s31 =	simm.s32 $0x148A0;
	[sflag:s11] =	ssyncadd.s32 $0xFFFFF830  }
0x21: {  	v0 =	vld [tilespmem:s31+$0x20]  }
0x22: {  	s21 =	simm.s32 $0x138A0;
	v1 =	vld [tilespmem:s31+$0xFFFFFFF0]  }
0x23: {  	v2 =	vld [tilespmem:s21+$0x20]  }
0x24: {  	v3 =	vld [tilespmem:s31+$0x0]  }
0x25: {  	v4 =	vld [tilespmem:s31+$0x10]  }
0x26: {  	v5 =	vld [tilespmem:s31+$0xFFFFFFE0]  }
0x27: {  	v6 =	vld [tilespmem:s21+$0xFFFFFFE0]  }
0x28: {  	v7 =	vld [tilespmem:s21+$0xFFFFFFF0]  }
0x29: {  	s24 =	simm.s32 $0x148F0;
	v9 =	vld [tilespmem:s21+$0x10]  }
0x2a: {  	s20 =	simm.s32 $0x138F0;
	v10 =	vld [tilespmem:s24+$0xFFFFFFF0]  }
0x2b: {  	v11 =	vld [tilespmem:s20+$0x20]  }
0x2c: {  	v12 =	vld [tilespmem:s24+$0x0]  }
0x2d: {  	v13 =	vld [tilespmem:s24+$0x10]  }
0x2e: {  	v14 =	vld [tilespmem:s24+$0xFFFFFFE0]  }
0x2f: {  	v15 =	vld [tilespmem:s20+$0xFFFFFFE0];
	v0 =	vmul.u32 $0x2710, v0  }
0x30: {  	v16 =	vld [tilespmem:s20+$0x10];
	v4 =	vmul.u32 $0x2710, v4  }
0x31: {  	s22 =	simm.s32 $0x150A0;
	v1 =	vmul.u32 $0x2710, v1;
	v0 =	vadd.s32 v2, v0;
	v2 =	vld [tilespmem:s21+$0x0]  }
0x32: {  	s23 =	simm.s32 $0x140A0;
	v5 =	vmul.u32 $0x2710, v5;
	v4 =	vadd.s32 v9, v4;
	v9 =	vld [tilespmem:s24+$0x20];
	[tilespmem:s22+$0x20] =	vst v0  }
0x33: {  	v1 =	vadd.s32 v7, v1;
	v0 =	vld [tilespmem:s23+$0x20]  }
0x34: {  	v5 =	vadd.s32 v6, v5;
	[tilespmem:s22+$0xFFFFFFF0] =	vst v1;
	v8 =	vld [tilespmem:s31+$0x20]  }
0x35: {  	[tilespmem:s22+$0xFFFFFFE0] =	vst v5;
	v1 =	vld [tilespmem:s23+$0xFFFFFFF0]  }
0x36: {  	v3 =	vmul.u32 $0x2710, v3;
	v5 =	vld [tilespmem:s31+$0xFFFFFFE0]  }
0x37: {  	v6 =	vld [tilespmem:s31+$0xFFFFFFF0]  }
0x38: {  	[tilespmem:s22+$0x10] =	vst v4;
	v2 =	vadd.s32 v2, v3;
	v3 =	vld [tilespmem:s23+$0xFFFFFFE0]  }
0x39: {  	v4 =	vld [tilespmem:s23+$0x10];
	[tilespmem:s22+$0x0] =	vst v2  }
0x3a: {  	v9 =	vmul.u32 $0x2710, v9;
	v2 =	vld [tilespmem:s23+$0x0]  }
0x3b: {  	v0 =	vshll.u32 v0, $0x3;
	v7 =	vld [tilespmem:s31+$0x0]  }
0x3c: {  	v1 =	vshll.u32 v1, $0x3;
	v9 =	vadd.s32 v11, v9;
	v0 =	vadd.s32 v8, v0;
	v8 =	vld [tilespmem:s31+$0x10]  }
0x3d: {  	s21 =	simm.s32 $0x150F0;
	v11 =	vmul.u32 $0x2710, v14;
	v1 =	vadd.s32 v6, v1;
	v6 =	vld [tilespmem:s20+$0x0];
	v3 =	vshll.u32 v3, $0x3  }
0x3e: {  	s22 =	simm.s32 $0x140F0;
	[tilespmem:s21+$0x20] =	vst v9;
	v3 =	vadd.s32 v5, v3;
	v5 =	vld [tilespmem:s20+$0xFFFFFFF0]  }
0x3f: {  	v9 =	vld [tilespmem:s22+$0x20];
	v11 =	vadd.s32 v15, v11  }
0x40: {  	v12 =	vmul.u32 $0x2710, v12;
	v59 =	vld [tilespmem:s24+$0x20];
	[tilespmem:s21+$0xFFFFFFE0] =	vst v11  }
0x41: {  	v10 =	vmul.u32 $0x2710, v10;
	v11 =	vld [tilespmem:s22+$0xFFFFFFE0]  }
0x42: {  	v60 =	vld [tilespmem:s24+$0xFFFFFFE0];
	v6 =	vadd.s32 v6, v12  }
0x43: {  	v0 =	vld.idx.msk [tilespmem:v0+s3+$0x0], $0xffff;
	[tilespmem:s21+$0x0] =	vst v6;
	v5 =	vadd.s32 v5, v10  }
0x44: {  	v1 =	vld.idx.msk [tilespmem:v1+s3+$0x0], $0xffff;
	[tilespmem:s21+$0xFFFFFFF0] =	vst v5;
	v5 =	vshll.u32 v9, $0x3  }
0x45: {  	v6 =	vld [tilespmem:s22+$0x0];
	v10 =	vmul.u32 $0x2710, v13;
	v5 =	vadd.s32 v59, v5  }
0x46: {  	v3 =	vld.idx.msk [tilespmem:v3+s3+$0x0], $0xffff  }
0x47: {  	v4 =	vshll.u32 v4, $0x3;
	v9 =	vld [tilespmem:s22+$0xFFFFFFF0];
	v10 =	vadd.s32 v16, v10  }
0x48: {  	v2 =	vshll.u32 v2, $0x3;
	v62 =	vadd.s32 v8, v4;
	v63 =	vld [tilespmem:s24+$0xFFFFFFF0];
	[tilespmem:s21+$0x10] =	vst v10  }
0x49: {  	v10 =	vadd.s32 v7, v2;
	v61 =	vld [tilespmem:s22+$0x10]  }
0x4a: {  	v2 =	vld.idx.msk [tilespmem:v5+s3+$0x0], $0xffff  }
0x4b: {  	s23 =	simm.s32 $0x158A0;
	v5 =	vld [tilespmem:s24+$0x0]  }
0x4c: {  	[tilespmem:s23+$0x20] =	vst v0;
	v4 =	vld [tilespmem:s24+$0x10]  }
0x4d: {  	v0 =	vshll.u32 v11, $0x3;
	[tilespmem:s23+$0xFFFFFFF0] =	vst v1;
	v7 =	vshll.u32 v6, $0x3;
	v6 =	vld.idx.msk [tilespmem:v62+s3+$0x0], $0xffff;
	v9 =	vshll.u32 v9, $0x3  }
0x4e: {  	s25 =	simm.s32 $0x5;
	s26 =	simm.s32 $0x14940;
	v0 =	vadd.s32 v60, v0;
	[tilespmem:s23+$0xFFFFFFE0] =	vst v3;
	s24 =	simm.s32 $0x158A0;
	v3 =	vld.idx.msk [tilespmem:v10+s3+$0x0], $0xffff;
	v1 =	vadd.s32 v63, v9;
	v8 =	vshll.u32 v61, $0x3  }
.LBB2_3:
0x4f: {  	v9 =	vld [tilespmem:s26+$0x20];
	s25 =	sadd.s32 $0x5, s25;
	s23 =	sadd.s32 $0x50, s23  }
0x50: {  	s20 =	sadd.s32 $0x50, s20;
	v10 =	vld [tilespmem:s26+$0xFFFFFFF0];
	p0 =	slt.u32 s25, $0x78;
	v11 =	vadd.s32 v5, v7;
	[tilespmem:s23+$0x20] =	vst v2  }
0x51: {  	v2 =	vld [tilespmem:s20+$0x20];
	v12 =	vadd.s32 v4, v8  }
0x52: {  	v4 =	vld [tilespmem:s26+$0x0]  }
0x53: {  	v5 =	vld [tilespmem:s26+$0x10];
	[tilespmem:s24+$0x0] =	vst v3  }
0x54: {  	v3 =	vld [tilespmem:s26+$0xFFFFFFE0];
	v7 =	vmul.u32 $0x2710, v9;
	[tilespmem:s24+$0x10] =	vst v6;
	s24 =	smov.u32 s23  }
0x55: {  	v6 =	vld [tilespmem:s20+$0xFFFFFFE0];
	v8 =	vmul.u32 $0x2710, v10  }
0x56: {  	s21 =	sadd.s32 $0x50, s21;
	v9 =	vld [tilespmem:s20+$0xFFFFFFF0];
	v2 =	vadd.s32 v2, v7  }
0x57: {  	s22 =	sadd.s32 $0x50, s22;
	v4 =	vmul.u32 $0x2710, v4;
	v7 =	vld [tilespmem:s20+$0x0];
	[tilespmem:s21+$0x20] =	vst v2  }
0x58: {  	v2 =	vmul.u32 $0x2710, v5;
	v5 =	vld [tilespmem:s22+$0x20]  }
0x59: {  	v3 =	vmul.u32 $0x2710, v3;
	v10 =	vld [tilespmem:s26+$0x20]  }
0x5a: {  	v13 =	vld [tilespmem:s20+$0x10]  }
0x5b: {  	v3 =	vadd.s32 v6, v3;
	v6 =	vadd.s32 v9, v8;
	v0 =	vld.idx.msk [tilespmem:v0+s3+$0x0], $0xffff  }
0x5c: {  	[tilespmem:s21+$0xFFFFFFE0] =	vst v3;
	v3 =	vadd.s32 v7, v4;
	v1 =	vld.idx.msk [tilespmem:v1+s3+$0x0], $0xffff  }
0x5d: {  	v4 =	vld [tilespmem:s22+$0xFFFFFFE0];
	[tilespmem:s21+$0xFFFFFFF0] =	vst v6;
	v5 =	vshll.u32 v5, $0x3  }
0x5e: {  	v6 =	vld [tilespmem:s22+$0xFFFFFFF0];
	[tilespmem:s21+$0x0] =	vst v3;
	v3 =	vadd.s32 v10, v5  }
0x5f: {  	v5 =	vld [tilespmem:s22+$0x0];
	v2 =	vadd.s32 v13, v2  }
0x60: {  	v8 =	vld [tilespmem:s26+$0xFFFFFFE0];
	[tilespmem:s21+$0x10] =	vst v2  }
0x61: {  	v9 =	vld [tilespmem:s22+$0x10];
	[tilespmem:s23+$0xFFFFFFE0] =	vst v0  }
0x62: {  	v0 =	vshll.u32 v4, $0x3;
	v10 =	vld [tilespmem:s26+$0xFFFFFFF0];
	[tilespmem:s23+$0xFFFFFFF0] =	vst v1  }
.Ltmp0:
0x63: {  	v1 =	vshll.u32 v6, $0x3;
	v2 =	vld.idx.msk [tilespmem:v3+s3+$0x0], $0xffff;
	(pc) =	sbr.rel @p0 .LBB2_3-.Ltmp0, $4  }
0x64: {  	v7 =	vshll.u32 v5, $0x3;
	v5 =	vld [tilespmem:s26+$0x0]  }
0x65: {  	v0 =	vadd.s32 v8, v0;
	v4 =	vld [tilespmem:s26+$0x10]  }
0x66: {  	v8 =	vshll.u32 v9, $0x3;
	v3 =	vld.idx.msk [tilespmem:v11+s3+$0x0], $0xffff  }
0x67: {  	s26 =	sadd.s32 $0x50, s26;
	v1 =	vadd.s32 v10, v1;
	v6 =	vld.idx.msk [tilespmem:v12+s3+$0x0], $0xffff  }
0x68: {  	_ = 	snop  }
0x69: {  	v5 =	vadd.s32 v5, v7  }
0x6a: {  	v4 =	vadd.s32 v4, v8;
	_ =	sdelay $0x1  }
0x6b: {  	v0 =	vld.idx.msk [tilespmem:v0+s3+$0x0], $0xffff  }
0x6c: {  	s20 =	sadd.s32 $0x50, s23;
	v1 =	vld.idx.msk [tilespmem:v1+s3+$0x0], $0xffff  }
0x6d: {  	[tilespmem:s20+$0x20] =	vst v2;
	v62 =	vld.idx.msk [tilespmem:v5+s3+$0x0], $0xffff  }
0x6e: {  	[tilespmem:s24+$0x0] =	vst v3;
	v63 =	vld.idx.msk [tilespmem:v4+s3+$0x0], $0xffff  }
0x6f: {  	[tilespmem:s24+$0x10] =	vst v6  }
0x70: {  	[tilespmem:s20+$0xFFFFFFE0] =	vst v0  }
0x71: {  	[tilespmem:s20+$0xFFFFFFF0] =	vst v1  }
0x72: {  	[tilespmem:s20+$0x0] =	vst v62  }
0x73: {  	s30 =	sadd.s32 s7, s19;
	[tilespmem:s20+$0x10] =	vst v63  }
0x74: {  	[hbm4b:s30+s3] =	stream.linear.scatter [tilespmem:s15], [sflag:$0x1], $0x7D0, $0x38;
	[tilespmem:$0x16080] =	vst v63  }
0x75: {  	s18 =	sadd.s32 $0x1, s18;
	_ =	swait.ge [sflag:s11], $0x7D0  }
0x76: {  	p0 =	sne.s32 s18, $0x5;
	[sflag:s11] =	ssyncset.done $0x0  }
.Ltmp1:
0x77: {  	s31 =	sadd.s32 s8, s19;
	[sflag:s11] =	ssyncadd.s32 $0xFFFFF830;
	(pc) =	sbr.rel @p0 .LBB2_2-.Ltmp1, $4  }
0x78: {  	[hbm4b:s31+s3] =	stream.linear.scatter [tilespmem:s16], [sflag:$0x1], $0x7D0, $0x38;
	[tilespmem:$0x16080] =	vst v63  }
0x79: {  	_ =	swait.ge [sflag:s11], $0x7D0  }
0x7a: {  	[sflag:s11] =	ssyncset.done $0x0  }
0x7b: {  	[sflag:s11] =	ssyncadd.s32 $0xFFFFF830  }
0x7c: {  	s17 =	sadd.s32 $0x1, s17  }
0x7d: {  	p0 =	sne.s32 s17, s10  }
.Ltmp2:
0x7e: {  	_ = 	snop;
	(pc) =	sbr.rel @p0 .LBB2_1-.Ltmp2, $1  }
0x7f: {  	_ =	sdelay $0x3  }
0x80: {  	_ =	sfence.sel $0x180000  }
0x81: {  	[bflag:$0x0] =	sbarrier.arrive $0xFFFF  }
0x82: {  	p0 =	sne.s32 s5, $0x0;
	_ =	strace $0x9000004A  }
0x83: {  	s0 =	sadd.s32 @!p0 $0x100000, s0;
	[bflag:$0x2] =	sbarrier.arrive $0xFFFF  }
0x84: {  	[sflag:s0] =	ssyncadd.tile.s32 @!p0 $0x1;
	_ =	shalt  }
.Lfunc_end2:
_tile_overlayer_lowered:
.L_overlay_start_2:
0x85: {  	(tag) =	ssettag $0x2  }
0x86: {  	s0 =	rddreg [dreg:$0x0];
	s2 =	stileid.u32  }
0x87: {  	s1 =	rddreg [dreg:$0x1];
	p0 =	sne.s32 s2, $0x0  }
0x88: {  	s3 =	rddreg [dreg:$0x2];
	[bflag:$0x3] =	sbarrier.arrive $0xFFFF;
	s2 =	simm.s32 @!p0 $0x1C01  }
0x89: {  	[timem:s3], [sflag:s2] =	dma.local @!p0 [hbm:s0], s1  }
0x8a: {  	s0 =	simm.s32 @!p0 $0x1  }
0x8b: {  	_ =	swait.ge @!p0 [sflag:s0], s1  }
0x8c: {  	s1 =	ssub.s32 @!p0 $0x0, s1;
	[sflag:s0] =	ssyncset.done @!p0 $0x0  }
0x8d: {  	[sflag:s0] =	ssyncadd.s32 @!p0 s1  }
0x8e: {  	[bflag:$0x3] =	sbarrier.arrive $0xFFFF  }
0x8f: {  	_ =	shalt  }

// kernel: kernel.14.cloned.1.call-start
scs
__scs_entry_jumppad:
0x0: {  	(pc) =	sbr.rel $0x88, $3  }
0x1: {  	(tag) =	ssettag $0x0;
	lr =	simm.s32 $0x1  }
0x2: {  	[smem:$0x3F9B] =	sst lr;
	_ =	strace $0xD0000000  }
0x3: {  	_ = 	snop  }
0x4: {  	_ = 	snop  }
0x5: {  	_ = 	snop  }
0x6: {  	_ = 	snop  }
0x7: {  	_ = 	snop  }
__scs_overlays_trampoline_lowered:
0x8: {  	[smem:$0x3FAA] =	sst s0  }
0x9: {  	[smem:$0x3FAB] =	sst s1  }
0xa: {  	[smem:$0x3FAC] =	sst s2  }
0xb: {  	[smem:$0x3FAD] =	sst s3  }
0xc: {  	[smem:$0x3FAE] =	sst s4  }
0xd: {  	[smem:$0x3FAF] =	sst s5  }
0xe: {  	[smem:$0x3FB0] =	sst s6  }
0xf: {  	[smem:$0x3FB1] =	sst s7  }
0x10: {  	[smem:$0x3FB2] =	sst s8  }
0x11: {  	[smem:$0x3FB3] =	sst s9;
	s0 =	simm.s32 @!p0 $0x0  }
0x12: {  	s1 =	sld [smem:$0x3F99];
	s0 =	simm.s32 @p0 $0x1  }
0x13: {  	[smem:$0x3FB4] =	sst s0;
	s0 =	simm.s32 @!p1 $0x0  }
0x14: {  	s2 =	sld [smem:$0x3F98];
	s0 =	simm.s32 @p1 $0x1  }
0x15: {  	[smem:$0x3FB5] =	sst s0;
	s0 =	simm.s32 @!p2 $0x0  }
0x16: {  	s3 =	sld [smem:$0x3FDB];
	s0 =	simm.s32 @p2 $0x1  }
0x17: {  	s4 =	simm.s32 $0x1BF5;
	[smem:$0x3FB7] =	sst s0  }
0x18: {  	s0 =	sld [smem:$0x3F9A];
	_ =	swait.ge [sflag:s4], $0x0  }
0x19: {  	s7 =	sld [smem:$0x3F9B]  }
0x1a: {  	s8 =	sadd.s32 $0xFFFFE003, lr  }
0x1b: {  	s9 =	sadd.s32 $0xFFFFFEF7, lr;
	s5 =	simm.s32 $0xFFFFFFFF;
	p2 =	slt.u32 s8, $0xFFFFF086  }
0x1c: {  	p1 =	slt.u32 s9, $0xF7A;
	s5 =	simm.s32 @!p2 $0x0  }
0x1d: {  	s5 =	simm.s32 @p1 $0x1;
	p0 =	seq.s32 s7, s2  }
0x1e: {  	s7 =	smul.u32 @!p0 $0xF7A, s2;
	p2 =	seq.s32 @!p0 s5, $0x0  }
0x1f: {  	s9 =	smul.u32 $0xF7A, s1;
	s8 =	simm.s32 @!p0 $0x1BF5;
	p2 =	por !p2, p0  }
0x20: {  	[sflag:s8] =	ssyncset.s32 @!p0 $0xFFFFF086;
	s6 =	sadd.s32 @!p0 s3, s7;
	s7 =	simm.s32 @!p0 $0x108  }
0x21: {  	s3 =	sadd.s32 s3, s9;
	s6 =	sadd.s32 @!p0 $0x88, s6;
	s7 =	simm.s32 @p2 $0x1082  }
0x22: {  	[simem:s7], [sflag:s8] =	dma.local @!p0 [hbm:s6], $0xF7A  }
0x23: {  	s9 =	sor.u32 $0xD0000000, s2;
	s6 =	simm.s32 $0x108;
	_ =	swait.ge @!p0 [sflag:s8], $0x0  }
0x24: {  	s3 =	sadd.s32 $0x88, s3;
	s6 =	simm.s32 @!p1 $0x1082;
	[sflag:s4] =	ssyncset.s32 $0xFFFFF086  }
0x25: {  	[simem:s6], [sflag:s4] =	dma.local [hbm:s3], $0xF7A  }
0x26: {  	[smem:$0x3F9B] =	sst s1;
	(tag) =	ssettag s2;
	_ =	strace s9  }
0x27: {  	s1 =	sld [smem:$0x3FAB]  }
0x28: {  	s2 =	sld [smem:$0x3FAC]  }
0x29: {  	s4 =	sld [smem:$0x3FAE]  }
0x2a: {  	p0 =	seq.s32 s5, $0x0;
	s5 =	sld [smem:$0x3FAF]  }
0x2b: {  	s6 =	sld [smem:$0x3FB0]  }
0x2c: {  	s7 =	sld [smem:$0x3FB1]  }
0x2d: {  	s3 =	simm.s32 $0x108;
	s8 =	sld [smem:$0x3FB2]  }
0x2e: {  	s3 =	simm.s32 @!p0 $0x1082;
	s9 =	sld [smem:$0x3FB3]  }
0x2f: {  	lr =	sadd.s32 s0, s3;
	s0 =	sld [smem:$0x3FAA]  }
0x30: {  	s3 =	sld [smem:$0x3FAD]  }
0x31: {  	[smem:$0x3FB6] =	sst s10  }
0x32: {  	s10 =	sld [smem:$0x3FB4];
	_ =	sdelay $0x3  }
0x33: {  	p0 =	seq.s32 s10, $0x1;
	s10 =	sld [smem:$0x3FB6];
	_ =	sdelay $0x3  }
0x34: {  	[smem:$0x3FB6] =	sst s10  }
0x35: {  	s10 =	sld [smem:$0x3FB5];
	_ =	sdelay $0x3  }
0x36: {  	p1 =	seq.s32 s10, $0x1;
	s10 =	sld [smem:$0x3FB6];
	_ =	sdelay $0x3  }
0x37: {  	[smem:$0x3FB6] =	sst s10  }
0x38: {  	s10 =	sld [smem:$0x3FB7]  }
0x39: {  	_ = 	snop;
	(pc) =	sbr.ind lr, $3  }
0x3a: {  	_ = 	snop  }
0x3b: {  	_ = 	snop  }
0x3c: {  	p2 =	seq.s32 s10, $0x1;
	s10 =	sld [smem:$0x3FB6]  }
0x3d: {  	_ =	shalt  }
0x3e: {  	_ =	shalt  }
0x3f: {  	_ =	shalt  }
0x40: {  	_ =	shalt  }
0x41: {  	_ =	shalt  }
0x42: {  	_ =	shalt  }
0x43: {  	_ =	shalt  }
0x44: {  	_ =	shalt  }
0x45: {  	_ =	shalt  }
0x46: {  	_ =	shalt  }
0x47: {  	_ =	shalt  }
0x48: {  	_ =	shalt  }
0x49: {  	_ =	shalt  }
0x4a: {  	_ =	shalt  }
0x4b: {  	_ =	shalt  }
0x4c: {  	_ =	shalt  }
0x4d: {  	_ =	shalt  }
0x4e: {  	_ =	shalt  }
0x4f: {  	_ =	shalt  }
0x50: {  	_ =	shalt  }
0x51: {  	_ =	shalt  }
0x52: {  	_ =	shalt  }
0x53: {  	_ =	shalt  }
0x54: {  	_ =	shalt  }
0x55: {  	_ =	shalt  }
0x56: {  	_ =	shalt  }
0x57: {  	_ =	shalt  }
0x58: {  	_ =	shalt  }
0x59: {  	_ =	shalt  }
0x5a: {  	_ =	shalt  }
0x5b: {  	_ =	shalt  }
0x5c: {  	_ =	shalt  }
0x5d: {  	_ =	shalt  }
0x5e: {  	_ =	shalt  }
0x5f: {  	_ =	shalt  }
0x60: {  	_ =	shalt  }
0x61: {  	_ =	shalt  }
0x62: {  	_ =	shalt  }
0x63: {  	_ =	shalt  }
0x64: {  	_ =	shalt  }
0x65: {  	_ =	shalt  }
0x66: {  	_ =	shalt  }
0x67: {  	_ =	shalt  }
0x68: {  	_ =	shalt  }
0x69: {  	_ =	shalt  }
0x6a: {  	_ =	shalt  }
0x6b: {  	_ =	shalt  }
0x6c: {  	_ =	shalt  }
0x6d: {  	_ =	shalt  }
0x6e: {  	_ =	shalt  }
0x6f: {  	_ =	shalt  }
0x70: {  	_ =	shalt  }
0x71: {  	_ =	shalt  }
0x72: {  	_ =	shalt  }
0x73: {  	_ =	shalt  }
0x74: {  	_ =	shalt  }
0x75: {  	_ =	shalt  }
0x76: {  	_ =	shalt  }
0x77: {  	_ =	shalt  }
0x78: {  	_ =	shalt  }
0x79: {  	_ =	shalt  }
0x7a: {  	_ =	shalt  }
0x7b: {  	_ =	shalt  }
0x7c: {  	_ =	shalt  }
0x7d: {  	_ =	shalt  }
0x7e: {  	_ =	shalt  }
0x7f: {  	_ =	shalt  }
0x80: {  	_ =	shalt  }
0x81: {  	_ =	shalt  }
0x82: {  	_ =	shalt  }
0x83: {  	_ =	shalt  }
0x84: {  	_ =	shalt  }
0x85: {  	_ =	shalt  }
0x86: {  	_ =	shalt  }
0x87: {  	_ =	shalt  }
.Lfunc_end0:
.L_simem_size_0:
called_computation.2_lowered:
.L_overlay_start_0:
0x88: {  	s2 =	sld [smem:$0x3FD9]  }
0x89: {  	s3 =	sld [smem:$0x3FFE];
	_ =	sdelay $0x1  }
0x8a: {  	s1 =	srdreg.scid  }
0x8b: {  	s0 =	sand.u32 $0x1, s1  }
0x8c: {  	s17 =	sshll.u32 s0, $0xA;
	s2 =	sadd.s32 s3, s2  }
0x8d: {  	s2 =	sadd.s32 s2, s17  }
0x8e: {  	[smem:$0x3FC2] =	sst s2  }
0x8f: {  	_ = 	snop  }
0x90: {  	s2 =	sld [smem:$0x3FD0];
	(tm) =	ssettm $0x1  }
0x91: {  	s18 =	sld [smem:$0x3FFB];
	_ =	sdelay $0x3  }
0x92: {  	_ =	strace s18  }
0x93: {  	s3 =	sld [smem:$0x3FFC];
	_ =	sdelay $0x3  }
0x94: {  	_ =	strace s3  }
0x95: {  	s3 =	sld [smem:$0x3FFD];
	_ =	sdelay $0x3  }
0x96: {  	_ =	strace s3  }
0x97: {  	_ =	strace $0x8FFFFFFF  }
0x98: {  	s19 =	sld [smem:$0x3FDB];
	_ =	sdelay $0x1  }
0x99: {  	s4 =	simm.s32 $_scs_section_size  }
0x9a: {  	s5 =	simm.s32 $_size__tile_overlayer_lowered;
	s6 =	simm.s32 $_tile_overlayer_lowered  }
0x9b: {  	s22 =	simm.s32 $0x1BFF;
	s21 =	sshll.u32 s6, $0x1;
	s3 =	sadd.s32 s4, s19  }
0x9c: {  	s7 =	simm.s32 $0x0;
	s20 =	sshll.u32 s5, $0x1;
	s5 =	sadd.s32 s21, s3  }
0x9d: {  	[timem:s7], [sflag:s22] =	dma.local [hbm:s5], s20  }
0x9e: {  	_ =	swait.ge [sflag:s22], s20  }
0x9f: {  	s4 =	ssub.s32 $0x0, s20;
	[sflag:s22] =	ssyncset.done $0x0  }
0xa0: {  	[sflag:s22] =	ssyncadd.s32 s4;
	_ =	sdelay $0x1  }
0xa1: {  	s23 =	simm.s32 $0x1B8B  }
0xa2: {  	_ =	swait.ge [sflag:s23], $0x1  }
0xa3: {  	[sflag:s23] =	ssyncset.done $0x0  }
0xa4: {  	s25 =	simm.s32 $0x1B8E;
	s24 =	sld [smem:$0x3FFE];
	[sflag:s23] =	ssyncadd.s32 $0xFFFFFFFF  }
0xa5: {  	s26 =	simm.s32 $execute0_lowered;
	[smem:$0x3FD2] =	sst s25  }
0xa6: {  	s5 =	sshll.u32 s26, $0x1;
	_ =	strace $0x8000004C;
	[dreg:$0x1] =	wrdreg $0xFFFFFFFF  }
0xa7: {  	s28 =	simm.s32 $_size_execute0_lowered;
	s3 =	sadd.s32 s3, s5;
	[dreg:$0x0] =	wrdreg $0x0  }
0xa8: {  	s5 =	sshll.u32 s28, $0x1;
	[dreg:$0x2] =	wrdreg s3  }
0xa9: {  	[dreg:$0x3] =	wrdreg s5  }
0xaa: {  	[dreg:$0x4] =	wrdreg $0xC0  }
0xab: {  	_ =	task [dreg:s7], $0x5FFFF  }
0xac: {  	[dreg:$0x1] =	wrdreg $0xFFFFFFFF  }
0xad: {  	[dreg:$0x0] =	wrdreg $0x60  }
0xae: {  	[dreg:$0x2] =	wrdreg s24  }
0xaf: {  	[dreg:$0x3] =	wrdreg s2  }
0xb0: {  	[dreg:$0x4] =	wrdreg $0x0  }
0xb1: {  	[dreg:$0x5] =	wrdreg $0x9  }
0xb2: {  	_ =	task.clear_ibuf [dreg:s7], $0x6FFFF;
	_ =	strace $0x9000004C  }
0xb3: {  	s29 =	simm.s32 $0x9;
	_ =	strace $0x8000004E  }
0xb4: {  	_ =	swait.ge [sflag:s29], $0x1  }
0xb5: {  	[sflag:s29] =	ssyncadd.s32 $0xFFFFFFFF  }
0xb6: {  	_ =	strace $0x9000004E  }
0xb7: {  	_ =	sfence  }
0xb8: {  	s30 =	sld [smem:$0x0];
	_ =	sdelay $0x2  }
0xb9: {  	s31 =	sshll.u32 s1, $0xD;
	s1 =	sshrl.u32 s1, $0x2  }
0xba: {  	s3 =	sand.u32 $0x4000, s31;
	s1 =	sadd.s32 s1, s30  }
0xbb: {  	s0 =	sor.u32 s3, s0;
	s1 =	sshll.u32 s1, $0x11  }
0xbc: {  	s0 =	sor.u32 s1, s0  }
0xbd: {  	s0 =	sadd.s32 $0x8F2B, s0  }
0xbe: {  	[sflag:s0] =	ssyncadd.remote.s32 $0x1  }
0xbf: {  	_ =	sfence.sel $0xFFFF  }
0xc0: {  	[dreg:$0x0] =	wrdreg $0xFFFFFFFF;
	(pc) =	sbr.abs _section_cstart, $3  }
0xc1: {  	[dreg:$0x1] =	wrdreg $0xFFFFFFFF  }
0xc2: {  	_ =	task.clear_ibuf [dreg:s7], $0x2FFFF;
	_ =	strace $0x9FFFFFFF  }
0xc3: {  	(tm) =	ssettm $0x7FFFFFFF  }
tec
execute0_lowered:
.L_overlay_start_1:
0x0: {  	(tag) =	ssettag $0x1  }
0x1: {  	s1 =	rddreg [dreg:$0x0]  }
0x2: {  	s0 =	srdreg.scid;
	s5 =	rddreg [dreg:$0x1]  }
0x3: {  	s10 =	stileid.u32;
	s2 =	rddreg [dreg:$0x2]  }
0x4: {  	s29 =	simm.s32 $0x10;
	s13 =	simm.s32 $0x14480;
	s14 =	simm.s32 $0x5  }
0x5: {  	s15 =	simm.s32 $0x13880;
	s16 =	simm.s32 $0x13C80;
	s17 =	simm.s32 $0x14080  }
0x6: {  	s18 =	simm.s32 $0x7D;
	s20 =	simm.s32 $0x18480;
	s21 =	simm.s32 $0x1  }
0x7: {  	s22 =	simm.s32 $0x3;
	s24 =	simm.s32 $0x2;
	s12 =	simm.s32 $0x13F00  }
0x8: {  	s11 =	simm.s32 $0x13F80;
	s19 =	simm.s32 $0x14000;
	s9 =	smul.u32 $0x5000, s10  }
0x9: {  	s23 =	simm.s32 $0x0;
	s0 =	sand.u32 $0x1, s0;
	s31 =	smul.u32 $0x280, s10  }
0xa: {  	p0 =	slt.u32 s10, $0xA;
	s3 =	sshll.u32 s0, $0x4;
	s7 =	smul.u32 $0x27100, s0  }
0xb: {  	s0 =	ssub.s32 $0x2, s0;
	s29 =	simm.s32 @!p0 $0xF;
	s4 =	sor.u32 s10, s3  }
0xc: {  	s3 =	simm.s32 $0x0;
	s26 =	sshrl.u32 s0, $0x1;
	s28 =	sshrl.u32 s9, $0x2  }
0xd: {  	s10 =	simm.s32 $0x13B80;
	s6 =	smul.u32 $0x500, s4;
	[smem:$0x7FF] =	sst s3  }
0xe: {  	s4 =	sadd.s32 $0x2C000, s1;
	_ =	strace $0x8000004D;
	[dreg:$0x7] =	wrdreg s31  }
0xf: {  	s0 =	ssub.s32 s0, s26;
	s30 =	sadd.s32 s28, s2;
	[dreg:$0x4] =	wrdreg s29  }
0x10: {  	s26 =	simm.s32 $0x4;
	s0 =	smax.u32 s0, $0x1;
	[dreg:$0x6] =	wrdreg s30  }
0x11: {  	s8 =	sadd.s32 s6, s1;
	s1 =	sadd.s32 s7, s1;
	s6 =	sadd.s32 s5, s6  }
0x12: {  	[dreg:$0x5] =	wrdreg s0;
	s0 =	simm.s32 $0x13E80;
	s5 =	simm.s32 $0x13C00  }
0x13: {  	v0 =	vimm.f32 $0.0e+00;
	s7 =	sadd.s32 $0x22000, s8;
	s8 =	sadd.s32 $0x1E00, s8;
	s9 =	sadd.s32 $0x164800, s1  }
.LBB2_1:
0x14: {  	[dreg:$0x8] =	wrdreg s23;
	s23 =	simm.s32 $0x0;
	s25 =	simm.s32 $0x200  }
.LBB2_2:
0x15: {  	p0 =	sne.s32 s25, $0x4E00;
	[tilespmem:s23+$0x144F0] =	vst v0  }
0x16: {  	[tilespmem:s23+$0x14480] =	vst v0  }
0x17: {  	[tilespmem:s23+$0x14490] =	vst v0  }
.Ltmp0:
0x18: {  	[tilespmem:s23+$0x144A0] =	vst v0;
	(pc) =	sbr.rel @p0 .LBB2_2-.Ltmp0, $4  }
0x19: {  	[tilespmem:s23+$0x144B0] =	vst v0  }
0x1a: {  	[tilespmem:s23+$0x144C0] =	vst v0  }
0x1b: {  	[tilespmem:s23+$0x144D0] =	vst v0  }
0x1c: {  	[tilespmem:s23+$0x144E0] =	vst v0;
	s23 =	sshra.s32 s25, $0x2;
	s25 =	sadd.s32 $0x200, s25  }
0x1d: {  	[tilespmem:s23+$0x144F0] =	vst v0  }
0x1e: {  	[tilespmem:s23+$0x14480] =	vst v0  }
0x1f: {  	[tilespmem:s23+$0x14490] =	vst v0  }
0x20: {  	[tilespmem:s23+$0x144A0] =	vst v0  }
0x21: {  	[tilespmem:s23+$0x144B0] =	vst v0  }
0x22: {  	[tilespmem:s23+$0x144C0] =	vst v0;
	p0 =	sne.s32 s29, $0x1  }
.Ltmp1:
0x23: {  	[tilespmem:s23+$0x144D0] =	vst v0;
	(pc) =	sbr.rel @!p0 .LBB2_5-.Ltmp1, $4  }
0x24: {  	[tilespmem:s23+$0x144E0] =	vst v0  }
0x25: {  	[spmem:s30] =	stream.linear.scatter [tilespmem:s13], [sflag:$0x5], $0x1400, $0x38;
	[tilespmem:$0x1C480] =	vst v63  }
0x26: {  	_ =	swait.ge [sflag:s14], $0x1400  }
0x27: {  	s23 =	sadd.s32 $0xFFFFFFFF, s29;
	s25 =	smov.u32 s30;
	[sflag:s14] =	ssyncset.done $0x0  }
.LBB2_4:
0x28: {  	p1 =	sne.s32 s23, $0x1;
	[sflag:s14] =	ssyncadd.s32 $0xFFFFEC00;
	s25 =	sadd.s32 $0x14000, s25  }
.Ltmp2:
0x29: {  	s23 =	sadd.s32 $0xFFFFFFFF, s23;
	(pc) =	sbr.rel @p1 .LBB2_4-.Ltmp2, $4  }
0x2a: {  	_ = 	snop  }
0x2b: {  	[spmem:s25] =	stream.linear.scatter [tilespmem:s13], [sflag:$0x5], $0x1400, $0x38;
	[tilespmem:$0x1C480] =	vst v63  }
0x2c: {  	_ =	swait.ge [sflag:s14], $0x1400  }
0x2d: {  	[sflag:s14] =	ssyncset.done $0x0  }
.LBB2_5:
0x2e: {  	[sflag:s14] =	ssyncadd.s32 $0xFFFFEC00  }
0x2f: {  	s23 =	simm.s32 $0x0;
	s25 =	simm.s32 $0x0;
	[bflag:$0x0] =	sbarrier.arrive $0xFFFF  }
.LBB2_6:
0x30: {  	s28 =	sshll.u32 s25, $0x7  }
0x31: {  	s29 =	sadd.s32 s28, s6  }
0x32: {  	[tilespmem:s15], [sflag:$0x5] =	stream.linear.gather [hbm4b:s29+s23], $0x400, $0x38;
	[tilespmem:$0x1C480] =	vst v63  }
0x33: {  	_ =	swait.ge [sflag:s14], $0x400  }
0x34: {  	[sflag:s14] =	ssyncset.done $0x0  }
0x35: {  	s29 =	sadd.s32 s28, s7;
	[sflag:s14] =	ssyncadd.s32 $0xFFFFFC00  }
0x36: {  	[tilespmem:s16], [sflag:$0x5] =	stream.linear.gather [hbm4b:s29+s23], $0x400, $0x38;
	[tilespmem:$0x1C480] =	vst v63  }
0x37: {  	_ =	swait.ge [sflag:s14], $0x400  }
0x38: {  	[sflag:s14] =	ssyncset.done $0x0  }
0x39: {  	s28 =	sadd.s32 s28, s8;
	[sflag:s14] =	ssyncadd.s32 $0xFFFFFC00  }
0x3a: {  	[tilespmem:s17], [sflag:$0x5] =	stream.linear.gather [hbm4b:s28+s23], $0x400, $0x38;
	[tilespmem:$0x1C480] =	vst v63  }
0x3b: {  	_ =	swait.ge [sflag:s14], $0x400  }
0x3c: {  	[sflag:s14] =	ssyncset.done $0x0  }
0x3d: {  	[sflag:s14] =	ssyncadd.s32 $0xFFFFFC00  }
0x3e: {  	[tilespmem:s13], [sflag:$0x1] =	stream.indirect.gather [hbm4b:s4+s18], $0x80, s15, s18, $0xb8;
	[tilespmem:$0x1C480] =	vst v63  }
0x3f: {  	v1 =	vmov s23;
	s1 =	simm.s32 $0x13900;
	s28 =	simm.s32 $0x4  }
0x40: {  	v2 =	vmov s28;
	[tilespmem:s20], [sflag:$0x2] =	stream.indirect.gather [hbm4b:s4+s18], $0x80, s1, s18, $0xb8;
	[tilespmem:$0x1C480] =	vst v63  }
0x41: {  	_ =	swait.ge [sflag:s21], $0x3E80  }
0x42: {  	[sflag:s21] =	ssyncset.done $0x0  }
0x43: {  	[sflag:s21] =	ssyncadd.s32 $0xFFFFC180  }
0x44: {  	v3 =	vld.idx.msk [tilespmem:v1+s17+$0x0], $0xffff  }
0x45: {  	s28 =	simm.s32 $0x145C0;
	v1 =	vld.idx.msk [tilespmem:v2+s17+$0x0], $0xffff  }
0x46: {  	v2 =	vld [tilespmem:s28+$0x130]  }
0x47: {  	v4 =	vld [tilespmem:s28+$0xFFFFFEC0]  }
0x48: {  	s29 =	simm.s32 $0x1;
	v5 =	vld [tilespmem:s28+$0xFFFFFED0]  }
0x49: {  	v6 =	vmov s29;
	v7 =	vld [tilespmem:s28+$0xFFFFFEE0]  }
0x4a: {  	v8 =	vld [tilespmem:s28+$0xFFFFFEF0]  }
0x4b: {  	v9 =	vld [tilespmem:s28+$0xFFFFFF00]  }
0x4c: {  	v10 =	vld [tilespmem:s28+$0xFFFFFF10]  }
0x4d: {  	v11 =	vld [tilespmem:s28+$0xFFFFFF20]  }
0x4e: {  	v6 =	vld.idx.msk [tilespmem:v6+s17+$0x0], $0xffff;
	v4 =	vmul.f32 v4, v3  }
0x4f: {  	v12 =	vld [tilespmem:s28+$0xFFFFFF40];
	v2 =	vmul.f32 v2, v1  }
0x50: {  	v13 =	vld [tilespmem:s28+$0xFFFFFF50];
	v5 =	vmul.f32 v5, v3;
	[tilespmem:s28+$0xFFFFFEC0] =	vst v4  }
0x51: {  	v10 =	vmul.f32 v10, v3;
	v4 =	vld [tilespmem:s28+$0xFFFFFF30];
	[tilespmem:s28+$0x130] =	vst v2  }
0x52: {  	v11 =	vmul.f32 v11, v3;
	v2 =	vmul.f32 v7, v3;
	v7 =	vld [tilespmem:s28+$0xFFFFFF60];
	[tilespmem:s28+$0xFFFFFED0] =	vst v5  }
0x53: {  	v5 =	vmul.f32 v8, v3;
	v8 =	vld [tilespmem:s28+$0xFFFFFF70];
	[tilespmem:s28+$0xFFFFFF10] =	vst v10  }
0x54: {  	s29 =	simm.s32 $0x2;
	[tilespmem:s28+$0xFFFFFF20] =	vst v11;
	v11 =	vld [tilespmem:s28+$0xFFFFFFC0]  }
0x55: {  	v14 =	vmov s29;
	v10 =	vmul.f32 v13, v6;
	[tilespmem:s28+$0xFFFFFEE0] =	vst v2;
	v2 =	vmul.f32 v9, v3;
	v9 =	vld [tilespmem:s28+$0xFFFFFF80]  }
0x56: {  	s29 =	simm.s32 $0x3;
	[tilespmem:s28+$0xFFFFFEF0] =	vst v5;
	v5 =	vmul.f32 v12, v6;
	v12 =	vld [tilespmem:s28+$0xFFFFFF90]  }
0x57: {  	v13 =	vmov s29;
	[tilespmem:s28+$0xFFFFFF50] =	vst v10;
	v10 =	vld [tilespmem:s28+$0xFFFFFFE0]  }
0x58: {  	[tilespmem:s28+$0xFFFFFF00] =	vst v2;
	v2 =	vld [tilespmem:s28+$0xFFFFFFA0];
	v3 =	vmul.f32 v4, v3  }
0x59: {  	[tilespmem:s28+$0xFFFFFF40] =	vst v5;
	v4 =	vld [tilespmem:s28+$0xFFFFFFB0];
	v8 =	vmul.f32 v8, v6  }
0x5a: {  	v5 =	vld.idx.msk [tilespmem:v14+s17+$0x0], $0xffff;
	[tilespmem:s28+$0xFFFFFF30] =	vst v3;
	v3 =	vmul.f32 v7, v6  }
0x5b: {  	v7 =	vld [tilespmem:s28+$0xFFFFFFD0];
	[tilespmem:s28+$0xFFFFFF70] =	vst v8;
	v8 =	vmul.f32 v12, v6  }
0x5c: {  	v13 =	vld.idx.msk [tilespmem:v13+s17+$0x0], $0xffff;
	[tilespmem:s28+$0xFFFFFF60] =	vst v3;
	v3 =	vmul.f32 v9, v6  }
0x5d: {  	v9 =	vld [tilespmem:s28+$0xFFFFFFF0];
	v2 =	vmul.f32 v2, v6;
	[tilespmem:s28+$0xFFFFFF90] =	vst v8  }
0x5e: {  	v12 =	vld [tilespmem:s28+$0x0];
	v4 =	vmul.f32 v4, v6;
	[tilespmem:s28+$0xFFFFFF80] =	vst v3  }
0x5f: {  	v3 =	vmul.f32 v11, v5;
	v11 =	vld [tilespmem:s28+$0x10];
	[tilespmem:s28+$0xFFFFFFA0] =	vst v2  }
0x60: {  	v8 =	vld [tilespmem:s28+$0x20];
	v2 =	vmul.f32 v7, v5;
	[tilespmem:s28+$0xFFFFFFB0] =	vst v4  }
0x61: {  	v6 =	vld [tilespmem:s28+$0x40];
	v4 =	vmul.f32 v10, v5;
	[tilespmem:s28+$0xFFFFFFC0] =	vst v3  }
0x62: {  	v3 =	vld [tilespmem:s28+$0x30];
	[tilespmem:s28+$0xFFFFFFD0] =	vst v2;
	v2 =	vmul.f32 v9, v5  }
0x63: {  	v7 =	vld [tilespmem:s28+$0x50];
	[tilespmem:s28+$0xFFFFFFE0] =	vst v4;
	v4 =	vmul.f32 v12, v5  }
0x64: {  	v9 =	vld [tilespmem:s28+$0x60];
	[tilespmem:s28+$0xFFFFFFF0] =	vst v2;
	v2 =	vmul.f32 v11, v5  }
0x65: {  	v10 =	vld [tilespmem:s28+$0x70];
	[tilespmem:s28+$0x0] =	vst v4;
	v4 =	vmul.f32 v8, v5  }
0x66: {  	v8 =	vld [tilespmem:s28+$0x80];
	[tilespmem:s28+$0x10] =	vst v2;
	v2 =	vmul.f32 v6, v13  }
0x67: {  	v6 =	vld [tilespmem:s28+$0x90];
	v3 =	vmul.f32 v3, v5;
	[tilespmem:s28+$0x20] =	vst v4  }
0x68: {  	v5 =	vld [tilespmem:s28+$0xA0];
	v4 =	vmul.f32 v7, v13;
	[tilespmem:s28+$0x40] =	vst v2  }
0x69: {  	[tilespmem:s28+$0x30] =	vst v3;
	v2 =	vmul.f32 v9, v13;
	v9 =	vld [tilespmem:s28+$0xB0]  }
0x6a: {  	v12 =	vld [tilespmem:s28+$0xC0];
	[tilespmem:s28+$0x50] =	vst v4;
	v4 =	vmul.f32 v10, v13  }
0x6b: {  	s29 =	simm.s32 $0x5;
	v3 =	vld [tilespmem:s28+$0xD0];
	[tilespmem:s28+$0x60] =	vst v2;
	v2 =	vmul.f32 v8, v13  }
0x6c: {  	s30 =	simm.s32 $0x6;
	v7 =	vmov s29;
	[tilespmem:s28+$0x70] =	vst v4;
	v4 =	vld [tilespmem:s28+$0xE0];
	v6 =	vmul.f32 v6, v13  }
0x6d: {  	s31 =	simm.s32 $0x7;
	v8 =	vmov s30;
	v14 =	vmul.f32 v5, v13;
	v5 =	vld [tilespmem:s28+$0xF0];
	[tilespmem:s28+$0x80] =	vst v2  }
0x6e: {  	s29 =	simm.s32 $0x8;
	v10 =	vmov s31;
	[tilespmem:s28+$0x90] =	vst v6;
	v6 =	vld [tilespmem:s28+$0x100];
	v11 =	vmul.f32 v9, v13  }
0x6f: {  	v12 =	vmul.f32 v12, v1;
	s31 =	simm.s32 $0x9;
	s30 =	simm.s32 $0xA;
	v2 =	vmov s29;
	s29 =	simm.s32 $0x145C0;
	[tilespmem:s28+$0xA0] =	vst v14;
	v9 =	vld [tilespmem:s28+$0x110]  }
.LBB2_7:
0x70: {  	p1 =	slt.u32 s30, $0x78;
	v13 =	vmov s31;
	[tilespmem:s28+$0xB0] =	vst v11;
	v3 =	vmul.f32 v3, v1;
	v11 =	vld [tilespmem:s28+$0x120]  }
0x71: {  	v7 =	vld.idx.msk [tilespmem:v7+s17+$0x0], $0xffff;
	[tilespmem:s28+$0xC0] =	vst v12;
	v4 =	vmul.f32 v4, v1  }
0x72: {  	v8 =	vld.idx.msk [tilespmem:v8+s17+$0x0], $0xffff;
	[tilespmem:s28+$0xD0] =	vst v3;
	v3 =	vmul.f32 v5, v1  }
0x73: {  	v5 =	vld.idx.msk [tilespmem:v10+s17+$0x0], $0xffff;
	[tilespmem:s28+$0xE0] =	vst v4;
	v4 =	vmul.f32 v6, v1  }
0x74: {  	v2 =	vld.idx.msk [tilespmem:v2+s17+$0x0], $0xffff;
	[tilespmem:s28+$0xF0] =	vst v3;
	v3 =	vmul.f32 v9, v1  }
0x75: {  	s28 =	sadd.s32 $0x280, s28;
	[tilespmem:s29+$0x100] =	vst v4;
	v4 =	vmul.f32 v11, v1;
	v1 =	vld.idx.msk [tilespmem:v13+s17+$0x0], $0xffff  }
0x76: {  	v6 =	vld [tilespmem:s28+$0x130];
	[tilespmem:s29+$0x110] =	vst v3  }
0x77: {  	v3 =	vld [tilespmem:s28+$0xFFFFFEC0];
	[tilespmem:s29+$0x120] =	vst v4;
	s29 =	smov.u32 s28  }
0x78: {  	v4 =	vld [tilespmem:s28+$0xFFFFFED0]  }
0x79: {  	v9 =	vld [tilespmem:s28+$0xFFFFFEE0]  }
0x7a: {  	v10 =	vld [tilespmem:s28+$0xFFFFFEF0]  }
0x7b: {  	v11 =	vld [tilespmem:s28+$0xFFFFFF00];
	v6 =	vmul.f32 v6, v1  }
0x7c: {  	v3 =	vmul.f32 v3, v7;
	v12 =	vld [tilespmem:s28+$0xFFFFFF10]  }
0x7d: {  	v4 =	vmul.f32 v4, v7;
	v13 =	vld [tilespmem:s28+$0xFFFFFF20];
	[tilespmem:s28+$0x130] =	vst v6  }
0x7e: {  	[tilespmem:s28+$0xFFFFFEC0] =	vst v3;
	v3 =	vmul.f32 v9, v7;
	v6 =	vld [tilespmem:s28+$0xFFFFFF30]  }
0x7f: {  	[tilespmem:s28+$0xFFFFFED0] =	vst v4;
	v4 =	vmul.f32 v10, v7;
	v9 =	vld [tilespmem:s28+$0xFFFFFF40]  }
0x80: {  	[tilespmem:s28+$0xFFFFFEE0] =	vst v3;
	v3 =	vmul.f32 v11, v7;
	v10 =	vld [tilespmem:s28+$0xFFFFFF50]  }
0x81: {  	[tilespmem:s28+$0xFFFFFEF0] =	vst v4;
	v4 =	vmul.f32 v12, v7;
	v11 =	vld [tilespmem:s28+$0xFFFFFF60]  }
0x82: {  	[tilespmem:s28+$0xFFFFFF00] =	vst v3;
	v3 =	vmul.f32 v13, v7;
	v12 =	vld [tilespmem:s28+$0xFFFFFF70]  }
0x83: {  	[tilespmem:s28+$0xFFFFFF10] =	vst v4;
	v4 =	vmul.f32 v6, v7;
	v6 =	vld [tilespmem:s28+$0xFFFFFF80]  }
0x84: {  	[tilespmem:s28+$0xFFFFFF20] =	vst v3;
	v3 =	vmul.f32 v9, v8;
	v7 =	vld [tilespmem:s28+$0xFFFFFF90]  }
0x85: {  	[tilespmem:s28+$0xFFFFFF30] =	vst v4;
	v4 =	vmul.f32 v10, v8;
	v9 =	vld [tilespmem:s28+$0xFFFFFFA0]  }
0x86: {  	[tilespmem:s28+$0xFFFFFF40] =	vst v3;
	v3 =	vmul.f32 v11, v8;
	v10 =	vld [tilespmem:s28+$0xFFFFFFB0]  }
0x87: {  	[tilespmem:s28+$0xFFFFFF50] =	vst v4;
	v4 =	vmul.f32 v12, v8;
	v11 =	vld [tilespmem:s28+$0xFFFFFFC0]  }
0x88: {  	[tilespmem:s28+$0xFFFFFF60] =	vst v3;
	v3 =	vmul.f32 v6, v8;
	v6 =	vld [tilespmem:s28+$0xFFFFFFD0]  }
0x89: {  	[tilespmem:s28+$0xFFFFFF70] =	vst v4;
	v4 =	vmul.f32 v7, v8;
	v7 =	vld [tilespmem:s28+$0xFFFFFFE0]  }
0x8a: {  	[tilespmem:s28+$0xFFFFFF80] =	vst v3;
	v3 =	vmul.f32 v9, v8;
	v9 =	vld [tilespmem:s28+$0xFFFFFFF0]  }
0x8b: {  	[tilespmem:s28+$0xFFFFFF90] =	vst v4;
	v4 =	vmul.f32 v10, v8;
	v8 =	vld [tilespmem:s28+$0x0]  }
0x8c: {  	[tilespmem:s28+$0xFFFFFFA0] =	vst v3;
	v3 =	vmul.f32 v11, v5;
	v10 =	vld [tilespmem:s28+$0x10]  }
0x8d: {  	[tilespmem:s28+$0xFFFFFFB0] =	vst v4;
	v4 =	vmul.f32 v6, v5;
	v6 =	vld [tilespmem:s28+$0x20]  }
0x8e: {  	[tilespmem:s28+$0xFFFFFFC0] =	vst v3;
	v3 =	vmul.f32 v7, v5;
	v7 =	vld [tilespmem:s28+$0x30]  }
0x8f: {  	[tilespmem:s28+$0xFFFFFFD0] =	vst v4;
	v4 =	vmul.f32 v9, v5;
	v9 =	vld [tilespmem:s28+$0x40]  }
0x90: {  	[tilespmem:s28+$0xFFFFFFE0] =	vst v3;
	v3 =	vmul.f32 v8, v5;
	v8 =	vld [tilespmem:s28+$0x50]  }
0x91: {  	[tilespmem:s28+$0xFFFFFFF0] =	vst v4;
	v4 =	vmul.f32 v10, v5;
	v10 =	vld [tilespmem:s28+$0x60]  }
0x92: {  	[tilespmem:s28+$0x0] =	vst v3;
	v3 =	vmul.f32 v6, v5;
	v6 =	vld [tilespmem:s28+$0x70]  }
0x93: {  	[tilespmem:s28+$0x10] =	vst v4;
	v4 =	vmul.f32 v7, v5;
	v5 =	vld [tilespmem:s28+$0x80]  }
0x94: {  	[tilespmem:s28+$0x20] =	vst v3;
	v3 =	vmul.f32 v9, v2;
	v9 =	vld [tilespmem:s28+$0x90]  }
0x95: {  	[tilespmem:s28+$0x30] =	vst v4;
	v4 =	vmul.f32 v8, v2;
	v11 =	vld [tilespmem:s28+$0xA0]  }
0x96: {  	[tilespmem:s28+$0x40] =	vst v3;
	v3 =	vmul.f32 v10, v2;
	v12 =	vld [tilespmem:s28+$0xB0]  }
0x97: {  	[tilespmem:s28+$0x50] =	vst v4;
	v4 =	vmul.f32 v6, v2;
	v13 =	vld [tilespmem:s28+$0xC0]  }
.Ltmp3:
0x98: {  	[tilespmem:s28+$0x60] =	vst v3;
	v5 =	vmul.f32 v5, v2;
	v3 =	vld [tilespmem:s28+$0xD0];
	(pc) =	sbr.rel @p1 .LBB2_7-.Ltmp3, $4  }
0x99: {  	s31 =	sadd.s32 $0x1, s30;
	v7 =	vmov s30;
	[tilespmem:s28+$0x70] =	vst v4;
	v6 =	vmul.f32 v9, v2;
	v4 =	vld [tilespmem:s28+$0xE0]  }
0x9a: {  	v8 =	vmov s31;
	s31 =	sadd.s32 $0x2, s30;
	[tilespmem:s28+$0x80] =	vst v5;
	v9 =	vmul.f32 v11, v2;
	v5 =	vld [tilespmem:s28+$0xF0]  }
0x9b: {  	v10 =	vmov s31;
	s31 =	sadd.s32 $0x3, s30;
	[tilespmem:s28+$0x90] =	vst v6;
	v11 =	vmul.f32 v12, v2;
	v6 =	vld [tilespmem:s28+$0x100]  }
0x9c: {  	v2 =	vmov s31;
	s31 =	sadd.s32 $0x4, s30;
	s30 =	sadd.s32 $0x5, s30;
	[tilespmem:s28+$0xA0] =	vst v9;
	v12 =	vmul.f32 v13, v1;
	v9 =	vld [tilespmem:s28+$0x110]  }
0x9d: {  	_ =	sdelay $0x2  }
0x9e: {  	v14 =	vld [tilespmem:s28+$0x120]  }
0x9f: {  	v7 =	vld.idx.msk [tilespmem:v7+s17+$0x0], $0xffff  }
0xa0: {  	v8 =	vld.idx.msk [tilespmem:v8+s17+$0x0], $0xffff  }
0xa1: {  	v10 =	vld.idx.msk [tilespmem:v10+s17+$0x0], $0xffff  }
0xa2: {  	v13 =	vmov s31;
	v15 =	vld.idx.msk [tilespmem:v2+s17+$0x0], $0xffff;
	[tilespmem:s28+$0xB0] =	vst v11;
	v3 =	vmul.f32 v3, v1;
	s30 =	sadd.s32 $0x280, s28  }
0xa3: {  	[tilespmem:s28+$0xC0] =	vst v12;
	v4 =	vmul.f32 v4, v1;
	v11 =	vld [tilespmem:s30+$0x130]  }
0xa4: {  	[tilespmem:s28+$0xD0] =	vst v3;
	v3 =	vmul.f32 v5, v1;
	v5 =	vld [tilespmem:s30+$0xFFFFFEC0]  }
0xa5: {  	[tilespmem:s28+$0xE0] =	vst v4;
	v4 =	vmul.f32 v6, v1;
	v6 =	vld [tilespmem:s30+$0xFFFFFED0]  }
0xa6: {  	[tilespmem:s28+$0xF0] =	vst v3;
	v3 =	vmul.f32 v9, v1;
	v9 =	vld [tilespmem:s30+$0xFFFFFEE0]  }
0xa7: {  	v2 =	vld.idx.msk [tilespmem:v13+s17+$0x0], $0xffff;
	[tilespmem:s29+$0x100] =	vst v4;
	v1 =	vmul.f32 v14, v1  }
0xa8: {  	v4 =	vld [tilespmem:s30+$0xFFFFFEF0];
	[tilespmem:s29+$0x110] =	vst v3  }
0xa9: {  	v3 =	vld [tilespmem:s30+$0xFFFFFF00];
	[tilespmem:s29+$0x120] =	vst v1;
	v1 =	vmul.f32 v5, v7  }
0xaa: {  	v5 =	vld [tilespmem:s30+$0xFFFFFF10];
	v6 =	vmul.f32 v6, v7  }
0xab: {  	v12 =	vld [tilespmem:s30+$0xFFFFFF20];
	[tilespmem:s30+$0xFFFFFEC0] =	vst v1;
	v1 =	vmul.f32 v9, v7  }
0xac: {  	v9 =	vld [tilespmem:s30+$0xFFFFFF30];
	v11 =	vmul.f32 v11, v2;
	[tilespmem:s30+$0xFFFFFED0] =	vst v6  }
0xad: {  	v4 =	vmul.f32 v4, v7;
	v6 =	vld [tilespmem:s30+$0xFFFFFF40];
	[tilespmem:s30+$0xFFFFFEE0] =	vst v1  }
0xae: {  	v1 =	vmul.f32 v3, v7;
	v3 =	vld [tilespmem:s30+$0xFFFFFF50];
	[tilespmem:s30+$0x130] =	vst v11  }
0xaf: {  	[tilespmem:s30+$0xFFFFFEF0] =	vst v4;
	v4 =	vmul.f32 v5, v7;
	v5 =	vld [tilespmem:s30+$0xFFFFFF60]  }
0xb0: {  	v11 =	vld [tilespmem:s30+$0xFFFFFF70];
	[tilespmem:s30+$0xFFFFFF00] =	vst v1;
	v1 =	vmul.f32 v12, v7  }
0xb1: {  	[tilespmem:s30+$0xFFFFFF10] =	vst v4;
	v4 =	vmul.f32 v9, v7;
	v7 =	vld [tilespmem:s30+$0xFFFFFF80]  }
0xb2: {  	[tilespmem:s30+$0xFFFFFF20] =	vst v1;
	v1 =	vmul.f32 v6, v8;
	v6 =	vld [tilespmem:s30+$0xFFFFFF90]  }
0xb3: {  	[tilespmem:s30+$0xFFFFFF30] =	vst v4;
	v3 =	vmul.f32 v3, v8;
	v4 =	vld [tilespmem:s30+$0xFFFFFFA0]  }
0xb4: {  	[tilespmem:s30+$0xFFFFFF40] =	vst v1;
	v1 =	vmul.f32 v5, v8;
	v5 =	vld [tilespmem:s30+$0xFFFFFFB0]  }
0xb5: {  	v9 =	vld [tilespmem:s30+$0xFFFFFFC0];
	[tilespmem:s30+$0xFFFFFF50] =	vst v3;
	v3 =	vmul.f32 v11, v8  }
0xb6: {  	[tilespmem:s30+$0xFFFFFF60] =	vst v1;
	v1 =	vmul.f32 v7, v8;
	v7 =	vld [tilespmem:s30+$0xFFFFFFD0]  }
0xb7: {  	[tilespmem:s30+$0xFFFFFF70] =	vst v3;
	v3 =	vmul.f32 v6, v8;
	v6 =	vld [tilespmem:s30+$0xFFFFFFE0]  }
0xb8: {  	[tilespmem:s30+$0xFFFFFF80] =	vst v1;
	v1 =	vmul.f32 v4, v8;
	v4 =	vld [tilespmem:s30+$0xFFFFFFF0]  }
0xb9: {  	[tilespmem:s30+$0xFFFFFF90] =	vst v3;
	v3 =	vmul.f32 v5, v8;
	v5 =	vld [tilespmem:s30+$0x0]  }
0xba: {  	v8 =	vld [tilespmem:s30+$0x10];
	[tilespmem:s30+$0xFFFFFFA0] =	vst v1;
	v1 =	vmul.f32 v9, v10  }
0xbb: {  	[tilespmem:s30+$0xFFFFFFB0] =	vst v3;
	v3 =	vmul.f32 v7, v10;
	v7 =	vld [tilespmem:s30+$0x20]  }
0xbc: {  	[tilespmem:s30+$0xFFFFFFC0] =	vst v1;
	v1 =	vmul.f32 v6, v10;
	v6 =	vld [tilespmem:s30+$0x30]  }
0xbd: {  	[tilespmem:s30+$0xFFFFFFD0] =	vst v3;
	v3 =	vmul.f32 v4, v10;
	v4 =	vld [tilespmem:s30+$0x40]  }
0xbe: {  	[tilespmem:s30+$0xFFFFFFE0] =	vst v1;
	v1 =	vmul.f32 v5, v10;
	v5 =	vld [tilespmem:s30+$0x50]  }
0xbf: {  	[tilespmem:s30+$0xFFFFFFF0] =	vst v3;
	v3 =	vmul.f32 v8, v10;
	v8 =	vld [tilespmem:s30+$0x60]  }
0xc0: {  	[tilespmem:s30+$0x0] =	vst v1;
	v1 =	vmul.f32 v7, v10;
	v7 =	vld [tilespmem:s30+$0x70]  }
0xc1: {  	[tilespmem:s30+$0x10] =	vst v3;
	v3 =	vmul.f32 v6, v10;
	v6 =	vld [tilespmem:s30+$0x80]  }
0xc2: {  	[tilespmem:s30+$0x20] =	vst v1;
	v1 =	vmul.f32 v4, v15;
	v4 =	vld [tilespmem:s30+$0x90]  }
0xc3: {  	[tilespmem:s30+$0x30] =	vst v3;
	v3 =	vmul.f32 v5, v15;
	v5 =	vld [tilespmem:s30+$0xA0]  }
0xc4: {  	[tilespmem:s30+$0x40] =	vst v1;
	v1 =	vmul.f32 v8, v15;
	v8 =	vld [tilespmem:s30+$0xB0]  }
0xc5: {  	[tilespmem:s30+$0x50] =	vst v3;
	v3 =	vmul.f32 v7, v15;
	v7 =	vld [tilespmem:s30+$0xC0]  }
0xc6: {  	[tilespmem:s30+$0x60] =	vst v1;
	v1 =	vmul.f32 v6, v15;
	v6 =	vld [tilespmem:s30+$0xD0]  }
0xc7: {  	[tilespmem:s30+$0x70] =	vst v3;
	v3 =	vmul.f32 v4, v15;
	v4 =	vld [tilespmem:s30+$0xE0]  }
0xc8: {  	[tilespmem:s30+$0x80] =	vst v1;
	v1 =	vmul.f32 v5, v15;
	v5 =	vld [tilespmem:s30+$0xF0]  }
0xc9: {  	[tilespmem:s30+$0x90] =	vst v3;
	v3 =	vmul.f32 v8, v15;
	v8 =	vld [tilespmem:s30+$0x100]  }
0xca: {  	[tilespmem:s30+$0xA0] =	vst v1;
	v1 =	vmul.f32 v7, v2;
	v7 =	vld [tilespmem:s30+$0x110]  }
0xcb: {  	[tilespmem:s30+$0xB0] =	vst v3;
	v3 =	vmul.f32 v6, v2;
	v6 =	vld [tilespmem:s30+$0x120]  }
0xcc: {  	[tilespmem:s30+$0xC0] =	vst v1;
	v1 =	vmul.f32 v4, v2  }
0xcd: {  	[tilespmem:s30+$0xD0] =	vst v3;
	v3 =	vmul.f32 v5, v2  }
0xce: {  	[tilespmem:s30+$0xE0] =	vst v1;
	v1 =	vmul.f32 v8, v2  }
0xcf: {  	[tilespmem:s30+$0xF0] =	vst v3;
	v3 =	vmul.f32 v7, v2  }
0xd0: {  	[tilespmem:s30+$0x100] =	vst v1;
	v1 =	vmul.f32 v6, v2  }
0xd1: {  	[tilespmem:s30+$0x110] =	vst v3  }
0xd2: {  	s28 =	simm.s32 $0x0;
	s29 =	simm.s32 $0x1;
	[tilespmem:s30+$0x120] =	vst v1  }
0xd3: {  	v1 =	vmov s28;
	[spmem:s2] =	stream.indirect.scatter.add.f32 [tilespmem:s13], [sflag:$0x3], $0x80, s16, s18, $0xb8;
	[tilespmem:$0x1C480] =	vst v63  }
0xd4: {  	v2 =	vmov s29;
	v1 =	vand.u32 $0x7F, v1;
	_ =	swait.ge [sflag:s22], $0x3E80  }
0xd5: {  	v2 =	vand.u32 $0xFF, v2;
	v1 =	vor.u32 $0x80, v1;
	[sflag:s22] =	ssyncset.done $0x0  }
0xd6: {  	s1 =	simm.s32 $0x13980;
	v2 =	vadd.s32 $0x80, v2;
	v1 =	vbroadcast v1, $0x0;
	[sflag:s22] =	ssyncadd.s32 $0xFFFFC180  }
0xd7: {  	[tilespmem:s13], [sflag:$0x1] =	stream.indirect.gather [hbm4b:s4+s18], $0x80, s1, s18, $0xb8;
	[tilespmem:$0x1C480] =	vst v63  }
0xd8: {  	_ =	swait.ge [sflag:s24], $0x3E80  }
0xd9: {  	[sflag:s24] =	ssyncset.done $0x0  }
0xda: {  	[sflag:s24] =	ssyncadd.s32 $0xFFFFC180  }
0xdb: {  	v3 =	vld.idx.msk [tilespmem:v2+s17+$0x0], $0xffff  }
0xdc: {  	s28 =	simm.s32 $0x185C0;
	v1 =	vld.idx.msk [tilespmem:v1+s17+$0x0], $0xffff  }
0xdd: {  	v2 =	vld [tilespmem:s28+$0xFFFFFF30]  }
0xde: {  	v4 =	vld [tilespmem:s28+$0xFFFFFEC0]  }
0xdf: {  	s29 =	simm.s32 $0x2;
	v5 =	vld [tilespmem:s28+$0xFFFFFED0]  }
0xe0: {  	v11 =	vmov s29;
	v6 =	vld [tilespmem:s28+$0xFFFFFEE0]  }
0xe1: {  	v11 =	vand.u32 $0xFF, v11;
	v7 =	vld [tilespmem:s28+$0xFFFFFEF0]  }
0xe2: {  	v11 =	vadd.s32 $0x80, v11;
	v8 =	vld [tilespmem:s28+$0xFFFFFF00]  }
0xe3: {  	v9 =	vld [tilespmem:s28+$0xFFFFFF10]  }
0xe4: {  	v10 =	vld [tilespmem:s28+$0xFFFFFF20]  }
0xe5: {  	v12 =	vld [tilespmem:s28+$0xFFFFFF40];
	v2 =	vmul.f32 v2, v1  }
0xe6: {  	v13 =	vld [tilespmem:s28+$0xFFFFFF50];
	v4 =	vmul.f32 v4, v1  }
0xe7: {  	v11 =	vld.idx.msk [tilespmem:v11+s17+$0x0], $0xffff;
	v5 =	vmul.f32 v5, v1;
	[tilespmem:s28+$0xFFFFFF30] =	vst v2  }
0xe8: {  	v8 =	vmul.f32 v8, v1;
	v2 =	vld [tilespmem:s28+$0xFFFFFF60];
	[tilespmem:s28+$0xFFFFFEC0] =	vst v4  }
0xe9: {  	v9 =	vmul.f32 v9, v1;
	v4 =	vmul.f32 v6, v1;
	v6 =	vld [tilespmem:s28+$0xFFFFFF70];
	[tilespmem:s28+$0xFFFFFED0] =	vst v5  }
0xea: {  	v5 =	vmul.f32 v7, v1;
	v7 =	vld [tilespmem:s28+$0xFFFFFF80];
	[tilespmem:s28+$0xFFFFFF00] =	vst v8  }
0xeb: {  	v1 =	vmul.f32 v10, v1;
	[tilespmem:s28+$0xFFFFFF10] =	vst v9;
	v10 =	vld [tilespmem:s28+$0xFFFFFFC0]  }
0xec: {  	v9 =	vmul.f32 v13, v3;
	v13 =	vld [tilespmem:s28+$0xFFFFFFD0];
	[tilespmem:s28+$0xFFFFFEE0] =	vst v4  }
0xed: {  	v4 =	vmul.f32 v12, v3;
	v12 =	vld [tilespmem:s28+$0xFFFFFF90];
	[tilespmem:s28+$0xFFFFFEF0] =	vst v5  }
0xee: {  	s29 =	simm.s32 $0x3;
	v5 =	vld [tilespmem:s28+$0xFFFFFFA0];
	[tilespmem:s28+$0xFFFFFF20] =	vst v1  }
0xef: {  	v8 =	vmov s29;
	[tilespmem:s28+$0xFFFFFF50] =	vst v9;
	v9 =	vld [tilespmem:s28+$0x0]  }
0xf0: {  	v8 =	vand.u32 $0xFF, v8;
	[tilespmem:s28+$0xFFFFFF40] =	vst v4;
	v4 =	vld [tilespmem:s28+$0xFFFFFFB0];
	v1 =	vmul.f32 v2, v3  }
0xf1: {  	v2 =	vadd.s32 $0x80, v8;
	v6 =	vmul.f32 v6, v3;
	v8 =	vld [tilespmem:s28+$0xFFFFFFE0]  }
0xf2: {  	[tilespmem:s28+$0xFFFFFF60] =	vst v1;
	v1 =	vmul.f32 v7, v3;
	v7 =	vld [tilespmem:s28+$0xFFFFFFF0]  }
0xf3: {  	[tilespmem:s28+$0xFFFFFF70] =	vst v6;
	v6 =	vmul.f32 v12, v3;
	v12 =	vld [tilespmem:s28+$0x90]  }
0xf4: {  	v5 =	vmul.f32 v5, v3;
	[tilespmem:s28+$0xFFFFFF80] =	vst v1;
	v1 =	vmul.f32 v10, v11;
	v10 =	vld [tilespmem:s28+$0x10]  }
0xf5: {  	[tilespmem:s28+$0xFFFFFF90] =	vst v6;
	v6 =	vld [tilespmem:s28+$0x20]  }
0xf6: {  	v3 =	vmul.f32 v4, v3;
	[tilespmem:s28+$0xFFFFFFA0] =	vst v5;
	v4 =	vld [tilespmem:s28+$0x30]  }
0xf7: {  	s29 =	simm.s32 $0x4;
	v2 =	vld.idx.msk [tilespmem:v2+s17+$0x0], $0xffff;
	[tilespmem:s28+$0xFFFFFFC0] =	vst v1;
	v1 =	vmul.f32 v13, v11  }
0xf8: {  	v5 =	vmov s29;
	[tilespmem:s28+$0xFFFFFFB0] =	vst v3;
	v3 =	vmul.f32 v8, v11;
	v8 =	vld [tilespmem:s28+$0x40]  }
0xf9: {  	v5 =	vand.u32 $0xFF, v5;
	v13 =	vld [tilespmem:s28+$0xA0];
	[tilespmem:s28+$0xFFFFFFD0] =	vst v1;
	v1 =	vmul.f32 v7, v11  }
0xfa: {  	v5 =	vadd.s32 $0x80, v5;
	v7 =	vld [tilespmem:s28+$0x50];
	[tilespmem:s28+$0xFFFFFFE0] =	vst v3;
	v3 =	vmul.f32 v9, v11  }
0xfb: {  	v9 =	vld [tilespmem:s28+$0x60];
	v4 =	vmul.f32 v4, v11;
	[tilespmem:s28+$0xFFFFFFF0] =	vst v1  }
0xfc: {  	v1 =	vmul.f32 v10, v11;
	v10 =	vld [tilespmem:s28+$0x70];
	[tilespmem:s28+$0x0] =	vst v3  }
0xfd: {  	v3 =	vmul.f32 v6, v11;
	v6 =	vld [tilespmem:s28+$0x80];
	[tilespmem:s28+$0x30] =	vst v4  }
0xfe: {  	v8 =	vmul.f32 v8, v2;
	[tilespmem:s28+$0x10] =	vst v1  }
0xff: {  	s29 =	simm.s32 $0x6;
	[tilespmem:s28+$0x20] =	vst v3;
	v1 =	vld.idx.msk [tilespmem:v5+s17+$0x0], $0xffff;
	v5 =	vmul.f32 v7, v2  }
0x100: {  	v12 =	vmul.f32 v12, v2;
	v4 =	vmov s29;
	s29 =	simm.s32 $0x8;
	v3 =	vld [tilespmem:s28+$0xB0];
	[tilespmem:s28+$0x40] =	vst v8;
	v9 =	vmul.f32 v9, v2  }
0x101: {  	s30 =	simm.s32 $0x7;
	v13 =	vmul.f32 v13, v2;
	v11 =	vmov s29;
	v7 =	vld [tilespmem:s28+$0xC0];
	[tilespmem:s28+$0x50] =	vst v5;
	v5 =	vmul.f32 v10, v2  }
0x102: {  	v15 =	vand.u32 $0xFF, v4;
	v4 =	vld [tilespmem:s28+$0xD0];
	v8 =	vmov s30;
	s30 =	simm.s32 $0x9;
	[tilespmem:s28+$0x60] =	vst v9;
	v6 =	vmul.f32 v6, v2  }
0x103: {  	s29 =	simm.s32 $0x5;
	v11 =	vand.u32 $0xFF, v11;
	v14 =	vmov s30;
	v10 =	vand.u32 $0xFF, v8;
	[tilespmem:s28+$0x70] =	vst v5;
	v5 =	vld [tilespmem:s28+$0xE0]  }
0x104: {  	s30 =	simm.s32 $0xA;
	v9 =	vand.u32 $0xFF, v14;
	v14 =	vmov s29;
	v8 =	vadd.s32 $0x80, v15;
	s29 =	simm.s32 $0x185C0;
	[tilespmem:s28+$0x80] =	vst v6;
	v6 =	vld [tilespmem:s28+$0xF0]  }
.LBB2_9:
0x105: {  	p1 =	slt.u32 s30, $0x78;
	v14 =	vand.u32 $0x7F, v14;
	v10 =	vadd.s32 $0x80, v10;
	[tilespmem:s28+$0x90] =	vst v12;
	v2 =	vmul.f32 v3, v2;
	v3 =	vld [tilespmem:s28+$0x100]  }
0x106: {  	v11 =	vadd.s32 $0x80, v11;
	v12 =	vor.u32 $0x80, v14;
	[tilespmem:s28+$0xA0] =	vst v13;
	v7 =	vmul.f32 v7, v1;
	v13 =	vld [tilespmem:s28+$0x110]  }
0x107: {  	v9 =	vadd.s32 $0x80, v9;
	v12 =	vbroadcast v12, $0x0;
	[tilespmem:s28+$0xB0] =	vst v2;
	v2 =	vmul.f32 v4, v1;
	v4 =	vld [tilespmem:s28+$0x120]  }
0x108: {  	[tilespmem:s28+$0xC0] =	vst v7;
	v5 =	vmul.f32 v5, v1;
	v7 =	vld [tilespmem:s28+$0x130]  }
0x109: {  	v8 =	vld.idx.msk [tilespmem:v8+s17+$0x0], $0xffff;
	[tilespmem:s28+$0xD0] =	vst v2;
	v6 =	vmul.f32 v6, v1  }
0x10a: {  	v10 =	vld.idx.msk [tilespmem:v10+s17+$0x0], $0xffff;
	[tilespmem:s28+$0xE0] =	vst v5;
	v3 =	vmul.f32 v3, v1  }
0x10b: {  	v2 =	vld.idx.msk [tilespmem:v11+s17+$0x0], $0xffff;
	[tilespmem:s28+$0xF0] =	vst v6;
	v5 =	vmul.f32 v13, v1  }
0x10c: {  	v6 =	vld.idx.msk [tilespmem:v9+s17+$0x0], $0xffff;
	[tilespmem:s28+$0x100] =	vst v3;
	v3 =	vmul.f32 v4, v1  }
0x10d: {  	s28 =	sadd.s32 $0x280, s28;
	v4 =	vld.idx.msk [tilespmem:v12+s17+$0x0], $0xffff;
	[tilespmem:s29+$0x110] =	vst v5;
	v1 =	vmul.f32 v7, v1  }
0x10e: {  	v5 =	vld [tilespmem:s28+$0xFFFFFF30];
	[tilespmem:s29+$0x120] =	vst v3  }
0x10f: {  	v3 =	vld [tilespmem:s28+$0xFFFFFEC0];
	[tilespmem:s29+$0x130] =	vst v1;
	s29 =	smov.u32 s28  }
0x110: {  	v7 =	vld [tilespmem:s28+$0xFFFFFED0]  }
0x111: {  	v9 =	vld [tilespmem:s28+$0xFFFFFEE0]  }
0x112: {  	v1 =	vmov v6;
	v11 =	vld [tilespmem:s28+$0xFFFFFEF0]  }
0x113: {  	v6 =	vld [tilespmem:s28+$0xFFFFFF00];
	v5 =	vmul.f32 v5, v4  }
0x114: {  	v3 =	vmul.f32 v3, v4;
	v12 =	vld [tilespmem:s28+$0xFFFFFF10]  }
0x115: {  	v7 =	vmul.f32 v7, v4;
	v13 =	vld [tilespmem:s28+$0xFFFFFF20];
	[tilespmem:s28+$0xFFFFFF30] =	vst v5  }
0x116: {  	[tilespmem:s28+$0xFFFFFEC0] =	vst v3;
	v3 =	vmul.f32 v9, v4;
	v5 =	vld [tilespmem:s28+$0xFFFFFF40]  }
0x117: {  	[tilespmem:s28+$0xFFFFFED0] =	vst v7;
	v7 =	vmul.f32 v11, v4;
	v9 =	vld [tilespmem:s28+$0xFFFFFF50]  }
0x118: {  	[tilespmem:s28+$0xFFFFFEE0] =	vst v3;
	v3 =	vmul.f32 v6, v4;
	v6 =	vld [tilespmem:s28+$0xFFFFFF60]  }
0x119: {  	[tilespmem:s28+$0xFFFFFEF0] =	vst v7;
	v7 =	vmul.f32 v12, v4;
	v11 =	vld [tilespmem:s28+$0xFFFFFF70]  }
0x11a: {  	[tilespmem:s28+$0xFFFFFF00] =	vst v3;
	v3 =	vmul.f32 v13, v4;
	v4 =	vld [tilespmem:s28+$0xFFFFFF80]  }
0x11b: {  	[tilespmem:s28+$0xFFFFFF10] =	vst v7;
	v5 =	vmul.f32 v5, v8;
	v7 =	vld [tilespmem:s28+$0xFFFFFF90]  }
0x11c: {  	[tilespmem:s28+$0xFFFFFF20] =	vst v3;
	v3 =	vmul.f32 v9, v8;
	v9 =	vld [tilespmem:s28+$0xFFFFFFA0]  }
0x11d: {  	[tilespmem:s28+$0xFFFFFF40] =	vst v5;
	v5 =	vmul.f32 v6, v8;
	v6 =	vld [tilespmem:s28+$0xFFFFFFB0]  }
0x11e: {  	[tilespmem:s28+$0xFFFFFF50] =	vst v3;
	v3 =	vmul.f32 v11, v8;
	v11 =	vld [tilespmem:s28+$0xFFFFFFC0]  }
0x11f: {  	[tilespmem:s28+$0xFFFFFF60] =	vst v5;
	v4 =	vmul.f32 v4, v8;
	v5 =	vld [tilespmem:s28+$0xFFFFFFD0]  }
0x120: {  	[tilespmem:s28+$0xFFFFFF70] =	vst v3;
	v3 =	vmul.f32 v7, v8;
	v7 =	vld [tilespmem:s28+$0xFFFFFFE0]  }
0x121: {  	[tilespmem:s28+$0xFFFFFF80] =	vst v4;
	v4 =	vmul.f32 v9, v8;
	v9 =	vld [tilespmem:s28+$0xFFFFFFF0]  }
0x122: {  	[tilespmem:s28+$0xFFFFFF90] =	vst v3;
	v3 =	vmul.f32 v6, v8;
	v6 =	vld [tilespmem:s28+$0x0]  }
0x123: {  	[tilespmem:s28+$0xFFFFFFA0] =	vst v4;
	v4 =	vmul.f32 v11, v10;
	v8 =	vld [tilespmem:s28+$0x10]  }
0x124: {  	[tilespmem:s28+$0xFFFFFFB0] =	vst v3;
	v3 =	vmul.f32 v5, v10;
	v5 =	vld [tilespmem:s28+$0x20]  }
0x125: {  	[tilespmem:s28+$0xFFFFFFC0] =	vst v4;
	v4 =	vmul.f32 v7, v10;
	v7 =	vld [tilespmem:s28+$0x30]  }
0x126: {  	[tilespmem:s28+$0xFFFFFFD0] =	vst v3;
	v3 =	vmul.f32 v9, v10;
	v9 =	vld [tilespmem:s28+$0x40]  }
0x127: {  	[tilespmem:s28+$0xFFFFFFE0] =	vst v4;
	v4 =	vmul.f32 v6, v10;
	v6 =	vld [tilespmem:s28+$0x50]  }
0x128: {  	[tilespmem:s28+$0xFFFFFFF0] =	vst v3;
	v3 =	vmul.f32 v8, v10;
	v8 =	vld [tilespmem:s28+$0x60]  }
0x129: {  	[tilespmem:s28+$0x0] =	vst v4;
	v4 =	vmul.f32 v5, v10;
	v5 =	vld [tilespmem:s28+$0x70]  }
0x12a: {  	[tilespmem:s28+$0x10] =	vst v3;
	v3 =	vmul.f32 v7, v10;
	v11 =	vld [tilespmem:s28+$0x80]  }
0x12b: {  	[tilespmem:s28+$0x20] =	vst v4;
	v4 =	vmul.f32 v9, v2;
	v12 =	vld [tilespmem:s28+$0x90]  }
0x12c: {  	s31 =	sadd.s32 $0x1, s30;
	s1 =	sadd.s32 $0x2, s30;
	[tilespmem:s28+$0x30] =	vst v3;
	v6 =	vmul.f32 v6, v2;
	v13 =	vld [tilespmem:s28+$0xA0]  }
.Ltmp4:
0x12d: {  	v10 =	vmov s1;
	s1 =	sadd.s32 $0x3, s30;
	v9 =	vmov s31;
	s31 =	sadd.s32 $0x4, s30;
	[tilespmem:s28+$0x40] =	vst v4;
	v4 =	vmul.f32 v8, v2;
	v3 =	vld [tilespmem:s28+$0xB0];
	(pc) =	sbr.rel @p1 .LBB2_9-.Ltmp4, $4  }
0x12e: {  	v14 =	vmov s31;
	v8 =	vmov s1;
	[tilespmem:s28+$0x50] =	vst v6;
	v5 =	vmul.f32 v5, v2;
	v7 =	vld [tilespmem:s28+$0xC0]  }
0x12f: {  	v10 =	vand.u32 $0xFF, v10;
	v6 =	vand.u32 $0xFF, v9;
	[tilespmem:s28+$0x60] =	vst v4;
	v15 =	vmul.f32 v11, v2;
	v4 =	vld [tilespmem:s28+$0xD0]  }
0x130: {  	v9 =	vand.u32 $0xFF, v14;
	v11 =	vand.u32 $0xFF, v8;
	[tilespmem:s28+$0x70] =	vst v5;
	v12 =	vmul.f32 v12, v2;
	v5 =	vld [tilespmem:s28+$0xE0]  }
0x131: {  	v14 =	vmov s30;
	s30 =	sadd.s32 $0x5, s30;
	v8 =	vadd.s32 $0x80, v6;
	[tilespmem:s28+$0x80] =	vst v15;
	v13 =	vmul.f32 v13, v2;
	v6 =	vld [tilespmem:s28+$0xF0]  }
0x132: {  	_ = 	snop  }
0x133: {  	v15 =	vld [tilespmem:s28+$0x100]  }
0x134: {  	v14 =	vand.u32 $0x7F, v14;
	v16 =	vld [tilespmem:s28+$0x110]  }
0x135: {  	v17 =	vld [tilespmem:s28+$0x120];
	v14 =	vor.u32 $0x80, v14  }
0x136: {  	v9 =	vadd.s32 $0x80, v9;
	v8 =	vld.idx.msk [tilespmem:v8+s17+$0x0], $0xffff;
	s30 =	sadd.s32 $0x280, s28;
	v14 =	vbroadcast v14, $0x0  }
0x137: {  	[tilespmem:s28+$0x90] =	vst v12;
	v7 =	vmul.f32 v7, v1;
	v12 =	vld [tilespmem:s30+$0xFFFFFED0]  }
0x138: {  	[tilespmem:s28+$0xA0] =	vst v13;
	v13 =	vld [tilespmem:s30+$0xFFFFFEE0];
	v4 =	vmul.f32 v4, v1  }
0x139: {  	v10 =	vadd.s32 $0x80, v10;
	v3 =	vmul.f32 v3, v2;
	[tilespmem:s28+$0xC0] =	vst v7;
	v7 =	vld [tilespmem:s28+$0x130]  }
0x13a: {  	v11 =	vadd.s32 $0x80, v11;
	[tilespmem:s28+$0xD0] =	vst v4;
	v4 =	vmul.f32 v6, v1;
	v6 =	vld [tilespmem:s30+$0xFFFFFF30]  }
0x13b: {  	[tilespmem:s28+$0xB0] =	vst v3;
	v3 =	vmul.f32 v5, v1;
	v2 =	vld.idx.msk [tilespmem:v9+s17+$0x0], $0xffff  }
0x13c: {  	v5 =	vld.idx.msk [tilespmem:v14+s17+$0x0], $0xffff  }
0x13d: {  	[tilespmem:s28+$0xE0] =	vst v3;
	v3 =	vmul.f32 v15, v1;
	v9 =	vld [tilespmem:s30+$0xFFFFFEC0]  }
0x13e: {  	v10 =	vld.idx.msk [tilespmem:v10+s17+$0x0], $0xffff;
	[tilespmem:s28+$0xF0] =	vst v4;
	v4 =	vmul.f32 v16, v1  }
0x13f: {  	v11 =	vld.idx.msk [tilespmem:v11+s17+$0x0], $0xffff;
	[tilespmem:s28+$0x100] =	vst v3;
	v3 =	vmul.f32 v17, v1  }
0x140: {  	[tilespmem:s29+$0x110] =	vst v4;
	v1 =	vmul.f32 v7, v1;
	v4 =	vld [tilespmem:s30+$0xFFFFFEF0]  }
0x141: {  	[tilespmem:s29+$0x120] =	vst v3;
	v3 =	vld [tilespmem:s30+$0xFFFFFF00];
	v6 =	vmul.f32 v6, v5  }
0x142: {  	v7 =	vld [tilespmem:s30+$0xFFFFFF10];
	[tilespmem:s29+$0x130] =	vst v1;
	v1 =	vmul.f32 v9, v5  }
0x143: {  	v9 =	vmul.f32 v12, v5;
	v12 =	vld [tilespmem:s30+$0xFFFFFF20];
	[tilespmem:s30+$0xFFFFFF30] =	vst v6  }
0x144: {  	[tilespmem:s30+$0xFFFFFEC0] =	vst v1;
	v1 =	vmul.f32 v13, v5;
	v6 =	vld [tilespmem:s30+$0xFFFFFF40]  }
0x145: {  	v4 =	vmul.f32 v4, v5;
	[tilespmem:s30+$0xFFFFFED0] =	vst v9;
	v9 =	vld [tilespmem:s30+$0xFFFFFF50]  }
0x146: {  	[tilespmem:s30+$0xFFFFFEE0] =	vst v1;
	v1 =	vmul.f32 v3, v5;
	v3 =	vld [tilespmem:s30+$0xFFFFFF60]  }
0x147: {  	[tilespmem:s30+$0xFFFFFEF0] =	vst v4;
	v4 =	vmul.f32 v7, v5;
	v7 =	vld [tilespmem:s30+$0xFFFFFF70]  }
0x148: {  	[tilespmem:s30+$0xFFFFFF00] =	vst v1;
	v1 =	vmul.f32 v12, v5;
	v5 =	vld [tilespmem:s30+$0xFFFFFF80]  }
0x149: {  	[tilespmem:s30+$0xFFFFFF10] =	vst v4;
	v4 =	vmul.f32 v6, v8;
	v6 =	vld [tilespmem:s30+$0xFFFFFF90]  }
0x14a: {  	[tilespmem:s30+$0xFFFFFF20] =	vst v1;
	v1 =	vmul.f32 v9, v8;
	v9 =	vld [tilespmem:s30+$0xFFFFFFA0]  }
0x14b: {  	[tilespmem:s30+$0xFFFFFF40] =	vst v4;
	v3 =	vmul.f32 v3, v8;
	v4 =	vld [tilespmem:s30+$0xFFFFFFB0]  }
0x14c: {  	[tilespmem:s30+$0xFFFFFF50] =	vst v1;
	v1 =	vmul.f32 v7, v8;
	v7 =	vld [tilespmem:s30+$0xFFFFFFC0]  }
0x14d: {  	[tilespmem:s30+$0xFFFFFF60] =	vst v3;
	v3 =	vmul.f32 v5, v8;
	v5 =	vld [tilespmem:s30+$0xFFFFFFD0]  }
0x14e: {  	[tilespmem:s30+$0xFFFFFF70] =	vst v1;
	v1 =	vmul.f32 v6, v8;
	v6 =	vld [tilespmem:s30+$0xFFFFFFE0]  }
0x14f: {  	[tilespmem:s30+$0xFFFFFF80] =	vst v3;
	v3 =	vmul.f32 v9, v8;
	v9 =	vld [tilespmem:s30+$0xFFFFFFF0]  }
0x150: {  	[tilespmem:s30+$0xFFFFFF90] =	vst v1;
	v1 =	vmul.f32 v4, v8;
	v4 =	vld [tilespmem:s30+$0x0]  }
0x151: {  	[tilespmem:s30+$0xFFFFFFA0] =	vst v3;
	v3 =	vmul.f32 v7, v10;
	v7 =	vld [tilespmem:s30+$0x10]  }
0x152: {  	[tilespmem:s30+$0xFFFFFFB0] =	vst v1;
	v1 =	vmul.f32 v5, v10;
	v5 =	vld [tilespmem:s30+$0x20]  }
0x153: {  	[tilespmem:s30+$0xFFFFFFC0] =	vst v3;
	v3 =	vmul.f32 v6, v10;
	v6 =	vld [tilespmem:s30+$0x30]  }
0x154: {  	v8 =	vld [tilespmem:s30+$0x40];
	[tilespmem:s30+$0xFFFFFFD0] =	vst v1;
	v1 =	vmul.f32 v9, v10  }
0x155: {  	[tilespmem:s30+$0xFFFFFFE0] =	vst v3;
	v3 =	vmul.f32 v4, v10;
	v4 =	vld [tilespmem:s30+$0x50]  }
0x156: {  	[tilespmem:s30+$0xFFFFFFF0] =	vst v1;
	v1 =	vmul.f32 v7, v10;
	v7 =	vld [tilespmem:s30+$0x60]  }
0x157: {  	[tilespmem:s30+$0x0] =	vst v3;
	v3 =	vmul.f32 v5, v10;
	v5 =	vld [tilespmem:s30+$0x70]  }
0x158: {  	[tilespmem:s30+$0x10] =	vst v1;
	v1 =	vmul.f32 v6, v10;
	v6 =	vld [tilespmem:s30+$0x80]  }
0x159: {  	[tilespmem:s30+$0x20] =	vst v3;
	v3 =	vmul.f32 v8, v11;
	v8 =	vld [tilespmem:s30+$0x90]  }
0x15a: {  	[tilespmem:s30+$0x30] =	vst v1;
	v1 =	vmul.f32 v4, v11;
	v4 =	vld [tilespmem:s30+$0xA0]  }
0x15b: {  	[tilespmem:s30+$0x40] =	vst v3;
	v3 =	vmul.f32 v7, v11;
	v7 =	vld [tilespmem:s30+$0xB0]  }
0x15c: {  	[tilespmem:s30+$0x50] =	vst v1;
	v1 =	vmul.f32 v5, v11;
	v5 =	vld [tilespmem:s30+$0xC0]  }
0x15d: {  	[tilespmem:s30+$0x60] =	vst v3;
	v3 =	vmul.f32 v6, v11;
	v6 =	vld [tilespmem:s30+$0xD0]  }
0x15e: {  	[tilespmem:s30+$0x70] =	vst v1;
	v1 =	vmul.f32 v8, v11;
	v8 =	vld [tilespmem:s30+$0xE0]  }
0x15f: {  	[tilespmem:s30+$0x80] =	vst v3;
	v3 =	vmul.f32 v4, v11;
	v4 =	vld [tilespmem:s30+$0xF0]  }
0x160: {  	[tilespmem:s30+$0x90] =	vst v1;
	v1 =	vmul.f32 v7, v11;
	v7 =	vld [tilespmem:s30+$0x100]  }
0x161: {  	[tilespmem:s30+$0xA0] =	vst v3;
	v3 =	vmul.f32 v5, v2;
	v5 =	vld [tilespmem:s30+$0x110]  }
0x162: {  	[tilespmem:s30+$0xB0] =	vst v1;
	v1 =	vmul.f32 v6, v2;
	v6 =	vld [tilespmem:s30+$0x120]  }
0x163: {  	[tilespmem:s30+$0xC0] =	vst v3;
	v3 =	vmul.f32 v8, v2;
	v8 =	vld [tilespmem:s30+$0x130]  }
0x164: {  	[tilespmem:s30+$0xD0] =	vst v1;
	v1 =	vmul.f32 v4, v2  }
0x165: {  	[tilespmem:s30+$0xE0] =	vst v3;
	v3 =	vmul.f32 v7, v2  }
0x166: {  	[tilespmem:s30+$0xF0] =	vst v1;
	v1 =	vmul.f32 v5, v2  }
0x167: {  	[tilespmem:s30+$0x100] =	vst v3;
	v3 =	vmul.f32 v6, v2  }
0x168: {  	[tilespmem:s30+$0x110] =	vst v1;
	v1 =	vmul.f32 v8, v2  }
0x169: {  	s1 =	simm.s32 $0x0;
	[tilespmem:s30+$0x120] =	vst v3  }
0x16a: {  	s28 =	simm.s32 $0x13D00;
	[tilespmem:s30+$0x130] =	vst v1;
	v1 =	vmov s1  }
0x16b: {  	[spmem:s2] =	stream.indirect.scatter.add.f32 [tilespmem:s20], [sflag:$0x4], $0x80, s28, s18, $0xb8;
	v1 =	vand.u32 $0x7F, v1;
	[tilespmem:$0x1C480] =	vst v63  }
0x16c: {  	s1 =	simm.s32 $0x4;
	_ =	swait.ge [sflag:s26], $0x3E80;
	v1 =	vor.u32 $0x100, v1  }
0x16d: {  	v2 =	vmov s1;
	[sflag:s26] =	ssyncset.done $0x0;
	v1 =	vbroadcast v1, $0x0  }
0x16e: {  	s1 =	simm.s32 $0x13A00;
	v2 =	vand.u32 $0xFF, v2;
	[sflag:s26] =	ssyncadd.s32 $0xFFFFC180  }
0x16f: {  	v2 =	vor.u32 $0x100, v2;
	[tilespmem:s20], [sflag:$0x2] =	stream.indirect.gather [hbm4b:s4+s18], $0x80, s1, s18, $0xb8;
	[tilespmem:$0x1C480] =	vst v63  }
0x170: {  	v2 =	vbroadcast v2, $0x0;
	_ =	swait.ge [sflag:s21], $0x3E80  }
0x171: {  	[sflag:s21] =	ssyncset.done $0x0  }
0x172: {  	[sflag:s21] =	ssyncadd.s32 $0xFFFFC180  }
0x173: {  	s28 =	simm.s32 $0x145C0;
	v3 =	vld.idx.msk [tilespmem:v1+s17+$0x0], $0xffff  }
0x174: {  	s1 =	simm.s32 $0x1;
	v5 =	vld [tilespmem:s28+$0xFFFFFEC0]  }
0x175: {  	v4 =	vmov s1;
	v6 =	vld [tilespmem:s28+$0xFFFFFED0]  }
0x176: {  	v1 =	vld.idx.msk [tilespmem:v2+s17+$0x0], $0xffff;
	v2 =	vand.u32 $0xFF, v4  }
0x177: {  	v7 =	vld [tilespmem:s28+$0xFFFFFEE0];
	v2 =	vor.u32 $0x100, v2  }
0x178: {  	v4 =	vld [tilespmem:s28+$0x130];
	v2 =	vbroadcast v2, $0x0  }
0x179: {  	v8 =	vld [tilespmem:s28+$0xFFFFFEF0]  }
0x17a: {  	v9 =	vld [tilespmem:s28+$0xFFFFFF00]  }
0x17b: {  	v10 =	vld [tilespmem:s28+$0xFFFFFF10]  }
0x17c: {  	s1 =	simm.s32 $0x2;
	v11 =	vld [tilespmem:s28+$0xFFFFFF20];
	v5 =	vmul.f32 v5, v3  }
0x17d: {  	v12 =	vmov s1;
	v14 =	vld [tilespmem:s28+$0xFFFFFF50];
	v4 =	vmul.f32 v4, v1  }
0x17e: {  	v6 =	vmul.f32 v6, v3;
	[tilespmem:s28+$0xFFFFFEC0] =	vst v5;
	v13 =	vld.idx.msk [tilespmem:v2+s17+$0x0], $0xffff;
	v2 =	vand.u32 $0xFF, v12  }
0x17f: {  	v5 =	vld [tilespmem:s28+$0xFFFFFF30];
	[tilespmem:s28+$0x130] =	vst v4;
	v4 =	vmul.f32 v7, v3;
	v2 =	vor.u32 $0x100, v2  }
0x180: {  	v10 =	vmul.f32 v10, v3;
	[tilespmem:s28+$0xFFFFFED0] =	vst v6;
	v12 =	vld [tilespmem:s28+$0xFFFFFF40];
	v2 =	vbroadcast v2, $0x0  }
0x181: {  	v6 =	vmul.f32 v8, v3;
	v8 =	vld [tilespmem:s28+$0xFFFFFF70];
	[tilespmem:s28+$0xFFFFFEE0] =	vst v4;
	v4 =	vmul.f32 v9, v3  }
0x182: {  	[tilespmem:s28+$0xFFFFFF10] =	vst v10;
	v10 =	vld [tilespmem:s28+$0xFFFFFFC0]  }
0x183: {  	[tilespmem:s28+$0xFFFFFF00] =	vst v4;
	v4 =	vld [tilespmem:s28+$0xFFFFFFA0]  }
0x184: {  	v7 =	vld [tilespmem:s28+$0xFFFFFF60]  }
0x185: {  	[tilespmem:s28+$0xFFFFFEF0] =	vst v6;
	v9 =	vld [tilespmem:s28+$0xFFFFFF80];
	v6 =	vmul.f32 v12, v13  }
0x186: {  	s1 =	simm.s32 $0x3;
	v15 =	vld.idx.msk [tilespmem:v2+s17+$0x0], $0xffff;
	v2 =	vmul.f32 v11, v3  }
0x187: {  	v12 =	vld [tilespmem:s28+$0xFFFFFF90];
	[tilespmem:s28+$0xFFFFFF40] =	vst v6;
	v6 =	vmov s1;
	v3 =	vmul.f32 v5, v3  }
0x188: {  	v6 =	vand.u32 $0xFF, v6;
	v5 =	vld [tilespmem:s28+$0xFFFFFFB0];
	v4 =	vmul.f32 v4, v13;
	[tilespmem:s28+$0xFFFFFF20] =	vst v2  }
0x189: {  	v11 =	vld [tilespmem:s28+$0x0];
	v6 =	vor.u32 $0x100, v6;
	v2 =	vmul.f32 v14, v13;
	[tilespmem:s28+$0xFFFFFF30] =	vst v3  }
0x18a: {  	v6 =	vbroadcast v6, $0x0;
	v3 =	vmul.f32 v7, v13;
	v7 =	vld [tilespmem:s28+$0xFFFFFFD0];
	[tilespmem:s28+$0xFFFFFFA0] =	vst v4  }
0x18b: {  	v4 =	vld [tilespmem:s28+$0x30];
	[tilespmem:s28+$0xFFFFFF50] =	vst v2;
	v2 =	vmul.f32 v8, v13  }
0x18c: {  	v8 =	vld [tilespmem:s28+$0xFFFFFFE0];
	[tilespmem:s28+$0xFFFFFF60] =	vst v3;
	v3 =	vmul.f32 v9, v13  }
0x18d: {  	v9 =	vld [tilespmem:s28+$0xFFFFFFF0];
	v5 =	vmul.f32 v5, v13;
	[tilespmem:s28+$0xFFFFFF70] =	vst v2  }
0x18e: {  	v2 =	vmul.f32 v12, v13;
	[tilespmem:s28+$0xFFFFFF80] =	vst v3;
	v3 =	vmul.f32 v10, v15;
	v10 =	vld [tilespmem:s28+$0x10]  }
0x18f: {  	v12 =	vld [tilespmem:s28+$0x20];
	[tilespmem:s28+$0xFFFFFFB0] =	vst v5  }
0x190: {  	v13 =	vmul.f32 v4, v15;
	[tilespmem:s28+$0xFFFFFF90] =	vst v2;
	v2 =	vld.idx.msk [tilespmem:v6+s17+$0x0], $0xffff  }
0x191: {  	[tilespmem:s28+$0xFFFFFFC0] =	vst v3;
	v3 =	vmul.f32 v7, v15;
	v6 =	vld [tilespmem:s28+$0x40]  }
0x192: {  	v7 =	vld [tilespmem:s28+$0x50];
	v5 =	vmul.f32 v8, v15;
	[tilespmem:s28+$0x30] =	vst v13  }
0x193: {  	v8 =	vld [tilespmem:s28+$0x60];
	[tilespmem:s28+$0xFFFFFFD0] =	vst v3;
	v3 =	vmul.f32 v9, v15  }
0x194: {  	s1 =	simm.s32 $0x5;
	[tilespmem:s28+$0xFFFFFFE0] =	vst v5;
	v5 =	vmul.f32 v11, v15  }
0x195: {  	v9 =	vld [tilespmem:s28+$0x70];
	[tilespmem:s28+$0xFFFFFFF0] =	vst v3;
	v3 =	vmul.f32 v10, v15;
	v10 =	vmov s1;
	s1 =	simm.s32 $0x6  }
0x196: {  	s29 =	simm.s32 $0x8;
	v11 =	vld [tilespmem:s28+$0x80];
	[tilespmem:s28+$0x0] =	vst v5;
	v5 =	vmul.f32 v12, v15;
	v10 =	vand.u32 $0x7F, v10;
	v12 =	vmov s1  }
0x197: {  	s1 =	simm.s32 $0x7;
	v6 =	vmul.f32 v6, v2;
	v15 =	vmov s29;
	v7 =	vmul.f32 v7, v2;
	[tilespmem:s28+$0x10] =	vst v3;
	v3 =	vld [tilespmem:s28+$0x90]  }
0x198: {  	v4 =	vld [tilespmem:s28+$0xA0];
	v14 =	vmov s1;
	v8 =	vmul.f32 v8, v2;
	[tilespmem:s28+$0x20] =	vst v5;
	v5 =	vor.u32 $0x100, v10  }
0x199: {  	v10 =	vand.u32 $0xFF, v12;
	[tilespmem:s28+$0x40] =	vst v6;
	v13 =	vand.u32 $0xFF, v14;
	v14 =	vand.u32 $0xFF, v15;
	v6 =	vld [tilespmem:s28+$0xB0]  }
0x19a: {  	[tilespmem:s28+$0x50] =	vst v7;
	v9 =	vmul.f32 v9, v2;
	v7 =	vld [tilespmem:s28+$0xC0];
	v5 =	vbroadcast v5, $0x0;
	v12 =	vor.u32 $0x100, v10  }
0x19b: {  	s31 =	simm.s32 $0x9;
	s30 =	simm.s32 $0xA;
	s29 =	simm.s32 $0x145C0;
	v13 =	vor.u32 $0x100, v13;
	v10 =	vor.u32 $0x100, v14;
	[tilespmem:s28+$0x60] =	vst v8;
	v11 =	vmul.f32 v11, v2;
	v8 =	vld [tilespmem:s28+$0xD0]  }
.LBB2_11:
0x19c: {  	p1 =	slt.u32 s30, $0x78;
	v12 =	vbroadcast v12, $0x0;
	v14 =	vmov s31;
	[tilespmem:s28+$0x70] =	vst v9;
	v3 =	vmul.f32 v3, v2;
	v9 =	vld [tilespmem:s28+$0xE0]  }
0x19d: {  	v13 =	vbroadcast v13, $0x0;
	v14 =	vand.u32 $0xFF, v14;
	[tilespmem:s28+$0x80] =	vst v11;
	v4 =	vmul.f32 v4, v2;
	v11 =	vld [tilespmem:s28+$0xF0]  }
0x19e: {  	v10 =	vbroadcast v10, $0x0;
	v14 =	vor.u32 $0x100, v14;
	[tilespmem:s28+$0x90] =	vst v3;
	v2 =	vmul.f32 v6, v2;
	v3 =	vld [tilespmem:s28+$0x100]  }
0x19f: {  	v6 =	vbroadcast v14, $0x0;
	[tilespmem:s28+$0xA0] =	vst v4;
	v4 =	vmul.f32 v7, v1;
	v7 =	vld [tilespmem:s28+$0x110]  }
0x1a0: {  	[tilespmem:s28+$0xB0] =	vst v2;
	v2 =	vmul.f32 v8, v1;
	v8 =	vld [tilespmem:s28+$0x120]  }
0x1a1: {  	v5 =	vld.idx.msk [tilespmem:v5+s17+$0x0], $0xffff;
	[tilespmem:s28+$0xC0] =	vst v4;
	v4 =	vmul.f32 v9, v1  }
0x1a2: {  	v9 =	vld.idx.msk [tilespmem:v12+s17+$0x0], $0xffff;
	[tilespmem:s28+$0xD0] =	vst v2;
	v11 =	vmul.f32 v11, v1  }
0x1a3: {  	v12 =	vld.idx.msk [tilespmem:v13+s17+$0x0], $0xffff;
	[tilespmem:s28+$0xE0] =	vst v4;
	v3 =	vmul.f32 v3, v1  }
0x1a4: {  	v2 =	vld.idx.msk [tilespmem:v10+s17+$0x0], $0xffff;
	[tilespmem:s28+$0xF0] =	vst v11;
	v4 =	vmul.f32 v7, v1  }
0x1a5: {  	s28 =	sadd.s32 $0x280, s28;
	[tilespmem:s29+$0x100] =	vst v3;
	v3 =	vmul.f32 v8, v1;
	v1 =	vld.idx.msk [tilespmem:v6+s17+$0x0], $0xffff  }
0x1a6: {  	v6 =	vld [tilespmem:s28+$0x130];
	[tilespmem:s29+$0x110] =	vst v4  }
0x1a7: {  	v4 =	vld [tilespmem:s28+$0xFFFFFEC0];
	[tilespmem:s29+$0x120] =	vst v3;
	s29 =	smov.u32 s28  }
0x1a8: {  	v3 =	vld [tilespmem:s28+$0xFFFFFED0]  }
0x1a9: {  	v7 =	vld [tilespmem:s28+$0xFFFFFEE0]  }
0x1aa: {  	v8 =	vld [tilespmem:s28+$0xFFFFFEF0]  }
0x1ab: {  	v10 =	vld [tilespmem:s28+$0xFFFFFF00];
	v6 =	vmul.f32 v6, v1  }
0x1ac: {  	v4 =	vmul.f32 v4, v5;
	v11 =	vld [tilespmem:s28+$0xFFFFFF10]  }
0x1ad: {  	v3 =	vmul.f32 v3, v5;
	v13 =	vld [tilespmem:s28+$0xFFFFFF20];
	[tilespmem:s28+$0x130] =	vst v6  }
0x1ae: {  	[tilespmem:s28+$0xFFFFFEC0] =	vst v4;
	v4 =	vmul.f32 v7, v5;
	v6 =	vld [tilespmem:s28+$0xFFFFFF30]  }
0x1af: {  	[tilespmem:s28+$0xFFFFFED0] =	vst v3;
	v3 =	vmul.f32 v8, v5;
	v7 =	vld [tilespmem:s28+$0xFFFFFF40]  }
0x1b0: {  	[tilespmem:s28+$0xFFFFFEE0] =	vst v4;
	v4 =	vmul.f32 v10, v5;
	v8 =	vld [tilespmem:s28+$0xFFFFFF50]  }
0x1b1: {  	[tilespmem:s28+$0xFFFFFEF0] =	vst v3;
	v3 =	vmul.f32 v11, v5;
	v10 =	vld [tilespmem:s28+$0xFFFFFF60]  }
0x1b2: {  	[tilespmem:s28+$0xFFFFFF00] =	vst v4;
	v4 =	vmul.f32 v13, v5;
	v11 =	vld [tilespmem:s28+$0xFFFFFF70]  }
0x1b3: {  	[tilespmem:s28+$0xFFFFFF10] =	vst v3;
	v3 =	vmul.f32 v6, v5;
	v5 =	vld [tilespmem:s28+$0xFFFFFF80]  }
0x1b4: {  	[tilespmem:s28+$0xFFFFFF20] =	vst v4;
	v4 =	vmul.f32 v7, v9;
	v6 =	vld [tilespmem:s28+$0xFFFFFF90]  }
0x1b5: {  	[tilespmem:s28+$0xFFFFFF30] =	vst v3;
	v3 =	vmul.f32 v8, v9;
	v7 =	vld [tilespmem:s28+$0xFFFFFFA0]  }
0x1b6: {  	[tilespmem:s28+$0xFFFFFF40] =	vst v4;
	v4 =	vmul.f32 v10, v9;
	v8 =	vld [tilespmem:s28+$0xFFFFFFB0]  }
0x1b7: {  	[tilespmem:s28+$0xFFFFFF50] =	vst v3;
	v3 =	vmul.f32 v11, v9;
	v10 =	vld [tilespmem:s28+$0xFFFFFFC0]  }
0x1b8: {  	[tilespmem:s28+$0xFFFFFF60] =	vst v4;
	v4 =	vmul.f32 v5, v9;
	v5 =	vld [tilespmem:s28+$0xFFFFFFD0]  }
0x1b9: {  	[tilespmem:s28+$0xFFFFFF70] =	vst v3;
	v3 =	vmul.f32 v6, v9;
	v6 =	vld [tilespmem:s28+$0xFFFFFFE0]  }
0x1ba: {  	[tilespmem:s28+$0xFFFFFF80] =	vst v4;
	v4 =	vmul.f32 v7, v9;
	v7 =	vld [tilespmem:s28+$0xFFFFFFF0]  }
0x1bb: {  	[tilespmem:s28+$0xFFFFFF90] =	vst v3;
	v3 =	vmul.f32 v8, v9;
	v8 =	vld [tilespmem:s28+$0x0]  }
0x1bc: {  	[tilespmem:s28+$0xFFFFFFA0] =	vst v4;
	v4 =	vmul.f32 v10, v12;
	v9 =	vld [tilespmem:s28+$0x10]  }
0x1bd: {  	[tilespmem:s28+$0xFFFFFFB0] =	vst v3;
	v3 =	vmul.f32 v5, v12;
	v5 =	vld [tilespmem:s28+$0x20]  }
0x1be: {  	[tilespmem:s28+$0xFFFFFFC0] =	vst v4;
	v4 =	vmul.f32 v6, v12;
	v6 =	vld [tilespmem:s28+$0x30]  }
0x1bf: {  	[tilespmem:s28+$0xFFFFFFD0] =	vst v3;
	v3 =	vmul.f32 v7, v12;
	v7 =	vld [tilespmem:s28+$0x40]  }
0x1c0: {  	[tilespmem:s28+$0xFFFFFFE0] =	vst v4;
	v4 =	vmul.f32 v8, v12;
	v8 =	vld [tilespmem:s28+$0x50]  }
0x1c1: {  	[tilespmem:s28+$0xFFFFFFF0] =	vst v3;
	v3 =	vmul.f32 v9, v12;
	v9 =	vld [tilespmem:s28+$0x60]  }
0x1c2: {  	s1 =	sadd.s32 $0x1, s30;
	v10 =	vmov s30;
	[tilespmem:s28+$0x0] =	vst v4;
	v4 =	vmul.f32 v5, v12;
	v11 =	vld [tilespmem:s28+$0x70]  }
0x1c3: {  	s31 =	sadd.s32 $0x3, s30;
	v5 =	vand.u32 $0x7F, v10;
	v10 =	vmov s1;
	s1 =	sadd.s32 $0x2, s30;
	[tilespmem:s28+$0x10] =	vst v3;
	v6 =	vmul.f32 v6, v12;
	v14 =	vld [tilespmem:s28+$0x80]  }
.Ltmp5:
0x1c4: {  	v13 =	vmov s31;
	v12 =	vmov s1;
	[tilespmem:s28+$0x20] =	vst v4;
	v7 =	vmul.f32 v7, v2;
	v3 =	vld [tilespmem:s28+$0x90];
	(pc) =	sbr.rel @p1 .LBB2_11-.Ltmp5, $4  }
0x1c5: {  	v5 =	vor.u32 $0x100, v5;
	v10 =	vand.u32 $0xFF, v10;
	[tilespmem:s28+$0x30] =	vst v6;
	v8 =	vmul.f32 v8, v2;
	v4 =	vld [tilespmem:s28+$0xA0]  }
0x1c6: {  	v16 =	vand.u32 $0xFF, v13;
	v15 =	vand.u32 $0xFF, v12;
	[tilespmem:s28+$0x40] =	vst v7;
	v17 =	vmul.f32 v9, v2;
	v6 =	vld [tilespmem:s28+$0xB0]  }
0x1c7: {  	v5 =	vbroadcast v5, $0x0;
	v12 =	vor.u32 $0x100, v10;
	[tilespmem:s28+$0x50] =	vst v8;
	v9 =	vmul.f32 v11, v2;
	v7 =	vld [tilespmem:s28+$0xC0]  }
0x1c8: {  	s31 =	sadd.s32 $0x4, s30;
	s30 =	sadd.s32 $0x5, s30;
	v10 =	vor.u32 $0x100, v16;
	v13 =	vor.u32 $0x100, v15;
	[tilespmem:s28+$0x60] =	vst v17;
	v11 =	vmul.f32 v14, v2;
	v8 =	vld [tilespmem:s28+$0xD0]  }
0x1c9: {  	v15 =	vld [tilespmem:s28+$0xE0]  }
0x1ca: {  	v16 =	vld [tilespmem:s28+$0xF0]  }
0x1cb: {  	v12 =	vbroadcast v12, $0x0;
	v14 =	vmov s31;
	v17 =	vld [tilespmem:s28+$0x100]  }
0x1cc: {  	v10 =	vbroadcast v10, $0x0;
	v18 =	vld [tilespmem:s28+$0x110];
	v14 =	vand.u32 $0xFF, v14  }
0x1cd: {  	v19 =	vld [tilespmem:s28+$0x120];
	[tilespmem:s28+$0x70] =	vst v9;
	v3 =	vmul.f32 v3, v2;
	v14 =	vor.u32 $0x100, v14  }
0x1ce: {  	v5 =	vld.idx.msk [tilespmem:v5+s17+$0x0], $0xffff;
	s30 =	sadd.s32 $0x280, s28;
	[tilespmem:s28+$0x80] =	vst v11;
	v4 =	vmul.f32 v4, v2;
	v14 =	vbroadcast v14, $0x0  }
0x1cf: {  	v13 =	vbroadcast v13, $0x0;
	v11 =	vld [tilespmem:s30+$0xFFFFFED0];
	[tilespmem:s28+$0x90] =	vst v3;
	v2 =	vmul.f32 v6, v2  }
0x1d0: {  	[tilespmem:s28+$0xA0] =	vst v4;
	v4 =	vmul.f32 v7, v1;
	v7 =	vmul.f32 v8, v1;
	v8 =	vld [tilespmem:s30+$0x130]  }
0x1d1: {  	[tilespmem:s28+$0xB0] =	vst v2;
	v9 =	vld.idx.msk [tilespmem:v12+s17+$0x0], $0xffff  }
0x1d2: {  	[tilespmem:s28+$0xC0] =	vst v4;
	v4 =	vmul.f32 v15, v1;
	v6 =	vld.idx.msk [tilespmem:v10+s17+$0x0], $0xffff  }
0x1d3: {  	[tilespmem:s28+$0xD0] =	vst v7;
	v7 =	vmul.f32 v16, v1;
	v10 =	vld [tilespmem:s30+$0xFFFFFEC0]  }
0x1d4: {  	[tilespmem:s28+$0xE0] =	vst v4;
	v4 =	vmul.f32 v17, v1;
	v2 =	vld.idx.msk [tilespmem:v14+s17+$0x0], $0xffff  }
0x1d5: {  	v3 =	vld.idx.msk [tilespmem:v13+s17+$0x0], $0xffff;
	[tilespmem:s28+$0xF0] =	vst v7;
	v7 =	vmul.f32 v18, v1  }
0x1d6: {  	v12 =	vld [tilespmem:s30+$0xFFFFFEE0];
	v1 =	vmul.f32 v19, v1;
	[tilespmem:s29+$0x100] =	vst v4  }
0x1d7: {  	v4 =	vld [tilespmem:s30+$0xFFFFFEF0];
	[tilespmem:s29+$0x110] =	vst v7  }
0x1d8: {  	v7 =	vld [tilespmem:s30+$0xFFFFFF00];
	[tilespmem:s29+$0x120] =	vst v1;
	v1 =	vmul.f32 v10, v5  }
0x1d9: {  	v10 =	vld [tilespmem:s30+$0xFFFFFF10];
	v8 =	vmul.f32 v8, v2  }
0x1da: {  	v11 =	vmul.f32 v11, v5;
	v13 =	vld [tilespmem:s30+$0xFFFFFF20];
	[tilespmem:s30+$0xFFFFFEC0] =	vst v1  }
0x1db: {  	v1 =	vmul.f32 v12, v5;
	[tilespmem:s30+$0x130] =	vst v8;
	v8 =	vld [tilespmem:s30+$0xFFFFFF30]  }
0x1dc: {  	[tilespmem:s30+$0xFFFFFED0] =	vst v11;
	v11 =	vld [tilespmem:s30+$0xFFFFFF40];
	v4 =	vmul.f32 v4, v5  }
0x1dd: {  	[tilespmem:s30+$0xFFFFFEE0] =	vst v1;
	v1 =	vmul.f32 v7, v5;
	v7 =	vld [tilespmem:s30+$0xFFFFFF50]  }
0x1de: {  	[tilespmem:s30+$0xFFFFFEF0] =	vst v4;
	v4 =	vmul.f32 v10, v5;
	v10 =	vld [tilespmem:s30+$0xFFFFFF60]  }
0x1df: {  	v12 =	vld [tilespmem:s30+$0xFFFFFF70];
	[tilespmem:s30+$0xFFFFFF00] =	vst v1;
	v1 =	vmul.f32 v13, v5  }
0x1e0: {  	[tilespmem:s30+$0xFFFFFF10] =	vst v4;
	v4 =	vmul.f32 v8, v5;
	v5 =	vld [tilespmem:s30+$0xFFFFFF80]  }
0x1e1: {  	[tilespmem:s30+$0xFFFFFF20] =	vst v1;
	v1 =	vmul.f32 v11, v9;
	v8 =	vld [tilespmem:s30+$0xFFFFFF90]  }
0x1e2: {  	[tilespmem:s30+$0xFFFFFF30] =	vst v4;
	v4 =	vmul.f32 v7, v9;
	v7 =	vld [tilespmem:s30+$0xFFFFFFA0]  }
0x1e3: {  	[tilespmem:s30+$0xFFFFFF40] =	vst v1;
	v1 =	vmul.f32 v10, v9;
	v10 =	vld [tilespmem:s30+$0xFFFFFFB0]  }
0x1e4: {  	v11 =	vld [tilespmem:s30+$0xFFFFFFC0];
	[tilespmem:s30+$0xFFFFFF50] =	vst v4;
	v4 =	vmul.f32 v12, v9  }
0x1e5: {  	[tilespmem:s30+$0xFFFFFF60] =	vst v1;
	v1 =	vmul.f32 v5, v9;
	v5 =	vld [tilespmem:s30+$0xFFFFFFD0]  }
0x1e6: {  	[tilespmem:s30+$0xFFFFFF70] =	vst v4;
	v4 =	vmul.f32 v8, v9;
	v8 =	vld [tilespmem:s30+$0xFFFFFFE0]  }
0x1e7: {  	[tilespmem:s30+$0xFFFFFF80] =	vst v1;
	v1 =	vmul.f32 v7, v9;
	v7 =	vld [tilespmem:s30+$0xFFFFFFF0]  }
0x1e8: {  	[tilespmem:s30+$0xFFFFFF90] =	vst v4;
	v4 =	vmul.f32 v10, v9;
	v9 =	vld [tilespmem:s30+$0x0]  }
0x1e9: {  	v10 =	vld [tilespmem:s30+$0x10];
	[tilespmem:s30+$0xFFFFFFA0] =	vst v1;
	v1 =	vmul.f32 v11, v3  }
0x1ea: {  	[tilespmem:s30+$0xFFFFFFB0] =	vst v4;
	v4 =	vmul.f32 v5, v3;
	v5 =	vld [tilespmem:s30+$0x20]  }
0x1eb: {  	[tilespmem:s30+$0xFFFFFFC0] =	vst v1;
	v1 =	vmul.f32 v8, v3;
	v8 =	vld [tilespmem:s30+$0x30]  }
0x1ec: {  	[tilespmem:s30+$0xFFFFFFD0] =	vst v4;
	v4 =	vmul.f32 v7, v3;
	v7 =	vld [tilespmem:s30+$0x40]  }
0x1ed: {  	[tilespmem:s30+$0xFFFFFFE0] =	vst v1;
	v1 =	vmul.f32 v9, v3;
	v9 =	vld [tilespmem:s30+$0x50]  }
0x1ee: {  	[tilespmem:s30+$0xFFFFFFF0] =	vst v4;
	v4 =	vmul.f32 v10, v3;
	v10 =	vld [tilespmem:s30+$0x60]  }
0x1ef: {  	[tilespmem:s30+$0x0] =	vst v1;
	v1 =	vmul.f32 v5, v3;
	v5 =	vld [tilespmem:s30+$0x70]  }
0x1f0: {  	[tilespmem:s30+$0x10] =	vst v4;
	v3 =	vmul.f32 v8, v3;
	v4 =	vld [tilespmem:s30+$0x80]  }
0x1f1: {  	[tilespmem:s30+$0x20] =	vst v1;
	v1 =	vmul.f32 v7, v6;
	v7 =	vld [tilespmem:s30+$0x90]  }
0x1f2: {  	v8 =	vld [tilespmem:s30+$0xA0];
	[tilespmem:s30+$0x30] =	vst v3;
	v3 =	vmul.f32 v9, v6  }
0x1f3: {  	v9 =	vld [tilespmem:s30+$0xB0];
	[tilespmem:s30+$0x40] =	vst v1;
	v1 =	vmul.f32 v10, v6  }
0x1f4: {  	[tilespmem:s30+$0x50] =	vst v3;
	v3 =	vmul.f32 v5, v6;
	v5 =	vld [tilespmem:s30+$0xC0]  }
0x1f5: {  	[tilespmem:s30+$0x60] =	vst v1;
	v1 =	vmul.f32 v4, v6;
	v4 =	vld [tilespmem:s30+$0xD0]  }
0x1f6: {  	[tilespmem:s30+$0x70] =	vst v3;
	v3 =	vmul.f32 v7, v6;
	v7 =	vld [tilespmem:s30+$0xE0]  }
0x1f7: {  	[tilespmem:s30+$0x80] =	vst v1;
	v1 =	vmul.f32 v8, v6;
	v8 =	vld [tilespmem:s30+$0xF0]  }
0x1f8: {  	[tilespmem:s30+$0x90] =	vst v3;
	v3 =	vmul.f32 v9, v6;
	v6 =	vld [tilespmem:s30+$0x100]  }
0x1f9: {  	[tilespmem:s30+$0xA0] =	vst v1;
	v1 =	vmul.f32 v5, v2;
	v5 =	vld [tilespmem:s30+$0x110]  }
0x1fa: {  	[tilespmem:s30+$0xB0] =	vst v3;
	v3 =	vmul.f32 v4, v2;
	v4 =	vld [tilespmem:s30+$0x120]  }
0x1fb: {  	[tilespmem:s30+$0xC0] =	vst v1;
	v1 =	vmul.f32 v7, v2  }
0x1fc: {  	[tilespmem:s30+$0xD0] =	vst v3;
	v3 =	vmul.f32 v8, v2  }
0x1fd: {  	[tilespmem:s30+$0xE0] =	vst v1;
	v1 =	vmul.f32 v6, v2  }
0x1fe: {  	[tilespmem:s30+$0xF0] =	vst v3;
	v3 =	vmul.f32 v5, v2  }
0x1ff: {  	[tilespmem:s30+$0x100] =	vst v1;
	v1 =	vmul.f32 v4, v2  }
0x200: {  	[tilespmem:s30+$0x110] =	vst v3  }
0x201: {  	s1 =	simm.s32 $0x13D80;
	s31 =	simm.s32 $0x0;
	s28 =	simm.s32 $0x1;
	[tilespmem:s30+$0x120] =	vst v1  }
0x202: {  	v1 =	vmov s31;
	[spmem:s2] =	stream.indirect.scatter.add.f32 [tilespmem:s13], [sflag:$0x3], $0x80, s1, s18, $0xb8;
	[tilespmem:$0x1C480] =	vst v63  }
0x203: {  	v2 =	vmov s28;
	v1 =	vand.u32 $0x7F, v1;
	_ =	swait.ge [sflag:s22], $0x3E80  }
0x204: {  	v2 =	vand.u32 $0xFF, v2;
	v1 =	vor.u32 $0x180, v1;
	[sflag:s22] =	ssyncset.done $0x0  }
0x205: {  	v2 =	vadd.s32 $0x180, v2;
	s31 =	simm.s32 $0x13A80;
	v1 =	vbroadcast v1, $0x0;
	[sflag:s22] =	ssyncadd.s32 $0xFFFFC180  }
0x206: {  	[tilespmem:s13], [sflag:$0x1] =	stream.indirect.gather [hbm4b:s4+s18], $0x80, s31, s18, $0xb8;
	[tilespmem:$0x1C480] =	vst v63  }
0x207: {  	_ =	swait.ge [sflag:s24], $0x3E80  }
0x208: {  	[sflag:s24] =	ssyncset.done $0x0  }
0x209: {  	[sflag:s24] =	ssyncadd.s32 $0xFFFFC180  }
0x20a: {  	v3 =	vld.idx.msk [tilespmem:v2+s17+$0x0], $0xffff  }
0x20b: {  	s28 =	simm.s32 $0x185C0;
	v1 =	vld.idx.msk [tilespmem:v1+s17+$0x0], $0xffff  }
0x20c: {  	v2 =	vld [tilespmem:s28+$0xFFFFFF30]  }
0x20d: {  	v4 =	vld [tilespmem:s28+$0xFFFFFEC0]  }
0x20e: {  	s31 =	simm.s32 $0x2;
	v5 =	vld [tilespmem:s28+$0xFFFFFED0]  }
0x20f: {  	v11 =	vmov s31;
	v6 =	vld [tilespmem:s28+$0xFFFFFEE0]  }
0x210: {  	v11 =	vand.u32 $0xFF, v11;
	v7 =	vld [tilespmem:s28+$0xFFFFFEF0]  }
0x211: {  	v11 =	vadd.s32 $0x180, v11;
	v8 =	vld [tilespmem:s28+$0xFFFFFF00]  }
0x212: {  	v9 =	vld [tilespmem:s28+$0xFFFFFF10]  }
0x213: {  	v10 =	vld [tilespmem:s28+$0xFFFFFF20]  }
0x214: {  	v12 =	vld [tilespmem:s28+$0xFFFFFF40];
	v2 =	vmul.f32 v2, v1  }
0x215: {  	v13 =	vld [tilespmem:s28+$0xFFFFFF50];
	v4 =	vmul.f32 v4, v1  }
0x216: {  	v11 =	vld.idx.msk [tilespmem:v11+s17+$0x0], $0xffff;
	v5 =	vmul.f32 v5, v1;
	[tilespmem:s28+$0xFFFFFF30] =	vst v2  }
0x217: {  	v8 =	vmul.f32 v8, v1;
	v2 =	vld [tilespmem:s28+$0xFFFFFF60];
	[tilespmem:s28+$0xFFFFFEC0] =	vst v4  }
0x218: {  	v9 =	vmul.f32 v9, v1;
	v4 =	vmul.f32 v6, v1;
	v6 =	vld [tilespmem:s28+$0xFFFFFF70];
	[tilespmem:s28+$0xFFFFFED0] =	vst v5  }
0x219: {  	v5 =	vmul.f32 v7, v1;
	v7 =	vld [tilespmem:s28+$0xFFFFFF80];
	[tilespmem:s28+$0xFFFFFF00] =	vst v8  }
0x21a: {  	v1 =	vmul.f32 v10, v1;
	[tilespmem:s28+$0xFFFFFF10] =	vst v9;
	v10 =	vld [tilespmem:s28+$0xFFFFFFC0]  }
0x21b: {  	v9 =	vmul.f32 v13, v3;
	v13 =	vld [tilespmem:s28+$0xFFFFFFD0];
	[tilespmem:s28+$0xFFFFFEE0] =	vst v4  }
0x21c: {  	v4 =	vmul.f32 v12, v3;
	v12 =	vld [tilespmem:s28+$0xFFFFFF90];
	[tilespmem:s28+$0xFFFFFEF0] =	vst v5  }
0x21d: {  	s31 =	simm.s32 $0x3;
	v5 =	vld [tilespmem:s28+$0xFFFFFFA0];
	[tilespmem:s28+$0xFFFFFF20] =	vst v1  }
0x21e: {  	v8 =	vmov s31;
	[tilespmem:s28+$0xFFFFFF50] =	vst v9;
	v9 =	vld [tilespmem:s28+$0x0]  }
0x21f: {  	v8 =	vand.u32 $0xFF, v8;
	[tilespmem:s28+$0xFFFFFF40] =	vst v4;
	v4 =	vld [tilespmem:s28+$0xFFFFFFB0];
	v1 =	vmul.f32 v2, v3  }
0x220: {  	v2 =	vadd.s32 $0x180, v8;
	v6 =	vmul.f32 v6, v3;
	v8 =	vld [tilespmem:s28+$0xFFFFFFE0]  }
0x221: {  	[tilespmem:s28+$0xFFFFFF60] =	vst v1;
	v1 =	vmul.f32 v7, v3;
	v7 =	vld [tilespmem:s28+$0xFFFFFFF0]  }
0x222: {  	[tilespmem:s28+$0xFFFFFF70] =	vst v6;
	v6 =	vmul.f32 v12, v3;
	v12 =	vld [tilespmem:s28+$0x90]  }
0x223: {  	v5 =	vmul.f32 v5, v3;
	[tilespmem:s28+$0xFFFFFF80] =	vst v1;
	v1 =	vmul.f32 v10, v11;
	v10 =	vld [tilespmem:s28+$0x10]  }
0x224: {  	[tilespmem:s28+$0xFFFFFF90] =	vst v6;
	v6 =	vld [tilespmem:s28+$0x20]  }
0x225: {  	v3 =	vmul.f32 v4, v3;
	[tilespmem:s28+$0xFFFFFFA0] =	vst v5;
	v4 =	vld [tilespmem:s28+$0x30]  }
0x226: {  	s31 =	simm.s32 $0x4;
	v2 =	vld.idx.msk [tilespmem:v2+s17+$0x0], $0xffff;
	[tilespmem:s28+$0xFFFFFFC0] =	vst v1;
	v1 =	vmul.f32 v13, v11  }
0x227: {  	v5 =	vmov s31;
	[tilespmem:s28+$0xFFFFFFB0] =	vst v3;
	v3 =	vmul.f32 v8, v11;
	v8 =	vld [tilespmem:s28+$0x40]  }
0x228: {  	v5 =	vand.u32 $0xFF, v5;
	v13 =	vld [tilespmem:s28+$0xA0];
	[tilespmem:s28+$0xFFFFFFD0] =	vst v1;
	v1 =	vmul.f32 v7, v11  }
0x229: {  	v5 =	vadd.s32 $0x180, v5;
	v7 =	vld [tilespmem:s28+$0x50];
	[tilespmem:s28+$0xFFFFFFE0] =	vst v3;
	v3 =	vmul.f32 v9, v11  }
0x22a: {  	v9 =	vld [tilespmem:s28+$0x60];
	v4 =	vmul.f32 v4, v11;
	[tilespmem:s28+$0xFFFFFFF0] =	vst v1  }
0x22b: {  	v1 =	vmul.f32 v10, v11;
	v10 =	vld [tilespmem:s28+$0x70];
	[tilespmem:s28+$0x0] =	vst v3  }
0x22c: {  	v3 =	vmul.f32 v6, v11;
	v6 =	vld [tilespmem:s28+$0x80];
	[tilespmem:s28+$0x30] =	vst v4  }
0x22d: {  	v8 =	vmul.f32 v8, v2;
	[tilespmem:s28+$0x10] =	vst v1  }
0x22e: {  	s31 =	simm.s32 $0x6;
	[tilespmem:s28+$0x20] =	vst v3;
	v1 =	vld.idx.msk [tilespmem:v5+s17+$0x0], $0xffff;
	v5 =	vmul.f32 v7, v2  }
0x22f: {  	v12 =	vmul.f32 v12, v2;
	v4 =	vmov s31;
	s31 =	simm.s32 $0x8;
	v3 =	vld [tilespmem:s28+$0xB0];
	[tilespmem:s28+$0x40] =	vst v8;
	v9 =	vmul.f32 v9, v2  }
0x230: {  	s29 =	simm.s32 $0x7;
	v13 =	vmul.f32 v13, v2;
	v11 =	vmov s31;
	v7 =	vld [tilespmem:s28+$0xC0];
	[tilespmem:s28+$0x50] =	vst v5;
	v5 =	vmul.f32 v10, v2  }
0x231: {  	v15 =	vand.u32 $0xFF, v4;
	v4 =	vld [tilespmem:s28+$0xD0];
	v8 =	vmov s29;
	s29 =	simm.s32 $0x9;
	[tilespmem:s28+$0x60] =	vst v9;
	v6 =	vmul.f32 v6, v2  }
0x232: {  	s31 =	simm.s32 $0x5;
	v11 =	vand.u32 $0xFF, v11;
	v14 =	vmov s29;
	v10 =	vand.u32 $0xFF, v8;
	[tilespmem:s28+$0x70] =	vst v5;
	v5 =	vld [tilespmem:s28+$0xE0]  }
0x233: {  	s30 =	simm.s32 $0xA;
	s29 =	simm.s32 $0x185C0;
	v9 =	vand.u32 $0xFF, v14;
	v14 =	vmov s31;
	v8 =	vadd.s32 $0x180, v15;
	[tilespmem:s28+$0x80] =	vst v6;
	v6 =	vld [tilespmem:s28+$0xF0]  }
.LBB2_13:
0x234: {  	p1 =	slt.u32 s30, $0x78;
	v14 =	vand.u32 $0x7F, v14;
	v10 =	vadd.s32 $0x180, v10;
	[tilespmem:s28+$0x90] =	vst v12;
	v2 =	vmul.f32 v3, v2;
	v3 =	vld [tilespmem:s28+$0x100]  }
0x235: {  	v11 =	vadd.s32 $0x180, v11;
	v12 =	vor.u32 $0x180, v14;
	[tilespmem:s28+$0xA0] =	vst v13;
	v7 =	vmul.f32 v7, v1;
	v13 =	vld [tilespmem:s28+$0x110]  }
0x236: {  	v9 =	vadd.s32 $0x180, v9;
	v12 =	vbroadcast v12, $0x0;
	[tilespmem:s28+$0xB0] =	vst v2;
	v2 =	vmul.f32 v4, v1;
	v4 =	vld [tilespmem:s28+$0x120]  }
0x237: {  	[tilespmem:s28+$0xC0] =	vst v7;
	v5 =	vmul.f32 v5, v1;
	v7 =	vld [tilespmem:s28+$0x130]  }
0x238: {  	v8 =	vld.idx.msk [tilespmem:v8+s17+$0x0], $0xffff;
	[tilespmem:s28+$0xD0] =	vst v2;
	v6 =	vmul.f32 v6, v1  }
0x239: {  	v10 =	vld.idx.msk [tilespmem:v10+s17+$0x0], $0xffff;
	[tilespmem:s28+$0xE0] =	vst v5;
	v3 =	vmul.f32 v3, v1  }
0x23a: {  	v2 =	vld.idx.msk [tilespmem:v11+s17+$0x0], $0xffff;
	[tilespmem:s28+$0xF0] =	vst v6;
	v5 =	vmul.f32 v13, v1  }
0x23b: {  	v6 =	vld.idx.msk [tilespmem:v9+s17+$0x0], $0xffff;
	[tilespmem:s28+$0x100] =	vst v3;
	v3 =	vmul.f32 v4, v1  }
0x23c: {  	s28 =	sadd.s32 $0x280, s28;
	v4 =	vld.idx.msk [tilespmem:v12+s17+$0x0], $0xffff;
	[tilespmem:s29+$0x110] =	vst v5;
	v1 =	vmul.f32 v7, v1  }
0x23d: {  	v5 =	vld [tilespmem:s28+$0xFFFFFF30];
	[tilespmem:s29+$0x120] =	vst v3  }
0x23e: {  	v3 =	vld [tilespmem:s28+$0xFFFFFEC0];
	[tilespmem:s29+$0x130] =	vst v1;
	s29 =	smov.u32 s28  }
0x23f: {  	v7 =	vld [tilespmem:s28+$0xFFFFFED0]  }
0x240: {  	v9 =	vld [tilespmem:s28+$0xFFFFFEE0]  }
0x241: {  	v1 =	vmov v6;
	v11 =	vld [tilespmem:s28+$0xFFFFFEF0]  }
0x242: {  	v6 =	vld [tilespmem:s28+$0xFFFFFF00];
	v5 =	vmul.f32 v5, v4  }
0x243: {  	v3 =	vmul.f32 v3, v4;
	v12 =	vld [tilespmem:s28+$0xFFFFFF10]  }
0x244: {  	v7 =	vmul.f32 v7, v4;
	v13 =	vld [tilespmem:s28+$0xFFFFFF20];
	[tilespmem:s28+$0xFFFFFF30] =	vst v5  }
0x245: {  	[tilespmem:s28+$0xFFFFFEC0] =	vst v3;
	v3 =	vmul.f32 v9, v4;
	v5 =	vld [tilespmem:s28+$0xFFFFFF40]  }
0x246: {  	[tilespmem:s28+$0xFFFFFED0] =	vst v7;
	v7 =	vmul.f32 v11, v4;
	v9 =	vld [tilespmem:s28+$0xFFFFFF50]  }
0x247: {  	[tilespmem:s28+$0xFFFFFEE0] =	vst v3;
	v3 =	vmul.f32 v6, v4;
	v6 =	vld [tilespmem:s28+$0xFFFFFF60]  }
0x248: {  	[tilespmem:s28+$0xFFFFFEF0] =	vst v7;
	v7 =	vmul.f32 v12, v4;
	v11 =	vld [tilespmem:s28+$0xFFFFFF70]  }
0x249: {  	[tilespmem:s28+$0xFFFFFF00] =	vst v3;
	v3 =	vmul.f32 v13, v4;
	v4 =	vld [tilespmem:s28+$0xFFFFFF80]  }
0x24a: {  	[tilespmem:s28+$0xFFFFFF10] =	vst v7;
	v5 =	vmul.f32 v5, v8;
	v7 =	vld [tilespmem:s28+$0xFFFFFF90]  }
0x24b: {  	[tilespmem:s28+$0xFFFFFF20] =	vst v3;
	v3 =	vmul.f32 v9, v8;
	v9 =	vld [tilespmem:s28+$0xFFFFFFA0]  }
0x24c: {  	[tilespmem:s28+$0xFFFFFF40] =	vst v5;
	v5 =	vmul.f32 v6, v8;
	v6 =	vld [tilespmem:s28+$0xFFFFFFB0]  }
0x24d: {  	[tilespmem:s28+$0xFFFFFF50] =	vst v3;
	v3 =	vmul.f32 v11, v8;
	v11 =	vld [tilespmem:s28+$0xFFFFFFC0]  }
0x24e: {  	[tilespmem:s28+$0xFFFFFF60] =	vst v5;
	v4 =	vmul.f32 v4, v8;
	v5 =	vld [tilespmem:s28+$0xFFFFFFD0]  }
0x24f: {  	[tilespmem:s28+$0xFFFFFF70] =	vst v3;
	v3 =	vmul.f32 v7, v8;
	v7 =	vld [tilespmem:s28+$0xFFFFFFE0]  }
0x250: {  	[tilespmem:s28+$0xFFFFFF80] =	vst v4;
	v4 =	vmul.f32 v9, v8;
	v9 =	vld [tilespmem:s28+$0xFFFFFFF0]  }
0x251: {  	[tilespmem:s28+$0xFFFFFF90] =	vst v3;
	v3 =	vmul.f32 v6, v8;
	v6 =	vld [tilespmem:s28+$0x0]  }
0x252: {  	[tilespmem:s28+$0xFFFFFFA0] =	vst v4;
	v4 =	vmul.f32 v11, v10;
	v8 =	vld [tilespmem:s28+$0x10]  }
0x253: {  	[tilespmem:s28+$0xFFFFFFB0] =	vst v3;
	v3 =	vmul.f32 v5, v10;
	v5 =	vld [tilespmem:s28+$0x20]  }
0x254: {  	[tilespmem:s28+$0xFFFFFFC0] =	vst v4;
	v4 =	vmul.f32 v7, v10;
	v7 =	vld [tilespmem:s28+$0x30]  }
0x255: {  	[tilespmem:s28+$0xFFFFFFD0] =	vst v3;
	v3 =	vmul.f32 v9, v10;
	v9 =	vld [tilespmem:s28+$0x40]  }
0x256: {  	[tilespmem:s28+$0xFFFFFFE0] =	vst v4;
	v4 =	vmul.f32 v6, v10;
	v6 =	vld [tilespmem:s28+$0x50]  }
0x257: {  	[tilespmem:s28+$0xFFFFFFF0] =	vst v3;
	v3 =	vmul.f32 v8, v10;
	v8 =	vld [tilespmem:s28+$0x60]  }
0x258: {  	[tilespmem:s28+$0x0] =	vst v4;
	v4 =	vmul.f32 v5, v10;
	v5 =	vld [tilespmem:s28+$0x70]  }
0x259: {  	[tilespmem:s28+$0x10] =	vst v3;
	v3 =	vmul.f32 v7, v10;
	v11 =	vld [tilespmem:s28+$0x80]  }
0x25a: {  	[tilespmem:s28+$0x20] =	vst v4;
	v4 =	vmul.f32 v9, v2;
	v12 =	vld [tilespmem:s28+$0x90]  }
0x25b: {  	s1 =	sadd.s32 $0x1, s30;
	s31 =	sadd.s32 $0x2, s30;
	[tilespmem:s28+$0x30] =	vst v3;
	v6 =	vmul.f32 v6, v2;
	v13 =	vld [tilespmem:s28+$0xA0]  }
.Ltmp6:
0x25c: {  	v10 =	vmov s31;
	s31 =	sadd.s32 $0x4, s30;
	v9 =	vmov s1;
	s1 =	sadd.s32 $0x3, s30;
	[tilespmem:s28+$0x40] =	vst v4;
	v4 =	vmul.f32 v8, v2;
	v3 =	vld [tilespmem:s28+$0xB0];
	(pc) =	sbr.rel @p1 .LBB2_13-.Ltmp6, $4  }
0x25d: {  	v14 =	vmov s31;
	v8 =	vmov s1;
	[tilespmem:s28+$0x50] =	vst v6;
	v5 =	vmul.f32 v5, v2;
	v7 =	vld [tilespmem:s28+$0xC0]  }
0x25e: {  	v10 =	vand.u32 $0xFF, v10;
	v6 =	vand.u32 $0xFF, v9;
	[tilespmem:s28+$0x60] =	vst v4;
	v15 =	vmul.f32 v11, v2;
	v4 =	vld [tilespmem:s28+$0xD0]  }
0x25f: {  	v9 =	vand.u32 $0xFF, v14;
	v11 =	vand.u32 $0xFF, v8;
	[tilespmem:s28+$0x70] =	vst v5;
	v12 =	vmul.f32 v12, v2;
	v5 =	vld [tilespmem:s28+$0xE0]  }
0x260: {  	v14 =	vmov s30;
	s30 =	sadd.s32 $0x5, s30;
	v8 =	vadd.s32 $0x180, v6;
	[tilespmem:s28+$0x80] =	vst v15;
	v13 =	vmul.f32 v13, v2;
	v6 =	vld [tilespmem:s28+$0xF0]  }
0x261: {  	_ = 	snop  }
0x262: {  	v15 =	vld [tilespmem:s28+$0x100]  }
0x263: {  	v14 =	vand.u32 $0x7F, v14;
	v16 =	vld [tilespmem:s28+$0x110]  }
0x264: {  	v17 =	vld [tilespmem:s28+$0x120];
	v14 =	vor.u32 $0x180, v14  }
0x265: {  	v9 =	vadd.s32 $0x180, v9;
	v8 =	vld.idx.msk [tilespmem:v8+s17+$0x0], $0xffff;
	s30 =	sadd.s32 $0x280, s28;
	v14 =	vbroadcast v14, $0x0  }
0x266: {  	[tilespmem:s28+$0x90] =	vst v12;
	v7 =	vmul.f32 v7, v1;
	v12 =	vld [tilespmem:s30+$0xFFFFFED0]  }
0x267: {  	[tilespmem:s28+$0xA0] =	vst v13;
	v13 =	vld [tilespmem:s30+$0xFFFFFEE0];
	v4 =	vmul.f32 v4, v1  }
0x268: {  	v10 =	vadd.s32 $0x180, v10;
	v3 =	vmul.f32 v3, v2;
	[tilespmem:s28+$0xC0] =	vst v7;
	v7 =	vld [tilespmem:s28+$0x130]  }
0x269: {  	v11 =	vadd.s32 $0x180, v11;
	[tilespmem:s28+$0xD0] =	vst v4;
	v4 =	vmul.f32 v6, v1;
	v6 =	vld [tilespmem:s30+$0xFFFFFF30]  }
0x26a: {  	[tilespmem:s28+$0xB0] =	vst v3;
	v3 =	vmul.f32 v5, v1;
	v2 =	vld.idx.msk [tilespmem:v9+s17+$0x0], $0xffff  }
0x26b: {  	v5 =	vld.idx.msk [tilespmem:v14+s17+$0x0], $0xffff  }
0x26c: {  	[tilespmem:s28+$0xE0] =	vst v3;
	v3 =	vmul.f32 v15, v1;
	v9 =	vld [tilespmem:s30+$0xFFFFFEC0]  }
0x26d: {  	v10 =	vld.idx.msk [tilespmem:v10+s17+$0x0], $0xffff;
	[tilespmem:s28+$0xF0] =	vst v4;
	v4 =	vmul.f32 v16, v1  }
0x26e: {  	v11 =	vld.idx.msk [tilespmem:v11+s17+$0x0], $0xffff;
	[tilespmem:s28+$0x100] =	vst v3;
	v3 =	vmul.f32 v17, v1  }
0x26f: {  	[tilespmem:s29+$0x110] =	vst v4;
	v1 =	vmul.f32 v7, v1;
	v4 =	vld [tilespmem:s30+$0xFFFFFEF0]  }
0x270: {  	[tilespmem:s29+$0x120] =	vst v3;
	v3 =	vld [tilespmem:s30+$0xFFFFFF00];
	v6 =	vmul.f32 v6, v5  }
0x271: {  	v7 =	vld [tilespmem:s30+$0xFFFFFF10];
	[tilespmem:s29+$0x130] =	vst v1;
	v1 =	vmul.f32 v9, v5  }
0x272: {  	v9 =	vmul.f32 v12, v5;
	v12 =	vld [tilespmem:s30+$0xFFFFFF20];
	[tilespmem:s30+$0xFFFFFF30] =	vst v6  }
0x273: {  	[tilespmem:s30+$0xFFFFFEC0] =	vst v1;
	v1 =	vmul.f32 v13, v5;
	v6 =	vld [tilespmem:s30+$0xFFFFFF40]  }
0x274: {  	v4 =	vmul.f32 v4, v5;
	[tilespmem:s30+$0xFFFFFED0] =	vst v9;
	v9 =	vld [tilespmem:s30+$0xFFFFFF50]  }
0x275: {  	[tilespmem:s30+$0xFFFFFEE0] =	vst v1;
	v1 =	vmul.f32 v3, v5;
	v3 =	vld [tilespmem:s30+$0xFFFFFF60]  }
0x276: {  	[tilespmem:s30+$0xFFFFFEF0] =	vst v4;
	v4 =	vmul.f32 v7, v5;
	v7 =	vld [tilespmem:s30+$0xFFFFFF70]  }
0x277: {  	[tilespmem:s30+$0xFFFFFF00] =	vst v1;
	v1 =	vmul.f32 v12, v5;
	v5 =	vld [tilespmem:s30+$0xFFFFFF80]  }
0x278: {  	[tilespmem:s30+$0xFFFFFF10] =	vst v4;
	v4 =	vmul.f32 v6, v8;
	v6 =	vld [tilespmem:s30+$0xFFFFFF90]  }
0x279: {  	[tilespmem:s30+$0xFFFFFF20] =	vst v1;
	v1 =	vmul.f32 v9, v8;
	v9 =	vld [tilespmem:s30+$0xFFFFFFA0]  }
0x27a: {  	[tilespmem:s30+$0xFFFFFF40] =	vst v4;
	v3 =	vmul.f32 v3, v8;
	v4 =	vld [tilespmem:s30+$0xFFFFFFB0]  }
0x27b: {  	[tilespmem:s30+$0xFFFFFF50] =	vst v1;
	v1 =	vmul.f32 v7, v8;
	v7 =	vld [tilespmem:s30+$0xFFFFFFC0]  }
0x27c: {  	[tilespmem:s30+$0xFFFFFF60] =	vst v3;
	v3 =	vmul.f32 v5, v8;
	v5 =	vld [tilespmem:s30+$0xFFFFFFD0]  }
0x27d: {  	[tilespmem:s30+$0xFFFFFF70] =	vst v1;
	v1 =	vmul.f32 v6, v8;
	v6 =	vld [tilespmem:s30+$0xFFFFFFE0]  }
0x27e: {  	[tilespmem:s30+$0xFFFFFF80] =	vst v3;
	v3 =	vmul.f32 v9, v8;
	v9 =	vld [tilespmem:s30+$0xFFFFFFF0]  }
0x27f: {  	[tilespmem:s30+$0xFFFFFF90] =	vst v1;
	v1 =	vmul.f32 v4, v8;
	v4 =	vld [tilespmem:s30+$0x0]  }
0x280: {  	[tilespmem:s30+$0xFFFFFFA0] =	vst v3;
	v3 =	vmul.f32 v7, v10;
	v7 =	vld [tilespmem:s30+$0x10]  }
0x281: {  	[tilespmem:s30+$0xFFFFFFB0] =	vst v1;
	v1 =	vmul.f32 v5, v10;
	v5 =	vld [tilespmem:s30+$0x20]  }
0x282: {  	[tilespmem:s30+$0xFFFFFFC0] =	vst v3;
	v3 =	vmul.f32 v6, v10;
	v6 =	vld [tilespmem:s30+$0x30]  }
0x283: {  	v8 =	vld [tilespmem:s30+$0x40];
	[tilespmem:s30+$0xFFFFFFD0] =	vst v1;
	v1 =	vmul.f32 v9, v10  }
0x284: {  	[tilespmem:s30+$0xFFFFFFE0] =	vst v3;
	v3 =	vmul.f32 v4, v10;
	v4 =	vld [tilespmem:s30+$0x50]  }
0x285: {  	[tilespmem:s30+$0xFFFFFFF0] =	vst v1;
	v1 =	vmul.f32 v7, v10;
	v7 =	vld [tilespmem:s30+$0x60]  }
0x286: {  	[tilespmem:s30+$0x0] =	vst v3;
	v3 =	vmul.f32 v5, v10;
	v5 =	vld [tilespmem:s30+$0x70]  }
0x287: {  	[tilespmem:s30+$0x10] =	vst v1;
	v1 =	vmul.f32 v6, v10;
	v6 =	vld [tilespmem:s30+$0x80]  }
0x288: {  	[tilespmem:s30+$0x20] =	vst v3;
	v3 =	vmul.f32 v8, v11;
	v8 =	vld [tilespmem:s30+$0x90]  }
0x289: {  	[tilespmem:s30+$0x30] =	vst v1;
	v1 =	vmul.f32 v4, v11;
	v4 =	vld [tilespmem:s30+$0xA0]  }
0x28a: {  	[tilespmem:s30+$0x40] =	vst v3;
	v3 =	vmul.f32 v7, v11;
	v7 =	vld [tilespmem:s30+$0xB0]  }
0x28b: {  	[tilespmem:s30+$0x50] =	vst v1;
	v1 =	vmul.f32 v5, v11;
	v5 =	vld [tilespmem:s30+$0xC0]  }
0x28c: {  	[tilespmem:s30+$0x60] =	vst v3;
	v3 =	vmul.f32 v6, v11;
	v6 =	vld [tilespmem:s30+$0xD0]  }
0x28d: {  	[tilespmem:s30+$0x70] =	vst v1;
	v1 =	vmul.f32 v8, v11;
	v8 =	vld [tilespmem:s30+$0xE0]  }
0x28e: {  	[tilespmem:s30+$0x80] =	vst v3;
	v3 =	vmul.f32 v4, v11;
	v4 =	vld [tilespmem:s30+$0xF0]  }
0x28f: {  	[tilespmem:s30+$0x90] =	vst v1;
	v1 =	vmul.f32 v7, v11;
	v7 =	vld [tilespmem:s30+$0x100]  }
0x290: {  	[tilespmem:s30+$0xA0] =	vst v3;
	v3 =	vmul.f32 v5, v2;
	v5 =	vld [tilespmem:s30+$0x110]  }
0x291: {  	[tilespmem:s30+$0xB0] =	vst v1;
	v1 =	vmul.f32 v6, v2;
	v6 =	vld [tilespmem:s30+$0x120]  }
0x292: {  	[tilespmem:s30+$0xC0] =	vst v3;
	v3 =	vmul.f32 v8, v2;
	v8 =	vld [tilespmem:s30+$0x130]  }
0x293: {  	[tilespmem:s30+$0xD0] =	vst v1;
	v1 =	vmul.f32 v4, v2  }
0x294: {  	[tilespmem:s30+$0xE0] =	vst v3;
	v3 =	vmul.f32 v7, v2  }
0x295: {  	[tilespmem:s30+$0xF0] =	vst v1;
	v1 =	vmul.f32 v5, v2  }
0x296: {  	[tilespmem:s30+$0x100] =	vst v3;
	v3 =	vmul.f32 v6, v2  }
0x297: {  	[tilespmem:s30+$0x110] =	vst v1;
	v1 =	vmul.f32 v8, v2  }
0x298: {  	s1 =	simm.s32 $0x0;
	[tilespmem:s30+$0x120] =	vst v3  }
0x299: {  	s28 =	simm.s32 $0x13E00;
	[tilespmem:s30+$0x130] =	vst v1;
	v1 =	vmov s1  }
0x29a: {  	[spmem:s2] =	stream.indirect.scatter.add.f32 [tilespmem:s20], [sflag:$0x4], $0x80, s28, s18, $0xb8;
	v1 =	vand.u32 $0x7F, v1;
	[tilespmem:$0x1C480] =	vst v63  }
0x29b: {  	s1 =	simm.s32 $0x4;
	_ =	swait.ge [sflag:s26], $0x3E80;
	v1 =	vor.u32 $0x200, v1  }
0x29c: {  	v2 =	vmov s1;
	[sflag:s26] =	ssyncset.done $0x0;
	v1 =	vbroadcast v1, $0x0  }
0x29d: {  	s1 =	simm.s32 $0x13B00;
	v2 =	vand.u32 $0xFF, v2;
	[sflag:s26] =	ssyncadd.s32 $0xFFFFC180  }
0x29e: {  	v2 =	vor.u32 $0x200, v2;
	[tilespmem:s20], [sflag:$0x2] =	stream.indirect.gather [hbm4b:s4+s18], $0x80, s1, s18, $0xb8;
	[tilespmem:$0x1C480] =	vst v63  }
0x29f: {  	v2 =	vbroadcast v2, $0x0;
	_ =	swait.ge [sflag:s21], $0x3E80  }
0x2a0: {  	[sflag:s21] =	ssyncset.done $0x0  }
0x2a1: {  	[sflag:s21] =	ssyncadd.s32 $0xFFFFC180  }
0x2a2: {  	s28 =	simm.s32 $0x145C0;
	v3 =	vld.idx.msk [tilespmem:v1+s17+$0x0], $0xffff  }
0x2a3: {  	s1 =	simm.s32 $0x1;
	v5 =	vld [tilespmem:s28+$0xFFFFFEC0]  }
0x2a4: {  	v4 =	vmov s1;
	v6 =	vld [tilespmem:s28+$0xFFFFFED0]  }
0x2a5: {  	v1 =	vld.idx.msk [tilespmem:v2+s17+$0x0], $0xffff;
	v2 =	vand.u32 $0xFF, v4  }
0x2a6: {  	v7 =	vld [tilespmem:s28+$0xFFFFFEE0];
	v2 =	vor.u32 $0x200, v2  }
0x2a7: {  	v4 =	vld [tilespmem:s28+$0x130];
	v2 =	vbroadcast v2, $0x0  }
0x2a8: {  	v8 =	vld [tilespmem:s28+$0xFFFFFEF0]  }
0x2a9: {  	v9 =	vld [tilespmem:s28+$0xFFFFFF00]  }
0x2aa: {  	v10 =	vld [tilespmem:s28+$0xFFFFFF10]  }
0x2ab: {  	s1 =	simm.s32 $0x2;
	v11 =	vld [tilespmem:s28+$0xFFFFFF20];
	v5 =	vmul.f32 v5, v3  }
0x2ac: {  	v12 =	vmov s1;
	v14 =	vld [tilespmem:s28+$0xFFFFFF50];
	v4 =	vmul.f32 v4, v1  }
0x2ad: {  	v6 =	vmul.f32 v6, v3;
	[tilespmem:s28+$0xFFFFFEC0] =	vst v5;
	v13 =	vld.idx.msk [tilespmem:v2+s17+$0x0], $0xffff;
	v2 =	vand.u32 $0xFF, v12  }
0x2ae: {  	v5 =	vld [tilespmem:s28+$0xFFFFFF30];
	[tilespmem:s28+$0x130] =	vst v4;
	v4 =	vmul.f32 v7, v3;
	v2 =	vor.u32 $0x200, v2  }
0x2af: {  	v10 =	vmul.f32 v10, v3;
	[tilespmem:s28+$0xFFFFFED0] =	vst v6;
	v12 =	vld [tilespmem:s28+$0xFFFFFF40];
	v2 =	vbroadcast v2, $0x0  }
0x2b0: {  	v6 =	vmul.f32 v8, v3;
	v8 =	vld [tilespmem:s28+$0xFFFFFF70];
	[tilespmem:s28+$0xFFFFFEE0] =	vst v4;
	v4 =	vmul.f32 v9, v3  }
0x2b1: {  	[tilespmem:s28+$0xFFFFFF10] =	vst v10;
	v10 =	vld [tilespmem:s28+$0xFFFFFFC0]  }
0x2b2: {  	[tilespmem:s28+$0xFFFFFF00] =	vst v4;
	v4 =	vld [tilespmem:s28+$0xFFFFFFA0]  }
0x2b3: {  	v7 =	vld [tilespmem:s28+$0xFFFFFF60]  }
0x2b4: {  	[tilespmem:s28+$0xFFFFFEF0] =	vst v6;
	v9 =	vld [tilespmem:s28+$0xFFFFFF80];
	v6 =	vmul.f32 v12, v13  }
0x2b5: {  	s1 =	simm.s32 $0x3;
	v15 =	vld.idx.msk [tilespmem:v2+s17+$0x0], $0xffff;
	v2 =	vmul.f32 v11, v3  }
0x2b6: {  	v12 =	vld [tilespmem:s28+$0xFFFFFF90];
	[tilespmem:s28+$0xFFFFFF40] =	vst v6;
	v6 =	vmov s1;
	v3 =	vmul.f32 v5, v3  }
0x2b7: {  	v6 =	vand.u32 $0xFF, v6;
	v5 =	vld [tilespmem:s28+$0xFFFFFFB0];
	v4 =	vmul.f32 v4, v13;
	[tilespmem:s28+$0xFFFFFF20] =	vst v2  }
0x2b8: {  	v11 =	vld [tilespmem:s28+$0x0];
	v6 =	vor.u32 $0x200, v6;
	v2 =	vmul.f32 v14, v13;
	[tilespmem:s28+$0xFFFFFF30] =	vst v3  }
0x2b9: {  	v6 =	vbroadcast v6, $0x0;
	v3 =	vmul.f32 v7, v13;
	v7 =	vld [tilespmem:s28+$0xFFFFFFD0];
	[tilespmem:s28+$0xFFFFFFA0] =	vst v4  }
0x2ba: {  	v4 =	vld [tilespmem:s28+$0x30];
	[tilespmem:s28+$0xFFFFFF50] =	vst v2;
	v2 =	vmul.f32 v8, v13  }
0x2bb: {  	v8 =	vld [tilespmem:s28+$0xFFFFFFE0];
	[tilespmem:s28+$0xFFFFFF60] =	vst v3;
	v3 =	vmul.f32 v9, v13  }
0x2bc: {  	v9 =	vld [tilespmem:s28+$0xFFFFFFF0];
	v5 =	vmul.f32 v5, v13;
	[tilespmem:s28+$0xFFFFFF70] =	vst v2  }
0x2bd: {  	v2 =	vmul.f32 v12, v13;
	[tilespmem:s28+$0xFFFFFF80] =	vst v3;
	v3 =	vmul.f32 v10, v15;
	v10 =	vld [tilespmem:s28+$0x10]  }
0x2be: {  	v12 =	vld [tilespmem:s28+$0x20];
	[tilespmem:s28+$0xFFFFFFB0] =	vst v5  }
0x2bf: {  	v13 =	vmul.f32 v4, v15;
	[tilespmem:s28+$0xFFFFFF90] =	vst v2;
	v2 =	vld.idx.msk [tilespmem:v6+s17+$0x0], $0xffff  }
0x2c0: {  	[tilespmem:s28+$0xFFFFFFC0] =	vst v3;
	v3 =	vmul.f32 v7, v15;
	v6 =	vld [tilespmem:s28+$0x40]  }
0x2c1: {  	v7 =	vld [tilespmem:s28+$0x50];
	v5 =	vmul.f32 v8, v15;
	[tilespmem:s28+$0x30] =	vst v13  }
0x2c2: {  	v8 =	vld [tilespmem:s28+$0x60];
	[tilespmem:s28+$0xFFFFFFD0] =	vst v3;
	v3 =	vmul.f32 v9, v15  }
0x2c3: {  	s1 =	simm.s32 $0x5;
	[tilespmem:s28+$0xFFFFFFE0] =	vst v5;
	v5 =	vmul.f32 v11, v15  }
0x2c4: {  	v9 =	vld [tilespmem:s28+$0x70];
	[tilespmem:s28+$0xFFFFFFF0] =	vst v3;
	v3 =	vmul.f32 v10, v15;
	v10 =	vmov s1;
	s1 =	simm.s32 $0x6  }
0x2c5: {  	s29 =	simm.s32 $0x8;
	v11 =	vld [tilespmem:s28+$0x80];
	[tilespmem:s28+$0x0] =	vst v5;
	v5 =	vmul.f32 v12, v15;
	v10 =	vand.u32 $0x7F, v10;
	v12 =	vmov s1  }
0x2c6: {  	s1 =	simm.s32 $0x7;
	v6 =	vmul.f32 v6, v2;
	v15 =	vmov s29;
	v7 =	vmul.f32 v7, v2;
	[tilespmem:s28+$0x10] =	vst v3;
	v3 =	vld [tilespmem:s28+$0x90]  }
0x2c7: {  	v4 =	vld [tilespmem:s28+$0xA0];
	v14 =	vmov s1;
	v8 =	vmul.f32 v8, v2;
	[tilespmem:s28+$0x20] =	vst v5;
	v5 =	vor.u32 $0x200, v10  }
0x2c8: {  	v10 =	vand.u32 $0xFF, v12;
	[tilespmem:s28+$0x40] =	vst v6;
	v13 =	vand.u32 $0xFF, v14;
	v14 =	vand.u32 $0xFF, v15;
	v6 =	vld [tilespmem:s28+$0xB0]  }
0x2c9: {  	[tilespmem:s28+$0x50] =	vst v7;
	v9 =	vmul.f32 v9, v2;
	v7 =	vld [tilespmem:s28+$0xC0];
	v5 =	vbroadcast v5, $0x0;
	v12 =	vor.u32 $0x200, v10  }
0x2ca: {  	s31 =	simm.s32 $0x9;
	s30 =	simm.s32 $0xA;
	s29 =	simm.s32 $0x145C0;
	v13 =	vor.u32 $0x200, v13;
	v10 =	vor.u32 $0x200, v14;
	[tilespmem:s28+$0x60] =	vst v8;
	v11 =	vmul.f32 v11, v2;
	v8 =	vld [tilespmem:s28+$0xD0]  }
.LBB2_15:
0x2cb: {  	p1 =	slt.u32 s30, $0x78;
	v12 =	vbroadcast v12, $0x0;
	v14 =	vmov s31;
	[tilespmem:s28+$0x70] =	vst v9;
	v3 =	vmul.f32 v3, v2;
	v9 =	vld [tilespmem:s28+$0xE0]  }
0x2cc: {  	v13 =	vbroadcast v13, $0x0;
	v14 =	vand.u32 $0xFF, v14;
	[tilespmem:s28+$0x80] =	vst v11;
	v4 =	vmul.f32 v4, v2;
	v11 =	vld [tilespmem:s28+$0xF0]  }
0x2cd: {  	v10 =	vbroadcast v10, $0x0;
	v14 =	vor.u32 $0x200, v14;
	[tilespmem:s28+$0x90] =	vst v3;
	v2 =	vmul.f32 v6, v2;
	v3 =	vld [tilespmem:s28+$0x100]  }
0x2ce: {  	v6 =	vbroadcast v14, $0x0;
	[tilespmem:s28+$0xA0] =	vst v4;
	v4 =	vmul.f32 v7, v1;
	v7 =	vld [tilespmem:s28+$0x110]  }
0x2cf: {  	[tilespmem:s28+$0xB0] =	vst v2;
	v2 =	vmul.f32 v8, v1;
	v8 =	vld [tilespmem:s28+$0x120]  }
0x2d0: {  	v5 =	vld.idx.msk [tilespmem:v5+s17+$0x0], $0xffff;
	[tilespmem:s28+$0xC0] =	vst v4;
	v4 =	vmul.f32 v9, v1  }
0x2d1: {  	v9 =	vld.idx.msk [tilespmem:v12+s17+$0x0], $0xffff;
	[tilespmem:s28+$0xD0] =	vst v2;
	v11 =	vmul.f32 v11, v1  }
0x2d2: {  	v12 =	vld.idx.msk [tilespmem:v13+s17+$0x0], $0xffff;
	[tilespmem:s28+$0xE0] =	vst v4;
	v3 =	vmul.f32 v3, v1  }
0x2d3: {  	v2 =	vld.idx.msk [tilespmem:v10+s17+$0x0], $0xffff;
	[tilespmem:s28+$0xF0] =	vst v11;
	v4 =	vmul.f32 v7, v1  }
0x2d4: {  	s28 =	sadd.s32 $0x280, s28;
	[tilespmem:s29+$0x100] =	vst v3;
	v3 =	vmul.f32 v8, v1;
	v1 =	vld.idx.msk [tilespmem:v6+s17+$0x0], $0xffff  }
0x2d5: {  	v6 =	vld [tilespmem:s28+$0x130];
	[tilespmem:s29+$0x110] =	vst v4  }
0x2d6: {  	v4 =	vld [tilespmem:s28+$0xFFFFFEC0];
	[tilespmem:s29+$0x120] =	vst v3;
	s29 =	smov.u32 s28  }
0x2d7: {  	v3 =	vld [tilespmem:s28+$0xFFFFFED0]  }
0x2d8: {  	v7 =	vld [tilespmem:s28+$0xFFFFFEE0]  }
0x2d9: {  	v8 =	vld [tilespmem:s28+$0xFFFFFEF0]  }
0x2da: {  	v10 =	vld [tilespmem:s28+$0xFFFFFF00];
	v6 =	vmul.f32 v6, v1  }
0x2db: {  	v4 =	vmul.f32 v4, v5;
	v11 =	vld [tilespmem:s28+$0xFFFFFF10]  }
0x2dc: {  	v3 =	vmul.f32 v3, v5;
	v13 =	vld [tilespmem:s28+$0xFFFFFF20];
	[tilespmem:s28+$0x130] =	vst v6  }
0x2dd: {  	[tilespmem:s28+$0xFFFFFEC0] =	vst v4;
	v4 =	vmul.f32 v7, v5;
	v6 =	vld [tilespmem:s28+$0xFFFFFF30]  }
0x2de: {  	[tilespmem:s28+$0xFFFFFED0] =	vst v3;
	v3 =	vmul.f32 v8, v5;
	v7 =	vld [tilespmem:s28+$0xFFFFFF40]  }
0x2df: {  	[tilespmem:s28+$0xFFFFFEE0] =	vst v4;
	v4 =	vmul.f32 v10, v5;
	v8 =	vld [tilespmem:s28+$0xFFFFFF50]  }
0x2e0: {  	[tilespmem:s28+$0xFFFFFEF0] =	vst v3;
	v3 =	vmul.f32 v11, v5;
	v10 =	vld [tilespmem:s28+$0xFFFFFF60]  }
0x2e1: {  	[tilespmem:s28+$0xFFFFFF00] =	vst v4;
	v4 =	vmul.f32 v13, v5;
	v11 =	vld [tilespmem:s28+$0xFFFFFF70]  }
0x2e2: {  	[tilespmem:s28+$0xFFFFFF10] =	vst v3;
	v3 =	vmul.f32 v6, v5;
	v5 =	vld [tilespmem:s28+$0xFFFFFF80]  }
0x2e3: {  	[tilespmem:s28+$0xFFFFFF20] =	vst v4;
	v4 =	vmul.f32 v7, v9;
	v6 =	vld [tilespmem:s28+$0xFFFFFF90]  }
0x2e4: {  	[tilespmem:s28+$0xFFFFFF30] =	vst v3;
	v3 =	vmul.f32 v8, v9;
	v7 =	vld [tilespmem:s28+$0xFFFFFFA0]  }
0x2e5: {  	[tilespmem:s28+$0xFFFFFF40] =	vst v4;
	v4 =	vmul.f32 v10, v9;
	v8 =	vld [tilespmem:s28+$0xFFFFFFB0]  }
0x2e6: {  	[tilespmem:s28+$0xFFFFFF50] =	vst v3;
	v3 =	vmul.f32 v11, v9;
	v10 =	vld [tilespmem:s28+$0xFFFFFFC0]  }
0x2e7: {  	[tilespmem:s28+$0xFFFFFF60] =	vst v4;
	v4 =	vmul.f32 v5, v9;
	v5 =	vld [tilespmem:s28+$0xFFFFFFD0]  }
0x2e8: {  	[tilespmem:s28+$0xFFFFFF70] =	vst v3;
	v3 =	vmul.f32 v6, v9;
	v6 =	vld [tilespmem:s28+$0xFFFFFFE0]  }
0x2e9: {  	[tilespmem:s28+$0xFFFFFF80] =	vst v4;
	v4 =	vmul.f32 v7, v9;
	v7 =	vld [tilespmem:s28+$0xFFFFFFF0]  }
0x2ea: {  	[tilespmem:s28+$0xFFFFFF90] =	vst v3;
	v3 =	vmul.f32 v8, v9;
	v8 =	vld [tilespmem:s28+$0x0]  }
0x2eb: {  	[tilespmem:s28+$0xFFFFFFA0] =	vst v4;
	v4 =	vmul.f32 v10, v12;
	v9 =	vld [tilespmem:s28+$0x10]  }
0x2ec: {  	[tilespmem:s28+$0xFFFFFFB0] =	vst v3;
	v3 =	vmul.f32 v5, v12;
	v5 =	vld [tilespmem:s28+$0x20]  }
0x2ed: {  	[tilespmem:s28+$0xFFFFFFC0] =	vst v4;
	v4 =	vmul.f32 v6, v12;
	v6 =	vld [tilespmem:s28+$0x30]  }
0x2ee: {  	[tilespmem:s28+$0xFFFFFFD0] =	vst v3;
	v3 =	vmul.f32 v7, v12;
	v7 =	vld [tilespmem:s28+$0x40]  }
0x2ef: {  	[tilespmem:s28+$0xFFFFFFE0] =	vst v4;
	v4 =	vmul.f32 v8, v12;
	v8 =	vld [tilespmem:s28+$0x50]  }
0x2f0: {  	[tilespmem:s28+$0xFFFFFFF0] =	vst v3;
	v3 =	vmul.f32 v9, v12;
	v9 =	vld [tilespmem:s28+$0x60]  }
0x2f1: {  	s1 =	sadd.s32 $0x1, s30;
	v10 =	vmov s30;
	[tilespmem:s28+$0x0] =	vst v4;
	v4 =	vmul.f32 v5, v12;
	v11 =	vld [tilespmem:s28+$0x70]  }
0x2f2: {  	s31 =	sadd.s32 $0x3, s30;
	v5 =	vand.u32 $0x7F, v10;
	v10 =	vmov s1;
	s1 =	sadd.s32 $0x2, s30;
	[tilespmem:s28+$0x10] =	vst v3;
	v6 =	vmul.f32 v6, v12;
	v14 =	vld [tilespmem:s28+$0x80]  }
.Ltmp7:
0x2f3: {  	v13 =	vmov s31;
	v12 =	vmov s1;
	[tilespmem:s28+$0x20] =	vst v4;
	v7 =	vmul.f32 v7, v2;
	v3 =	vld [tilespmem:s28+$0x90];
	(pc) =	sbr.rel @p1 .LBB2_15-.Ltmp7, $4  }
0x2f4: {  	v5 =	vor.u32 $0x200, v5;
	v10 =	vand.u32 $0xFF, v10;
	[tilespmem:s28+$0x30] =	vst v6;
	v8 =	vmul.f32 v8, v2;
	v4 =	vld [tilespmem:s28+$0xA0]  }
0x2f5: {  	v16 =	vand.u32 $0xFF, v13;
	v15 =	vand.u32 $0xFF, v12;
	[tilespmem:s28+$0x40] =	vst v7;
	v17 =	vmul.f32 v9, v2;
	v6 =	vld [tilespmem:s28+$0xB0]  }
0x2f6: {  	v5 =	vbroadcast v5, $0x0;
	v12 =	vor.u32 $0x200, v10;
	[tilespmem:s28+$0x50] =	vst v8;
	v9 =	vmul.f32 v11, v2;
	v7 =	vld [tilespmem:s28+$0xC0]  }
0x2f7: {  	s31 =	sadd.s32 $0x4, s30;
	s30 =	sadd.s32 $0x5, s30;
	v10 =	vor.u32 $0x200, v16;
	v13 =	vor.u32 $0x200, v15;
	[tilespmem:s28+$0x60] =	vst v17;
	v11 =	vmul.f32 v14, v2;
	v8 =	vld [tilespmem:s28+$0xD0]  }
0x2f8: {  	v15 =	vld [tilespmem:s28+$0xE0]  }
0x2f9: {  	v16 =	vld [tilespmem:s28+$0xF0]  }
0x2fa: {  	v12 =	vbroadcast v12, $0x0;
	v14 =	vmov s31;
	v17 =	vld [tilespmem:s28+$0x100]  }
0x2fb: {  	v10 =	vbroadcast v10, $0x0;
	v18 =	vld [tilespmem:s28+$0x110];
	v14 =	vand.u32 $0xFF, v14  }
0x2fc: {  	v19 =	vld [tilespmem:s28+$0x120];
	[tilespmem:s28+$0x70] =	vst v9;
	v3 =	vmul.f32 v3, v2;
	v14 =	vor.u32 $0x200, v14  }
0x2fd: {  	v5 =	vld.idx.msk [tilespmem:v5+s17+$0x0], $0xffff;
	s30 =	sadd.s32 $0x280, s28;
	[tilespmem:s28+$0x80] =	vst v11;
	v4 =	vmul.f32 v4, v2;
	v14 =	vbroadcast v14, $0x0  }
0x2fe: {  	v13 =	vbroadcast v13, $0x0;
	v11 =	vld [tilespmem:s30+$0xFFFFFED0];
	[tilespmem:s28+$0x90] =	vst v3;
	v2 =	vmul.f32 v6, v2  }
0x2ff: {  	[tilespmem:s28+$0xA0] =	vst v4;
	v4 =	vmul.f32 v7, v1;
	v7 =	vmul.f32 v8, v1;
	v8 =	vld [tilespmem:s30+$0x130]  }
0x300: {  	[tilespmem:s28+$0xB0] =	vst v2;
	v9 =	vld.idx.msk [tilespmem:v12+s17+$0x0], $0xffff  }
0x301: {  	[tilespmem:s28+$0xC0] =	vst v4;
	v4 =	vmul.f32 v15, v1;
	v6 =	vld.idx.msk [tilespmem:v10+s17+$0x0], $0xffff  }
0x302: {  	[tilespmem:s28+$0xD0] =	vst v7;
	v7 =	vmul.f32 v16, v1;
	v10 =	vld [tilespmem:s30+$0xFFFFFEC0]  }
0x303: {  	[tilespmem:s28+$0xE0] =	vst v4;
	v4 =	vmul.f32 v17, v1;
	v2 =	vld.idx.msk [tilespmem:v14+s17+$0x0], $0xffff  }
0x304: {  	v3 =	vld.idx.msk [tilespmem:v13+s17+$0x0], $0xffff;
	[tilespmem:s28+$0xF0] =	vst v7;
	v7 =	vmul.f32 v18, v1  }
0x305: {  	v12 =	vld [tilespmem:s30+$0xFFFFFEE0];
	v1 =	vmul.f32 v19, v1;
	[tilespmem:s29+$0x100] =	vst v4  }
0x306: {  	v4 =	vld [tilespmem:s30+$0xFFFFFEF0];
	[tilespmem:s29+$0x110] =	vst v7  }
0x307: {  	v7 =	vld [tilespmem:s30+$0xFFFFFF00];
	[tilespmem:s29+$0x120] =	vst v1;
	v1 =	vmul.f32 v10, v5  }
0x308: {  	v10 =	vld [tilespmem:s30+$0xFFFFFF10];
	v8 =	vmul.f32 v8, v2  }
0x309: {  	v11 =	vmul.f32 v11, v5;
	v13 =	vld [tilespmem:s30+$0xFFFFFF20];
	[tilespmem:s30+$0xFFFFFEC0] =	vst v1  }
0x30a: {  	v1 =	vmul.f32 v12, v5;
	[tilespmem:s30+$0x130] =	vst v8;
	v8 =	vld [tilespmem:s30+$0xFFFFFF30]  }
0x30b: {  	[tilespmem:s30+$0xFFFFFED0] =	vst v11;
	v11 =	vld [tilespmem:s30+$0xFFFFFF40];
	v4 =	vmul.f32 v4, v5  }
0x30c: {  	[tilespmem:s30+$0xFFFFFEE0] =	vst v1;
	v1 =	vmul.f32 v7, v5;
	v7 =	vld [tilespmem:s30+$0xFFFFFF50]  }
0x30d: {  	[tilespmem:s30+$0xFFFFFEF0] =	vst v4;
	v4 =	vmul.f32 v10, v5;
	v10 =	vld [tilespmem:s30+$0xFFFFFF60]  }
0x30e: {  	v12 =	vld [tilespmem:s30+$0xFFFFFF70];
	[tilespmem:s30+$0xFFFFFF00] =	vst v1;
	v1 =	vmul.f32 v13, v5  }
0x30f: {  	[tilespmem:s30+$0xFFFFFF10] =	vst v4;
	v4 =	vmul.f32 v8, v5;
	v5 =	vld [tilespmem:s30+$0xFFFFFF80]  }
0x310: {  	[tilespmem:s30+$0xFFFFFF20] =	vst v1;
	v1 =	vmul.f32 v11, v9;
	v8 =	vld [tilespmem:s30+$0xFFFFFF90]  }
0x311: {  	[tilespmem:s30+$0xFFFFFF30] =	vst v4;
	v4 =	vmul.f32 v7, v9;
	v7 =	vld [tilespmem:s30+$0xFFFFFFA0]  }
0x312: {  	[tilespmem:s30+$0xFFFFFF40] =	vst v1;
	v1 =	vmul.f32 v10, v9;
	v10 =	vld [tilespmem:s30+$0xFFFFFFB0]  }
0x313: {  	v11 =	vld [tilespmem:s30+$0xFFFFFFC0];
	[tilespmem:s30+$0xFFFFFF50] =	vst v4;
	v4 =	vmul.f32 v12, v9  }
0x314: {  	[tilespmem:s30+$0xFFFFFF60] =	vst v1;
	v1 =	vmul.f32 v5, v9;
	v5 =	vld [tilespmem:s30+$0xFFFFFFD0]  }
0x315: {  	[tilespmem:s30+$0xFFFFFF70] =	vst v4;
	v4 =	vmul.f32 v8, v9;
	v8 =	vld [tilespmem:s30+$0xFFFFFFE0]  }
0x316: {  	[tilespmem:s30+$0xFFFFFF80] =	vst v1;
	v1 =	vmul.f32 v7, v9;
	v7 =	vld [tilespmem:s30+$0xFFFFFFF0]  }
0x317: {  	[tilespmem:s30+$0xFFFFFF90] =	vst v4;
	v4 =	vmul.f32 v10, v9;
	v9 =	vld [tilespmem:s30+$0x0]  }
0x318: {  	v10 =	vld [tilespmem:s30+$0x10];
	[tilespmem:s30+$0xFFFFFFA0] =	vst v1;
	v1 =	vmul.f32 v11, v3  }
0x319: {  	[tilespmem:s30+$0xFFFFFFB0] =	vst v4;
	v4 =	vmul.f32 v5, v3;
	v5 =	vld [tilespmem:s30+$0x20]  }
0x31a: {  	[tilespmem:s30+$0xFFFFFFC0] =	vst v1;
	v1 =	vmul.f32 v8, v3;
	v8 =	vld [tilespmem:s30+$0x30]  }
0x31b: {  	[tilespmem:s30+$0xFFFFFFD0] =	vst v4;
	v4 =	vmul.f32 v7, v3;
	v7 =	vld [tilespmem:s30+$0x40]  }
0x31c: {  	[tilespmem:s30+$0xFFFFFFE0] =	vst v1;
	v1 =	vmul.f32 v9, v3;
	v9 =	vld [tilespmem:s30+$0x50]  }
0x31d: {  	[tilespmem:s30+$0xFFFFFFF0] =	vst v4;
	v4 =	vmul.f32 v10, v3;
	v10 =	vld [tilespmem:s30+$0x60]  }
0x31e: {  	[tilespmem:s30+$0x0] =	vst v1;
	v1 =	vmul.f32 v5, v3;
	v5 =	vld [tilespmem:s30+$0x70]  }
0x31f: {  	[tilespmem:s30+$0x10] =	vst v4;
	v3 =	vmul.f32 v8, v3;
	v4 =	vld [tilespmem:s30+$0x80]  }
0x320: {  	[tilespmem:s30+$0x20] =	vst v1;
	v1 =	vmul.f32 v7, v6;
	v7 =	vld [tilespmem:s30+$0x90]  }
0x321: {  	v8 =	vld [tilespmem:s30+$0xA0];
	[tilespmem:s30+$0x30] =	vst v3;
	v3 =	vmul.f32 v9, v6  }
0x322: {  	v9 =	vld [tilespmem:s30+$0xB0];
	[tilespmem:s30+$0x40] =	vst v1;
	v1 =	vmul.f32 v10, v6  }
0x323: {  	[tilespmem:s30+$0x50] =	vst v3;
	v3 =	vmul.f32 v5, v6;
	v5 =	vld [tilespmem:s30+$0xC0]  }
0x324: {  	[tilespmem:s30+$0x60] =	vst v1;
	v1 =	vmul.f32 v4, v6;
	v4 =	vld [tilespmem:s30+$0xD0]  }
0x325: {  	[tilespmem:s30+$0x70] =	vst v3;
	v3 =	vmul.f32 v7, v6;
	v7 =	vld [tilespmem:s30+$0xE0]  }
0x326: {  	[tilespmem:s30+$0x80] =	vst v1;
	v1 =	vmul.f32 v8, v6;
	v8 =	vld [tilespmem:s30+$0xF0]  }
0x327: {  	[tilespmem:s30+$0x90] =	vst v3;
	v3 =	vmul.f32 v9, v6;
	v6 =	vld [tilespmem:s30+$0x100]  }
0x328: {  	[tilespmem:s30+$0xA0] =	vst v1;
	v1 =	vmul.f32 v5, v2;
	v5 =	vld [tilespmem:s30+$0x110]  }
0x329: {  	[tilespmem:s30+$0xB0] =	vst v3;
	v3 =	vmul.f32 v4, v2;
	v4 =	vld [tilespmem:s30+$0x120]  }
0x32a: {  	[tilespmem:s30+$0xC0] =	vst v1;
	v1 =	vmul.f32 v7, v2  }
0x32b: {  	[tilespmem:s30+$0xD0] =	vst v3;
	v3 =	vmul.f32 v8, v2  }
0x32c: {  	[tilespmem:s30+$0xE0] =	vst v1;
	v1 =	vmul.f32 v6, v2  }
0x32d: {  	[tilespmem:s30+$0xF0] =	vst v3;
	v3 =	vmul.f32 v5, v2  }
0x32e: {  	[tilespmem:s30+$0x100] =	vst v1;
	v1 =	vmul.f32 v4, v2  }
0x32f: {  	[tilespmem:s30+$0x110] =	vst v3  }
0x330: {  	s1 =	simm.s32 $0x0;
	s28 =	simm.s32 $0x1;
	[tilespmem:s30+$0x120] =	vst v1  }
0x331: {  	v1 =	vmov s1;
	[spmem:s2] =	stream.indirect.scatter.add.f32 [tilespmem:s13], [sflag:$0x3], $0x80, s0, s18, $0xb8;
	[tilespmem:$0x1C480] =	vst v63  }
0x332: {  	v2 =	vmov s28;
	v1 =	vand.u32 $0x7F, v1;
	_ =	swait.ge [sflag:s22], $0x3E80  }
0x333: {  	v2 =	vand.u32 $0xFF, v2;
	v1 =	vor.u32 $0x280, v1;
	[sflag:s22] =	ssyncset.done $0x0  }
0x334: {  	v2 =	vadd.s32 $0x280, v2;
	v1 =	vbroadcast v1, $0x0;
	[sflag:s22] =	ssyncadd.s32 $0xFFFFC180  }
0x335: {  	[tilespmem:s13], [sflag:$0x1] =	stream.indirect.gather [hbm4b:s4+s18], $0x80, s10, s18, $0xb8;
	[tilespmem:$0x1C480] =	vst v63  }
0x336: {  	_ =	swait.ge [sflag:s24], $0x3E80  }
0x337: {  	[sflag:s24] =	ssyncset.done $0x0  }
0x338: {  	[sflag:s24] =	ssyncadd.s32 $0xFFFFC180  }
0x339: {  	v3 =	vld.idx.msk [tilespmem:v2+s17+$0x0], $0xffff  }
0x33a: {  	s28 =	simm.s32 $0x185C0;
	v1 =	vld.idx.msk [tilespmem:v1+s17+$0x0], $0xffff  }
0x33b: {  	v2 =	vld [tilespmem:s28+$0xFFFFFF30]  }
0x33c: {  	v4 =	vld [tilespmem:s28+$0xFFFFFEC0]  }
0x33d: {  	s31 =	simm.s32 $0x2;
	v5 =	vld [tilespmem:s28+$0xFFFFFED0]  }
0x33e: {  	v11 =	vmov s31;
	v6 =	vld [tilespmem:s28+$0xFFFFFEE0]  }
0x33f: {  	v11 =	vand.u32 $0xFF, v11;
	v7 =	vld [tilespmem:s28+$0xFFFFFEF0]  }
0x340: {  	v11 =	vadd.s32 $0x280, v11;
	v8 =	vld [tilespmem:s28+$0xFFFFFF00]  }
0x341: {  	v9 =	vld [tilespmem:s28+$0xFFFFFF10]  }
0x342: {  	v10 =	vld [tilespmem:s28+$0xFFFFFF20]  }
0x343: {  	v12 =	vld [tilespmem:s28+$0xFFFFFF40];
	v2 =	vmul.f32 v2, v1  }
0x344: {  	v13 =	vld [tilespmem:s28+$0xFFFFFF50];
	v4 =	vmul.f32 v4, v1  }
0x345: {  	v11 =	vld.idx.msk [tilespmem:v11+s17+$0x0], $0xffff;
	v5 =	vmul.f32 v5, v1;
	[tilespmem:s28+$0xFFFFFF30] =	vst v2  }
0x346: {  	v8 =	vmul.f32 v8, v1;
	v2 =	vld [tilespmem:s28+$0xFFFFFF60];
	[tilespmem:s28+$0xFFFFFEC0] =	vst v4  }
0x347: {  	v9 =	vmul.f32 v9, v1;
	v4 =	vmul.f32 v6, v1;
	v6 =	vld [tilespmem:s28+$0xFFFFFF70];
	[tilespmem:s28+$0xFFFFFED0] =	vst v5  }
0x348: {  	v5 =	vmul.f32 v7, v1;
	v7 =	vld [tilespmem:s28+$0xFFFFFF80];
	[tilespmem:s28+$0xFFFFFF00] =	vst v8  }
0x349: {  	v1 =	vmul.f32 v10, v1;
	[tilespmem:s28+$0xFFFFFF10] =	vst v9;
	v10 =	vld [tilespmem:s28+$0xFFFFFFC0]  }
0x34a: {  	v9 =	vmul.f32 v13, v3;
	v13 =	vld [tilespmem:s28+$0xFFFFFFD0];
	[tilespmem:s28+$0xFFFFFEE0] =	vst v4  }
0x34b: {  	v4 =	vmul.f32 v12, v3;
	v12 =	vld [tilespmem:s28+$0xFFFFFF90];
	[tilespmem:s28+$0xFFFFFEF0] =	vst v5  }
0x34c: {  	s31 =	simm.s32 $0x3;
	v5 =	vld [tilespmem:s28+$0xFFFFFFA0];
	[tilespmem:s28+$0xFFFFFF20] =	vst v1  }
0x34d: {  	v8 =	vmov s31;
	[tilespmem:s28+$0xFFFFFF50] =	vst v9;
	v9 =	vld [tilespmem:s28+$0x0]  }
0x34e: {  	v8 =	vand.u32 $0xFF, v8;
	[tilespmem:s28+$0xFFFFFF40] =	vst v4;
	v4 =	vld [tilespmem:s28+$0xFFFFFFB0];
	v1 =	vmul.f32 v2, v3  }
0x34f: {  	v2 =	vadd.s32 $0x280, v8;
	v6 =	vmul.f32 v6, v3;
	v8 =	vld [tilespmem:s28+$0xFFFFFFE0]  }
0x350: {  	[tilespmem:s28+$0xFFFFFF60] =	vst v1;
	v1 =	vmul.f32 v7, v3;
	v7 =	vld [tilespmem:s28+$0xFFFFFFF0]  }
0x351: {  	[tilespmem:s28+$0xFFFFFF70] =	vst v6;
	v6 =	vmul.f32 v12, v3;
	v12 =	vld [tilespmem:s28+$0x90]  }
0x352: {  	v5 =	vmul.f32 v5, v3;
	[tilespmem:s28+$0xFFFFFF80] =	vst v1;
	v1 =	vmul.f32 v10, v11;
	v10 =	vld [tilespmem:s28+$0x10]  }
0x353: {  	[tilespmem:s28+$0xFFFFFF90] =	vst v6;
	v6 =	vld [tilespmem:s28+$0x20]  }
0x354: {  	v3 =	vmul.f32 v4, v3;
	[tilespmem:s28+$0xFFFFFFA0] =	vst v5;
	v4 =	vld [tilespmem:s28+$0x30]  }
0x355: {  	s31 =	simm.s32 $0x4;
	v2 =	vld.idx.msk [tilespmem:v2+s17+$0x0], $0xffff;
	[tilespmem:s28+$0xFFFFFFC0] =	vst v1;
	v1 =	vmul.f32 v13, v11  }
0x356: {  	v5 =	vmov s31;
	[tilespmem:s28+$0xFFFFFFB0] =	vst v3;
	v3 =	vmul.f32 v8, v11;
	v8 =	vld [tilespmem:s28+$0x40]  }
0x357: {  	v5 =	vand.u32 $0xFF, v5;
	v13 =	vld [tilespmem:s28+$0xA0];
	[tilespmem:s28+$0xFFFFFFD0] =	vst v1;
	v1 =	vmul.f32 v7, v11  }
0x358: {  	v5 =	vadd.s32 $0x280, v5;
	v7 =	vld [tilespmem:s28+$0x50];
	[tilespmem:s28+$0xFFFFFFE0] =	vst v3;
	v3 =	vmul.f32 v9, v11  }
0x359: {  	v9 =	vld [tilespmem:s28+$0x60];
	v4 =	vmul.f32 v4, v11;
	[tilespmem:s28+$0xFFFFFFF0] =	vst v1  }
0x35a: {  	v1 =	vmul.f32 v10, v11;
	v10 =	vld [tilespmem:s28+$0x70];
	[tilespmem:s28+$0x0] =	vst v3  }
0x35b: {  	v3 =	vmul.f32 v6, v11;
	v6 =	vld [tilespmem:s28+$0x80];
	[tilespmem:s28+$0x30] =	vst v4  }
0x35c: {  	v8 =	vmul.f32 v8, v2;
	[tilespmem:s28+$0x10] =	vst v1  }
0x35d: {  	s31 =	simm.s32 $0x6;
	[tilespmem:s28+$0x20] =	vst v3;
	v1 =	vld.idx.msk [tilespmem:v5+s17+$0x0], $0xffff;
	v5 =	vmul.f32 v7, v2  }
0x35e: {  	v12 =	vmul.f32 v12, v2;
	v4 =	vmov s31;
	s31 =	simm.s32 $0x8;
	v3 =	vld [tilespmem:s28+$0xB0];
	[tilespmem:s28+$0x40] =	vst v8;
	v9 =	vmul.f32 v9, v2  }
0x35f: {  	s29 =	simm.s32 $0x7;
	v13 =	vmul.f32 v13, v2;
	v11 =	vmov s31;
	v7 =	vld [tilespmem:s28+$0xC0];
	[tilespmem:s28+$0x50] =	vst v5;
	v5 =	vmul.f32 v10, v2  }
0x360: {  	v15 =	vand.u32 $0xFF, v4;
	v4 =	vld [tilespmem:s28+$0xD0];
	v8 =	vmov s29;
	s29 =	simm.s32 $0x9;
	[tilespmem:s28+$0x60] =	vst v9;
	v6 =	vmul.f32 v6, v2  }
0x361: {  	s31 =	simm.s32 $0x5;
	v11 =	vand.u32 $0xFF, v11;
	v14 =	vmov s29;
	v10 =	vand.u32 $0xFF, v8;
	[tilespmem:s28+$0x70] =	vst v5;
	v5 =	vld [tilespmem:s28+$0xE0]  }
0x362: {  	s30 =	simm.s32 $0xA;
	s29 =	simm.s32 $0x185C0;
	v9 =	vand.u32 $0xFF, v14;
	v14 =	vmov s31;
	v8 =	vadd.s32 $0x280, v15;
	[tilespmem:s28+$0x80] =	vst v6;
	v6 =	vld [tilespmem:s28+$0xF0]  }
.LBB2_17:
0x363: {  	p1 =	slt.u32 s30, $0x78;
	v14 =	vand.u32 $0x7F, v14;
	v10 =	vadd.s32 $0x280, v10;
	[tilespmem:s28+$0x90] =	vst v12;
	v2 =	vmul.f32 v3, v2;
	v3 =	vld [tilespmem:s28+$0x100]  }
0x364: {  	v11 =	vadd.s32 $0x280, v11;
	v12 =	vor.u32 $0x280, v14;
	[tilespmem:s28+$0xA0] =	vst v13;
	v7 =	vmul.f32 v7, v1;
	v13 =	vld [tilespmem:s28+$0x110]  }
0x365: {  	v9 =	vadd.s32 $0x280, v9;
	v12 =	vbroadcast v12, $0x0;
	[tilespmem:s28+$0xB0] =	vst v2;
	v2 =	vmul.f32 v4, v1;
	v4 =	vld [tilespmem:s28+$0x120]  }
0x366: {  	[tilespmem:s28+$0xC0] =	vst v7;
	v5 =	vmul.f32 v5, v1;
	v7 =	vld [tilespmem:s28+$0x130]  }
0x367: {  	v8 =	vld.idx.msk [tilespmem:v8+s17+$0x0], $0xffff;
	[tilespmem:s28+$0xD0] =	vst v2;
	v6 =	vmul.f32 v6, v1  }
0x368: {  	v10 =	vld.idx.msk [tilespmem:v10+s17+$0x0], $0xffff;
	[tilespmem:s28+$0xE0] =	vst v5;
	v3 =	vmul.f32 v3, v1  }
0x369: {  	v2 =	vld.idx.msk [tilespmem:v11+s17+$0x0], $0xffff;
	[tilespmem:s28+$0xF0] =	vst v6;
	v5 =	vmul.f32 v13, v1  }
0x36a: {  	v6 =	vld.idx.msk [tilespmem:v9+s17+$0x0], $0xffff;
	[tilespmem:s28+$0x100] =	vst v3;
	v3 =	vmul.f32 v4, v1  }
0x36b: {  	s28 =	sadd.s32 $0x280, s28;
	v4 =	vld.idx.msk [tilespmem:v12+s17+$0x0], $0xffff;
	[tilespmem:s29+$0x110] =	vst v5;
	v1 =	vmul.f32 v7, v1  }
0x36c: {  	v5 =	vld [tilespmem:s28+$0xFFFFFF30];
	[tilespmem:s29+$0x120] =	vst v3  }
0x36d: {  	v3 =	vld [tilespmem:s28+$0xFFFFFEC0];
	[tilespmem:s29+$0x130] =	vst v1;
	s29 =	smov.u32 s28  }
0x36e: {  	v7 =	vld [tilespmem:s28+$0xFFFFFED0]  }
0x36f: {  	v9 =	vld [tilespmem:s28+$0xFFFFFEE0]  }
0x370: {  	v1 =	vmov v6;
	v11 =	vld [tilespmem:s28+$0xFFFFFEF0]  }
0x371: {  	v6 =	vld [tilespmem:s28+$0xFFFFFF00];
	v5 =	vmul.f32 v5, v4  }
0x372: {  	v3 =	vmul.f32 v3, v4;
	v12 =	vld [tilespmem:s28+$0xFFFFFF10]  }
0x373: {  	v7 =	vmul.f32 v7, v4;
	v13 =	vld [tilespmem:s28+$0xFFFFFF20];
	[tilespmem:s28+$0xFFFFFF30] =	vst v5  }
0x374: {  	[tilespmem:s28+$0xFFFFFEC0] =	vst v3;
	v3 =	vmul.f32 v9, v4;
	v5 =	vld [tilespmem:s28+$0xFFFFFF40]  }
0x375: {  	[tilespmem:s28+$0xFFFFFED0] =	vst v7;
	v7 =	vmul.f32 v11, v4;
	v9 =	vld [tilespmem:s28+$0xFFFFFF50]  }
0x376: {  	[tilespmem:s28+$0xFFFFFEE0] =	vst v3;
	v3 =	vmul.f32 v6, v4;
	v6 =	vld [tilespmem:s28+$0xFFFFFF60]  }
0x377: {  	[tilespmem:s28+$0xFFFFFEF0] =	vst v7;
	v7 =	vmul.f32 v12, v4;
	v11 =	vld [tilespmem:s28+$0xFFFFFF70]  }
0x378: {  	[tilespmem:s28+$0xFFFFFF00] =	vst v3;
	v3 =	vmul.f32 v13, v4;
	v4 =	vld [tilespmem:s28+$0xFFFFFF80]  }
0x379: {  	[tilespmem:s28+$0xFFFFFF10] =	vst v7;
	v5 =	vmul.f32 v5, v8;
	v7 =	vld [tilespmem:s28+$0xFFFFFF90]  }
0x37a: {  	[tilespmem:s28+$0xFFFFFF20] =	vst v3;
	v3 =	vmul.f32 v9, v8;
	v9 =	vld [tilespmem:s28+$0xFFFFFFA0]  }
0x37b: {  	[tilespmem:s28+$0xFFFFFF40] =	vst v5;
	v5 =	vmul.f32 v6, v8;
	v6 =	vld [tilespmem:s28+$0xFFFFFFB0]  }
0x37c: {  	[tilespmem:s28+$0xFFFFFF50] =	vst v3;
	v3 =	vmul.f32 v11, v8;
	v11 =	vld [tilespmem:s28+$0xFFFFFFC0]  }
0x37d: {  	[tilespmem:s28+$0xFFFFFF60] =	vst v5;
	v4 =	vmul.f32 v4, v8;
	v5 =	vld [tilespmem:s28+$0xFFFFFFD0]  }
0x37e: {  	[tilespmem:s28+$0xFFFFFF70] =	vst v3;
	v3 =	vmul.f32 v7, v8;
	v7 =	vld [tilespmem:s28+$0xFFFFFFE0]  }
0x37f: {  	[tilespmem:s28+$0xFFFFFF80] =	vst v4;
	v4 =	vmul.f32 v9, v8;
	v9 =	vld [tilespmem:s28+$0xFFFFFFF0]  }
0x380: {  	[tilespmem:s28+$0xFFFFFF90] =	vst v3;
	v3 =	vmul.f32 v6, v8;
	v6 =	vld [tilespmem:s28+$0x0]  }
0x381: {  	[tilespmem:s28+$0xFFFFFFA0] =	vst v4;
	v4 =	vmul.f32 v11, v10;
	v8 =	vld [tilespmem:s28+$0x10]  }
0x382: {  	[tilespmem:s28+$0xFFFFFFB0] =	vst v3;
	v3 =	vmul.f32 v5, v10;
	v5 =	vld [tilespmem:s28+$0x20]  }
0x383: {  	[tilespmem:s28+$0xFFFFFFC0] =	vst v4;
	v4 =	vmul.f32 v7, v10;
	v7 =	vld [tilespmem:s28+$0x30]  }
0x384: {  	[tilespmem:s28+$0xFFFFFFD0] =	vst v3;
	v3 =	vmul.f32 v9, v10;
	v9 =	vld [tilespmem:s28+$0x40]  }
0x385: {  	[tilespmem:s28+$0xFFFFFFE0] =	vst v4;
	v4 =	vmul.f32 v6, v10;
	v6 =	vld [tilespmem:s28+$0x50]  }
0x386: {  	[tilespmem:s28+$0xFFFFFFF0] =	vst v3;
	v3 =	vmul.f32 v8, v10;
	v8 =	vld [tilespmem:s28+$0x60]  }
0x387: {  	[tilespmem:s28+$0x0] =	vst v4;
	v4 =	vmul.f32 v5, v10;
	v5 =	vld [tilespmem:s28+$0x70]  }
0x388: {  	[tilespmem:s28+$0x10] =	vst v3;
	v3 =	vmul.f32 v7, v10;
	v11 =	vld [tilespmem:s28+$0x80]  }
0x389: {  	[tilespmem:s28+$0x20] =	vst v4;
	v4 =	vmul.f32 v9, v2;
	v12 =	vld [tilespmem:s28+$0x90]  }
0x38a: {  	s1 =	sadd.s32 $0x1, s30;
	s31 =	sadd.s32 $0x2, s30;
	[tilespmem:s28+$0x30] =	vst v3;
	v6 =	vmul.f32 v6, v2;
	v13 =	vld [tilespmem:s28+$0xA0]  }
.Ltmp8:
0x38b: {  	v10 =	vmov s31;
	s31 =	sadd.s32 $0x4, s30;
	v9 =	vmov s1;
	s1 =	sadd.s32 $0x3, s30;
	[tilespmem:s28+$0x40] =	vst v4;
	v4 =	vmul.f32 v8, v2;
	v3 =	vld [tilespmem:s28+$0xB0];
	(pc) =	sbr.rel @p1 .LBB2_17-.Ltmp8, $4  }
0x38c: {  	v14 =	vmov s31;
	v8 =	vmov s1;
	[tilespmem:s28+$0x50] =	vst v6;
	v5 =	vmul.f32 v5, v2;
	v7 =	vld [tilespmem:s28+$0xC0]  }
0x38d: {  	v10 =	vand.u32 $0xFF, v10;
	v6 =	vand.u32 $0xFF, v9;
	[tilespmem:s28+$0x60] =	vst v4;
	v15 =	vmul.f32 v11, v2;
	v4 =	vld [tilespmem:s28+$0xD0]  }
0x38e: {  	v9 =	vand.u32 $0xFF, v14;
	v11 =	vand.u32 $0xFF, v8;
	[tilespmem:s28+$0x70] =	vst v5;
	v12 =	vmul.f32 v12, v2;
	v5 =	vld [tilespmem:s28+$0xE0]  }
0x38f: {  	v14 =	vmov s30;
	s30 =	sadd.s32 $0x5, s30;
	v8 =	vadd.s32 $0x280, v6;
	[tilespmem:s28+$0x80] =	vst v15;
	v13 =	vmul.f32 v13, v2;
	v6 =	vld [tilespmem:s28+$0xF0]  }
0x390: {  	_ = 	snop  }
0x391: {  	v15 =	vld [tilespmem:s28+$0x100]  }
0x392: {  	v14 =	vand.u32 $0x7F, v14;
	v16 =	vld [tilespmem:s28+$0x110]  }
0x393: {  	v17 =	vld [tilespmem:s28+$0x120];
	v14 =	vor.u32 $0x280, v14  }
0x394: {  	v9 =	vadd.s32 $0x280, v9;
	v8 =	vld.idx.msk [tilespmem:v8+s17+$0x0], $0xffff;
	s30 =	sadd.s32 $0x280, s28;
	v14 =	vbroadcast v14, $0x0  }
0x395: {  	[tilespmem:s28+$0x90] =	vst v12;
	v7 =	vmul.f32 v7, v1;
	v12 =	vld [tilespmem:s30+$0xFFFFFED0]  }
0x396: {  	[tilespmem:s28+$0xA0] =	vst v13;
	v13 =	vld [tilespmem:s30+$0xFFFFFEE0];
	v4 =	vmul.f32 v4, v1  }
0x397: {  	v10 =	vadd.s32 $0x280, v10;
	v3 =	vmul.f32 v3, v2;
	[tilespmem:s28+$0xC0] =	vst v7;
	v7 =	vld [tilespmem:s28+$0x130]  }
0x398: {  	v11 =	vadd.s32 $0x280, v11;
	[tilespmem:s28+$0xD0] =	vst v4;
	v4 =	vmul.f32 v6, v1;
	v6 =	vld [tilespmem:s30+$0xFFFFFF30]  }
0x399: {  	[tilespmem:s28+$0xB0] =	vst v3;
	v3 =	vmul.f32 v5, v1;
	v2 =	vld.idx.msk [tilespmem:v9+s17+$0x0], $0xffff  }
0x39a: {  	v5 =	vld.idx.msk [tilespmem:v14+s17+$0x0], $0xffff  }
0x39b: {  	[tilespmem:s28+$0xE0] =	vst v3;
	v3 =	vmul.f32 v15, v1;
	v9 =	vld [tilespmem:s30+$0xFFFFFEC0]  }
0x39c: {  	v10 =	vld.idx.msk [tilespmem:v10+s17+$0x0], $0xffff;
	[tilespmem:s28+$0xF0] =	vst v4;
	v4 =	vmul.f32 v16, v1  }
0x39d: {  	v11 =	vld.idx.msk [tilespmem:v11+s17+$0x0], $0xffff;
	[tilespmem:s28+$0x100] =	vst v3;
	v3 =	vmul.f32 v17, v1  }
0x39e: {  	[tilespmem:s29+$0x110] =	vst v4;
	v1 =	vmul.f32 v7, v1;
	v4 =	vld [tilespmem:s30+$0xFFFFFEF0]  }
0x39f: {  	[tilespmem:s29+$0x120] =	vst v3;
	v3 =	vld [tilespmem:s30+$0xFFFFFF00];
	v6 =	vmul.f32 v6, v5  }
0x3a0: {  	v7 =	vld [tilespmem:s30+$0xFFFFFF10];
	[tilespmem:s29+$0x130] =	vst v1;
	v1 =	vmul.f32 v9, v5  }
0x3a1: {  	v9 =	vmul.f32 v12, v5;
	v12 =	vld [tilespmem:s30+$0xFFFFFF20];
	[tilespmem:s30+$0xFFFFFF30] =	vst v6  }
0x3a2: {  	[tilespmem:s30+$0xFFFFFEC0] =	vst v1;
	v1 =	vmul.f32 v13, v5;
	v6 =	vld [tilespmem:s30+$0xFFFFFF40]  }
0x3a3: {  	v4 =	vmul.f32 v4, v5;
	[tilespmem:s30+$0xFFFFFED0] =	vst v9;
	v9 =	vld [tilespmem:s30+$0xFFFFFF50]  }
0x3a4: {  	[tilespmem:s30+$0xFFFFFEE0] =	vst v1;
	v1 =	vmul.f32 v3, v5;
	v3 =	vld [tilespmem:s30+$0xFFFFFF60]  }
0x3a5: {  	[tilespmem:s30+$0xFFFFFEF0] =	vst v4;
	v4 =	vmul.f32 v7, v5;
	v7 =	vld [tilespmem:s30+$0xFFFFFF70]  }
0x3a6: {  	[tilespmem:s30+$0xFFFFFF00] =	vst v1;
	v1 =	vmul.f32 v12, v5;
	v5 =	vld [tilespmem:s30+$0xFFFFFF80]  }
0x3a7: {  	[tilespmem:s30+$0xFFFFFF10] =	vst v4;
	v4 =	vmul.f32 v6, v8;
	v6 =	vld [tilespmem:s30+$0xFFFFFF90]  }
0x3a8: {  	[tilespmem:s30+$0xFFFFFF20] =	vst v1;
	v1 =	vmul.f32 v9, v8;
	v9 =	vld [tilespmem:s30+$0xFFFFFFA0]  }
0x3a9: {  	[tilespmem:s30+$0xFFFFFF40] =	vst v4;
	v3 =	vmul.f32 v3, v8;
	v4 =	vld [tilespmem:s30+$0xFFFFFFB0]  }
0x3aa: {  	[tilespmem:s30+$0xFFFFFF50] =	vst v1;
	v1 =	vmul.f32 v7, v8;
	v7 =	vld [tilespmem:s30+$0xFFFFFFC0]  }
0x3ab: {  	[tilespmem:s30+$0xFFFFFF60] =	vst v3;
	v3 =	vmul.f32 v5, v8;
	v5 =	vld [tilespmem:s30+$0xFFFFFFD0]  }
0x3ac: {  	[tilespmem:s30+$0xFFFFFF70] =	vst v1;
	v1 =	vmul.f32 v6, v8;
	v6 =	vld [tilespmem:s30+$0xFFFFFFE0]  }
0x3ad: {  	[tilespmem:s30+$0xFFFFFF80] =	vst v3;
	v3 =	vmul.f32 v9, v8;
	v9 =	vld [tilespmem:s30+$0xFFFFFFF0]  }
0x3ae: {  	[tilespmem:s30+$0xFFFFFF90] =	vst v1;
	v1 =	vmul.f32 v4, v8;
	v4 =	vld [tilespmem:s30+$0x0]  }
0x3af: {  	[tilespmem:s30+$0xFFFFFFA0] =	vst v3;
	v3 =	vmul.f32 v7, v10;
	v7 =	vld [tilespmem:s30+$0x10]  }
0x3b0: {  	[tilespmem:s30+$0xFFFFFFB0] =	vst v1;
	v1 =	vmul.f32 v5, v10;
	v5 =	vld [tilespmem:s30+$0x20]  }
0x3b1: {  	[tilespmem:s30+$0xFFFFFFC0] =	vst v3;
	v3 =	vmul.f32 v6, v10;
	v6 =	vld [tilespmem:s30+$0x30]  }
0x3b2: {  	v8 =	vld [tilespmem:s30+$0x40];
	[tilespmem:s30+$0xFFFFFFD0] =	vst v1;
	v1 =	vmul.f32 v9, v10  }
0x3b3: {  	[tilespmem:s30+$0xFFFFFFE0] =	vst v3;
	v3 =	vmul.f32 v4, v10;
	v4 =	vld [tilespmem:s30+$0x50]  }
0x3b4: {  	[tilespmem:s30+$0xFFFFFFF0] =	vst v1;
	v1 =	vmul.f32 v7, v10;
	v7 =	vld [tilespmem:s30+$0x60]  }
0x3b5: {  	[tilespmem:s30+$0x0] =	vst v3;
	v3 =	vmul.f32 v5, v10;
	v5 =	vld [tilespmem:s30+$0x70]  }
0x3b6: {  	[tilespmem:s30+$0x10] =	vst v1;
	v1 =	vmul.f32 v6, v10;
	v6 =	vld [tilespmem:s30+$0x80]  }
0x3b7: {  	[tilespmem:s30+$0x20] =	vst v3;
	v3 =	vmul.f32 v8, v11;
	v8 =	vld [tilespmem:s30+$0x90]  }
0x3b8: {  	[tilespmem:s30+$0x30] =	vst v1;
	v1 =	vmul.f32 v4, v11;
	v4 =	vld [tilespmem:s30+$0xA0]  }
0x3b9: {  	[tilespmem:s30+$0x40] =	vst v3;
	v3 =	vmul.f32 v7, v11;
	v7 =	vld [tilespmem:s30+$0xB0]  }
0x3ba: {  	[tilespmem:s30+$0x50] =	vst v1;
	v1 =	vmul.f32 v5, v11;
	v5 =	vld [tilespmem:s30+$0xC0]  }
0x3bb: {  	[tilespmem:s30+$0x60] =	vst v3;
	v3 =	vmul.f32 v6, v11;
	v6 =	vld [tilespmem:s30+$0xD0]  }
0x3bc: {  	[tilespmem:s30+$0x70] =	vst v1;
	v1 =	vmul.f32 v8, v11;
	v8 =	vld [tilespmem:s30+$0xE0]  }
0x3bd: {  	[tilespmem:s30+$0x80] =	vst v3;
	v3 =	vmul.f32 v4, v11;
	v4 =	vld [tilespmem:s30+$0xF0]  }
0x3be: {  	[tilespmem:s30+$0x90] =	vst v1;
	v1 =	vmul.f32 v7, v11;
	v7 =	vld [tilespmem:s30+$0x100]  }
0x3bf: {  	[tilespmem:s30+$0xA0] =	vst v3;
	v3 =	vmul.f32 v5, v2;
	v5 =	vld [tilespmem:s30+$0x110]  }
0x3c0: {  	[tilespmem:s30+$0xB0] =	vst v1;
	v1 =	vmul.f32 v6, v2;
	v6 =	vld [tilespmem:s30+$0x120]  }
0x3c1: {  	[tilespmem:s30+$0xC0] =	vst v3;
	v3 =	vmul.f32 v8, v2;
	v8 =	vld [tilespmem:s30+$0x130]  }
0x3c2: {  	[tilespmem:s30+$0xD0] =	vst v1;
	v1 =	vmul.f32 v4, v2  }
0x3c3: {  	[tilespmem:s30+$0xE0] =	vst v3;
	v3 =	vmul.f32 v7, v2  }
0x3c4: {  	[tilespmem:s30+$0xF0] =	vst v1;
	v1 =	vmul.f32 v5, v2  }
0x3c5: {  	[tilespmem:s30+$0x100] =	vst v3;
	v3 =	vmul.f32 v6, v2  }
0x3c6: {  	[tilespmem:s30+$0x110] =	vst v1;
	v1 =	vmul.f32 v8, v2  }
0x3c7: {  	s1 =	simm.s32 $0x0;
	[tilespmem:s30+$0x120] =	vst v3  }
0x3c8: {  	[tilespmem:s30+$0x130] =	vst v1;
	v1 =	vmov s1  }
0x3c9: {  	[spmem:s2] =	stream.indirect.scatter.add.f32 [tilespmem:s20], [sflag:$0x4], $0x80, s12, s18, $0xb8;
	v1 =	vand.u32 $0x7F, v1;
	[tilespmem:$0x1C480] =	vst v63  }
0x3ca: {  	s1 =	simm.s32 $0x4;
	_ =	swait.ge [sflag:s26], $0x3E80;
	v1 =	vor.u32 $0x300, v1  }
0x3cb: {  	v2 =	vmov s1;
	[sflag:s26] =	ssyncset.done $0x0;
	v1 =	vbroadcast v1, $0x0  }
0x3cc: {  	v2 =	vand.u32 $0xFF, v2;
	[sflag:s26] =	ssyncadd.s32 $0xFFFFC180  }
0x3cd: {  	v2 =	vor.u32 $0x300, v2;
	[tilespmem:s20], [sflag:$0x2] =	stream.indirect.gather [hbm4b:s4+s18], $0x80, s5, s18, $0xb8;
	[tilespmem:$0x1C480] =	vst v63  }
0x3ce: {  	v2 =	vbroadcast v2, $0x0;
	_ =	swait.ge [sflag:s21], $0x3E80  }
0x3cf: {  	[sflag:s21] =	ssyncset.done $0x0  }
0x3d0: {  	[sflag:s21] =	ssyncadd.s32 $0xFFFFC180  }
0x3d1: {  	s28 =	simm.s32 $0x145C0;
	v3 =	vld.idx.msk [tilespmem:v1+s17+$0x0], $0xffff  }
0x3d2: {  	s1 =	simm.s32 $0x1;
	v5 =	vld [tilespmem:s28+$0xFFFFFEC0]  }
0x3d3: {  	v4 =	vmov s1;
	v6 =	vld [tilespmem:s28+$0xFFFFFED0]  }
0x3d4: {  	v1 =	vld.idx.msk [tilespmem:v2+s17+$0x0], $0xffff;
	v2 =	vand.u32 $0xFF, v4  }
0x3d5: {  	v7 =	vld [tilespmem:s28+$0xFFFFFEE0];
	v2 =	vor.u32 $0x300, v2  }
0x3d6: {  	v4 =	vld [tilespmem:s28+$0x130];
	v2 =	vbroadcast v2, $0x0  }
0x3d7: {  	v8 =	vld [tilespmem:s28+$0xFFFFFEF0]  }
0x3d8: {  	v9 =	vld [tilespmem:s28+$0xFFFFFF00]  }
0x3d9: {  	v10 =	vld [tilespmem:s28+$0xFFFFFF10]  }
0x3da: {  	s1 =	simm.s32 $0x2;
	v11 =	vld [tilespmem:s28+$0xFFFFFF20];
	v5 =	vmul.f32 v5, v3  }
0x3db: {  	v12 =	vmov s1;
	v14 =	vld [tilespmem:s28+$0xFFFFFF50];
	v4 =	vmul.f32 v4, v1  }
0x3dc: {  	v6 =	vmul.f32 v6, v3;
	[tilespmem:s28+$0xFFFFFEC0] =	vst v5;
	v13 =	vld.idx.msk [tilespmem:v2+s17+$0x0], $0xffff;
	v2 =	vand.u32 $0xFF, v12  }
0x3dd: {  	v5 =	vld [tilespmem:s28+$0xFFFFFF30];
	[tilespmem:s28+$0x130] =	vst v4;
	v4 =	vmul.f32 v7, v3;
	v2 =	vor.u32 $0x300, v2  }
0x3de: {  	v10 =	vmul.f32 v10, v3;
	[tilespmem:s28+$0xFFFFFED0] =	vst v6;
	v12 =	vld [tilespmem:s28+$0xFFFFFF40];
	v2 =	vbroadcast v2, $0x0  }
0x3df: {  	v6 =	vmul.f32 v8, v3;
	v8 =	vld [tilespmem:s28+$0xFFFFFF70];
	[tilespmem:s28+$0xFFFFFEE0] =	vst v4;
	v4 =	vmul.f32 v9, v3  }
0x3e0: {  	[tilespmem:s28+$0xFFFFFF10] =	vst v10;
	v10 =	vld [tilespmem:s28+$0xFFFFFFC0]  }
0x3e1: {  	[tilespmem:s28+$0xFFFFFF00] =	vst v4;
	v4 =	vld [tilespmem:s28+$0xFFFFFFA0]  }
0x3e2: {  	v7 =	vld [tilespmem:s28+$0xFFFFFF60]  }
0x3e3: {  	[tilespmem:s28+$0xFFFFFEF0] =	vst v6;
	v9 =	vld [tilespmem:s28+$0xFFFFFF80];
	v6 =	vmul.f32 v12, v13  }
0x3e4: {  	s1 =	simm.s32 $0x3;
	v15 =	vld.idx.msk [tilespmem:v2+s17+$0x0], $0xffff;
	v2 =	vmul.f32 v11, v3  }
0x3e5: {  	v12 =	vld [tilespmem:s28+$0xFFFFFF90];
	[tilespmem:s28+$0xFFFFFF40] =	vst v6;
	v6 =	vmov s1;
	v3 =	vmul.f32 v5, v3  }
0x3e6: {  	v6 =	vand.u32 $0xFF, v6;
	v5 =	vld [tilespmem:s28+$0xFFFFFFB0];
	v4 =	vmul.f32 v4, v13;
	[tilespmem:s28+$0xFFFFFF20] =	vst v2  }
0x3e7: {  	v11 =	vld [tilespmem:s28+$0x0];
	v6 =	vor.u32 $0x300, v6;
	v2 =	vmul.f32 v14, v13;
	[tilespmem:s28+$0xFFFFFF30] =	vst v3  }
0x3e8: {  	v6 =	vbroadcast v6, $0x0;
	v3 =	vmul.f32 v7, v13;
	v7 =	vld [tilespmem:s28+$0xFFFFFFD0];
	[tilespmem:s28+$0xFFFFFFA0] =	vst v4  }
0x3e9: {  	v4 =	vld [tilespmem:s28+$0x30];
	[tilespmem:s28+$0xFFFFFF50] =	vst v2;
	v2 =	vmul.f32 v8, v13  }
0x3ea: {  	v8 =	vld [tilespmem:s28+$0xFFFFFFE0];
	[tilespmem:s28+$0xFFFFFF60] =	vst v3;
	v3 =	vmul.f32 v9, v13  }
0x3eb: {  	v9 =	vld [tilespmem:s28+$0xFFFFFFF0];
	v5 =	vmul.f32 v5, v13;
	[tilespmem:s28+$0xFFFFFF70] =	vst v2  }
0x3ec: {  	v2 =	vmul.f32 v12, v13;
	[tilespmem:s28+$0xFFFFFF80] =	vst v3;
	v3 =	vmul.f32 v10, v15;
	v10 =	vld [tilespmem:s28+$0x10]  }
0x3ed: {  	v12 =	vld [tilespmem:s28+$0x20];
	[tilespmem:s28+$0xFFFFFFB0] =	vst v5  }
0x3ee: {  	v13 =	vmul.f32 v4, v15;
	[tilespmem:s28+$0xFFFFFF90] =	vst v2;
	v2 =	vld.idx.msk [tilespmem:v6+s17+$0x0], $0xffff  }
0x3ef: {  	[tilespmem:s28+$0xFFFFFFC0] =	vst v3;
	v3 =	vmul.f32 v7, v15;
	v6 =	vld [tilespmem:s28+$0x40]  }
0x3f0: {  	v7 =	vld [tilespmem:s28+$0x50];
	v5 =	vmul.f32 v8, v15;
	[tilespmem:s28+$0x30] =	vst v13  }
0x3f1: {  	v8 =	vld [tilespmem:s28+$0x60];
	[tilespmem:s28+$0xFFFFFFD0] =	vst v3;
	v3 =	vmul.f32 v9, v15  }
0x3f2: {  	s1 =	simm.s32 $0x5;
	[tilespmem:s28+$0xFFFFFFE0] =	vst v5;
	v5 =	vmul.f32 v11, v15  }
0x3f3: {  	v9 =	vld [tilespmem:s28+$0x70];
	[tilespmem:s28+$0xFFFFFFF0] =	vst v3;
	v3 =	vmul.f32 v10, v15;
	v10 =	vmov s1;
	s1 =	simm.s32 $0x6  }
0x3f4: {  	s29 =	simm.s32 $0x8;
	v11 =	vld [tilespmem:s28+$0x80];
	[tilespmem:s28+$0x0] =	vst v5;
	v5 =	vmul.f32 v12, v15;
	v10 =	vand.u32 $0x7F, v10;
	v12 =	vmov s1  }
0x3f5: {  	s1 =	simm.s32 $0x7;
	v6 =	vmul.f32 v6, v2;
	v15 =	vmov s29;
	v7 =	vmul.f32 v7, v2;
	[tilespmem:s28+$0x10] =	vst v3;
	v3 =	vld [tilespmem:s28+$0x90]  }
0x3f6: {  	v4 =	vld [tilespmem:s28+$0xA0];
	v14 =	vmov s1;
	v8 =	vmul.f32 v8, v2;
	[tilespmem:s28+$0x20] =	vst v5;
	v5 =	vor.u32 $0x300, v10  }
0x3f7: {  	v10 =	vand.u32 $0xFF, v12;
	[tilespmem:s28+$0x40] =	vst v6;
	v13 =	vand.u32 $0xFF, v14;
	v14 =	vand.u32 $0xFF, v15;
	v6 =	vld [tilespmem:s28+$0xB0]  }
0x3f8: {  	[tilespmem:s28+$0x50] =	vst v7;
	v9 =	vmul.f32 v9, v2;
	v7 =	vld [tilespmem:s28+$0xC0];
	v5 =	vbroadcast v5, $0x0;
	v12 =	vor.u32 $0x300, v10  }
0x3f9: {  	s31 =	simm.s32 $0x9;
	s30 =	simm.s32 $0xA;
	s29 =	simm.s32 $0x145C0;
	v13 =	vor.u32 $0x300, v13;
	v10 =	vor.u32 $0x300, v14;
	[tilespmem:s28+$0x60] =	vst v8;
	v11 =	vmul.f32 v11, v2;
	v8 =	vld [tilespmem:s28+$0xD0]  }
.LBB2_19:
0x3fa: {  	p1 =	slt.u32 s30, $0x78;
	v12 =	vbroadcast v12, $0x0;
	v14 =	vmov s31;
	[tilespmem:s28+$0x70] =	vst v9;
	v3 =	vmul.f32 v3, v2;
	v9 =	vld [tilespmem:s28+$0xE0]  }
0x3fb: {  	v13 =	vbroadcast v13, $0x0;
	v14 =	vand.u32 $0xFF, v14;
	[tilespmem:s28+$0x80] =	vst v11;
	v4 =	vmul.f32 v4, v2;
	v11 =	vld [tilespmem:s28+$0xF0]  }
0x3fc: {  	v10 =	vbroadcast v10, $0x0;
	v14 =	vor.u32 $0x300, v14;
	[tilespmem:s28+$0x90] =	vst v3;
	v2 =	vmul.f32 v6, v2;
	v3 =	vld [tilespmem:s28+$0x100]  }
0x3fd: {  	v6 =	vbroadcast v14, $0x0;
	[tilespmem:s28+$0xA0] =	vst v4;
	v4 =	vmul.f32 v7, v1;
	v7 =	vld [tilespmem:s28+$0x110]  }
0x3fe: {  	[tilespmem:s28+$0xB0] =	vst v2;
	v2 =	vmul.f32 v8, v1;
	v8 =	vld [tilespmem:s28+$0x120]  }
0x3ff: {  	v5 =	vld.idx.msk [tilespmem:v5+s17+$0x0], $0xffff;
	[tilespmem:s28+$0xC0] =	vst v4;
	v4 =	vmul.f32 v9, v1  }
0x400: {  	v9 =	vld.idx.msk [tilespmem:v12+s17+$0x0], $0xffff;
	[tilespmem:s28+$0xD0] =	vst v2;
	v11 =	vmul.f32 v11, v1  }
0x401: {  	v12 =	vld.idx.msk [tilespmem:v13+s17+$0x0], $0xffff;
	[tilespmem:s28+$0xE0] =	vst v4;
	v3 =	vmul.f32 v3, v1  }
0x402: {  	v2 =	vld.idx.msk [tilespmem:v10+s17+$0x0], $0xffff;
	[tilespmem:s28+$0xF0] =	vst v11;
	v4 =	vmul.f32 v7, v1  }
0x403: {  	s28 =	sadd.s32 $0x280, s28;
	[tilespmem:s29+$0x100] =	vst v3;
	v3 =	vmul.f32 v8, v1;
	v1 =	vld.idx.msk [tilespmem:v6+s17+$0x0], $0xffff  }
0x404: {  	v6 =	vld [tilespmem:s28+$0x130];
	[tilespmem:s29+$0x110] =	vst v4  }
0x405: {  	v4 =	vld [tilespmem:s28+$0xFFFFFEC0];
	[tilespmem:s29+$0x120] =	vst v3;
	s29 =	smov.u32 s28  }
0x406: {  	v3 =	vld [tilespmem:s28+$0xFFFFFED0]  }
0x407: {  	v7 =	vld [tilespmem:s28+$0xFFFFFEE0]  }
0x408: {  	v8 =	vld [tilespmem:s28+$0xFFFFFEF0]  }
0x409: {  	v10 =	vld [tilespmem:s28+$0xFFFFFF00];
	v6 =	vmul.f32 v6, v1  }
0x40a: {  	v4 =	vmul.f32 v4, v5;
	v11 =	vld [tilespmem:s28+$0xFFFFFF10]  }
0x40b: {  	v3 =	vmul.f32 v3, v5;
	v13 =	vld [tilespmem:s28+$0xFFFFFF20];
	[tilespmem:s28+$0x130] =	vst v6  }
0x40c: {  	[tilespmem:s28+$0xFFFFFEC0] =	vst v4;
	v4 =	vmul.f32 v7, v5;
	v6 =	vld [tilespmem:s28+$0xFFFFFF30]  }
0x40d: {  	[tilespmem:s28+$0xFFFFFED0] =	vst v3;
	v3 =	vmul.f32 v8, v5;
	v7 =	vld [tilespmem:s28+$0xFFFFFF40]  }
0x40e: {  	[tilespmem:s28+$0xFFFFFEE0] =	vst v4;
	v4 =	vmul.f32 v10, v5;
	v8 =	vld [tilespmem:s28+$0xFFFFFF50]  }
0x40f: {  	[tilespmem:s28+$0xFFFFFEF0] =	vst v3;
	v3 =	vmul.f32 v11, v5;
	v10 =	vld [tilespmem:s28+$0xFFFFFF60]  }
0x410: {  	[tilespmem:s28+$0xFFFFFF00] =	vst v4;
	v4 =	vmul.f32 v13, v5;
	v11 =	vld [tilespmem:s28+$0xFFFFFF70]  }
0x411: {  	[tilespmem:s28+$0xFFFFFF10] =	vst v3;
	v3 =	vmul.f32 v6, v5;
	v5 =	vld [tilespmem:s28+$0xFFFFFF80]  }
0x412: {  	[tilespmem:s28+$0xFFFFFF20] =	vst v4;
	v4 =	vmul.f32 v7, v9;
	v6 =	vld [tilespmem:s28+$0xFFFFFF90]  }
0x413: {  	[tilespmem:s28+$0xFFFFFF30] =	vst v3;
	v3 =	vmul.f32 v8, v9;
	v7 =	vld [tilespmem:s28+$0xFFFFFFA0]  }
0x414: {  	[tilespmem:s28+$0xFFFFFF40] =	vst v4;
	v4 =	vmul.f32 v10, v9;
	v8 =	vld [tilespmem:s28+$0xFFFFFFB0]  }
0x415: {  	[tilespmem:s28+$0xFFFFFF50] =	vst v3;
	v3 =	vmul.f32 v11, v9;
	v10 =	vld [tilespmem:s28+$0xFFFFFFC0]  }
0x416: {  	[tilespmem:s28+$0xFFFFFF60] =	vst v4;
	v4 =	vmul.f32 v5, v9;
	v5 =	vld [tilespmem:s28+$0xFFFFFFD0]  }
0x417: {  	[tilespmem:s28+$0xFFFFFF70] =	vst v3;
	v3 =	vmul.f32 v6, v9;
	v6 =	vld [tilespmem:s28+$0xFFFFFFE0]  }
0x418: {  	[tilespmem:s28+$0xFFFFFF80] =	vst v4;
	v4 =	vmul.f32 v7, v9;
	v7 =	vld [tilespmem:s28+$0xFFFFFFF0]  }
0x419: {  	[tilespmem:s28+$0xFFFFFF90] =	vst v3;
	v3 =	vmul.f32 v8, v9;
	v8 =	vld [tilespmem:s28+$0x0]  }
0x41a: {  	[tilespmem:s28+$0xFFFFFFA0] =	vst v4;
	v4 =	vmul.f32 v10, v12;
	v9 =	vld [tilespmem:s28+$0x10]  }
0x41b: {  	[tilespmem:s28+$0xFFFFFFB0] =	vst v3;
	v3 =	vmul.f32 v5, v12;
	v5 =	vld [tilespmem:s28+$0x20]  }
0x41c: {  	[tilespmem:s28+$0xFFFFFFC0] =	vst v4;
	v4 =	vmul.f32 v6, v12;
	v6 =	vld [tilespmem:s28+$0x30]  }
0x41d: {  	[tilespmem:s28+$0xFFFFFFD0] =	vst v3;
	v3 =	vmul.f32 v7, v12;
	v7 =	vld [tilespmem:s28+$0x40]  }
0x41e: {  	[tilespmem:s28+$0xFFFFFFE0] =	vst v4;
	v4 =	vmul.f32 v8, v12;
	v8 =	vld [tilespmem:s28+$0x50]  }
0x41f: {  	[tilespmem:s28+$0xFFFFFFF0] =	vst v3;
	v3 =	vmul.f32 v9, v12;
	v9 =	vld [tilespmem:s28+$0x60]  }
0x420: {  	s1 =	sadd.s32 $0x1, s30;
	v10 =	vmov s30;
	[tilespmem:s28+$0x0] =	vst v4;
	v4 =	vmul.f32 v5, v12;
	v11 =	vld [tilespmem:s28+$0x70]  }
0x421: {  	s31 =	sadd.s32 $0x3, s30;
	v5 =	vand.u32 $0x7F, v10;
	v10 =	vmov s1;
	s1 =	sadd.s32 $0x2, s30;
	[tilespmem:s28+$0x10] =	vst v3;
	v6 =	vmul.f32 v6, v12;
	v14 =	vld [tilespmem:s28+$0x80]  }
.Ltmp9:
0x422: {  	v13 =	vmov s31;
	v12 =	vmov s1;
	[tilespmem:s28+$0x20] =	vst v4;
	v7 =	vmul.f32 v7, v2;
	v3 =	vld [tilespmem:s28+$0x90];
	(pc) =	sbr.rel @p1 .LBB2_19-.Ltmp9, $4  }
0x423: {  	v5 =	vor.u32 $0x300, v5;
	v10 =	vand.u32 $0xFF, v10;
	[tilespmem:s28+$0x30] =	vst v6;
	v8 =	vmul.f32 v8, v2;
	v4 =	vld [tilespmem:s28+$0xA0]  }
0x424: {  	v16 =	vand.u32 $0xFF, v13;
	v15 =	vand.u32 $0xFF, v12;
	[tilespmem:s28+$0x40] =	vst v7;
	v17 =	vmul.f32 v9, v2;
	v6 =	vld [tilespmem:s28+$0xB0]  }
0x425: {  	v5 =	vbroadcast v5, $0x0;
	v12 =	vor.u32 $0x300, v10;
	[tilespmem:s28+$0x50] =	vst v8;
	v9 =	vmul.f32 v11, v2;
	v7 =	vld [tilespmem:s28+$0xC0]  }
0x426: {  	s31 =	sadd.s32 $0x4, s30;
	s30 =	sadd.s32 $0x5, s30;
	v10 =	vor.u32 $0x300, v16;
	v13 =	vor.u32 $0x300, v15;
	[tilespmem:s28+$0x60] =	vst v17;
	v11 =	vmul.f32 v14, v2;
	v8 =	vld [tilespmem:s28+$0xD0]  }
0x427: {  	v15 =	vld [tilespmem:s28+$0xE0]  }
0x428: {  	v16 =	vld [tilespmem:s28+$0xF0]  }
0x429: {  	v12 =	vbroadcast v12, $0x0;
	v14 =	vmov s31;
	v17 =	vld [tilespmem:s28+$0x100]  }
0x42a: {  	v10 =	vbroadcast v10, $0x0;
	v18 =	vld [tilespmem:s28+$0x110];
	v14 =	vand.u32 $0xFF, v14  }
0x42b: {  	v19 =	vld [tilespmem:s28+$0x120];
	[tilespmem:s28+$0x70] =	vst v9;
	v3 =	vmul.f32 v3, v2;
	v14 =	vor.u32 $0x300, v14  }
0x42c: {  	v5 =	vld.idx.msk [tilespmem:v5+s17+$0x0], $0xffff;
	s30 =	sadd.s32 $0x280, s28;
	[tilespmem:s28+$0x80] =	vst v11;
	v4 =	vmul.f32 v4, v2;
	v14 =	vbroadcast v14, $0x0  }
0x42d: {  	v13 =	vbroadcast v13, $0x0;
	v11 =	vld [tilespmem:s30+$0xFFFFFED0];
	[tilespmem:s28+$0x90] =	vst v3;
	v2 =	vmul.f32 v6, v2  }
0x42e: {  	[tilespmem:s28+$0xA0] =	vst v4;
	v4 =	vmul.f32 v7, v1;
	v7 =	vmul.f32 v8, v1;
	v8 =	vld [tilespmem:s30+$0x130]  }
0x42f: {  	[tilespmem:s28+$0xB0] =	vst v2;
	v9 =	vld.idx.msk [tilespmem:v12+s17+$0x0], $0xffff  }
0x430: {  	[tilespmem:s28+$0xC0] =	vst v4;
	v4 =	vmul.f32 v15, v1;
	v6 =	vld.idx.msk [tilespmem:v10+s17+$0x0], $0xffff  }
0x431: {  	[tilespmem:s28+$0xD0] =	vst v7;
	v7 =	vmul.f32 v16, v1;
	v10 =	vld [tilespmem:s30+$0xFFFFFEC0]  }
0x432: {  	[tilespmem:s28+$0xE0] =	vst v4;
	v4 =	vmul.f32 v17, v1;
	v2 =	vld.idx.msk [tilespmem:v14+s17+$0x0], $0xffff  }
0x433: {  	v3 =	vld.idx.msk [tilespmem:v13+s17+$0x0], $0xffff;
	[tilespmem:s28+$0xF0] =	vst v7;
	v7 =	vmul.f32 v18, v1  }
0x434: {  	v12 =	vld [tilespmem:s30+$0xFFFFFEE0];
	v1 =	vmul.f32 v19, v1;
	[tilespmem:s29+$0x100] =	vst v4  }
0x435: {  	v4 =	vld [tilespmem:s30+$0xFFFFFEF0];
	[tilespmem:s29+$0x110] =	vst v7  }
0x436: {  	v7 =	vld [tilespmem:s30+$0xFFFFFF00];
	[tilespmem:s29+$0x120] =	vst v1;
	v1 =	vmul.f32 v10, v5  }
0x437: {  	v10 =	vld [tilespmem:s30+$0xFFFFFF10];
	v8 =	vmul.f32 v8, v2  }
0x438: {  	v11 =	vmul.f32 v11, v5;
	v13 =	vld [tilespmem:s30+$0xFFFFFF20];
	[tilespmem:s30+$0xFFFFFEC0] =	vst v1  }
0x439: {  	v1 =	vmul.f32 v12, v5;
	[tilespmem:s30+$0x130] =	vst v8;
	v8 =	vld [tilespmem:s30+$0xFFFFFF30]  }
0x43a: {  	[tilespmem:s30+$0xFFFFFED0] =	vst v11;
	v11 =	vld [tilespmem:s30+$0xFFFFFF40];
	v4 =	vmul.f32 v4, v5  }
0x43b: {  	[tilespmem:s30+$0xFFFFFEE0] =	vst v1;
	v1 =	vmul.f32 v7, v5;
	v7 =	vld [tilespmem:s30+$0xFFFFFF50]  }
0x43c: {  	[tilespmem:s30+$0xFFFFFEF0] =	vst v4;
	v4 =	vmul.f32 v10, v5;
	v10 =	vld [tilespmem:s30+$0xFFFFFF60]  }
0x43d: {  	v12 =	vld [tilespmem:s30+$0xFFFFFF70];
	[tilespmem:s30+$0xFFFFFF00] =	vst v1;
	v1 =	vmul.f32 v13, v5  }
0x43e: {  	[tilespmem:s30+$0xFFFFFF10] =	vst v4;
	v4 =	vmul.f32 v8, v5;
	v5 =	vld [tilespmem:s30+$0xFFFFFF80]  }
0x43f: {  	[tilespmem:s30+$0xFFFFFF20] =	vst v1;
	v1 =	vmul.f32 v11, v9;
	v8 =	vld [tilespmem:s30+$0xFFFFFF90]  }
0x440: {  	[tilespmem:s30+$0xFFFFFF30] =	vst v4;
	v4 =	vmul.f32 v7, v9;
	v7 =	vld [tilespmem:s30+$0xFFFFFFA0]  }
0x441: {  	[tilespmem:s30+$0xFFFFFF40] =	vst v1;
	v1 =	vmul.f32 v10, v9;
	v10 =	vld [tilespmem:s30+$0xFFFFFFB0]  }
0x442: {  	v11 =	vld [tilespmem:s30+$0xFFFFFFC0];
	[tilespmem:s30+$0xFFFFFF50] =	vst v4;
	v4 =	vmul.f32 v12, v9  }
0x443: {  	[tilespmem:s30+$0xFFFFFF60] =	vst v1;
	v1 =	vmul.f32 v5, v9;
	v5 =	vld [tilespmem:s30+$0xFFFFFFD0]  }
0x444: {  	[tilespmem:s30+$0xFFFFFF70] =	vst v4;
	v4 =	vmul.f32 v8, v9;
	v8 =	vld [tilespmem:s30+$0xFFFFFFE0]  }
0x445: {  	[tilespmem:s30+$0xFFFFFF80] =	vst v1;
	v1 =	vmul.f32 v7, v9;
	v7 =	vld [tilespmem:s30+$0xFFFFFFF0]  }
0x446: {  	[tilespmem:s30+$0xFFFFFF90] =	vst v4;
	v4 =	vmul.f32 v10, v9;
	v9 =	vld [tilespmem:s30+$0x0]  }
0x447: {  	v10 =	vld [tilespmem:s30+$0x10];
	[tilespmem:s30+$0xFFFFFFA0] =	vst v1;
	v1 =	vmul.f32 v11, v3  }
0x448: {  	[tilespmem:s30+$0xFFFFFFB0] =	vst v4;
	v4 =	vmul.f32 v5, v3;
	v5 =	vld [tilespmem:s30+$0x20]  }
0x449: {  	[tilespmem:s30+$0xFFFFFFC0] =	vst v1;
	v1 =	vmul.f32 v8, v3;
	v8 =	vld [tilespmem:s30+$0x30]  }
0x44a: {  	[tilespmem:s30+$0xFFFFFFD0] =	vst v4;
	v4 =	vmul.f32 v7, v3;
	v7 =	vld [tilespmem:s30+$0x40]  }
0x44b: {  	[tilespmem:s30+$0xFFFFFFE0] =	vst v1;
	v1 =	vmul.f32 v9, v3;
	v9 =	vld [tilespmem:s30+$0x50]  }
0x44c: {  	[tilespmem:s30+$0xFFFFFFF0] =	vst v4;
	v4 =	vmul.f32 v10, v3;
	v10 =	vld [tilespmem:s30+$0x60]  }
0x44d: {  	[tilespmem:s30+$0x0] =	vst v1;
	v1 =	vmul.f32 v5, v3;
	v5 =	vld [tilespmem:s30+$0x70]  }
0x44e: {  	[tilespmem:s30+$0x10] =	vst v4;
	v3 =	vmul.f32 v8, v3;
	v4 =	vld [tilespmem:s30+$0x80]  }
0x44f: {  	[tilespmem:s30+$0x20] =	vst v1;
	v1 =	vmul.f32 v7, v6;
	v7 =	vld [tilespmem:s30+$0x90]  }
0x450: {  	v8 =	vld [tilespmem:s30+$0xA0];
	[tilespmem:s30+$0x30] =	vst v3;
	v3 =	vmul.f32 v9, v6  }
0x451: {  	v9 =	vld [tilespmem:s30+$0xB0];
	[tilespmem:s30+$0x40] =	vst v1;
	v1 =	vmul.f32 v10, v6  }
0x452: {  	[tilespmem:s30+$0x50] =	vst v3;
	v3 =	vmul.f32 v5, v6;
	v5 =	vld [tilespmem:s30+$0xC0]  }
0x453: {  	[tilespmem:s30+$0x60] =	vst v1;
	v1 =	vmul.f32 v4, v6;
	v4 =	vld [tilespmem:s30+$0xD0]  }
0x454: {  	[tilespmem:s30+$0x70] =	vst v3;
	v3 =	vmul.f32 v7, v6;
	v7 =	vld [tilespmem:s30+$0xE0]  }
0x455: {  	[tilespmem:s30+$0x80] =	vst v1;
	v1 =	vmul.f32 v8, v6;
	v8 =	vld [tilespmem:s30+$0xF0]  }
0x456: {  	[tilespmem:s30+$0x90] =	vst v3;
	v3 =	vmul.f32 v9, v6;
	v6 =	vld [tilespmem:s30+$0x100]  }
0x457: {  	[tilespmem:s30+$0xA0] =	vst v1;
	v1 =	vmul.f32 v5, v2;
	v5 =	vld [tilespmem:s30+$0x110]  }
0x458: {  	[tilespmem:s30+$0xB0] =	vst v3;
	v3 =	vmul.f32 v4, v2;
	v4 =	vld [tilespmem:s30+$0x120]  }
0x459: {  	[tilespmem:s30+$0xC0] =	vst v1;
	v1 =	vmul.f32 v7, v2  }
0x45a: {  	[tilespmem:s30+$0xD0] =	vst v3;
	v3 =	vmul.f32 v8, v2  }
0x45b: {  	[tilespmem:s30+$0xE0] =	vst v1;
	v1 =	vmul.f32 v6, v2  }
0x45c: {  	s28 =	simm.s32 $0x1;
	[tilespmem:s30+$0xF0] =	vst v3;
	v3 =	vmul.f32 v5, v2  }
0x45d: {  	[tilespmem:s30+$0x100] =	vst v1;
	v1 =	vmul.f32 v4, v2;
	v2 =	vmov s28  }
0x45e: {  	[tilespmem:s30+$0x110] =	vst v3;
	v2 =	vand.u32 $0xFF, v2  }
0x45f: {  	s1 =	simm.s32 $0x0;
	[tilespmem:s30+$0x120] =	vst v1;
	v1 =	vadd.s32 $0x380, v2  }
0x460: {  	v5 =	vmov s1;
	[spmem:s2] =	stream.indirect.scatter.add.f32 [tilespmem:s13], [sflag:$0x3], $0x80, s11, s18, $0xb8;
	[tilespmem:$0x1C480] =	vst v63  }
0x461: {  	v4 =	vand.u32 $0x7F, v5;
	_ =	swait.ge [sflag:s24], $0x3E80  }
0x462: {  	v3 =	vor.u32 $0x380, v4;
	[sflag:s24] =	ssyncset.done $0x0  }
0x463: {  	v2 =	vbroadcast v3, $0x0;
	[sflag:s24] =	ssyncadd.s32 $0xFFFFC180  }
0x464: {  	s28 =	simm.s32 $0x185C0;
	v1 =	vld.idx.msk [tilespmem:v1+s17+$0x0], $0xffff  }
0x465: {  	v3 =	vld [tilespmem:s28+$0xFFFFFF30]  }
0x466: {  	v4 =	vld [tilespmem:s28+$0xFFFFFEC0]  }
0x467: {  	v5 =	vld [tilespmem:s28+$0xFFFFFED0]  }
0x468: {  	s31 =	simm.s32 $0x2;
	v6 =	vld [tilespmem:s28+$0xFFFFFEE0]  }
0x469: {  	v11 =	vmov s31;
	v2 =	vld.idx.msk [tilespmem:v2+s17+$0x0], $0xffff  }
0x46a: {  	v11 =	vand.u32 $0xFF, v11;
	v7 =	vld [tilespmem:s28+$0xFFFFFEF0]  }
0x46b: {  	v11 =	vadd.s32 $0x380, v11;
	v8 =	vld [tilespmem:s28+$0xFFFFFF00]  }
0x46c: {  	v9 =	vld [tilespmem:s28+$0xFFFFFF10]  }
0x46d: {  	v10 =	vld [tilespmem:s28+$0xFFFFFF20]  }
0x46e: {  	v12 =	vld [tilespmem:s28+$0xFFFFFF40];
	v3 =	vmul.f32 v3, v2  }
0x46f: {  	v13 =	vld [tilespmem:s28+$0xFFFFFF50];
	v4 =	vmul.f32 v4, v2  }
0x470: {  	v11 =	vld.idx.msk [tilespmem:v11+s17+$0x0], $0xffff;
	v5 =	vmul.f32 v5, v2;
	[tilespmem:s28+$0xFFFFFF30] =	vst v3  }
0x471: {  	v8 =	vmul.f32 v8, v2;
	v3 =	vld [tilespmem:s28+$0xFFFFFF60];
	[tilespmem:s28+$0xFFFFFEC0] =	vst v4  }
0x472: {  	v9 =	vmul.f32 v9, v2;
	v4 =	vmul.f32 v6, v2;
	v6 =	vld [tilespmem:s28+$0xFFFFFF70];
	[tilespmem:s28+$0xFFFFFED0] =	vst v5  }
0x473: {  	v5 =	vmul.f32 v7, v2;
	v7 =	vld [tilespmem:s28+$0xFFFFFF80];
	[tilespmem:s28+$0xFFFFFF00] =	vst v8  }
0x474: {  	v2 =	vmul.f32 v10, v2;
	[tilespmem:s28+$0xFFFFFF10] =	vst v9;
	v10 =	vld [tilespmem:s28+$0xFFFFFFC0]  }
0x475: {  	v9 =	vmul.f32 v13, v1;
	v13 =	vld [tilespmem:s28+$0x10];
	[tilespmem:s28+$0xFFFFFEE0] =	vst v4  }
0x476: {  	v4 =	vmul.f32 v12, v1;
	v12 =	vld [tilespmem:s28+$0xFFFFFF90];
	[tilespmem:s28+$0xFFFFFEF0] =	vst v5  }
0x477: {  	v5 =	vld [tilespmem:s28+$0xFFFFFFA0];
	[tilespmem:s28+$0xFFFFFF20] =	vst v2  }
0x478: {  	s31 =	simm.s32 $0x3;
	[tilespmem:s28+$0xFFFFFF50] =	vst v9;
	v9 =	vld [tilespmem:s28+$0xFFFFFFE0];
	v2 =	vmul.f32 v3, v1  }
0x479: {  	v8 =	vmov s31;
	[tilespmem:s28+$0xFFFFFF40] =	vst v4;
	v4 =	vld [tilespmem:s28+$0xFFFFFFB0];
	v6 =	vmul.f32 v6, v1  }
0x47a: {  	v8 =	vand.u32 $0xFF, v8;
	v3 =	vld [tilespmem:s28+$0xFFFFFFD0];
	v10 =	vmul.f32 v10, v11;
	[tilespmem:s28+$0xFFFFFF60] =	vst v2  }
0x47b: {  	v8 =	vadd.s32 $0x380, v8;
	v2 =	vmul.f32 v7, v1;
	v7 =	vld [tilespmem:s28+$0xFFFFFFF0];
	[tilespmem:s28+$0xFFFFFF70] =	vst v6  }
0x47c: {  	v6 =	vmul.f32 v12, v1;
	v12 =	vld [tilespmem:s28+$0x0];
	[tilespmem:s28+$0xFFFFFFC0] =	vst v10  }
0x47d: {  	v5 =	vmul.f32 v5, v1;
	v10 =	vld [tilespmem:s28+$0x70];
	[tilespmem:s28+$0xFFFFFF80] =	vst v2  }
0x47e: {  	[tilespmem:s28+$0xFFFFFF90] =	vst v6;
	v6 =	vld [tilespmem:s28+$0x20];
	v1 =	vmul.f32 v4, v1  }
0x47f: {  	s31 =	simm.s32 $0x4;
	[tilespmem:s28+$0xFFFFFFA0] =	vst v5;
	v4 =	vld [tilespmem:s28+$0x30];
	v3 =	vmul.f32 v3, v11  }
0x480: {  	v2 =	vld.idx.msk [tilespmem:v8+s17+$0x0], $0xffff;
	v5 =	vmov s31;
	[tilespmem:s28+$0xFFFFFFB0] =	vst v1;
	v1 =	vmul.f32 v9, v11  }
0x481: {  	v8 =	vld [tilespmem:s28+$0x40];
	v5 =	vand.u32 $0xFF, v5;
	[tilespmem:s28+$0xFFFFFFD0] =	vst v3;
	v3 =	vmul.f32 v7, v11  }
0x482: {  	v5 =	vadd.s32 $0x380, v5;
	v7 =	vld [tilespmem:s28+$0x50];
	[tilespmem:s28+$0xFFFFFFE0] =	vst v1;
	v1 =	vmul.f32 v12, v11  }
0x483: {  	v9 =	vld [tilespmem:s28+$0x60];
	[tilespmem:s28+$0xFFFFFFF0] =	vst v3;
	v3 =	vmul.f32 v13, v11  }
0x484: {  	v4 =	vmul.f32 v4, v11;
	v13 =	vld [tilespmem:s28+$0xA0];
	[tilespmem:s28+$0x0] =	vst v1  }
0x485: {  	v1 =	vmul.f32 v6, v11;
	v6 =	vld [tilespmem:s28+$0x80];
	[tilespmem:s28+$0x10] =	vst v3  }
0x486: {  	v3 =	vmul.f32 v8, v2;
	v8 =	vld [tilespmem:s28+$0x90];
	[tilespmem:s28+$0x30] =	vst v4  }
0x487: {  	s29 =	simm.s32 $0x7;
	s31 =	simm.s32 $0x6;
	[tilespmem:s28+$0x20] =	vst v1;
	v1 =	vld.idx.msk [tilespmem:v5+s17+$0x0], $0xffff;
	v5 =	vmul.f32 v7, v2  }
0x488: {  	v11 =	vmov s29;
	s29 =	simm.s32 $0x9;
	v4 =	vmov s31;
	s31 =	simm.s32 $0x8;
	v9 =	vmul.f32 v9, v2;
	[tilespmem:s28+$0x40] =	vst v3;
	v3 =	vld [tilespmem:s28+$0xB0]  }
0x489: {  	v14 =	vmov s29;
	v12 =	vmov s31;
	v7 =	vld [tilespmem:s28+$0xC0];
	[tilespmem:s28+$0x50] =	vst v5;
	v5 =	vmul.f32 v10, v2  }
0x48a: {  	v15 =	vand.u32 $0xFF, v4;
	v4 =	vld [tilespmem:s28+$0xD0];
	[tilespmem:s28+$0x60] =	vst v9;
	v9 =	vand.u32 $0xFF, v14;
	v6 =	vmul.f32 v6, v2  }
0x48b: {  	s31 =	simm.s32 $0x5;
	v10 =	vand.u32 $0xFF, v11;
	v11 =	vand.u32 $0xFF, v12;
	[tilespmem:s28+$0x70] =	vst v5;
	v12 =	vmul.f32 v8, v2;
	v5 =	vld [tilespmem:s28+$0xE0]  }
0x48c: {  	s30 =	simm.s32 $0xA;
	s29 =	simm.s32 $0x185C0;
	v14 =	vmov s31;
	v13 =	vmul.f32 v13, v2;
	v8 =	vadd.s32 $0x380, v15;
	[tilespmem:s28+$0x80] =	vst v6;
	v6 =	vld [tilespmem:s28+$0xF0]  }
.LBB2_21:
0x48d: {  	p1 =	slt.u32 s30, $0x78;
	v14 =	vand.u32 $0x7F, v14;
	v10 =	vadd.s32 $0x380, v10;
	[tilespmem:s28+$0x90] =	vst v12;
	v2 =	vmul.f32 v3, v2;
	v3 =	vld [tilespmem:s28+$0x100]  }
0x48e: {  	v11 =	vadd.s32 $0x380, v11;
	v12 =	vor.u32 $0x380, v14;
	[tilespmem:s28+$0xA0] =	vst v13;
	v7 =	vmul.f32 v7, v1;
	v13 =	vld [tilespmem:s28+$0x110]  }
0x48f: {  	v9 =	vadd.s32 $0x380, v9;
	v12 =	vbroadcast v12, $0x0;
	[tilespmem:s28+$0xB0] =	vst v2;
	v2 =	vmul.f32 v4, v1;
	v4 =	vld [tilespmem:s28+$0x120]  }
0x490: {  	[tilespmem:s28+$0xC0] =	vst v7;
	v5 =	vmul.f32 v5, v1;
	v7 =	vld [tilespmem:s28+$0x130]  }
0x491: {  	v8 =	vld.idx.msk [tilespmem:v8+s17+$0x0], $0xffff;
	[tilespmem:s28+$0xD0] =	vst v2;
	v6 =	vmul.f32 v6, v1  }
0x492: {  	v10 =	vld.idx.msk [tilespmem:v10+s17+$0x0], $0xffff;
	[tilespmem:s28+$0xE0] =	vst v5;
	v3 =	vmul.f32 v3, v1  }
0x493: {  	v2 =	vld.idx.msk [tilespmem:v11+s17+$0x0], $0xffff;
	[tilespmem:s28+$0xF0] =	vst v6;
	v5 =	vmul.f32 v13, v1  }
0x494: {  	v6 =	vld.idx.msk [tilespmem:v9+s17+$0x0], $0xffff;
	[tilespmem:s28+$0x100] =	vst v3;
	v3 =	vmul.f32 v4, v1  }
0x495: {  	s28 =	sadd.s32 $0x280, s28;
	v4 =	vld.idx.msk [tilespmem:v12+s17+$0x0], $0xffff;
	[tilespmem:s29+$0x110] =	vst v5;
	v1 =	vmul.f32 v7, v1  }
0x496: {  	v5 =	vld [tilespmem:s28+$0xFFFFFF30];
	[tilespmem:s29+$0x120] =	vst v3  }
0x497: {  	v3 =	vld [tilespmem:s28+$0xFFFFFEC0];
	[tilespmem:s29+$0x130] =	vst v1;
	s29 =	smov.u32 s28  }
0x498: {  	v7 =	vld [tilespmem:s28+$0xFFFFFED0]  }
0x499: {  	v9 =	vld [tilespmem:s28+$0xFFFFFEE0]  }
0x49a: {  	v1 =	vmov v6;
	v11 =	vld [tilespmem:s28+$0xFFFFFEF0]  }
0x49b: {  	v6 =	vld [tilespmem:s28+$0xFFFFFF00];
	v5 =	vmul.f32 v5, v4  }
0x49c: {  	v3 =	vmul.f32 v3, v4;
	v12 =	vld [tilespmem:s28+$0xFFFFFF10]  }
0x49d: {  	v7 =	vmul.f32 v7, v4;
	v13 =	vld [tilespmem:s28+$0xFFFFFF20];
	[tilespmem:s28+$0xFFFFFF30] =	vst v5  }
0x49e: {  	[tilespmem:s28+$0xFFFFFEC0] =	vst v3;
	v3 =	vmul.f32 v9, v4;
	v5 =	vld [tilespmem:s28+$0xFFFFFF40]  }
0x49f: {  	[tilespmem:s28+$0xFFFFFED0] =	vst v7;
	v7 =	vmul.f32 v11, v4;
	v9 =	vld [tilespmem:s28+$0xFFFFFF50]  }
0x4a0: {  	[tilespmem:s28+$0xFFFFFEE0] =	vst v3;
	v3 =	vmul.f32 v6, v4;
	v6 =	vld [tilespmem:s28+$0xFFFFFF60]  }
0x4a1: {  	[tilespmem:s28+$0xFFFFFEF0] =	vst v7;
	v7 =	vmul.f32 v12, v4;
	v11 =	vld [tilespmem:s28+$0xFFFFFF70]  }
0x4a2: {  	[tilespmem:s28+$0xFFFFFF00] =	vst v3;
	v3 =	vmul.f32 v13, v4;
	v4 =	vld [tilespmem:s28+$0xFFFFFF80]  }
0x4a3: {  	[tilespmem:s28+$0xFFFFFF10] =	vst v7;
	v5 =	vmul.f32 v5, v8;
	v7 =	vld [tilespmem:s28+$0xFFFFFF90]  }
0x4a4: {  	[tilespmem:s28+$0xFFFFFF20] =	vst v3;
	v3 =	vmul.f32 v9, v8;
	v9 =	vld [tilespmem:s28+$0xFFFFFFA0]  }
0x4a5: {  	[tilespmem:s28+$0xFFFFFF40] =	vst v5;
	v5 =	vmul.f32 v6, v8;
	v6 =	vld [tilespmem:s28+$0xFFFFFFB0]  }
0x4a6: {  	[tilespmem:s28+$0xFFFFFF50] =	vst v3;
	v3 =	vmul.f32 v11, v8;
	v11 =	vld [tilespmem:s28+$0xFFFFFFC0]  }
0x4a7: {  	[tilespmem:s28+$0xFFFFFF60] =	vst v5;
	v4 =	vmul.f32 v4, v8;
	v5 =	vld [tilespmem:s28+$0xFFFFFFD0]  }
0x4a8: {  	[tilespmem:s28+$0xFFFFFF70] =	vst v3;
	v3 =	vmul.f32 v7, v8;
	v7 =	vld [tilespmem:s28+$0xFFFFFFE0]  }
0x4a9: {  	[tilespmem:s28+$0xFFFFFF80] =	vst v4;
	v4 =	vmul.f32 v9, v8;
	v9 =	vld [tilespmem:s28+$0xFFFFFFF0]  }
0x4aa: {  	[tilespmem:s28+$0xFFFFFF90] =	vst v3;
	v3 =	vmul.f32 v6, v8;
	v6 =	vld [tilespmem:s28+$0x0]  }
0x4ab: {  	[tilespmem:s28+$0xFFFFFFA0] =	vst v4;
	v4 =	vmul.f32 v11, v10;
	v8 =	vld [tilespmem:s28+$0x10]  }
0x4ac: {  	[tilespmem:s28+$0xFFFFFFB0] =	vst v3;
	v3 =	vmul.f32 v5, v10;
	v5 =	vld [tilespmem:s28+$0x20]  }
0x4ad: {  	[tilespmem:s28+$0xFFFFFFC0] =	vst v4;
	v4 =	vmul.f32 v7, v10;
	v7 =	vld [tilespmem:s28+$0x30]  }
0x4ae: {  	[tilespmem:s28+$0xFFFFFFD0] =	vst v3;
	v3 =	vmul.f32 v9, v10;
	v9 =	vld [tilespmem:s28+$0x40]  }
0x4af: {  	[tilespmem:s28+$0xFFFFFFE0] =	vst v4;
	v4 =	vmul.f32 v6, v10;
	v6 =	vld [tilespmem:s28+$0x50]  }
0x4b0: {  	[tilespmem:s28+$0xFFFFFFF0] =	vst v3;
	v3 =	vmul.f32 v8, v10;
	v8 =	vld [tilespmem:s28+$0x60]  }
0x4b1: {  	[tilespmem:s28+$0x0] =	vst v4;
	v4 =	vmul.f32 v5, v10;
	v5 =	vld [tilespmem:s28+$0x70]  }
0x4b2: {  	[tilespmem:s28+$0x10] =	vst v3;
	v3 =	vmul.f32 v7, v10;
	v11 =	vld [tilespmem:s28+$0x80]  }
0x4b3: {  	[tilespmem:s28+$0x20] =	vst v4;
	v4 =	vmul.f32 v9, v2;
	v12 =	vld [tilespmem:s28+$0x90]  }
0x4b4: {  	s1 =	sadd.s32 $0x1, s30;
	s31 =	sadd.s32 $0x2, s30;
	[tilespmem:s28+$0x30] =	vst v3;
	v6 =	vmul.f32 v6, v2;
	v13 =	vld [tilespmem:s28+$0xA0]  }
.Ltmp10:
0x4b5: {  	v10 =	vmov s31;
	s31 =	sadd.s32 $0x4, s30;
	v9 =	vmov s1;
	s1 =	sadd.s32 $0x3, s30;
	[tilespmem:s28+$0x40] =	vst v4;
	v4 =	vmul.f32 v8, v2;
	v3 =	vld [tilespmem:s28+$0xB0];
	(pc) =	sbr.rel @p1 .LBB2_21-.Ltmp10, $4  }
0x4b6: {  	v14 =	vmov s31;
	v8 =	vmov s1;
	[tilespmem:s28+$0x50] =	vst v6;
	v5 =	vmul.f32 v5, v2;
	v7 =	vld [tilespmem:s28+$0xC0]  }
0x4b7: {  	v10 =	vand.u32 $0xFF, v10;
	v6 =	vand.u32 $0xFF, v9;
	[tilespmem:s28+$0x60] =	vst v4;
	v15 =	vmul.f32 v11, v2;
	v4 =	vld [tilespmem:s28+$0xD0]  }
0x4b8: {  	v9 =	vand.u32 $0xFF, v14;
	v11 =	vand.u32 $0xFF, v8;
	[tilespmem:s28+$0x70] =	vst v5;
	v12 =	vmul.f32 v12, v2;
	v5 =	vld [tilespmem:s28+$0xE0]  }
0x4b9: {  	v14 =	vmov s30;
	s30 =	sadd.s32 $0x5, s30;
	v8 =	vadd.s32 $0x380, v6;
	[tilespmem:s28+$0x80] =	vst v15;
	v13 =	vmul.f32 v13, v2;
	v6 =	vld [tilespmem:s28+$0xF0]  }
0x4ba: {  	v15 =	vld [tilespmem:s28+$0x100]  }
0x4bb: {  	v16 =	vld [tilespmem:s28+$0x110]  }
0x4bc: {  	v14 =	vand.u32 $0x7F, v14;
	v17 =	vld [tilespmem:s28+$0x120]  }
0x4bd: {  	v19 =	vld [tilespmem:s28+$0x130];
	v14 =	vor.u32 $0x380, v14  }
0x4be: {  	v8 =	vld.idx.msk [tilespmem:v8+s17+$0x0], $0xffff;
	s30 =	sadd.s32 $0x280, s28;
	v14 =	vbroadcast v14, $0x0  }
0x4bf: {  	[tilespmem:s28+$0x90] =	vst v12;
	v3 =	vmul.f32 v3, v2;
	v22 =	vld [tilespmem:s30+$0xFFFFFF30]  }
0x4c0: {  	v7 =	vmul.f32 v7, v1;
	[tilespmem:s28+$0xA0] =	vst v13;
	v23 =	vld [tilespmem:s30+$0xFFFFFEC0]  }
0x4c1: {  	v25 =	vld [tilespmem:s30+$0xFFFFFED0];
	v4 =	vmul.f32 v4, v1;
	[tilespmem:s28+$0xB0] =	vst v3  }
0x4c2: {  	v26 =	vld [tilespmem:s30+$0xFFFFFEE0];
	[tilespmem:s28+$0xC0] =	vst v7;
	v3 =	vmul.f32 v5, v1  }
0x4c3: {  	v31 =	vld [tilespmem:s30+$0xFFFFFF40];
	[tilespmem:s28+$0xD0] =	vst v4;
	v21 =	vmul.f32 v6, v1  }
0x4c4: {  	[tilespmem:s28+$0xE0] =	vst v3;
	v3 =	vmul.f32 v15, v1;
	v20 =	vld.idx.msk [tilespmem:v14+s17+$0x0], $0xffff  }
0x4c5: {  	v27 =	vld [tilespmem:s30+$0xFFFFFEF0];
	v24 =	vmul.f32 v16, v1;
	[tilespmem:s28+$0xF0] =	vst v21  }
0x4c6: {  	v28 =	vld [tilespmem:s30+$0xFFFFFF10];
	[tilespmem:s28+$0x100] =	vst v3;
	v3 =	vmul.f32 v17, v1  }
0x4c7: {  	v30 =	vld [tilespmem:s30+$0xFFFFFF20];
	v1 =	vmul.f32 v19, v1;
	[tilespmem:s29+$0x110] =	vst v24  }
0x4c8: {  	v36 =	vmul.f32 v31, v8;
	[tilespmem:s29+$0x120] =	vst v3;
	v3 =	vld [tilespmem:s30+$0xFFFFFF00]  }
0x4c9: {  	v32 =	vld [tilespmem:s30+$0xFFFFFF50];
	[tilespmem:s29+$0x130] =	vst v1;
	v1 =	vmul.f32 v23, v20  }
0x4ca: {  	v34 =	vld [tilespmem:s30+$0xFFFFFF70];
	[tilespmem:s30+$0xFFFFFF40] =	vst v36;
	v6 =	vmul.f32 v22, v20  }
0x4cb: {  	v35 =	vld [tilespmem:s30+$0xFFFFFF80];
	[tilespmem:s30+$0xFFFFFEC0] =	vst v1;
	v1 =	vmul.f32 v26, v20  }
0x4cc: {  	v37 =	vld [tilespmem:s30+$0xFFFFFF90];
	v29 =	vmul.f32 v25, v20;
	[tilespmem:s30+$0xFFFFFF30] =	vst v6  }
0x4cd: {  	[tilespmem:s30+$0xFFFFFEE0] =	vst v1;
	v1 =	vmul.f32 v3, v20;
	v3 =	vld [tilespmem:s30+$0xFFFFFF60]  }
0x4ce: {  	v10 =	vadd.s32 $0x380, v10;
	v38 =	vld [tilespmem:s30+$0xFFFFFFA0];
	v4 =	vmul.f32 v27, v20;
	[tilespmem:s30+$0xFFFFFED0] =	vst v29  }
0x4cf: {  	v39 =	vld [tilespmem:s30+$0xFFFFFFB0];
	[tilespmem:s30+$0xFFFFFF00] =	vst v1;
	v1 =	vmul.f32 v30, v20  }
0x4d0: {  	v40 =	vld [tilespmem:s30+$0xFFFFFFC0];
	v33 =	vmul.f32 v28, v20;
	[tilespmem:s30+$0xFFFFFEF0] =	vst v4  }
0x4d1: {  	v41 =	vld [tilespmem:s30+$0xFFFFFFD0];
	[tilespmem:s30+$0xFFFFFF20] =	vst v1;
	v1 =	vmul.f32 v32, v8  }
0x4d2: {  	v42 =	vld [tilespmem:s30+$0xFFFFFFE0];
	[tilespmem:s30+$0xFFFFFF10] =	vst v33;
	v3 =	vmul.f32 v3, v8  }
0x4d3: {  	v10 =	vld.idx.msk [tilespmem:v10+s17+$0x0], $0xffff;
	[tilespmem:s30+$0xFFFFFF50] =	vst v1;
	v1 =	vmul.f32 v34, v8  }
0x4d4: {  	v43 =	vld [tilespmem:s30+$0xFFFFFFF0];
	[tilespmem:s30+$0xFFFFFF60] =	vst v3;
	v3 =	vmul.f32 v35, v8  }
0x4d5: {  	v44 =	vld [tilespmem:s30+$0x0];
	[tilespmem:s30+$0xFFFFFF70] =	vst v1;
	v1 =	vmul.f32 v37, v8  }
0x4d6: {  	v11 =	vadd.s32 $0x380, v11;
	v45 =	vld [tilespmem:s30+$0x10];
	[tilespmem:s30+$0xFFFFFF80] =	vst v3;
	v3 =	vmul.f32 v38, v8  }
0x4d7: {  	v46 =	vld [tilespmem:s30+$0x20];
	[tilespmem:s30+$0xFFFFFF90] =	vst v1;
	v1 =	vmul.f32 v39, v8  }
0x4d8: {  	v47 =	vld [tilespmem:s30+$0x30];
	[tilespmem:s30+$0xFFFFFFA0] =	vst v3;
	v3 =	vmul.f32 v40, v10  }
0x4d9: {  	v48 =	vld [tilespmem:s30+$0x40];
	[tilespmem:s30+$0xFFFFFFB0] =	vst v1;
	v1 =	vmul.f32 v41, v10  }
0x4da: {  	v49 =	vld [tilespmem:s30+$0x50];
	[tilespmem:s30+$0xFFFFFFC0] =	vst v3;
	v3 =	vmul.f32 v42, v10  }
0x4db: {  	v11 =	vld.idx.msk [tilespmem:v11+s17+$0x0], $0xffff;
	[tilespmem:s30+$0xFFFFFFD0] =	vst v1;
	v1 =	vmul.f32 v43, v10  }
0x4dc: {  	v50 =	vld [tilespmem:s30+$0x60];
	[tilespmem:s30+$0xFFFFFFE0] =	vst v3;
	v3 =	vmul.f32 v44, v10  }
0x4dd: {  	v51 =	vld [tilespmem:s30+$0x70];
	[tilespmem:s30+$0xFFFFFFF0] =	vst v1;
	v1 =	vmul.f32 v45, v10  }
0x4de: {  	v9 =	vadd.s32 $0x380, v9;
	v52 =	vld [tilespmem:s30+$0x80];
	[tilespmem:s30+$0x0] =	vst v3;
	v3 =	vmul.f32 v46, v10  }
0x4df: {  	v53 =	vld [tilespmem:s30+$0x90];
	[tilespmem:s30+$0x10] =	vst v1;
	v1 =	vmul.f32 v47, v10  }
0x4e0: {  	v54 =	vld [tilespmem:s30+$0xA0];
	[tilespmem:s30+$0x20] =	vst v3;
	v3 =	vmul.f32 v48, v11  }
0x4e1: {  	v55 =	vld [tilespmem:s30+$0xB0];
	[tilespmem:s30+$0x30] =	vst v1;
	v1 =	vmul.f32 v49, v11  }
0x4e2: {  	v56 =	vld [tilespmem:s30+$0xC0];
	[tilespmem:s30+$0x40] =	vst v3;
	v3 =	vmul.f32 v50, v11  }
0x4e3: {  	v2 =	vld.idx.msk [tilespmem:v9+s17+$0x0], $0xffff;
	[tilespmem:s30+$0x50] =	vst v1;
	v1 =	vmul.f32 v51, v11  }
0x4e4: {  	v57 =	vld [tilespmem:s30+$0xD0];
	[tilespmem:s30+$0x60] =	vst v3;
	v3 =	vmul.f32 v52, v11  }
0x4e5: {  	v58 =	vld [tilespmem:s30+$0xE0];
	[tilespmem:s30+$0x70] =	vst v1;
	v1 =	vmul.f32 v53, v11  }
0x4e6: {  	v59 =	vld [tilespmem:s30+$0xF0];
	[tilespmem:s30+$0x80] =	vst v3;
	v3 =	vmul.f32 v54, v11  }
0x4e7: {  	v60 =	vld [tilespmem:s30+$0x100];
	[tilespmem:s30+$0x90] =	vst v1;
	v1 =	vmul.f32 v55, v11  }
0x4e8: {  	v61 =	vld [tilespmem:s30+$0x110];
	[tilespmem:s30+$0xA0] =	vst v3;
	v3 =	vmul.f32 v56, v2  }
0x4e9: {  	v62 =	vld [tilespmem:s30+$0x120];
	[tilespmem:s30+$0xB0] =	vst v1;
	v1 =	vmul.f32 v57, v2  }
0x4ea: {  	v63 =	vld [tilespmem:s30+$0x130];
	[tilespmem:s30+$0xC0] =	vst v3;
	v3 =	vmul.f32 v58, v2  }
0x4eb: {  	[tilespmem:s30+$0xD0] =	vst v1;
	v1 =	vmul.f32 v59, v2  }
0x4ec: {  	[tilespmem:s30+$0xE0] =	vst v3;
	v3 =	vmul.f32 v60, v2  }
0x4ed: {  	[tilespmem:s30+$0xF0] =	vst v1;
	v1 =	vmul.f32 v61, v2  }
0x4ee: {  	[tilespmem:s30+$0x100] =	vst v3;
	v3 =	vmul.f32 v62, v2  }
0x4ef: {  	[tilespmem:s30+$0x110] =	vst v1;
	v1 =	vmul.f32 v63, v2  }
0x4f0: {  	[tilespmem:s30+$0x120] =	vst v3  }
0x4f1: {  	s25 =	sadd.s32 $0x1, s25;
	[tilespmem:s30+$0x130] =	vst v1  }
0x4f2: {  	[spmem:s2] =	stream.indirect.scatter.add.f32 [tilespmem:s20], [sflag:$0x5], $0x80, s19, s18, $0xb8;
	[tilespmem:$0x1C480] =	vst v63  }
0x4f3: {  	p1 =	sne.s32 s25, $0xA;
	_ =	swait.ge [sflag:s14], $0x3E80  }
.Ltmp11:
0x4f4: {  	[sflag:s14] =	ssyncset.done $0x0;
	(pc) =	sbr.rel @p1 .LBB2_6-.Ltmp11, $4  }
0x4f5: {  	[sflag:s14] =	ssyncadd.s32 $0xFFFFC180  }
0x4f6: {  	_ =	swait.ge [sflag:s22], $0x3E80  }
0x4f7: {  	[sflag:s22] =	ssyncset.done $0x0  }
0x4f8: {  	[sflag:s22] =	ssyncadd.s32 $0xFFFFC180  }
0x4f9: {  	[bflag:$0x0] =	sbarrier.arrive $0xFFFF  }
0x4fa: {  	s30 =	rddreg [dreg:$0x6]  }
0x4fb: {  	[tilespmem:s20], [sflag:$0x5] =	stream.linear.gather [spmem:s30], $0x1400, $0x38;
	[tilespmem:$0x1C480] =	vst v63  }
0x4fc: {  	_ =	swait.ge [sflag:s14], $0x1400  }
0x4fd: {  	[sflag:s14] =	ssyncset.done $0x0;
	s25 =	rddreg [dreg:$0x7]  }
.Ltmp12:
0x4fe: {  	[sflag:s14] =	ssyncadd.s32 $0xFFFFEC00;
	s1 =	sadd.s32 s25, s9;
	(pc) =	sbr.rel @!p0 .LBB2_25-.Ltmp12, $4  }
0x4ff: {  	[hbm4b:s1+s3] =	stream.linear.scatter [tilespmem:s20], [sflag:$0x5], $0x1400, $0x38;
	[tilespmem:$0x1C480] =	vst v63  }
0x500: {  	_ =	swait.ge [sflag:s14], $0x1400  }
0x501: {  	s29 =	rddreg [dreg:$0x4]  }
0x502: {  	s28 =	smov.u32 s30;
	[sflag:s14] =	ssyncset.done $0x0;
	s23 =	sadd.s32 $0xFFFFFFFF, s29  }
.LBB2_24:
0x503: {  	[sflag:s14] =	ssyncadd.s32 $0xFFFFEC00;
	s25 =	sadd.s32 $0x2800, s25;
	s28 =	sadd.s32 $0x14000, s28  }
0x504: {  	[tilespmem:s20], [sflag:$0x5] =	stream.linear.gather [spmem:s28], $0x1400, $0x38;
	[tilespmem:$0x1C480] =	vst v63  }
0x505: {  	p0 =	sne.s32 s23, $0x1;
	s23 =	sadd.s32 $0xFFFFFFFF, s23;
	_ =	swait.ge [sflag:s14], $0x1400  }
.Ltmp13:
0x506: {  	[sflag:s14] =	ssyncset.done $0x0;
	(pc) =	sbr.rel @p0 .LBB2_24-.Ltmp13, $4  }
0x507: {  	s1 =	sadd.s32 s25, s9;
	[sflag:s14] =	ssyncadd.s32 $0xFFFFEC00  }
0x508: {  	[hbm4b:s1+s3] =	stream.linear.scatter [tilespmem:s20], [sflag:$0x5], $0x1400, $0x38;
	[tilespmem:$0x1C480] =	vst v63  }
0x509: {  	_ =	swait.ge [sflag:s14], $0x1400  }
0x50a: {  	[sflag:s14] =	ssyncset.done $0x0  }
.LBB2_25:
0x50b: {  	s23 =	rddreg [dreg:$0x8]  }
0x50c: {  	s1 =	rddreg [dreg:$0x5];
	s23 =	sadd.s32 $0x1, s23  }
0x50d: {  	p0 =	sne.s32 s23, s1  }
.Ltmp14:
0x50e: {  	_ = 	snop;
	(pc) =	sbr.rel @p0 .LBB2_1-.Ltmp14, $2  }
0x50f: {  	_ =	sdelay $0x2  }
0x510: {  	[sflag:s14] =	ssyncadd.s32 $0xFFFFEC00  }
0x511: {  	_ =	sfence.sel $0x180000  }
0x512: {  	[bflag:$0x0] =	sbarrier.arrive $0xFFFF  }
0x513: {  	_ =	strace $0x9000004D  }
0x514: {  	s0 =	stileid.u32;
	[bflag:$0x2] =	sbarrier.arrive $0xFFFF  }
0x515: {  	p0 =	sne.s32 s0, $0x0;
	s0 =	rddreg [dreg:$0x3]  }
0x516: {  	s0 =	sadd.s32 @!p0 $0x100000, s0  }
0x517: {  	[sflag:s0] =	ssyncadd.tile.s32 @!p0 $0x1;
	_ =	shalt  }
.Lfunc_end2:
_tile_overlayer_lowered:
.L_overlay_start_2:
0x518: {  	(tag) =	ssettag $0x2  }
0x519: {  	s0 =	rddreg [dreg:$0x0];
	s2 =	stileid.u32  }
0x51a: {  	s1 =	rddreg [dreg:$0x1];
	p0 =	sne.s32 s2, $0x0  }
0x51b: {  	s3 =	rddreg [dreg:$0x2];
	[bflag:$0x3] =	sbarrier.arrive $0xFFFF;
	s2 =	simm.s32 @!p0 $0x1C05  }
0x51c: {  	[timem:s3], [sflag:s2] =	dma.local @!p0 [hbm:s0], s1  }
0x51d: {  	s0 =	simm.s32 @!p0 $0x5  }
0x51e: {  	_ =	swait.ge @!p0 [sflag:s0], s1  }
0x51f: {  	s1 =	ssub.s32 @!p0 $0x0, s1;
	[sflag:s0] =	ssyncset.done @!p0 $0x0  }
0x520: {  	[sflag:s0] =	ssyncadd.s32 @!p0 s1  }
0x521: {  	[bflag:$0x3] =	sbarrier.arrive $0xFFFF  }
0x522: {  	_ =	shalt  }

// kernel: kernel.8.cloned.1.call-start
scs
__scs_entry_jumppad:
0x0: {  	(pc) =	sbr.rel $0x88, $3  }
0x1: {  	(tag) =	ssettag $0x0;
	lr =	simm.s32 $0x1  }
0x2: {  	[smem:$0x3F9B] =	sst lr;
	_ =	strace $0xD0000000  }
0x3: {  	_ = 	snop  }
0x4: {  	_ = 	snop  }
0x5: {  	_ = 	snop  }
0x6: {  	_ = 	snop  }
0x7: {  	_ = 	snop  }
__scs_overlays_trampoline_lowered:
0x8: {  	[smem:$0x3FAA] =	sst s0  }
0x9: {  	[smem:$0x3FAB] =	sst s1  }
0xa: {  	[smem:$0x3FAC] =	sst s2  }
0xb: {  	[smem:$0x3FAD] =	sst s3  }
0xc: {  	[smem:$0x3FAE] =	sst s4  }
0xd: {  	[smem:$0x3FAF] =	sst s5  }
0xe: {  	[smem:$0x3FB0] =	sst s6  }
0xf: {  	[smem:$0x3FB1] =	sst s7  }
0x10: {  	[smem:$0x3FB2] =	sst s8  }
0x11: {  	[smem:$0x3FB3] =	sst s9;
	s0 =	simm.s32 @!p0 $0x0  }
0x12: {  	s1 =	sld [smem:$0x3F99];
	s0 =	simm.s32 @p0 $0x1  }
0x13: {  	[smem:$0x3FB4] =	sst s0;
	s0 =	simm.s32 @!p1 $0x0  }
0x14: {  	s2 =	sld [smem:$0x3F98];
	s0 =	simm.s32 @p1 $0x1  }
0x15: {  	[smem:$0x3FB5] =	sst s0;
	s0 =	simm.s32 @!p2 $0x0  }
0x16: {  	s3 =	sld [smem:$0x3FDB];
	s0 =	simm.s32 @p2 $0x1  }
0x17: {  	s4 =	simm.s32 $0x1BF5;
	[smem:$0x3FB7] =	sst s0  }
0x18: {  	s0 =	sld [smem:$0x3F9A];
	_ =	swait.ge [sflag:s4], $0x0  }
0x19: {  	s7 =	sld [smem:$0x3F9B]  }
0x1a: {  	s8 =	sadd.s32 $0xFFFFE003, lr  }
0x1b: {  	s9 =	sadd.s32 $0xFFFFFEF7, lr;
	s5 =	simm.s32 $0xFFFFFFFF;
	p2 =	slt.u32 s8, $0xFFFFF086  }
0x1c: {  	p1 =	slt.u32 s9, $0xF7A;
	s5 =	simm.s32 @!p2 $0x0  }
0x1d: {  	s5 =	simm.s32 @p1 $0x1;
	p0 =	seq.s32 s7, s2  }
0x1e: {  	s7 =	smul.u32 @!p0 $0xF7A, s2;
	p2 =	seq.s32 @!p0 s5, $0x0  }
0x1f: {  	s9 =	smul.u32 $0xF7A, s1;
	s8 =	simm.s32 @!p0 $0x1BF5;
	p2 =	por !p2, p0  }
0x20: {  	[sflag:s8] =	ssyncset.s32 @!p0 $0xFFFFF086;
	s6 =	sadd.s32 @!p0 s3, s7;
	s7 =	simm.s32 @!p0 $0x108  }
0x21: {  	s3 =	sadd.s32 s3, s9;
	s6 =	sadd.s32 @!p0 $0x88, s6;
	s7 =	simm.s32 @p2 $0x1082  }
0x22: {  	[simem:s7], [sflag:s8] =	dma.local @!p0 [hbm:s6], $0xF7A  }
0x23: {  	s9 =	sor.u32 $0xD0000000, s2;
	s6 =	simm.s32 $0x108;
	_ =	swait.ge @!p0 [sflag:s8], $0x0  }
0x24: {  	s3 =	sadd.s32 $0x88, s3;
	s6 =	simm.s32 @!p1 $0x1082;
	[sflag:s4] =	ssyncset.s32 $0xFFFFF086  }
0x25: {  	[simem:s6], [sflag:s4] =	dma.local [hbm:s3], $0xF7A  }
0x26: {  	[smem:$0x3F9B] =	sst s1;
	(tag) =	ssettag s2;
	_ =	strace s9  }
0x27: {  	s1 =	sld [smem:$0x3FAB]  }
0x28: {  	s2 =	sld [smem:$0x3FAC]  }
0x29: {  	s4 =	sld [smem:$0x3FAE]  }
0x2a: {  	p0 =	seq.s32 s5, $0x0;
	s5 =	sld [smem:$0x3FAF]  }
0x2b: {  	s6 =	sld [smem:$0x3FB0]  }
0x2c: {  	s7 =	sld [smem:$0x3FB1]  }
0x2d: {  	s3 =	simm.s32 $0x108;
	s8 =	sld [smem:$0x3FB2]  }
0x2e: {  	s3 =	simm.s32 @!p0 $0x1082;
	s9 =	sld [smem:$0x3FB3]  }
0x2f: {  	lr =	sadd.s32 s0, s3;
	s0 =	sld [smem:$0x3FAA]  }
0x30: {  	s3 =	sld [smem:$0x3FAD]  }
0x31: {  	[smem:$0x3FB6] =	sst s10  }
0x32: {  	s10 =	sld [smem:$0x3FB4];
	_ =	sdelay $0x3  }
0x33: {  	p0 =	seq.s32 s10, $0x1;
	s10 =	sld [smem:$0x3FB6];
	_ =	sdelay $0x3  }
0x34: {  	[smem:$0x3FB6] =	sst s10  }
0x35: {  	s10 =	sld [smem:$0x3FB5];
	_ =	sdelay $0x3  }
0x36: {  	p1 =	seq.s32 s10, $0x1;
	s10 =	sld [smem:$0x3FB6];
	_ =	sdelay $0x3  }
0x37: {  	[smem:$0x3FB6] =	sst s10  }
0x38: {  	s10 =	sld [smem:$0x3FB7]  }
0x39: {  	_ = 	snop;
	(pc) =	sbr.ind lr, $3  }
0x3a: {  	_ = 	snop  }
0x3b: {  	_ = 	snop  }
0x3c: {  	p2 =	seq.s32 s10, $0x1;
	s10 =	sld [smem:$0x3FB6]  }
0x3d: {  	_ =	shalt  }
0x3e: {  	_ =	shalt  }
0x3f: {  	_ =	shalt  }
0x40: {  	_ =	shalt  }
0x41: {  	_ =	shalt  }
0x42: {  	_ =	shalt  }
0x43: {  	_ =	shalt  }
0x44: {  	_ =	shalt  }
0x45: {  	_ =	shalt  }
0x46: {  	_ =	shalt  }
0x47: {  	_ =	shalt  }
0x48: {  	_ =	shalt  }
0x49: {  	_ =	shalt  }
0x4a: {  	_ =	shalt  }
0x4b: {  	_ =	shalt  }
0x4c: {  	_ =	shalt  }
0x4d: {  	_ =	shalt  }
0x4e: {  	_ =	shalt  }
0x4f: {  	_ =	shalt  }
0x50: {  	_ =	shalt  }
0x51: {  	_ =	shalt  }
0x52: {  	_ =	shalt  }
0x53: {  	_ =	shalt  }
0x54: {  	_ =	shalt  }
0x55: {  	_ =	shalt  }
0x56: {  	_ =	shalt  }
0x57: {  	_ =	shalt  }
0x58: {  	_ =	shalt  }
0x59: {  	_ =	shalt  }
0x5a: {  	_ =	shalt  }
0x5b: {  	_ =	shalt  }
0x5c: {  	_ =	shalt  }
0x5d: {  	_ =	shalt  }
0x5e: {  	_ =	shalt  }
0x5f: {  	_ =	shalt  }
0x60: {  	_ =	shalt  }
0x61: {  	_ =	shalt  }
0x62: {  	_ =	shalt  }
0x63: {  	_ =	shalt  }
0x64: {  	_ =	shalt  }
0x65: {  	_ =	shalt  }
0x66: {  	_ =	shalt  }
0x67: {  	_ =	shalt  }
0x68: {  	_ =	shalt  }
0x69: {  	_ =	shalt  }
0x6a: {  	_ =	shalt  }
0x6b: {  	_ =	shalt  }
0x6c: {  	_ =	shalt  }
0x6d: {  	_ =	shalt  }
0x6e: {  	_ =	shalt  }
0x6f: {  	_ =	shalt  }
0x70: {  	_ =	shalt  }
0x71: {  	_ =	shalt  }
0x72: {  	_ =	shalt  }
0x73: {  	_ =	shalt  }
0x74: {  	_ =	shalt  }
0x75: {  	_ =	shalt  }
0x76: {  	_ =	shalt  }
0x77: {  	_ =	shalt  }
0x78: {  	_ =	shalt  }
0x79: {  	_ =	shalt  }
0x7a: {  	_ =	shalt  }
0x7b: {  	_ =	shalt  }
0x7c: {  	_ =	shalt  }
0x7d: {  	_ =	shalt  }
0x7e: {  	_ =	shalt  }
0x7f: {  	_ =	shalt  }
0x80: {  	_ =	shalt  }
0x81: {  	_ =	shalt  }
0x82: {  	_ =	shalt  }
0x83: {  	_ =	shalt  }
0x84: {  	_ =	shalt  }
0x85: {  	_ =	shalt  }
0x86: {  	_ =	shalt  }
0x87: {  	_ =	shalt  }
.Lfunc_end0:
.L_simem_size_0:
called_computation_lowered:
.L_overlay_start_0:
0x88: {  	s2 =	sld [smem:$0x3FD9]  }
0x89: {  	s3 =	sld [smem:$0x3FFE];
	_ =	sdelay $0x1  }
0x8a: {  	s1 =	srdreg.scid  }
0x8b: {  	s0 =	sand.u32 $0x1, s1  }
0x8c: {  	s17 =	sshll.u32 s0, $0xA;
	s2 =	sadd.s32 s3, s2  }
0x8d: {  	s2 =	sadd.s32 s2, s17  }
0x8e: {  	[smem:$0x3FC2] =	sst s2  }
0x8f: {  	_ = 	snop  }
0x90: {  	s2 =	sld [smem:$0x3FC7];
	(tm) =	ssettm $0x1  }
0x91: {  	s18 =	sld [smem:$0x3FFB];
	_ =	sdelay $0x3  }
0x92: {  	_ =	strace s18  }
0x93: {  	s3 =	sld [smem:$0x3FFC];
	_ =	sdelay $0x3  }
0x94: {  	_ =	strace s3  }
0x95: {  	s3 =	sld [smem:$0x3FFD];
	_ =	sdelay $0x3  }
0x96: {  	_ =	strace s3  }
0x97: {  	_ =	strace $0x8FFFFFFF  }
0x98: {  	s19 =	sld [smem:$0x3FDB];
	_ =	sdelay $0x1  }
0x99: {  	s4 =	simm.s32 $_scs_section_size  }
0x9a: {  	s5 =	simm.s32 $_size__tile_overlayer_lowered;
	s6 =	simm.s32 $_tile_overlayer_lowered  }
0x9b: {  	s22 =	simm.s32 $0x1BFF;
	s21 =	sshll.u32 s6, $0x1;
	s3 =	sadd.s32 s4, s19  }
0x9c: {  	s7 =	simm.s32 $0x0;
	s20 =	sshll.u32 s5, $0x1;
	s5 =	sadd.s32 s21, s3  }
0x9d: {  	[timem:s7], [sflag:s22] =	dma.local [hbm:s5], s20  }
0x9e: {  	_ =	swait.ge [sflag:s22], s20  }
0x9f: {  	s4 =	ssub.s32 $0x0, s20;
	[sflag:s22] =	ssyncset.done $0x0  }
0xa0: {  	[sflag:s22] =	ssyncadd.s32 s4;
	_ =	sdelay $0x1  }
0xa1: {  	s23 =	simm.s32 $0x1B8B  }
0xa2: {  	_ =	swait.ge [sflag:s23], $0x1  }
0xa3: {  	[sflag:s23] =	ssyncset.done $0x0  }
0xa4: {  	s25 =	simm.s32 $0x1B8E;
	s24 =	sld [smem:$0x3FFE];
	[sflag:s23] =	ssyncadd.s32 $0xFFFFFFFF  }
0xa5: {  	s26 =	simm.s32 $execute0_lowered;
	[smem:$0x3FD2] =	sst s25  }
0xa6: {  	s5 =	sshll.u32 s26, $0x1;
	_ =	strace $0x80000046;
	[dreg:$0x1] =	wrdreg $0xFFFFFFFF  }
0xa7: {  	s28 =	simm.s32 $_size_execute0_lowered;
	s3 =	sadd.s32 s3, s5;
	[dreg:$0x0] =	wrdreg $0x0  }
0xa8: {  	s5 =	sshll.u32 s28, $0x1;
	[dreg:$0x2] =	wrdreg s3  }
0xa9: {  	[dreg:$0x3] =	wrdreg s5  }
0xaa: {  	[dreg:$0x4] =	wrdreg $0xC0  }
0xab: {  	_ =	task [dreg:s7], $0x5FFFF  }
0xac: {  	[dreg:$0x1] =	wrdreg $0xFFFFFFFF  }
0xad: {  	[dreg:$0x0] =	wrdreg $0x60  }
0xae: {  	[dreg:$0x2] =	wrdreg s24  }
0xaf: {  	[dreg:$0x3] =	wrdreg s2  }
0xb0: {  	[dreg:$0x4] =	wrdreg $0x9  }
0xb1: {  	_ =	task.clear_ibuf [dreg:s7], $0x5FFFF;
	_ =	strace $0x90000046  }
0xb2: {  	s29 =	simm.s32 $0x9;
	_ =	strace $0x80000048  }
0xb3: {  	_ =	swait.ge [sflag:s29], $0x1  }
0xb4: {  	[sflag:s29] =	ssyncadd.s32 $0xFFFFFFFF  }
0xb5: {  	_ =	strace $0x90000048  }
0xb6: {  	_ =	sfence  }
0xb7: {  	s30 =	sld [smem:$0x0];
	_ =	sdelay $0x2  }
0xb8: {  	s31 =	sshll.u32 s1, $0xD;
	s1 =	sshrl.u32 s1, $0x2  }
0xb9: {  	s3 =	sand.u32 $0x4000, s31;
	s1 =	sadd.s32 s1, s30  }
0xba: {  	s0 =	sor.u32 s3, s0;
	s1 =	sshll.u32 s1, $0x11  }
0xbb: {  	s0 =	sor.u32 s1, s0  }
0xbc: {  	s0 =	sadd.s32 $0x8F2B, s0  }
0xbd: {  	[sflag:s0] =	ssyncadd.remote.s32 $0x1  }
0xbe: {  	_ =	sfence.sel $0xFFFF  }
0xbf: {  	[dreg:$0x0] =	wrdreg $0xFFFFFFFF;
	(pc) =	sbr.abs _section_cstart, $3  }
0xc0: {  	[dreg:$0x1] =	wrdreg $0xFFFFFFFF  }
0xc1: {  	_ =	task.clear_ibuf [dreg:s7], $0x2FFFF;
	_ =	strace $0x9FFFFFFF  }
0xc2: {  	(tm) =	ssettm $0x7FFFFFFF  }
0xc3: {  	_ =	shalt  }
tec
execute0_lowered:
.L_overlay_start_1:
0x0: {  	(tag) =	ssettag $0x1  }
0x1: {  	s6 =	rddreg [dreg:$0x0]  }
0x2: {  	s0 =	srdreg.scid;
	s2 =	rddreg [dreg:$0x1]  }
0x3: {  	s3 =	simm.s32 $0x0;
	s11 =	simm.s32 $0x14080;
	s4 =	sand.u32 $0x1, s0  }
0x4: {  	s12 =	simm.s32 $0x80;
	s0 =	stileid.u32;
	s1 =	sshll.u32 s4, $0x4  }
0x5: {  	s13 =	simm.s32 $0x400;
	s14 =	simm.s32 $0x0;
	s7 =	sor.u32 s0, s1  }
0x6: {  	s18 =	simm.s32 $0x0;
	[smem:$0x7FF] =	sst s3;
	s5 =	sshrl.u32 s7, $0x3  }
0x7: {  	s8 =	sshll.u32 s0, $0x7;
	s31 =	ssub.s32 $0x2, s4;
	s5 =	smul.u32 $0x9C400, s5  }
0x8: {  	s4 =	sadd.s32 $0xBC00, s6;
	s1 =	rddreg [dreg:$0x2];
	s8 =	sand.u32 $0x380, s8  }
0x9: {  	_ =	strace $0x80000047;
	s10 =	sshrl.u32 s31, $0x1;
	s5 =	sor.u32 s8, s5  }
0xa: {  	s8 =	ssub.s32 s31, s10;
	s10 =	simm.s32 $0x13880;
	s9 =	sshrl.u32 s5, $0x3  }
0xb: {  	s5 =	sadd.s32 $0x1E00, s6;
	s8 =	smax.u32 s8, $0x1;
	s9 =	sadd.s32 s9, s6  }
0xc: {  	v0 =	vimm.f32 $1.000000000e+00;
	s6 =	smul.u32 $0x2710, s7;
	s7 =	sadd.s32 $0xE400, s9;
	s9 =	simm.s32 $0x1  }
.LBB2_1:
0xd: {  	[tilespmem:s3], [sflag:$0x1] =	stream.linear.gather [hbm4b:s4+s3], $0x13880, $0x38;
	[tilespmem:$0x14880] =	vst v63  }
0xe: {  	_ =	swait.ge [sflag:s9], $0x13880  }
0xf: {  	[sflag:s9] =	ssyncset.done $0x0  }
0x10: {  	s15 =	simm.s32 $0x0;
	[sflag:s9] =	ssyncadd.s32 $0xFFFEC780  }
.LBB2_2:
0x11: {  	s16 =	smul.u32 $0x7D0, s15;
	_ =	sdelay $0x1  }
0x12: {  	s16 =	sadd.s32 s6, s16  }
0x13: {  	s16 =	sshrl.u32 s16, $0x3  }
0x14: {  	s17 =	sadd.s32 s5, s16  }
0x15: {  	[tilespmem:s10], [sflag:$0x1] =	stream.linear.gather [hbm4b:s17+s18], $0x7D0, $0x38;
	[tilespmem:$0x14880] =	vst v63  }
0x16: {  	_ =	swait.ge [sflag:s9], $0x7D0  }
0x17: {  	[sflag:s9] =	ssyncset.done $0x0  }
0x18: {  	s16 =	sadd.s32 s2, s16;
	[sflag:s9] =	ssyncadd.s32 $0xFFFFF830  }
0x19: {  	[tilespmem:s11], [sflag:$0x1] =	stream.linear.gather [hbm4b:s16+s18], $0x7D0, $0x38;
	[tilespmem:$0x14880] =	vst v63  }
0x1a: {  	_ =	swait.ge [sflag:s9], $0x7D0  }
0x1b: {  	[sflag:s9] =	ssyncset.done $0x0  }
0x1c: {  	s17 =	simm.s32 $0x0;
	s16 =	simm.s32 $0x40;
	[sflag:s9] =	ssyncadd.s32 $0xFFFFF830  }
.LBB2_3:
0x1d: {  	p0 =	sne.s32 s16, $0x1F00;
	v1 =	vld [tilespmem:s17+$0x13880]  }
0x1e: {  	v2 =	vld [tilespmem:s17+$0x14080];
	_ =	sdelay $0x3  }
0x1f: {  	v1 =	vshll.u32 v1, $0x3  }
0x20: {  	v1 =	vadd.s32 v2, v1  }
.Ltmp0:
0x21: {  	(pc) =	sbr.rel @p0 .LBB2_3-.Ltmp0, $2  }
0x22: {  	_ =	sdelay $0x2  }
0x23: {  	s17 =	sshra.s32 s16, $0x2;
	s16 =	sadd.s32 $0x40, s16;
	[tilespmem:v1+s3+$0x0] =	vst.idx.add.f32.msk $0xffff, v0  }
0x24: {  	v1 =	vld [tilespmem:s17+$0x13880]  }
0x25: {  	v2 =	vld [tilespmem:s17+$0x14080];
	_ =	sdelay $0x3  }
0x26: {  	s15 =	sadd.s32 $0x1, s15;
	v1 =	vshll.u32 v1, $0x3  }
0x27: {  	p0 =	sne.s32 s15, $0x5;
	v1 =	vadd.s32 v2, v1  }
.Ltmp1:
0x28: {  	_ = 	snop;
	(pc) =	sbr.rel @p0 .LBB2_2-.Ltmp1, $2  }
0x29: {  	_ =	sdelay $0x2  }
0x2a: {  	[tilespmem:v1+s3+$0x0] =	vst.idx.add.f32.msk $0xffff, v0  }
0x2b: {  	s14 =	sadd.s32 $0x1, s14  }
0x2c: {  	p0 =	sne.s32 s14, s8  }
.Ltmp2:
0x2d: {  	_ = 	snop;
	(pc) =	sbr.rel @p0 .LBB2_1-.Ltmp2, $4  }
0x2e: {  	[hbm4b:s7+s12] =	stream.strided.scatter [tilespmem:s3], [sflag:$0x1], $0x13880, s13, s12, $0x38;
	[tilespmem:$0x14880] =	vst v63  }
0x2f: {  	_ =	swait.ge [sflag:s9], $0x13880  }
0x30: {  	[sflag:s9] =	ssyncset.done $0x0  }
0x31: {  	[sflag:s9] =	ssyncadd.s32 $0xFFFEC780  }
0x32: {  	_ =	sfence.sel $0x180000  }
0x33: {  	[bflag:$0x0] =	sbarrier.arrive $0xFFFF  }
0x34: {  	p0 =	sne.s32 s0, $0x0;
	_ =	strace $0x90000047  }
0x35: {  	s0 =	sadd.s32 @!p0 $0x100000, s1;
	[bflag:$0x2] =	sbarrier.arrive $0xFFFF  }
0x36: {  	[sflag:s0] =	ssyncadd.tile.s32 @!p0 $0x1;
	_ =	shalt  }
.Lfunc_end2:
_tile_overlayer_lowered:
.L_overlay_start_2:
0x37: {  	(tag) =	ssettag $0x2  }
0x38: {  	s0 =	rddreg [dreg:$0x0];
	s2 =	stileid.u32  }
0x39: {  	s1 =	rddreg [dreg:$0x1];
	p0 =	sne.s32 s2, $0x0  }
0x3a: {  	s3 =	rddreg [dreg:$0x2];
	[bflag:$0x3] =	sbarrier.arrive $0xFFFF;
	s2 =	simm.s32 @!p0 $0x1C01  }
0x3b: {  	[timem:s3], [sflag:s2] =	dma.local @!p0 [hbm:s0], s1  }
0x3c: {  	s0 =	simm.s32 @!p0 $0x1  }
0x3d: {  	_ =	swait.ge @!p0 [sflag:s0], s1  }
0x3e: {  	s1 =	ssub.s32 @!p0 $0x0, s1;
	[sflag:s0] =	ssyncset.done @!p0 $0x0  }
0x3f: {  	[sflag:s0] =	ssyncadd.s32 @!p0 s1  }
0x40: {  	[bflag:$0x3] =	sbarrier.arrive $0xFFFF  }
0x41: {  	_ =	shalt  }

</sc_bundles>
